<compile_context>
chip_gen: v7x
topology: tpu7x:2x2x1
jax: 0.10.2.dev20260603
libtpu: 0.0.44.dev20260713+nightly
codegen_flags: <defaults>
</compile_context>

<pallas_src>
import functools

import jax
import jax.numpy as jnp
from jax import lax
from jax.experimental import pallas as pl
from jax.experimental.pallas import tpu as pltpu
from jax.experimental.pallas import tpu_sc as plsc

B, L, D = 4096, 50, 32
NC, NS = 2, 16
NW = NC * NS
SPW = B // NW
DT, DL = D // 8, 8
BT, BL = B // 128, 128
NB = 8


def _make_transposed_kernel(interpret=False):
    mesh = plsc.VectorSubcoreMesh(core_axis_name="c", subcore_axis_name="s",
                                  num_cores=NC, num_subcores=NS)

    @functools.partial(
        pl.kernel,
        out_type=jax.ShapeDtypeStruct((L, DT, BT * DL * BL), jnp.float32),
        mesh=mesh,
        scratch_types=[
            pltpu.VMEM((L, SPW), jnp.int32),
            pltpu.VMEM((2, SPW, D), jnp.float32),
            pltpu.VMEM((2, DT * DL * BL), jnp.float32),
            pltpu.SemaphoreType.DMA((2,)),
            pltpu.SemaphoreType.DMA((2,)),
        ],
        compiler_params=pltpu.CompilerParams(use_tc_tiling_on_sc=False,
                                             needs_layout_passes=False),
        interpret=interpret,
    )
    def emb_kernel(tokT, tab, out, idx_v, bufA, bufT, gsem, wsem):
        cc = lax.axis_index("c")
        ss = lax.axis_index("s")
        wid = ss * NC + cc

        pltpu.sync_copy(tokT.at[:, pl.ds(wid * SPW, SPW)], idx_v)

        iota16 = lax.iota(jnp.int32, 16)
        dl128 = jnp.bitwise_and(iota16, 7) * 128
        dt_lo = lax.shift_right_logical(iota16, 3)
        flat_lo = dt_lo * (DL * BL) + dl128
        flat_hi = flat_lo + 2 * (DL * BL)

        def g_start(l, b):
            pltpu.async_copy(tab.at[idx_v.at[l]], bufA.at[b], gsem.at[b])

        def g_wait(b):
            pltpu.make_async_copy(tab.at[pl.ds(0, SPW)], bufA.at[b],
                                  gsem.at[b]).wait()

        def w_start(l, b):
            for dt in range(DT):
                pltpu.async_copy(bufT.at[b, pl.ds(dt * DL * BL, DL * BL)],
                                 out.at[l, dt, pl.ds(wid * DL * BL, DL * BL)],
                                 wsem.at[b])

        def w_wait(l, b):
            for dt in range(DT):
                pltpu.make_async_copy(
                    bufT.at[b, pl.ds(dt * DL * BL, DL * BL)],
                    out.at[l, dt, pl.ds(wid * DL * BL, DL * BL)],
                    wsem.at[b]).wait()

        def transpose(b):
            @pl.loop(0, SPW, unroll=8)
            def _(k):
                v0 = bufA[b, k, pl.ds(0, 16)]
                plsc.store_scatter(bufT.at[b], [flat_lo + k], v0)
                v1 = bufA[b, k, pl.ds(16, 16)]
                plsc.store_scatter(bufT.at[b], [flat_hi + k], v1)

        for b in range(2):
            g_start(b, b)
        for b in range(2):
            g_wait(b)
            transpose(b)
            w_start(b, b)
            g_start(b + 2, b)

        @pl.loop(2, L - 2, step=2)
        def _(l0):
            for b in range(2):
                l = l0 + b
                g_wait(b)
                w_wait(l - 2, b)
                transpose(b)
                w_start(l, b)
                g_start(l + 2, b)

        for b in range(2):
            l = L - 2 + b
            g_wait(b)
            w_wait(l - 2, b)
            transpose(b)
            w_start(l, b)
        for b in range(2):
            w_wait(L - 2 + b, b)

    return emb_kernel


def _make_bulk_kernel(interpret=False):
    mesh = plsc.VectorSubcoreMesh(core_axis_name="c", subcore_axis_name="s",
                                  num_cores=NC, num_subcores=NS)

    @functools.partial(
        pl.kernel,
        out_type=jax.ShapeDtypeStruct((B, L, D), jnp.float32),
        mesh=mesh,
        scratch_types=[
            pltpu.VMEM((SPW, L), jnp.int32),
            pltpu.VMEM((NB, L, D), jnp.float32),
            pltpu.SemaphoreType.DMA((NB,)),
            pltpu.SemaphoreType.DMA((NB,)),
        ],
        compiler_params=pltpu.CompilerParams(use_tc_tiling_on_sc=False),
        interpret=interpret,
    )
    def emb_kernel(tok, tab, out, idx_v, ring, gsem, wsem):
        cc = lax.axis_index("c")
        ss = lax.axis_index("s")
        wid = ss * NC + cc
        base = wid * SPW

        pltpu.sync_copy(tok.at[pl.ds(base, SPW)], idx_v)

        def g_start(k, b):
            pltpu.async_copy(tab.at[idx_v.at[k]], ring.at[b], gsem.at[b])

        def g_wait(b):
            pltpu.make_async_copy(tab.at[pl.ds(0, L)], ring.at[b],
                                  gsem.at[b]).wait()

        def w_start(k, b):
            pltpu.async_copy(ring.at[b], out.at[base + k], wsem.at[b])

        def w_wait(k, b):
            pltpu.make_async_copy(ring.at[b], out.at[base + k],
                                  wsem.at[b]).wait()

        for b in range(NB):
            g_start(b, b)

        @pl.loop(0, SPW - NB, step=NB)
        def _(k0):
            for b in range(NB):
                k = k0 + b
                g_wait(b)
                w_start(k, b)
                w_wait(k, b)
                g_start(k + NB, b)

        for b in range(NB):
            g_wait(b)
            w_start(SPW - NB + b, b)
        for b in range(NB):
            w_wait(SPW - NB + b, b)

    return emb_kernel


_emb_t = _make_transposed_kernel()
_emb_bulk = _make_bulk_kernel()


def kernel(src_tokens, tgt_tokens, src_table, tgt_table):
    tgt_emb = _emb_bulk(tgt_tokens.astype(jnp.int32), tgt_table)
    y = _emb_t(jnp.transpose(src_tokens).astype(jnp.int32), src_table)
    src_emb = (y.reshape(L, DT, BT, DL, BL)
               .transpose(2, 4, 0, 1, 3).reshape(B, L, D))
    return src_emb, tgt_emb

# --- scband reference (transcript-rebuilt; emitter-appended) ---
"""Pipeline reference for scband-model-embeddings-65798898975396 (READ-ONLY COPY).

The authoritative reference and input builder live on the scoring server;
editing this copy changes nothing except your own understanding.
"""

import jax, jax.numpy as jnp
import numpy as np

V_SRC = 100000
V_TGT = 100000  # module uses len(vocab.tgt) + 1 rows
D_SRC = 32
D_TGT = 32
SRC_PAD = 0
TGT_PAD = 0
B, L = 4096, 50


def setup_inputs(seed: int = 0) -> dict:
    key = jax.random.key(seed)
    k1, k2, k3, k4 = jax.random.split(key, 4)
    src_tokens = jax.random.randint(k1, (B, L), 0, V_SRC, dtype=jnp.int64 if jax.config.jax_enable_x64 else jnp.int32)
    tgt_tokens = jax.random.randint(k2, (B, L), 0, V_TGT + 1, dtype=jnp.int64 if jax.config.jax_enable_x64 else jnp.int32)
    # nn.Embedding default init: N(0,1); padding_idx row zeroed at init
    src_table = jax.random.normal(k3, (V_SRC, D_SRC), dtype=jnp.float32)
    src_table = src_table.at[SRC_PAD].set(0.0)
    tgt_table = jax.random.normal(k4, (V_TGT + 1, D_TGT), dtype=jnp.float32)
    tgt_table = tgt_table.at[TGT_PAD].set(0.0)
    return {
        "src_tokens": src_tokens,
        "tgt_tokens": tgt_tokens,
        "src_table": src_table,
        "tgt_table": tgt_table,
    }


def reference(src_tokens, tgt_tokens, src_table, tgt_table):
    # ModelEmbeddings holds self.source and self.target nn.Embedding layers;
    # usage is self.source(src_tokens) and self.target(tgt_tokens).
    # padding_idx rows are zero (enforced at init / by construction).
    src_emb = jnp.take(src_table, src_tokens, axis=0)   # [B, L, D_SRC]
    tgt_emb = jnp.take(tgt_table, tgt_tokens, axis=0)   # [B, L, D_TGT]
    return src_emb, tgt_emb

if __name__ == "__main__":
    import jax
    _d = setup_inputs()
    print(jax.jit(kernel)(*tuple(_d.values())))

</pallas_src>

<mosaic_0001>
#map = affine_map<(d0, d1) -> (0, 0)>
#map1 = affine_map<(d0, d1) -> (0, 0, 0)>
module attributes {stable_mosaic.version = 14 : i64} {
  func.func @emb_kernel(%arg0: i32, %arg1: i32, %arg2: memref<4096x50xi32, #tpu.memory_space<hbm>>, %arg3: memref<100001x32xf32, #tpu.memory_space<hbm>>, %arg4: memref<4096x50x32xf32, #tpu.memory_space<hbm>>, %arg5: memref<128x50xi32, #tpu.memory_space<vmem>>, %arg6: memref<8x50x32xf32, #tpu.memory_space<vmem>>, %arg7: memref<8x!tpu.dma_semaphore, #tpu.memory_space<semaphore_mem>>, %arg8: memref<8x!tpu.dma_semaphore, #tpu.memory_space<semaphore_mem>>) attributes {dimension_semantics = [#tpu.dimension_semantics<core_parallel>, #tpu.dimension_semantics<subcore_parallel>], iteration_bounds = array<i64: 2, 16>, scalar_prefetch = 0 : i64, scratch_operands = 4 : i64, tpu.core_type = #tpu.core_type<sc_vector_subcore>, window_params = [{transform_indices = #map}, {transform_indices = #map}, {transform_indices = #map1}]} {
    %mul3A = arith.constant 2 : i32
    %mul3A_0 = arith.muli %arg1, %mul3A : i32
    %add3A = arith.addi %mul3A_0, %arg0 : i32
    %mul3A_1 = arith.constant 128 : i32
    %mul3A_2 = arith.muli %add3A, %mul3A_1 : i32
    "tpu.region"() ({
      %run_scoped3A = tpu.sem_alloc : memref<!tpu.dma_semaphore, #tpu.memory_space<semaphore_mem>>
      %dma_start3A_621 = arith.constant 0 : i32
      %dma_start3A_622 = tpu.memref_slice %arg2[%mul3A_2, %dma_start3A_621] : memref<4096x50xi32, #tpu.memory_space<hbm>> -> memref<128x50xi32, #tpu.memory_space<hbm>>
      %dma_start3A_623 = arith.constant 0 : i32
      %dma_start3A_624 = tpu.memref_slice %arg2[%mul3A_2, %dma_start3A_623] : memref<4096x50xi32, #tpu.memory_space<hbm>> -> memref<128x50xi32, #tpu.memory_space<hbm>>
      tpu.enqueue_dma source(%dma_start3A_624 : memref<128x50xi32, #tpu.memory_space<hbm>>) target(%arg5 : memref<128x50xi32, #tpu.memory_space<vmem>>) target_semaphore(%run_scoped3A : memref<!tpu.dma_semaphore, #tpu.memory_space<semaphore_mem>>)
      %dma_wait3A_625 = arith.constant 0 : i32
      %dma_wait3A_626 = tpu.memref_slice %arg2[%mul3A_2, %dma_wait3A_625] : memref<4096x50xi32, #tpu.memory_space<hbm>> -> memref<128x50xi32, #tpu.memory_space<hbm>>
      %dma_wait3A_627 = arith.constant 0 : i32
      %dma_wait3A_628 = tpu.memref_slice %arg2[%mul3A_2, %dma_wait3A_627] : memref<4096x50xi32, #tpu.memory_space<hbm>> -> memref<128x50xi32, #tpu.memory_space<hbm>>
      tpu.wait_dma2 semaphore(%run_scoped3A : memref<!tpu.dma_semaphore, #tpu.memory_space<semaphore_mem>>) src(%dma_wait3A_628 : memref<128x50xi32, #tpu.memory_space<hbm>>) dst(%arg5 : memref<128x50xi32, #tpu.memory_space<vmem>>)
      tpu.yield
    }) : () -> ()
    %dma_start3A = arith.constant 0 : i32
    %dma_start3A_3 = arith.constant 0 : i32
    %dma_start3A_4 = arith.constant 0 : i32
    %dma_start3A_5 = arith.constant 0 : i32
    %dma_start3A_6 = arith.constant 0 : i32
    %dma_start3A_7 = tpu.memref_slice %arg6[%dma_start3A_3, %dma_start3A_5, %dma_start3A_6] : memref<8x50x32xf32, #tpu.memory_space<vmem>> -> memref<1x50x32xf32, #tpu.memory_space<vmem>>
    %dma_start3A_8 = tpu.memref_squeeze %dma_start3A_7 : memref<1x50x32xf32, #tpu.memory_space<vmem>> -> memref<50x32xf32, #tpu.memory_space<vmem>>
    %dma_start3A_9 = arith.constant 0 : i32
    %dma_start3A_10 = tpu.memref_slice %arg5[%dma_start3A, %dma_start3A_9] : memref<128x50xi32, #tpu.memory_space<vmem>> -> memref<1x50xi32, #tpu.memory_space<vmem>>
    %dma_start3A_11 = tpu.memref_squeeze %dma_start3A_10 : memref<1x50xi32, #tpu.memory_space<vmem>> -> memref<50xi32, #tpu.memory_space<vmem>>
    %dma_start3A_12 = arith.constant 0 : i32
    %dma_start3A_13 = arith.constant 0 : i32
    %dma_start3A_14 = tpu.memref_slice %arg3[%dma_start3A_12, %dma_start3A_13] : memref<100001x32xf32, #tpu.memory_space<hbm>> -> memref<100001x32xf32, #tpu.memory_space<hbm>>
    %dma_start3A_15 = tpu.memref_slice %arg7[%dma_start3A_4] : memref<8x!tpu.dma_semaphore, #tpu.memory_space<semaphore_mem>> -> memref<1x!tpu.dma_semaphore, #tpu.memory_space<semaphore_mem>>
    %dma_start3A_16 = tpu.memref_squeeze %dma_start3A_15 : memref<1x!tpu.dma_semaphore, #tpu.memory_space<semaphore_mem>> -> memref<!tpu.dma_semaphore, #tpu.memory_space<semaphore_mem>>
    tpu.enqueue_indirect_dma source(%dma_start3A_14 : memref<100001x32xf32, #tpu.memory_space<hbm>>) target(%dma_start3A_8 : memref<50x32xf32, #tpu.memory_space<vmem>>) offsets(%dma_start3A_11 : memref<50xi32, #tpu.memory_space<vmem>>) semaphore(%dma_start3A_16 : memref<!tpu.dma_semaphore, #tpu.memory_space<semaphore_mem>>)
    %dma_start3A_17 = arith.constant 1 : i32
    %dma_start3A_18 = arith.constant 1 : i32
    %dma_start3A_19 = arith.constant 1 : i32
    %dma_start3A_20 = arith.constant 0 : i32
    %dma_start3A_21 = arith.constant 0 : i32
    %dma_start3A_22 = tpu.memref_slice %arg6[%dma_start3A_18, %dma_start3A_20, %dma_start3A_21] : memref<8x50x32xf32, #tpu.memory_space<vmem>> -> memref<1x50x32xf32, #tpu.memory_space<vmem>>
    %dma_start3A_23 = tpu.memref_squeeze %dma_start3A_22 : memref<1x50x32xf32, #tpu.memory_space<vmem>> -> memref<50x32xf32, #tpu.memory_space<vmem>>
    %dma_start3A_24 = arith.constant 0 : i32
    %dma_start3A_25 = tpu.memref_slice %arg5[%dma_start3A_17, %dma_start3A_24] : memref<128x50xi32, #tpu.memory_space<vmem>> -> memref<1x50xi32, #tpu.memory_space<vmem>>
    %dma_start3A_26 = tpu.memref_squeeze %dma_start3A_25 : memref<1x50xi32, #tpu.memory_space<vmem>> -> memref<50xi32, #tpu.memory_space<vmem>>
    %dma_start3A_27 = arith.constant 0 : i32
    %dma_start3A_28 = arith.constant 0 : i32
    %dma_start3A_29 = tpu.memref_slice %arg3[%dma_start3A_27, %dma_start3A_28] : memref<100001x32xf32, #tpu.memory_space<hbm>> -> memref<100001x32xf32, #tpu.memory_space<hbm>>
    %dma_start3A_30 = tpu.memref_slice %arg7[%dma_start3A_19] : memref<8x!tpu.dma_semaphore, #tpu.memory_space<semaphore_mem>> -> memref<1x!tpu.dma_semaphore, #tpu.memory_space<semaphore_mem>>
    %dma_start3A_31 = tpu.memref_squeeze %dma_start3A_30 : memref<1x!tpu.dma_semaphore, #tpu.memory_space<semaphore_mem>> -> memref<!tpu.dma_semaphore, #tpu.memory_space<semaphore_mem>>
    tpu.enqueue_indirect_dma source(%dma_start3A_29 : memref<100001x32xf32, #tpu.memory_space<hbm>>) target(%dma_start3A_23 : memref<50x32xf32, #tpu.memory_space<vmem>>) offsets(%dma_start3A_26 : memref<50xi32, #tpu.memory_space<vmem>>) semaphore(%dma_start3A_31 : memref<!tpu.dma_semaphore, #tpu.memory_space<semaphore_mem>>)
    %dma_start3A_32 = arith.constant 2 : i32
    %dma_start3A_33 = arith.constant 2 : i32
    %dma_start3A_34 = arith.constant 2 : i32
    %dma_start3A_35 = arith.constant 0 : i32
    %dma_start3A_36 = arith.constant 0 : i32
    %dma_start3A_37 = tpu.memref_slice %arg6[%dma_start3A_33, %dma_start3A_35, %dma_start3A_36] : memref<8x50x32xf32, #tpu.memory_space<vmem>> -> memref<1x50x32xf32, #tpu.memory_space<vmem>>
    %dma_start3A_38 = tpu.memref_squeeze %dma_start3A_37 : memref<1x50x32xf32, #tpu.memory_space<vmem>> -> memref<50x32xf32, #tpu.memory_space<vmem>>
    %dma_start3A_39 = arith.constant 0 : i32
    %dma_start3A_40 = tpu.memref_slice %arg5[%dma_start3A_32, %dma_start3A_39] : memref<128x50xi32, #tpu.memory_space<vmem>> -> memref<1x50xi32, #tpu.memory_space<vmem>>
    %dma_start3A_41 = tpu.memref_squeeze %dma_start3A_40 : memref<1x50xi32, #tpu.memory_space<vmem>> -> memref<50xi32, #tpu.memory_space<vmem>>
    %dma_start3A_42 = arith.constant 0 : i32
    %dma_start3A_43 = arith.constant 0 : i32
    %dma_start3A_44 = tpu.memref_slice %arg3[%dma_start3A_42, %dma_start3A_43] : memref<100001x32xf32, #tpu.memory_space<hbm>> -> memref<100001x32xf32, #tpu.memory_space<hbm>>
    %dma_start3A_45 = tpu.memref_slice %arg7[%dma_start3A_34] : memref<8x!tpu.dma_semaphore, #tpu.memory_space<semaphore_mem>> -> memref<1x!tpu.dma_semaphore, #tpu.memory_space<semaphore_mem>>
    %dma_start3A_46 = tpu.memref_squeeze %dma_start3A_45 : memref<1x!tpu.dma_semaphore, #tpu.memory_space<semaphore_mem>> -> memref<!tpu.dma_semaphore, #tpu.memory_space<semaphore_mem>>
    tpu.enqueue_indirect_dma source(%dma_start3A_44 : memref<100001x32xf32, #tpu.memory_space<hbm>>) target(%dma_start3A_38 : memref<50x32xf32, #tpu.memory_space<vmem>>) offsets(%dma_start3A_41 : memref<50xi32, #tpu.memory_space<vmem>>) semaphore(%dma_start3A_46 : memref<!tpu.dma_semaphore, #tpu.memory_space<semaphore_mem>>)
    %dma_start3A_47 = arith.constant 3 : i32
    %dma_start3A_48 = arith.constant 3 : i32
    %dma_start3A_49 = arith.constant 3 : i32
    %dma_start3A_50 = arith.constant 0 : i32
    %dma_start3A_51 = arith.constant 0 : i32
    %dma_start3A_52 = tpu.memref_slice %arg6[%dma_start3A_48, %dma_start3A_50, %dma_start3A_51] : memref<8x50x32xf32, #tpu.memory_space<vmem>> -> memref<1x50x32xf32, #tpu.memory_space<vmem>>
    %dma_start3A_53 = tpu.memref_squeeze %dma_start3A_52 : memref<1x50x32xf32, #tpu.memory_space<vmem>> -> memref<50x32xf32, #tpu.memory_space<vmem>>
    %dma_start3A_54 = arith.constant 0 : i32
    %dma_start3A_55 = tpu.memref_slice %arg5[%dma_start3A_47, %dma_start3A_54] : memref<128x50xi32, #tpu.memory_space<vmem>> -> memref<1x50xi32, #tpu.memory_space<vmem>>
    %dma_start3A_56 = tpu.memref_squeeze %dma_start3A_55 : memref<1x50xi32, #tpu.memory_space<vmem>> -> memref<50xi32, #tpu.memory_space<vmem>>
    %dma_start3A_57 = arith.constant 0 : i32
    %dma_start3A_58 = arith.constant 0 : i32
    %dma_start3A_59 = tpu.memref_slice %arg3[%dma_start3A_57, %dma_start3A_58] : memref<100001x32xf32, #tpu.memory_space<hbm>> -> memref<100001x32xf32, #tpu.memory_space<hbm>>
    %dma_start3A_60 = tpu.memref_slice %arg7[%dma_start3A_49] : memref<8x!tpu.dma_semaphore, #tpu.memory_space<semaphore_mem>> -> memref<1x!tpu.dma_semaphore, #tpu.memory_space<semaphore_mem>>
    %dma_start3A_61 = tpu.memref_squeeze %dma_start3A_60 : memref<1x!tpu.dma_semaphore, #tpu.memory_space<semaphore_mem>> -> memref<!tpu.dma_semaphore, #tpu.memory_space<semaphore_mem>>
    tpu.enqueue_indirect_dma source(%dma_start3A_59 : memref<100001x32xf32, #tpu.memory_space<hbm>>) target(%dma_start3A_53 : memref<50x32xf32, #tpu.memory_space<vmem>>) offsets(%dma_start3A_56 : memref<50xi32, #tpu.memory_space<vmem>>) semaphore(%dma_start3A_61 : memref<!tpu.dma_semaphore, #tpu.memory_space<semaphore_mem>>)
    %dma_start3A_62 = arith.constant 4 : i32
    %dma_start3A_63 = arith.constant 4 : i32
    %dma_start3A_64 = arith.constant 4 : i32
    %dma_start3A_65 = arith.constant 0 : i32
    %dma_start3A_66 = arith.constant 0 : i32
    %dma_start3A_67 = tpu.memref_slice %arg6[%dma_start3A_63, %dma_start3A_65, %dma_start3A_66] : memref<8x50x32xf32, #tpu.memory_space<vmem>> -> memref<1x50x32xf32, #tpu.memory_space<vmem>>
    %dma_start3A_68 = tpu.memref_squeeze %dma_start3A_67 : memref<1x50x32xf32, #tpu.memory_space<vmem>> -> memref<50x32xf32, #tpu.memory_space<vmem>>
    %dma_start3A_69 = arith.constant 0 : i32
    %dma_start3A_70 = tpu.memref_slice %arg5[%dma_start3A_62, %dma_start3A_69] : memref<128x50xi32, #tpu.memory_space<vmem>> -> memref<1x50xi32, #tpu.memory_space<vmem>>
    %dma_start3A_71 = tpu.memref_squeeze %dma_start3A_70 : memref<1x50xi32, #tpu.memory_space<vmem>> -> memref<50xi32, #tpu.memory_space<vmem>>
    %dma_start3A_72 = arith.constant 0 : i32
    %dma_start3A_73 = arith.constant 0 : i32
    %dma_start3A_74 = tpu.memref_slice %arg3[%dma_start3A_72, %dma_start3A_73] : memref<100001x32xf32, #tpu.memory_space<hbm>> -> memref<100001x32xf32, #tpu.memory_space<hbm>>
    %dma_start3A_75 = tpu.memref_slice %arg7[%dma_start3A_64] : memref<8x!tpu.dma_semaphore, #tpu.memory_space<semaphore_mem>> -> memref<1x!tpu.dma_semaphore, #tpu.memory_space<semaphore_mem>>
    %dma_start3A_76 = tpu.memref_squeeze %dma_start3A_75 : memref<1x!tpu.dma_semaphore, #tpu.memory_space<semaphore_mem>> -> memref<!tpu.dma_semaphore, #tpu.memory_space<semaphore_mem>>
    tpu.enqueue_indirect_dma source(%dma_start3A_74 : memref<100001x32xf32, #tpu.memory_space<hbm>>) target(%dma_start3A_68 : memref<50x32xf32, #tpu.memory_space<vmem>>) offsets(%dma_start3A_71 : memref<50xi32, #tpu.memory_space<vmem>>) semaphore(%dma_start3A_76 : memref<!tpu.dma_semaphore, #tpu.memory_space<semaphore_mem>>)
    %dma_start3A_77 = arith.constant 5 : i32
    %dma_start3A_78 = arith.constant 5 : i32
    %dma_start3A_79 = arith.constant 5 : i32
    %dma_start3A_80 = arith.constant 0 : i32
    %dma_start3A_81 = arith.constant 0 : i32
    %dma_start3A_82 = tpu.memref_slice %arg6[%dma_start3A_78, %dma_start3A_80, %dma_start3A_81] : memref<8x50x32xf32, #tpu.memory_space<vmem>> -> memref<1x50x32xf32, #tpu.memory_space<vmem>>
    %dma_start3A_83 = tpu.memref_squeeze %dma_start3A_82 : memref<1x50x32xf32, #tpu.memory_space<vmem>> -> memref<50x32xf32, #tpu.memory_space<vmem>>
    %dma_start3A_84 = arith.constant 0 : i32
    %dma_start3A_85 = tpu.memref_slice %arg5[%dma_start3A_77, %dma_start3A_84] : memref<128x50xi32, #tpu.memory_space<vmem>> -> memref<1x50xi32, #tpu.memory_space<vmem>>
    %dma_start3A_86 = tpu.memref_squeeze %dma_start3A_85 : memref<1x50xi32, #tpu.memory_space<vmem>> -> memref<50xi32, #tpu.memory_space<vmem>>
    %dma_start3A_87 = arith.constant 0 : i32
    %dma_start3A_88 = arith.constant 0 : i32
    %dma_start3A_89 = tpu.memref_slice %arg3[%dma_start3A_87, %dma_start3A_88] : memref<100001x32xf32, #tpu.memory_space<hbm>> -> memref<100001x32xf32, #tpu.memory_space<hbm>>
    %dma_start3A_90 = tpu.memref_slice %arg7[%dma_start3A_79] : memref<8x!tpu.dma_semaphore, #tpu.memory_space<semaphore_mem>> -> memref<1x!tpu.dma_semaphore, #tpu.memory_space<semaphore_mem>>
    %dma_start3A_91 = tpu.memref_squeeze %dma_start3A_90 : memref<1x!tpu.dma_semaphore, #tpu.memory_space<semaphore_mem>> -> memref<!tpu.dma_semaphore, #tpu.memory_space<semaphore_mem>>
    tpu.enqueue_indirect_dma source(%dma_start3A_89 : memref<100001x32xf32, #tpu.memory_space<hbm>>) target(%dma_start3A_83 : memref<50x32xf32, #tpu.memory_space<vmem>>) offsets(%dma_start3A_86 : memref<50xi32, #tpu.memory_space<vmem>>) semaphore(%dma_start3A_91 : memref<!tpu.dma_semaphore, #tpu.memory_space<semaphore_mem>>)
    %dma_start3A_92 = arith.constant 6 : i32
    %dma_start3A_93 = arith.constant 6 : i32
    %dma_start3A_94 = arith.constant 6 : i32
    %dma_start3A_95 = arith.constant 0 : i32
    %dma_start3A_96 = arith.constant 0 : i32
    %dma_start3A_97 = tpu.memref_slice %arg6[%dma_start3A_93, %dma_start3A_95, %dma_start3A_96] : memref<8x50x32xf32, #tpu.memory_space<vmem>> -> memref<1x50x32xf32, #tpu.memory_space<vmem>>
    %dma_start3A_98 = tpu.memref_squeeze %dma_start3A_97 : memref<1x50x32xf32, #tpu.memory_space<vmem>> -> memref<50x32xf32, #tpu.memory_space<vmem>>
    %dma_start3A_99 = arith.constant 0 : i32
    %dma_start3A_100 = tpu.memref_slice %arg5[%dma_start3A_92, %dma_start3A_99] : memref<128x50xi32, #tpu.memory_space<vmem>> -> memref<1x50xi32, #tpu.memory_space<vmem>>
    %dma_start3A_101 = tpu.memref_squeeze %dma_start3A_100 : memref<1x50xi32, #tpu.memory_space<vmem>> -> memref<50xi32, #tpu.memory_space<vmem>>
    %dma_start3A_102 = arith.constant 0 : i32
    %dma_start3A_103 = arith.constant 0 : i32
    %dma_start3A_104 = tpu.memref_slice %arg3[%dma_start3A_102, %dma_start3A_103] : memref<100001x32xf32, #tpu.memory_space<hbm>> -> memref<100001x32xf32, #tpu.memory_space<hbm>>
    %dma_start3A_105 = tpu.memref_slice %arg7[%dma_start3A_94] : memref<8x!tpu.dma_semaphore, #tpu.memory_space<semaphore_mem>> -> memref<1x!tpu.dma_semaphore, #tpu.memory_space<semaphore_mem>>
    %dma_start3A_106 = tpu.memref_squeeze %dma_start3A_105 : memref<1x!tpu.dma_semaphore, #tpu.memory_space<semaphore_mem>> -> memref<!tpu.dma_semaphore, #tpu.memory_space<semaphore_mem>>
    tpu.enqueue_indirect_dma source(%dma_start3A_104 : memref<100001x32xf32, #tpu.memory_space<hbm>>) target(%dma_start3A_98 : memref<50x32xf32, #tpu.memory_space<vmem>>) offsets(%dma_start3A_101 : memref<50xi32, #tpu.memory_space<vmem>>) semaphore(%dma_start3A_106 : memref<!tpu.dma_semaphore, #tpu.memory_space<semaphore_mem>>)
    %dma_start3A_107 = arith.constant 7 : i32
    %dma_start3A_108 = arith.constant 7 : i32
    %dma_start3A_109 = arith.constant 7 : i32
    %dma_start3A_110 = arith.constant 0 : i32
    %dma_start3A_111 = arith.constant 0 : i32
    %dma_start3A_112 = tpu.memref_slice %arg6[%dma_start3A_108, %dma_start3A_110, %dma_start3A_111] : memref<8x50x32xf32, #tpu.memory_space<vmem>> -> memref<1x50x32xf32, #tpu.memory_space<vmem>>
    %dma_start3A_113 = tpu.memref_squeeze %dma_start3A_112 : memref<1x50x32xf32, #tpu.memory_space<vmem>> -> memref<50x32xf32, #tpu.memory_space<vmem>>
    %dma_start3A_114 = arith.constant 0 : i32
    %dma_start3A_115 = tpu.memref_slice %arg5[%dma_start3A_107, %dma_start3A_114] : memref<128x50xi32, #tpu.memory_space<vmem>> -> memref<1x50xi32, #tpu.memory_space<vmem>>
    %dma_start3A_116 = tpu.memref_squeeze %dma_start3A_115 : memref<1x50xi32, #tpu.memory_space<vmem>> -> memref<50xi32, #tpu.memory_space<vmem>>
    %dma_start3A_117 = arith.constant 0 : i32
    %dma_start3A_118 = arith.constant 0 : i32
    %dma_start3A_119 = tpu.memref_slice %arg3[%dma_start3A_117, %dma_start3A_118] : memref<100001x32xf32, #tpu.memory_space<hbm>> -> memref<100001x32xf32, #tpu.memory_space<hbm>>
    %dma_start3A_120 = tpu.memref_slice %arg7[%dma_start3A_109] : memref<8x!tpu.dma_semaphore, #tpu.memory_space<semaphore_mem>> -> memref<1x!tpu.dma_semaphore, #tpu.memory_space<semaphore_mem>>
    %dma_start3A_121 = tpu.memref_squeeze %dma_start3A_120 : memref<1x!tpu.dma_semaphore, #tpu.memory_space<semaphore_mem>> -> memref<!tpu.dma_semaphore, #tpu.memory_space<semaphore_mem>>
    tpu.enqueue_indirect_dma source(%dma_start3A_119 : memref<100001x32xf32, #tpu.memory_space<hbm>>) target(%dma_start3A_113 : memref<50x32xf32, #tpu.memory_space<vmem>>) offsets(%dma_start3A_116 : memref<50xi32, #tpu.memory_space<vmem>>) semaphore(%dma_start3A_121 : memref<!tpu.dma_semaphore, #tpu.memory_space<semaphore_mem>>)
    %scan3A = arith.constant 0 : i32
    %scan3A_122 = arith.constant 15 : i32
    %scan3A_123 = arith.addi %scan3A, %scan3A_122 : i32
    %scan3A_124 = arith.constant 1 : i32
    scf.for %scan3A_621 = %scan3A to %scan3A_123 step %scan3A_124  : i32 {
      %mul3A_622 = arith.constant 8 : i32
      %mul3A_623 = arith.muli %scan3A_621, %mul3A_622 : i32
      %add3A_624 = arith.constant 0 : i32
      %add3A_625 = arith.addi %add3A_624, %mul3A_623 : i32
      %add3A_626 = arith.constant 0 : i32
      %add3A_627 = arith.addi %add3A_625, %add3A_626 : i32
      %dma_wait3A_628 = arith.constant 0 : i32
      %dma_wait3A_629 = arith.constant 0 : i32
      %dma_wait3A_630 = arith.constant 0 : i32
      %dma_wait3A_631 = arith.constant 0 : i32
      %dma_wait3A_632 = tpu.memref_slice %arg6[%dma_wait3A_628, %dma_wait3A_630, %dma_wait3A_631] : memref<8x50x32xf32, #tpu.memory_space<vmem>> -> memref<1x50x32xf32, #tpu.memory_space<vmem>>
      %dma_wait3A_633 = tpu.memref_squeeze %dma_wait3A_632 : memref<1x50x32xf32, #tpu.memory_space<vmem>> -> memref<50x32xf32, #tpu.memory_space<vmem>>
      %dma_wait3A_634 = arith.constant 0 : i32
      %dma_wait3A_635 = arith.constant 0 : i32
      %dma_wait3A_636 = tpu.memref_slice %arg3[%dma_wait3A_634, %dma_wait3A_635] : memref<100001x32xf32, #tpu.memory_space<hbm>> -> memref<50x32xf32, #tpu.memory_space<hbm>>
      %dma_wait3A_637 = tpu.memref_slice %arg7[%dma_wait3A_629] : memref<8x!tpu.dma_semaphore, #tpu.memory_space<semaphore_mem>> -> memref<1x!tpu.dma_semaphore, #tpu.memory_space<semaphore_mem>>
      %dma_wait3A_638 = tpu.memref_squeeze %dma_wait3A_637 : memref<1x!tpu.dma_semaphore, #tpu.memory_space<semaphore_mem>> -> memref<!tpu.dma_semaphore, #tpu.memory_space<semaphore_mem>>
      %dma_wait3A_639 = arith.constant 0 : i32
      %dma_wait3A_640 = arith.constant 0 : i32
      %dma_wait3A_641 = tpu.memref_slice %arg6[%dma_wait3A_628, %dma_wait3A_639, %dma_wait3A_640] : memref<8x50x32xf32, #tpu.memory_space<vmem>> -> memref<1x50x32xf32, #tpu.memory_space<vmem>>
      %dma_wait3A_642 = tpu.memref_squeeze %dma_wait3A_641 : memref<1x50x32xf32, #tpu.memory_space<vmem>> -> memref<50x32xf32, #tpu.memory_space<vmem>>
      %dma_wait3A_643 = arith.constant 0 : i32
      %dma_wait3A_644 = arith.constant 0 : i32
      %dma_wait3A_645 = tpu.memref_slice %arg3[%dma_wait3A_643, %dma_wait3A_644] : memref<100001x32xf32, #tpu.memory_space<hbm>> -> memref<50x32xf32, #tpu.memory_space<hbm>>
      tpu.wait_dma2 semaphore(%dma_wait3A_638 : memref<!tpu.dma_semaphore, #tpu.memory_space<semaphore_mem>>) src(%dma_wait3A_645 : memref<50x32xf32, #tpu.memory_space<hbm>>) dst(%dma_wait3A_642 : memref<50x32xf32, #tpu.memory_space<vmem>>)
      %add3A_646 = arith.addi %mul3A_2, %add3A_627 : i32
      %dma_start3A_647 = arith.constant 0 : i32
      %dma_start3A_648 = arith.constant 0 : i32
      %dma_start3A_649 = arith.constant 0 : i32
      %dma_start3A_650 = arith.constant 0 : i32
      %dma_start3A_651 = tpu.memref_slice %arg6[%dma_start3A_647, %dma_start3A_649, %dma_start3A_650] : memref<8x50x32xf32, #tpu.memory_space<vmem>> -> memref<1x50x32xf32, #tpu.memory_space<vmem>>
      %dma_start3A_652 = tpu.memref_squeeze %dma_start3A_651 : memref<1x50x32xf32, #tpu.memory_space<vmem>> -> memref<50x32xf32, #tpu.memory_space<vmem>>
      %dma_start3A_653 = arith.constant 0 : i32
      %dma_start3A_654 = arith.constant 0 : i32
      %dma_start3A_655 = tpu.memref_slice %arg4[%add3A_646, %dma_start3A_653, %dma_start3A_654] : memref<4096x50x32xf32, #tpu.memory_space<hbm>> -> memref<1x50x32xf32, #tpu.memory_space<hbm>>
      %dma_start3A_656 = tpu.memref_squeeze %dma_start3A_655 : memref<1x50x32xf32, #tpu.memory_space<hbm>> -> memref<50x32xf32, #tpu.memory_space<hbm>>
      %dma_start3A_657 = tpu.memref_slice %arg8[%dma_start3A_648] : memref<8x!tpu.dma_semaphore, #tpu.memory_space<semaphore_mem>> -> memref<1x!tpu.dma_semaphore, #tpu.memory_space<semaphore_mem>>
      %dma_start3A_658 = tpu.memref_squeeze %dma_start3A_657 : memref<1x!tpu.dma_semaphore, #tpu.memory_space<semaphore_mem>> -> memref<!tpu.dma_semaphore, #tpu.memory_space<semaphore_mem>>
      %dma_start3A_659 = arith.constant 0 : i32
      %dma_start3A_660 = arith.constant 0 : i32
      %dma_start3A_661 = tpu.memref_slice %arg4[%add3A_646, %dma_start3A_659, %dma_start3A_660] : memref<4096x50x32xf32, #tpu.memory_space<hbm>> -> memref<1x50x32xf32, #tpu.memory_space<hbm>>
      %dma_start3A_662 = tpu.memref_squeeze %dma_start3A_661 : memref<1x50x32xf32, #tpu.memory_space<hbm>> -> memref<50x32xf32, #tpu.memory_space<hbm>>
      %dma_start3A_663 = arith.constant 0 : i32
      %dma_start3A_664 = arith.constant 0 : i32
      %dma_start3A_665 = tpu.memref_slice %arg6[%dma_start3A_647, %dma_start3A_663, %dma_start3A_664] : memref<8x50x32xf32, #tpu.memory_space<vmem>> -> memref<1x50x32xf32, #tpu.memory_space<vmem>>
      %dma_start3A_666 = tpu.memref_squeeze %dma_start3A_665 : memref<1x50x32xf32, #tpu.memory_space<vmem>> -> memref<50x32xf32, #tpu.memory_space<vmem>>
      tpu.enqueue_dma source(%dma_start3A_666 : memref<50x32xf32, #tpu.memory_space<vmem>>) target(%dma_start3A_662 : memref<50x32xf32, #tpu.memory_space<hbm>>) target_semaphore(%dma_start3A_658 : memref<!tpu.dma_semaphore, #tpu.memory_space<semaphore_mem>>)
      %add3A_667 = arith.addi %mul3A_2, %add3A_627 : i32
      %dma_wait3A_668 = arith.constant 0 : i32
      %dma_wait3A_669 = arith.constant 0 : i32
      %dma_wait3A_670 = arith.constant 0 : i32
      %dma_wait3A_671 = arith.constant 0 : i32
      %dma_wait3A_672 = tpu.memref_slice %arg6[%dma_wait3A_668, %dma_wait3A_670, %dma_wait3A_671] : memref<8x50x32xf32, #tpu.memory_space<vmem>> -> memref<1x50x32xf32, #tpu.memory_space<vmem>>
      %dma_wait3A_673 = tpu.memref_squeeze %dma_wait3A_672 : memref<1x50x32xf32, #tpu.memory_space<vmem>> -> memref<50x32xf32, #tpu.memory_space<vmem>>
      %dma_wait3A_674 = arith.constant 0 : i32
      %dma_wait3A_675 = arith.constant 0 : i32
      %dma_wait3A_676 = tpu.memref_slice %arg4[%add3A_667, %dma_wait3A_674, %dma_wait3A_675] : memref<4096x50x32xf32, #tpu.memory_space<hbm>> -> memref<1x50x32xf32, #tpu.memory_space<hbm>>
      %dma_wait3A_677 = tpu.memref_squeeze %dma_wait3A_676 : memref<1x50x32xf32, #tpu.memory_space<hbm>> -> memref<50x32xf32, #tpu.memory_space<hbm>>
      %dma_wait3A_678 = tpu.memref_slice %arg8[%dma_wait3A_669] : memref<8x!tpu.dma_semaphore, #tpu.memory_space<semaphore_mem>> -> memref<1x!tpu.dma_semaphore, #tpu.memory_space<semaphore_mem>>
      %dma_wait3A_679 = tpu.memref_squeeze %dma_wait3A_678 : memref<1x!tpu.dma_semaphore, #tpu.memory_space<semaphore_mem>> -> memref<!tpu.dma_semaphore, #tpu.memory_space<semaphore_mem>>
      %dma_wait3A_680 = arith.constant 0 : i32
      %dma_wait3A_681 = arith.constant 0 : i32
      %dma_wait3A_682 = tpu.memref_slice %arg4[%add3A_667, %dma_wait3A_680, %dma_wait3A_681] : memref<4096x50x32xf32, #tpu.memory_space<hbm>> -> memref<1x50x32xf32, #tpu.memory_space<hbm>>
      %dma_wait3A_683 = tpu.memref_squeeze %dma_wait3A_682 : memref<1x50x32xf32, #tpu.memory_space<hbm>> -> memref<50x32xf32, #tpu.memory_space<hbm>>
      %dma_wait3A_684 = arith.constant 0 : i32
      %dma_wait3A_685 = arith.constant 0 : i32
      %dma_wait3A_686 = tpu.memref_slice %arg6[%dma_wait3A_668, %dma_wait3A_684, %dma_wait3A_685] : memref<8x50x32xf32, #tpu.memory_space<vmem>> -> memref<1x50x32xf32, #tpu.memory_space<vmem>>
      %dma_wait3A_687 = tpu.memref_squeeze %dma_wait3A_686 : memref<1x50x32xf32, #tpu.memory_space<vmem>> -> memref<50x32xf32, #tpu.memory_space<vmem>>
      tpu.wait_dma2 semaphore(%dma_wait3A_679 : memref<!tpu.dma_semaphore, #tpu.memory_space<semaphore_mem>>) src(%dma_wait3A_687 : memref<50x32xf32, #tpu.memory_space<vmem>>) dst(%dma_wait3A_683 : memref<50x32xf32, #tpu.memory_space<hbm>>)
      %add3A_688 = arith.constant 8 : i32
      %add3A_689 = arith.addi %add3A_627, %add3A_688 : i32
      %dma_start3A_690 = arith.constant 0 : i32
      %dma_start3A_691 = arith.constant 0 : i32
      %dma_start3A_692 = arith.constant 0 : i32
      %dma_start3A_693 = arith.constant 0 : i32
      %dma_start3A_694 = tpu.memref_slice %arg6[%dma_start3A_690, %dma_start3A_692, %dma_start3A_693] : memref<8x50x32xf32, #tpu.memory_space<vmem>> -> memref<1x50x32xf32, #tpu.memory_space<vmem>>
      %dma_start3A_695 = tpu.memref_squeeze %dma_start3A_694 : memref<1x50x32xf32, #tpu.memory_space<vmem>> -> memref<50x32xf32, #tpu.memory_space<vmem>>
      %dma_start3A_696 = arith.constant 0 : i32
      %dma_start3A_697 = tpu.memref_slice %arg5[%add3A_689, %dma_start3A_696] : memref<128x50xi32, #tpu.memory_space<vmem>> -> memref<1x50xi32, #tpu.memory_space<vmem>>
      %dma_start3A_698 = tpu.memref_squeeze %dma_start3A_697 : memref<1x50xi32, #tpu.memory_space<vmem>> -> memref<50xi32, #tpu.memory_space<vmem>>
      %dma_start3A_699 = arith.constant 0 : i32
      %dma_start3A_700 = arith.constant 0 : i32
      %dma_start3A_701 = tpu.memref_slice %arg3[%dma_start3A_699, %dma_start3A_700] : memref<100001x32xf32, #tpu.memory_space<hbm>> -> memref<100001x32xf32, #tpu.memory_space<hbm>>
      %dma_start3A_702 = tpu.memref_slice %arg7[%dma_start3A_691] : memref<8x!tpu.dma_semaphore, #tpu.memory_space<semaphore_mem>> -> memref<1x!tpu.dma_semaphore, #tpu.memory_space<semaphore_mem>>
      %dma_start3A_703 = tpu.memref_squeeze %dma_start3A_702 : memref<1x!tpu.dma_semaphore, #tpu.memory_space<semaphore_mem>> -> memref<!tpu.dma_semaphore, #tpu.memory_space<semaphore_mem>>
      tpu.enqueue_indirect_dma source(%dma_start3A_701 : memref<100001x32xf32, #tpu.memory_space<hbm>>) target(%dma_start3A_695 : memref<50x32xf32, #tpu.memory_space<vmem>>) offsets(%dma_start3A_698 : memref<50xi32, #tpu.memory_space<vmem>>) semaphore(%dma_start3A_703 : memref<!tpu.dma_semaphore, #tpu.memory_space<semaphore_mem>>)
      %add3A_704 = arith.constant 1 : i32
      %add3A_705 = arith.addi %add3A_625, %add3A_704 : i32
      %dma_wait3A_706 = arith.constant 1 : i32
      %dma_wait3A_707 = arith.constant 1 : i32
      %dma_wait3A_708 = arith.constant 0 : i32
      %dma_wait3A_709 = arith.constant 0 : i32
      %dma_wait3A_710 = tpu.memref_slice %arg6[%dma_wait3A_706, %dma_wait3A_708, %dma_wait3A_709] : memref<8x50x32xf32, #tpu.memory_space<vmem>> -> memref<1x50x32xf32, #tpu.memory_space<vmem>>
      %dma_wait3A_711 = tpu.memref_squeeze %dma_wait3A_710 : memref<1x50x32xf32, #tpu.memory_space<vmem>> -> memref<50x32xf32, #tpu.memory_space<vmem>>
      %dma_wait3A_712 = arith.constant 0 : i32
      %dma_wait3A_713 = arith.constant 0 : i32
      %dma_wait3A_714 = tpu.memref_slice %arg3[%dma_wait3A_712, %dma_wait3A_713] : memref<100001x32xf32, #tpu.memory_space<hbm>> -> memref<50x32xf32, #tpu.memory_space<hbm>>
      %dma_wait3A_715 = tpu.memref_slice %arg7[%dma_wait3A_707] : memref<8x!tpu.dma_semaphore, #tpu.memory_space<semaphore_mem>> -> memref<1x!tpu.dma_semaphore, #tpu.memory_space<semaphore_mem>>
      %dma_wait3A_716 = tpu.memref_squeeze %dma_wait3A_715 : memref<1x!tpu.dma_semaphore, #tpu.memory_space<semaphore_mem>> -> memref<!tpu.dma_semaphore, #tpu.memory_space<semaphore_mem>>
      %dma_wait3A_717 = arith.constant 0 : i32
      %dma_wait3A_718 = arith.constant 0 : i32
      %dma_wait3A_719 = tpu.memref_slice %arg6[%dma_wait3A_706, %dma_wait3A_717, %dma_wait3A_718] : memref<8x50x32xf32, #tpu.memory_space<vmem>> -> memref<1x50x32xf32, #tpu.memory_space<vmem>>
      %dma_wait3A_720 = tpu.memref_squeeze %dma_wait3A_719 : memref<1x50x32xf32, #tpu.memory_space<vmem>> -> memref<50x32xf32, #tpu.memory_space<vmem>>
      %dma_wait3A_721 = arith.constant 0 : i32
      %dma_wait3A_722 = arith.constant 0 : i32
      %dma_wait3A_723 = tpu.memref_slice %arg3[%dma_wait3A_721, %dma_wait3A_722] : memref<100001x32xf32, #tpu.memory_space<hbm>> -> memref<50x32xf32, #tpu.memory_space<hbm>>
      tpu.wait_dma2 semaphore(%dma_wait3A_716 : memref<!tpu.dma_semaphore, #tpu.memory_space<semaphore_mem>>) src(%dma_wait3A_723 : memref<50x32xf32, #tpu.memory_space<hbm>>) dst(%dma_wait3A_720 : memref<50x32xf32, #tpu.memory_space<vmem>>)
      %add3A_724 = arith.addi %mul3A_2, %add3A_705 : i32
      %dma_start3A_725 = arith.constant 1 : i32
      %dma_start3A_726 = arith.constant 1 : i32
      %dma_start3A_727 = arith.constant 0 : i32
      %dma_start3A_728 = arith.constant 0 : i32
      %dma_start3A_729 = tpu.memref_slice %arg6[%dma_start3A_725, %dma_start3A_727, %dma_start3A_728] : memref<8x50x32xf32, #tpu.memory_space<vmem>> -> memref<1x50x32xf32, #tpu.memory_space<vmem>>
      %dma_start3A_730 = tpu.memref_squeeze %dma_start3A_729 : memref<1x50x32xf32, #tpu.memory_space<vmem>> -> memref<50x32xf32, #tpu.memory_space<vmem>>
      %dma_start3A_731 = arith.constant 0 : i32
      %dma_start3A_732 = arith.constant 0 : i32
      %dma_start3A_733 = tpu.memref_slice %arg4[%add3A_724, %dma_start3A_731, %dma_start3A_732] : memref<4096x50x32xf32, #tpu.memory_space<hbm>> -> memref<1x50x32xf32, #tpu.memory_space<hbm>>
      %dma_start3A_734 = tpu.memref_squeeze %dma_start3A_733 : memref<1x50x32xf32, #tpu.memory_space<hbm>> -> memref<50x32xf32, #tpu.memory_space<hbm>>
      %dma_start3A_735 = tpu.memref_slice %arg8[%dma_start3A_726] : memref<8x!tpu.dma_semaphore, #tpu.memory_space<semaphore_mem>> -> memref<1x!tpu.dma_semaphore, #tpu.memory_space<semaphore_mem>>
      %dma_start3A_736 = tpu.memref_squeeze %dma_start3A_735 : memref<1x!tpu.dma_semaphore, #tpu.memory_space<semaphore_mem>> -> memref<!tpu.dma_semaphore, #tpu.memory_space<semaphore_mem>>
      %dma_start3A_737 = arith.constant 0 : i32
      %dma_start3A_738 = arith.constant 0 : i32
      %dma_start3A_739 = tpu.memref_slice %arg4[%add3A_724, %dma_start3A_737, %dma_start3A_738] : memref<4096x50x32xf32, #tpu.memory_space<hbm>> -> memref<1x50x32xf32, #tpu.memory_space<hbm>>
      %dma_start3A_740 = tpu.memref_squeeze %dma_start3A_739 : memref<1x50x32xf32, #tpu.memory_space<hbm>> -> memref<50x32xf32, #tpu.memory_space<hbm>>
      %dma_start3A_741 = arith.constant 0 : i32
      %dma_start3A_742 = arith.constant 0 : i32
      %dma_start3A_743 = tpu.memref_slice %arg6[%dma_start3A_725, %dma_start3A_741, %dma_start3A_742] : memref<8x50x32xf32, #tpu.memory_space<vmem>> -> memref<1x50x32xf32, #tpu.memory_space<vmem>>
      %dma_start3A_744 = tpu.memref_squeeze %dma_start3A_743 : memref<1x50x32xf32, #tpu.memory_space<vmem>> -> memref<50x32xf32, #tpu.memory_space<vmem>>
      tpu.enqueue_dma source(%dma_start3A_744 : memref<50x32xf32, #tpu.memory_space<vmem>>) target(%dma_start3A_740 : memref<50x32xf32, #tpu.memory_space<hbm>>) target_semaphore(%dma_start3A_736 : memref<!tpu.dma_semaphore, #tpu.memory_space<semaphore_mem>>)
      %add3A_745 = arith.addi %mul3A_2, %add3A_705 : i32
      %dma_wait3A_746 = arith.constant 1 : i32
      %dma_wait3A_747 = arith.constant 1 : i32
      %dma_wait3A_748 = arith.constant 0 : i32
      %dma_wait3A_749 = arith.constant 0 : i32
      %dma_wait3A_750 = tpu.memref_slice %arg6[%dma_wait3A_746, %dma_wait3A_748, %dma_wait3A_749] : memref<8x50x32xf32, #tpu.memory_space<vmem>> -> memref<1x50x32xf32, #tpu.memory_space<vmem>>
      %dma_wait3A_751 = tpu.memref_squeeze %dma_wait3A_750 : memref<1x50x32xf32, #tpu.memory_space<vmem>> -> memref<50x32xf32, #tpu.memory_space<vmem>>
      %dma_wait3A_752 = arith.constant 0 : i32
      %dma_wait3A_753 = arith.constant 0 : i32
      %dma_wait3A_754 = tpu.memref_slice %arg4[%add3A_745, %dma_wait3A_752, %dma_wait3A_753] : memref<4096x50x32xf32, #tpu.memory_space<hbm>> -> memref<1x50x32xf32, #tpu.memory_space<hbm>>
      %dma_wait3A_755 = tpu.memref_squeeze %dma_wait3A_754 : memref<1x50x32xf32, #tpu.memory_space<hbm>> -> memref<50x32xf32, #tpu.memory_space<hbm>>
      %dma_wait3A_756 = tpu.memref_slice %arg8[%dma_wait3A_747] : memref<8x!tpu.dma_semaphore, #tpu.memory_space<semaphore_mem>> -> memref<1x!tpu.dma_semaphore, #tpu.memory_space<semaphore_mem>>
      %dma_wait3A_757 = tpu.memref_squeeze %dma_wait3A_756 : memref<1x!tpu.dma_semaphore, #tpu.memory_space<semaphore_mem>> -> memref<!tpu.dma_semaphore, #tpu.memory_space<semaphore_mem>>
      %dma_wait3A_758 = arith.constant 0 : i32
      %dma_wait3A_759 = arith.constant 0 : i32
      %dma_wait3A_760 = tpu.memref_slice %arg4[%add3A_745, %dma_wait3A_758, %dma_wait3A_759] : memref<4096x50x32xf32, #tpu.memory_space<hbm>> -> memref<1x50x32xf32, #tpu.memory_space<hbm>>
      %dma_wait3A_761 = tpu.memref_squeeze %dma_wait3A_760 : memref<1x50x32xf32, #tpu.memory_space<hbm>> -> memref<50x32xf32, #tpu.memory_space<hbm>>
      %dma_wait3A_762 = arith.constant 0 : i32
      %dma_wait3A_763 = arith.constant 0 : i32
      %dma_wait3A_764 = tpu.memref_slice %arg6[%dma_wait3A_746, %dma_wait3A_762, %dma_wait3A_763] : memref<8x50x32xf32, #tpu.memory_space<vmem>> -> memref<1x50x32xf32, #tpu.memory_space<vmem>>
      %dma_wait3A_765 = tpu.memref_squeeze %dma_wait3A_764 : memref<1x50x32xf32, #tpu.memory_space<vmem>> -> memref<50x32xf32, #tpu.memory_space<vmem>>
      tpu.wait_dma2 semaphore(%dma_wait3A_757 : memref<!tpu.dma_semaphore, #tpu.memory_space<semaphore_mem>>) src(%dma_wait3A_765 : memref<50x32xf32, #tpu.memory_space<vmem>>) dst(%dma_wait3A_761 : memref<50x32xf32, #tpu.memory_space<hbm>>)
      %add3A_766 = arith.constant 8 : i32
      %add3A_767 = arith.addi %add3A_705, %add3A_766 : i32
      %dma_start3A_768 = arith.constant 1 : i32
      %dma_start3A_769 = arith.constant 1 : i32
      %dma_start3A_770 = arith.constant 0 : i32
      %dma_start3A_771 = arith.constant 0 : i32
      %dma_start3A_772 = tpu.memref_slice %arg6[%dma_start3A_768, %dma_start3A_770, %dma_start3A_771] : memref<8x50x32xf32, #tpu.memory_space<vmem>> -> memref<1x50x32xf32, #tpu.memory_space<vmem>>
      %dma_start3A_773 = tpu.memref_squeeze %dma_start3A_772 : memref<1x50x32xf32, #tpu.memory_space<vmem>> -> memref<50x32xf32, #tpu.memory_space<vmem>>
      %dma_start3A_774 = arith.constant 0 : i32
      %dma_start3A_775 = tpu.memref_slice %arg5[%add3A_767, %dma_start3A_774] : memref<128x50xi32, #tpu.memory_space<vmem>> -> memref<1x50xi32, #tpu.memory_space<vmem>>
      %dma_start3A_776 = tpu.memref_squeeze %dma_start3A_775 : memref<1x50xi32, #tpu.memory_space<vmem>> -> memref<50xi32, #tpu.memory_space<vmem>>
      %dma_start3A_777 = arith.constant 0 : i32
      %dma_start3A_778 = arith.constant 0 : i32
      %dma_start3A_779 = tpu.memref_slice %arg3[%dma_start3A_777, %dma_start3A_778] : memref<100001x32xf32, #tpu.memory_space<hbm>> -> memref<100001x32xf32, #tpu.memory_space<hbm>>
      %dma_start3A_780 = tpu.memref_slice %arg7[%dma_start3A_769] : memref<8x!tpu.dma_semaphore, #tpu.memory_space<semaphore_mem>> -> memref<1x!tpu.dma_semaphore, #tpu.memory_space<semaphore_mem>>
      %dma_start3A_781 = tpu.memref_squeeze %dma_start3A_780 : memref<1x!tpu.dma_semaphore, #tpu.memory_space<semaphore_mem>> -> memref<!tpu.dma_semaphore, #tpu.memory_space<semaphore_mem>>
      tpu.enqueue_indirect_dma source(%dma_start3A_779 : memref<100001x32xf32, #tpu.memory_space<hbm>>) target(%dma_start3A_773 : memref<50x32xf32, #tpu.memory_space<vmem>>) offsets(%dma_start3A_776 : memref<50xi32, #tpu.memory_space<vmem>>) semaphore(%dma_start3A_781 : memref<!tpu.dma_semaphore, #tpu.memory_space<semaphore_mem>>)
      %add3A_782 = arith.constant 2 : i32
      %add3A_783 = arith.addi %add3A_625, %add3A_782 : i32
      %dma_wait3A_784 = arith.constant 2 : i32
      %dma_wait3A_785 = arith.constant 2 : i32
      %dma_wait3A_786 = arith.constant 0 : i32
      %dma_wait3A_787 = arith.constant 0 : i32
      %dma_wait3A_788 = tpu.memref_slice %arg6[%dma_wait3A_784, %dma_wait3A_786, %dma_wait3A_787] : memref<8x50x32xf32, #tpu.memory_space<vmem>> -> memref<1x50x32xf32, #tpu.memory_space<vmem>>
      %dma_wait3A_789 = tpu.memref_squeeze %dma_wait3A_788 : memref<1x50x32xf32, #tpu.memory_space<vmem>> -> memref<50x32xf32, #tpu.memory_space<vmem>>
      %dma_wait3A_790 = arith.constant 0 : i32
      %dma_wait3A_791 = arith.constant 0 : i32
      %dma_wait3A_792 = tpu.memref_slice %arg3[%dma_wait3A_790, %dma_wait3A_791] : memref<100001x32xf32, #tpu.memory_space<hbm>> -> memref<50x32xf32, #tpu.memory_space<hbm>>
      %dma_wait3A_793 = tpu.memref_slice %arg7[%dma_wait3A_785] : memref<8x!tpu.dma_semaphore, #tpu.memory_space<semaphore_mem>> -> memref<1x!tpu.dma_semaphore, #tpu.memory_space<semaphore_mem>>
      %dma_wait3A_794 = tpu.memref_squeeze %dma_wait3A_793 : memref<1x!tpu.dma_semaphore, #tpu.memory_space<semaphore_mem>> -> memref<!tpu.dma_semaphore, #tpu.memory_space<semaphore_mem>>
      %dma_wait3A_795 = arith.constant 0 : i32
      %dma_wait3A_796 = arith.constant 0 : i32
      %dma_wait3A_797 = tpu.memref_slice %arg6[%dma_wait3A_784, %dma_wait3A_795, %dma_wait3A_796] : memref<8x50x32xf32, #tpu.memory_space<vmem>> -> memref<1x50x32xf32, #tpu.memory_space<vmem>>
      %dma_wait3A_798 = tpu.memref_squeeze %dma_wait3A_797 : memref<1x50x32xf32, #tpu.memory_space<vmem>> -> memref<50x32xf32, #tpu.memory_space<vmem>>
      %dma_wait3A_799 = arith.constant 0 : i32
      %dma_wait3A_800 = arith.constant 0 : i32
      %dma_wait3A_801 = tpu.memref_slice %arg3[%dma_wait3A_799, %dma_wait3A_800] : memref<100001x32xf32, #tpu.memory_space<hbm>> -> memref<50x32xf32, #tpu.memory_space<hbm>>
      tpu.wait_dma2 semaphore(%dma_wait3A_794 : memref<!tpu.dma_semaphore, #tpu.memory_space<semaphore_mem>>) src(%dma_wait3A_801 : memref<50x32xf32, #tpu.memory_space<hbm>>) dst(%dma_wait3A_798 : memref<50x32xf32, #tpu.memory_space<vmem>>)
      %add3A_802 = arith.addi %mul3A_2, %add3A_783 : i32
      %dma_start3A_803 = arith.constant 2 : i32
      %dma_start3A_804 = arith.constant 2 : i32
      %dma_start3A_805 = arith.constant 0 : i32
      %dma_start3A_806 = arith.constant 0 : i32
      %dma_start3A_807 = tpu.memref_slice %arg6[%dma_start3A_803, %dma_start3A_805, %dma_start3A_806] : memref<8x50x32xf32, #tpu.memory_space<vmem>> -> memref<1x50x32xf32, #tpu.memory_space<vmem>>
      %dma_start3A_808 = tpu.memref_squeeze %dma_start3A_807 : memref<1x50x32xf32, #tpu.memory_space<vmem>> -> memref<50x32xf32, #tpu.memory_space<vmem>>
      %dma_start3A_809 = arith.constant 0 : i32
      %dma_start3A_810 = arith.constant 0 : i32
      %dma_start3A_811 = tpu.memref_slice %arg4[%add3A_802, %dma_start3A_809, %dma_start3A_810] : memref<4096x50x32xf32, #tpu.memory_space<hbm>> -> memref<1x50x32xf32, #tpu.memory_space<hbm>>
      %dma_start3A_812 = tpu.memref_squeeze %dma_start3A_811 : memref<1x50x32xf32, #tpu.memory_space<hbm>> -> memref<50x32xf32, #tpu.memory_space<hbm>>
      %dma_start3A_813 = tpu.memref_slice %arg8[%dma_start3A_804] : memref<8x!tpu.dma_semaphore, #tpu.memory_space<semaphore_mem>> -> memref<1x!tpu.dma_semaphore, #tpu.memory_space<semaphore_mem>>
      %dma_start3A_814 = tpu.memref_squeeze %dma_start3A_813 : memref<1x!tpu.dma_semaphore, #tpu.memory_space<semaphore_mem>> -> memref<!tpu.dma_semaphore, #tpu.memory_space<semaphore_mem>>
      %dma_start3A_815 = arith.constant 0 : i32
      %dma_start3A_816 = arith.constant 0 : i32
      %dma_start3A_817 = tpu.memref_slice %arg4[%add3A_802, %dma_start3A_815, %dma_start3A_816] : memref<4096x50x32xf32, #tpu.memory_space<hbm>> -> memref<1x50x32xf32, #tpu.memory_space<hbm>>
      %dma_start3A_818 = tpu.memref_squeeze %dma_start3A_817 : memref<1x50x32xf32, #tpu.memory_space<hbm>> -> memref<50x32xf32, #tpu.memory_space<hbm>>
      %dma_start3A_819 = arith.constant 0 : i32
      %dma_start3A_820 = arith.constant 0 : i32
      %dma_start3A_821 = tpu.memref_slice %arg6[%dma_start3A_803, %dma_start3A_819, %dma_start3A_820] : memref<8x50x32xf32, #tpu.memory_space<vmem>> -> memref<1x50x32xf32, #tpu.memory_space<vmem>>
      %dma_start3A_822 = tpu.memref_squeeze %dma_start3A_821 : memref<1x50x32xf32, #tpu.memory_space<vmem>> -> memref<50x32xf32, #tpu.memory_space<vmem>>
      tpu.enqueue_dma source(%dma_start3A_822 : memref<50x32xf32, #tpu.memory_space<vmem>>) target(%dma_start3A_818 : memref<50x32xf32, #tpu.memory_space<hbm>>) target_semaphore(%dma_start3A_814 : memref<!tpu.dma_semaphore, #tpu.memory_space<semaphore_mem>>)
      %add3A_823 = arith.addi %mul3A_2, %add3A_783 : i32
      %dma_wait3A_824 = arith.constant 2 : i32
      %dma_wait3A_825 = arith.constant 2 : i32
      %dma_wait3A_826 = arith.constant 0 : i32
      %dma_wait3A_827 = arith.constant 0 : i32
      %dma_wait3A_828 = tpu.memref_slice %arg6[%dma_wait3A_824, %dma_wait3A_826, %dma_wait3A_827] : memref<8x50x32xf32, #tpu.memory_space<vmem>> -> memref<1x50x32xf32, #tpu.memory_space<vmem>>
      %dma_wait3A_829 = tpu.memref_squeeze %dma_wait3A_828 : memref<1x50x32xf32, #tpu.memory_space<vmem>> -> memref<50x32xf32, #tpu.memory_space<vmem>>
      %dma_wait3A_830 = arith.constant 0 : i32
      %dma_wait3A_831 = arith.constant 0 : i32
      %dma_wait3A_832 = tpu.memref_slice %arg4[%add3A_823, %dma_wait3A_830, %dma_wait3A_831] : memref<4096x50x32xf32, #tpu.memory_space<hbm>> -> memref<1x50x32xf32, #tpu.memory_space<hbm>>
      %dma_wait3A_833 = tpu.memref_squeeze %dma_wait3A_832 : memref<1x50x32xf32, #tpu.memory_space<hbm>> -> memref<50x32xf32, #tpu.memory_space<hbm>>
      %dma_wait3A_834 = tpu.memref_slice %arg8[%dma_wait3A_825] : memref<8x!tpu.dma_semaphore, #tpu.memory_space<semaphore_mem>> -> memref<1x!tpu.dma_semaphore, #tpu.memory_space<semaphore_mem>>
      %dma_wait3A_835 = tpu.memref_squeeze %dma_wait3A_834 : memref<1x!tpu.dma_semaphore, #tpu.memory_space<semaphore_mem>> -> memref<!tpu.dma_semaphore, #tpu.memory_space<semaphore_mem>>
      %dma_wait3A_836 = arith.constant 0 : i32
      %dma_wait3A_837 = arith.constant 0 : i32
      %dma_wait3A_838 = tpu.memref_slice %arg4[%add3A_823, %dma_wait3A_836, %dma_wait3A_837] : memref<4096x50x32xf32, #tpu.memory_space<hbm>> -> memref<1x50x32xf32, #tpu.memory_space<hbm>>
      %dma_wait3A_839 = tpu.memref_squeeze %dma_wait3A_838 : memref<1x50x32xf32, #tpu.memory_space<hbm>> -> memref<50x32xf32, #tpu.memory_space<hbm>>
      %dma_wait3A_840 = arith.constant 0 : i32
      %dma_wait3A_841 = arith.constant 0 : i32
      %dma_wait3A_842 = tpu.memref_slice %arg6[%dma_wait3A_824, %dma_wait3A_840, %dma_wait3A_841] : memref<8x50x32xf32, #tpu.memory_space<vmem>> -> memref<1x50x32xf32, #tpu.memory_space<vmem>>
      %dma_wait3A_843 = tpu.memref_squeeze %dma_wait3A_842 : memref<1x50x32xf32, #tpu.memory_space<vmem>> -> memref<50x32xf32, #tpu.memory_space<vmem>>
      tpu.wait_dma2 semaphore(%dma_wait3A_835 : memref<!tpu.dma_semaphore, #tpu.memory_space<semaphore_mem>>) src(%dma_wait3A_843 : memref<50x32xf32, #tpu.memory_space<vmem>>) dst(%dma_wait3A_839 : memref<50x32xf32, #tpu.memory_space<hbm>>)
      %add3A_844 = arith.constant 8 : i32
      %add3A_845 = arith.addi %add3A_783, %add3A_844 : i32
      %dma_start3A_846 = arith.constant 2 : i32
      %dma_start3A_847 = arith.constant 2 : i32
      %dma_start3A_848 = arith.constant 0 : i32
      %dma_start3A_849 = arith.constant 0 : i32
      %dma_start3A_850 = tpu.memref_slice %arg6[%dma_start3A_846, %dma_start3A_848, %dma_start3A_849] : memref<8x50x32xf32, #tpu.memory_space<vmem>> -> memref<1x50x32xf32, #tpu.memory_space<vmem>>
      %dma_start3A_851 = tpu.memref_squeeze %dma_start3A_850 : memref<1x50x32xf32, #tpu.memory_space<vmem>> -> memref<50x32xf32, #tpu.memory_space<vmem>>
      %dma_start3A_852 = arith.constant 0 : i32
      %dma_start3A_853 = tpu.memref_slice %arg5[%add3A_845, %dma_start3A_852] : memref<128x50xi32, #tpu.memory_space<vmem>> -> memref<1x50xi32, #tpu.memory_space<vmem>>
      %dma_start3A_854 = tpu.memref_squeeze %dma_start3A_853 : memref<1x50xi32, #tpu.memory_space<vmem>> -> memref<50xi32, #tpu.memory_space<vmem>>
      %dma_start3A_855 = arith.constant 0 : i32
      %dma_start3A_856 = arith.constant 0 : i32
      %dma_start3A_857 = tpu.memref_slice %arg3[%dma_start3A_855, %dma_start3A_856] : memref<100001x32xf32, #tpu.memory_space<hbm>> -> memref<100001x32xf32, #tpu.memory_space<hbm>>
      %dma_start3A_858 = tpu.memref_slice %arg7[%dma_start3A_847] : memref<8x!tpu.dma_semaphore, #tpu.memory_space<semaphore_mem>> -> memref<1x!tpu.dma_semaphore, #tpu.memory_space<semaphore_mem>>
      %dma_start3A_859 = tpu.memref_squeeze %dma_start3A_858 : memref<1x!tpu.dma_semaphore, #tpu.memory_space<semaphore_mem>> -> memref<!tpu.dma_semaphore, #tpu.memory_space<semaphore_mem>>
      tpu.enqueue_indirect_dma source(%dma_start3A_857 : memref<100001x32xf32, #tpu.memory_space<hbm>>) target(%dma_start3A_851 : memref<50x32xf32, #tpu.memory_space<vmem>>) offsets(%dma_start3A_854 : memref<50xi32, #tpu.memory_space<vmem>>) semaphore(%dma_start3A_859 : memref<!tpu.dma_semaphore, #tpu.memory_space<semaphore_mem>>)
      %add3A_860 = arith.constant 3 : i32
      %add3A_861 = arith.addi %add3A_625, %add3A_860 : i32
      %dma_wait3A_862 = arith.constant 3 : i32
      %dma_wait3A_863 = arith.constant 3 : i32
      %dma_wait3A_864 = arith.constant 0 : i32
      %dma_wait3A_865 = arith.constant 0 : i32
      %dma_wait3A_866 = tpu.memref_slice %arg6[%dma_wait3A_862, %dma_wait3A_864, %dma_wait3A_865] : memref<8x50x32xf32, #tpu.memory_space<vmem>> -> memref<1x50x32xf32, #tpu.memory_space<vmem>>
      %dma_wait3A_867 = tpu.memref_squeeze %dma_wait3A_866 : memref<1x50x32xf32, #tpu.memory_space<vmem>> -> memref<50x32xf32, #tpu.memory_space<vmem>>
      %dma_wait3A_868 = arith.constant 0 : i32
      %dma_wait3A_869 = arith.constant 0 : i32
      %dma_wait3A_870 = tpu.memref_slice %arg3[%dma_wait3A_868, %dma_wait3A_869] : memref<100001x32xf32, #tpu.memory_space<hbm>> -> memref<50x32xf32, #tpu.memory_space<hbm>>
      %dma_wait3A_871 = tpu.memref_slice %arg7[%dma_wait3A_863] : memref<8x!tpu.dma_semaphore, #tpu.memory_space<semaphore_mem>> -> memref<1x!tpu.dma_semaphore, #tpu.memory_space<semaphore_mem>>
      %dma_wait3A_872 = tpu.memref_squeeze %dma_wait3A_871 : memref<1x!tpu.dma_semaphore, #tpu.memory_space<semaphore_mem>> -> memref<!tpu.dma_semaphore, #tpu.memory_space<semaphore_mem>>
      %dma_wait3A_873 = arith.constant 0 : i32
      %dma_wait3A_874 = arith.constant 0 : i32
      %dma_wait3A_875 = tpu.memref_slice %arg6[%dma_wait3A_862, %dma_wait3A_873, %dma_wait3A_874] : memref<8x50x32xf32, #tpu.memory_space<vmem>> -> memref<1x50x32xf32, #tpu.memory_space<vmem>>
      %dma_wait3A_876 = tpu.memref_squeeze %dma_wait3A_875 : memref<1x50x32xf32, #tpu.memory_space<vmem>> -> memref<50x32xf32, #tpu.memory_space<vmem>>
      %dma_wait3A_877 = arith.constant 0 : i32
      %dma_wait3A_878 = arith.constant 0 : i32
      %dma_wait3A_879 = tpu.memref_slice %arg3[%dma_wait3A_877, %dma_wait3A_878] : memref<100001x32xf32, #tpu.memory_space<hbm>> -> memref<50x32xf32, #tpu.memory_space<hbm>>
      tpu.wait_dma2 semaphore(%dma_wait3A_872 : memref<!tpu.dma_semaphore, #tpu.memory_space<semaphore_mem>>) src(%dma_wait3A_879 : memref<50x32xf32, #tpu.memory_space<hbm>>) dst(%dma_wait3A_876 : memref<50x32xf32, #tpu.memory_space<vmem>>)
      %add3A_880 = arith.addi %mul3A_2, %add3A_861 : i32
      %dma_start3A_881 = arith.constant 3 : i32
      %dma_start3A_882 = arith.constant 3 : i32
      %dma_start3A_883 = arith.constant 0 : i32
      %dma_start3A_884 = arith.constant 0 : i32
      %dma_start3A_885 = tpu.memref_slice %arg6[%dma_start3A_881, %dma_start3A_883, %dma_start3A_884] : memref<8x50x32xf32, #tpu.memory_space<vmem>> -> memref<1x50x32xf32, #tpu.memory_space<vmem>>
      %dma_start3A_886 = tpu.memref_squeeze %dma_start3A_885 : memref<1x50x32xf32, #tpu.memory_space<vmem>> -> memref<50x32xf32, #tpu.memory_space<vmem>>
      %dma_start3A_887 = arith.constant 0 : i32
      %dma_start3A_888 = arith.constant 0 : i32
      %dma_start3A_889 = tpu.memref_slice %arg4[%add3A_880, %dma_start3A_887, %dma_start3A_888] : memref<4096x50x32xf32, #tpu.memory_space<hbm>> -> memref<1x50x32xf32, #tpu.memory_space<hbm>>
      %dma_start3A_890 = tpu.memref_squeeze %dma_start3A_889 : memref<1x50x32xf32, #tpu.memory_space<hbm>> -> memref<50x32xf32, #tpu.memory_space<hbm>>
      %dma_start3A_891 = tpu.memref_slice %arg8[%dma_start3A_882] : memref<8x!tpu.dma_semaphore, #tpu.memory_space<semaphore_mem>> -> memref<1x!tpu.dma_semaphore, #tpu.memory_space<semaphore_mem>>
      %dma_start3A_892 = tpu.memref_squeeze %dma_start3A_891 : memref<1x!tpu.dma_semaphore, #tpu.memory_space<semaphore_mem>> -> memref<!tpu.dma_semaphore, #tpu.memory_space<semaphore_mem>>
      %dma_start3A_893 = arith.constant 0 : i32
      %dma_start3A_894 = arith.constant 0 : i32
      %dma_start3A_895 = tpu.memref_slice %arg4[%add3A_880, %dma_start3A_893, %dma_start3A_894] : memref<4096x50x32xf32, #tpu.memory_space<hbm>> -> memref<1x50x32xf32, #tpu.memory_space<hbm>>
      %dma_start3A_896 = tpu.memref_squeeze %dma_start3A_895 : memref<1x50x32xf32, #tpu.memory_space<hbm>> -> memref<50x32xf32, #tpu.memory_space<hbm>>
      %dma_start3A_897 = arith.constant 0 : i32
      %dma_start3A_898 = arith.constant 0 : i32
      %dma_start3A_899 = tpu.memref_slice %arg6[%dma_start3A_881, %dma_start3A_897, %dma_start3A_898] : memref<8x50x32xf32, #tpu.memory_space<vmem>> -> memref<1x50x32xf32, #tpu.memory_space<vmem>>
      %dma_start3A_900 = tpu.memref_squeeze %dma_start3A_899 : memref<1x50x32xf32, #tpu.memory_space<vmem>> -> memref<50x32xf32, #tpu.memory_space<vmem>>
      tpu.enqueue_dma source(%dma_start3A_900 : memref<50x32xf32, #tpu.memory_space<vmem>>) target(%dma_start3A_896 : memref<50x32xf32, #tpu.memory_space<hbm>>) target_semaphore(%dma_start3A_892 : memref<!tpu.dma_semaphore, #tpu.memory_space<semaphore_mem>>)
      %add3A_901 = arith.addi %mul3A_2, %add3A_861 : i32
      %dma_wait3A_902 = arith.constant 3 : i32
      %dma_wait3A_903 = arith.constant 3 : i32
      %dma_wait3A_904 = arith.constant 0 : i32
      %dma_wait3A_905 = arith.constant 0 : i32
      %dma_wait3A_906 = tpu.memref_slice %arg6[%dma_wait3A_902, %dma_wait3A_904, %dma_wait3A_905] : memref<8x50x32xf32, #tpu.memory_space<vmem>> -> memref<1x50x32xf32, #tpu.memory_space<vmem>>
      %dma_wait3A_907 = tpu.memref_squeeze %dma_wait3A_906 : memref<1x50x32xf32, #tpu.memory_space<vmem>> -> memref<50x32xf32, #tpu.memory_space<vmem>>
      %dma_wait3A_908 = arith.constant 0 : i32
      %dma_wait3A_909 = arith.constant 0 : i32
      %dma_wait3A_910 = tpu.memref_slice %arg4[%add3A_901, %dma_wait3A_908, %dma_wait3A_909] : memref<4096x50x32xf32, #tpu.memory_space<hbm>> -> memref<1x50x32xf32, #tpu.memory_space<hbm>>
      %dma_wait3A_911 = tpu.memref_squeeze %dma_wait3A_910 : memref<1x50x32xf32, #tpu.memory_space<hbm>> -> memref<50x32xf32, #tpu.memory_space<hbm>>
      %dma_wait3A_912 = tpu.memref_slice %arg8[%dma_wait3A_903] : memref<8x!tpu.dma_semaphore, #tpu.memory_space<semaphore_mem>> -> memref<1x!tpu.dma_semaphore, #tpu.memory_space<semaphore_mem>>
      %dma_wait3A_913 = tpu.memref_squeeze %dma_wait3A_912 : memref<1x!tpu.dma_semaphore, #tpu.memory_space<semaphore_mem>> -> memref<!tpu.dma_semaphore, #tpu.memory_space<semaphore_mem>>
      %dma_wait3A_914 = arith.constant 0 : i32
      %dma_wait3A_915 = arith.constant 0 : i32
      %dma_wait3A_916 = tpu.memref_slice %arg4[%add3A_901, %dma_wait3A_914, %dma_wait3A_915] : memref<4096x50x32xf32, #tpu.memory_space<hbm>> -> memref<1x50x32xf32, #tpu.memory_space<hbm>>
      %dma_wait3A_917 = tpu.memref_squeeze %dma_wait3A_916 : memref<1x50x32xf32, #tpu.memory_space<hbm>> -> memref<50x32xf32, #tpu.memory_space<hbm>>
      %dma_wait3A_918 = arith.constant 0 : i32
      %dma_wait3A_919 = arith.constant 0 : i32
      %dma_wait3A_920 = tpu.memref_slice %arg6[%dma_wait3A_902, %dma_wait3A_918, %dma_wait3A_919] : memref<8x50x32xf32, #tpu.memory_space<vmem>> -> memref<1x50x32xf32, #tpu.memory_space<vmem>>
      %dma_wait3A_921 = tpu.memref_squeeze %dma_wait3A_920 : memref<1x50x32xf32, #tpu.memory_space<vmem>> -> memref<50x32xf32, #tpu.memory_space<vmem>>
      tpu.wait_dma2 semaphore(%dma_wait3A_913 : memref<!tpu.dma_semaphore, #tpu.memory_space<semaphore_mem>>) src(%dma_wait3A_921 : memref<50x32xf32, #tpu.memory_space<vmem>>) dst(%dma_wait3A_917 : memref<50x32xf32, #tpu.memory_space<hbm>>)
      %add3A_922 = arith.constant 8 : i32
      %add3A_923 = arith.addi %add3A_861, %add3A_922 : i32
      %dma_start3A_924 = arith.constant 3 : i32
      %dma_start3A_925 = arith.constant 3 : i32
      %dma_start3A_926 = arith.constant 0 : i32
      %dma_start3A_927 = arith.constant 0 : i32
      %dma_start3A_928 = tpu.memref_slice %arg6[%dma_start3A_924, %dma_start3A_926, %dma_start3A_927] : memref<8x50x32xf32, #tpu.memory_space<vmem>> -> memref<1x50x32xf32, #tpu.memory_space<vmem>>
      %dma_start3A_929 = tpu.memref_squeeze %dma_start3A_928 : memref<1x50x32xf32, #tpu.memory_space<vmem>> -> memref<50x32xf32, #tpu.memory_space<vmem>>
      %dma_start3A_930 = arith.constant 0 : i32
      %dma_start3A_931 = tpu.memref_slice %arg5[%add3A_923, %dma_start3A_930] : memref<128x50xi32, #tpu.memory_space<vmem>> -> memref<1x50xi32, #tpu.memory_space<vmem>>
      %dma_start3A_932 = tpu.memref_squeeze %dma_start3A_931 : memref<1x50xi32, #tpu.memory_space<vmem>> -> memref<50xi32, #tpu.memory_space<vmem>>
      %dma_start3A_933 = arith.constant 0 : i32
      %dma_start3A_934 = arith.constant 0 : i32
      %dma_start3A_935 = tpu.memref_slice %arg3[%dma_start3A_933, %dma_start3A_934] : memref<100001x32xf32, #tpu.memory_space<hbm>> -> memref<100001x32xf32, #tpu.memory_space<hbm>>
      %dma_start3A_936 = tpu.memref_slice %arg7[%dma_start3A_925] : memref<8x!tpu.dma_semaphore, #tpu.memory_space<semaphore_mem>> -> memref<1x!tpu.dma_semaphore, #tpu.memory_space<semaphore_mem>>
      %dma_start3A_937 = tpu.memref_squeeze %dma_start3A_936 : memref<1x!tpu.dma_semaphore, #tpu.memory_space<semaphore_mem>> -> memref<!tpu.dma_semaphore, #tpu.memory_space<semaphore_mem>>
      tpu.enqueue_indirect_dma source(%dma_start3A_935 : memref<100001x32xf32, #tpu.memory_space<hbm>>) target(%dma_start3A_929 : memref<50x32xf32, #tpu.memory_space<vmem>>) offsets(%dma_start3A_932 : memref<50xi32, #tpu.memory_space<vmem>>) semaphore(%dma_start3A_937 : memref<!tpu.dma_semaphore, #tpu.memory_space<semaphore_mem>>)
      %add3A_938 = arith.constant 4 : i32
      %add3A_939 = arith.addi %add3A_625, %add3A_938 : i32
      %dma_wait3A_940 = arith.constant 4 : i32
      %dma_wait3A_941 = arith.constant 4 : i32
      %dma_wait3A_942 = arith.constant 0 : i32
      %dma_wait3A_943 = arith.constant 0 : i32
      %dma_wait3A_944 = tpu.memref_slice %arg6[%dma_wait3A_940, %dma_wait3A_942, %dma_wait3A_943] : memref<8x50x32xf32, #tpu.memory_space<vmem>> -> memref<1x50x32xf32, #tpu.memory_space<vmem>>
      %dma_wait3A_945 = tpu.memref_squeeze %dma_wait3A_944 : memref<1x50x32xf32, #tpu.memory_space<vmem>> -> memref<50x32xf32, #tpu.memory_space<vmem>>
      %dma_wait3A_946 = arith.constant 0 : i32
      %dma_wait3A_947 = arith.constant 0 : i32
      %dma_wait3A_948 = tpu.memref_slice %arg3[%dma_wait3A_946, %dma_wait3A_947] : memref<100001x32xf32, #tpu.memory_space<hbm>> -> memref<50x32xf32, #tpu.memory_space<hbm>>
      %dma_wait3A_949 = tpu.memref_slice %arg7[%dma_wait3A_941] : memref<8x!tpu.dma_semaphore, #tpu.memory_space<semaphore_mem>> -> memref<1x!tpu.dma_semaphore, #tpu.memory_space<semaphore_mem>>
      %dma_wait3A_950 = tpu.memref_squeeze %dma_wait3A_949 : memref<1x!tpu.dma_semaphore, #tpu.memory_space<semaphore_mem>> -> memref<!tpu.dma_semaphore, #tpu.memory_space<semaphore_mem>>
      %dma_wait3A_951 = arith.constant 0 : i32
      %dma_wait3A_952 = arith.constant 0 : i32
      %dma_wait3A_953 = tpu.memref_slice %arg6[%dma_wait3A_940, %dma_wait3A_951, %dma_wait3A_952] : memref<8x50x32xf32, #tpu.memory_space<vmem>> -> memref<1x50x32xf32, #tpu.memory_space<vmem>>
      %dma_wait3A_954 = tpu.memref_squeeze %dma_wait3A_953 : memref<1x50x32xf32, #tpu.memory_space<vmem>> -> memref<50x32xf32, #tpu.memory_space<vmem>>
      %dma_wait3A_955 = arith.constant 0 : i32
      %dma_wait3A_956 = arith.constant 0 : i32
      %dma_wait3A_957 = tpu.memref_slice %arg3[%dma_wait3A_955, %dma_wait3A_956] : memref<100001x32xf32, #tpu.memory_space<hbm>> -> memref<50x32xf32, #tpu.memory_space<hbm>>
      tpu.wait_dma2 semaphore(%dma_wait3A_950 : memref<!tpu.dma_semaphore, #tpu.memory_space<semaphore_mem>>) src(%dma_wait3A_957 : memref<50x32xf32, #tpu.memory_space<hbm>>) dst(%dma_wait3A_954 : memref<50x32xf32, #tpu.memory_space<vmem>>)
      %add3A_958 = arith.addi %mul3A_2, %add3A_939 : i32
      %dma_start3A_959 = arith.constant 4 : i32
      %dma_start3A_960 = arith.constant 4 : i32
      %dma_start3A_961 = arith.constant 0 : i32
      %dma_start3A_962 = arith.constant 0 : i32
      %dma_start3A_963 = tpu.memref_slice %arg6[%dma_start3A_959, %dma_start3A_961, %dma_start3A_962] : memref<8x50x32xf32, #tpu.memory_space<vmem>> -> memref<1x50x32xf32, #tpu.memory_space<vmem>>
      %dma_start3A_964 = tpu.memref_squeeze %dma_start3A_963 : memref<1x50x32xf32, #tpu.memory_space<vmem>> -> memref<50x32xf32, #tpu.memory_space<vmem>>
      %dma_start3A_965 = arith.constant 0 : i32
      %dma_start3A_966 = arith.constant 0 : i32
      %dma_start3A_967 = tpu.memref_slice %arg4[%add3A_958, %dma_start3A_965, %dma_start3A_966] : memref<4096x50x32xf32, #tpu.memory_space<hbm>> -> memref<1x50x32xf32, #tpu.memory_space<hbm>>
      %dma_start3A_968 = tpu.memref_squeeze %dma_start3A_967 : memref<1x50x32xf32, #tpu.memory_space<hbm>> -> memref<50x32xf32, #tpu.memory_space<hbm>>
      %dma_start3A_969 = tpu.memref_slice %arg8[%dma_start3A_960] : memref<8x!tpu.dma_semaphore, #tpu.memory_space<semaphore_mem>> -> memref<1x!tpu.dma_semaphore, #tpu.memory_space<semaphore_mem>>
      %dma_start3A_970 = tpu.memref_squeeze %dma_start3A_969 : memref<1x!tpu.dma_semaphore, #tpu.memory_space<semaphore_mem>> -> memref<!tpu.dma_semaphore, #tpu.memory_space<semaphore_mem>>
      %dma_start3A_971 = arith.constant 0 : i32
      %dma_start3A_972 = arith.constant 0 : i32
      %dma_start3A_973 = tpu.memref_slice %arg4[%add3A_958, %dma_start3A_971, %dma_start3A_972] : memref<4096x50x32xf32, #tpu.memory_space<hbm>> -> memref<1x50x32xf32, #tpu.memory_space<hbm>>
      %dma_start3A_974 = tpu.memref_squeeze %dma_start3A_973 : memref<1x50x32xf32, #tpu.memory_space<hbm>> -> memref<50x32xf32, #tpu.memory_space<hbm>>
      %dma_start3A_975 = arith.constant 0 : i32
      %dma_start3A_976 = arith.constant 0 : i32
      %dma_start3A_977 = tpu.memref_slice %arg6[%dma_start3A_959, %dma_start3A_975, %dma_start3A_976] : memref<8x50x32xf32, #tpu.memory_space<vmem>> -> memref<1x50x32xf32, #tpu.memory_space<vmem>>
      %dma_start3A_978 = tpu.memref_squeeze %dma_start3A_977 : memref<1x50x32xf32, #tpu.memory_space<vmem>> -> memref<50x32xf32, #tpu.memory_space<vmem>>
      tpu.enqueue_dma source(%dma_start3A_978 : memref<50x32xf32, #tpu.memory_space<vmem>>) target(%dma_start3A_974 : memref<50x32xf32, #tpu.memory_space<hbm>>) target_semaphore(%dma_start3A_970 : memref<!tpu.dma_semaphore, #tpu.memory_space<semaphore_mem>>)
      %add3A_979 = arith.addi %mul3A_2, %add3A_939 : i32
      %dma_wait3A_980 = arith.constant 4 : i32
      %dma_wait3A_981 = arith.constant 4 : i32
      %dma_wait3A_982 = arith.constant 0 : i32
      %dma_wait3A_983 = arith.constant 0 : i32
      %dma_wait3A_984 = tpu.memref_slice %arg6[%dma_wait3A_980, %dma_wait3A_982, %dma_wait3A_983] : memref<8x50x32xf32, #tpu.memory_space<vmem>> -> memref<1x50x32xf32, #tpu.memory_space<vmem>>
      %dma_wait3A_985 = tpu.memref_squeeze %dma_wait3A_984 : memref<1x50x32xf32, #tpu.memory_space<vmem>> -> memref<50x32xf32, #tpu.memory_space<vmem>>
      %dma_wait3A_986 = arith.constant 0 : i32
      %dma_wait3A_987 = arith.constant 0 : i32
      %dma_wait3A_988 = tpu.memref_slice %arg4[%add3A_979, %dma_wait3A_986, %dma_wait3A_987] : memref<4096x50x32xf32, #tpu.memory_space<hbm>> -> memref<1x50x32xf32, #tpu.memory_space<hbm>>
      %dma_wait3A_989 = tpu.memref_squeeze %dma_wait3A_988 : memref<1x50x32xf32, #tpu.memory_space<hbm>> -> memref<50x32xf32, #tpu.memory_space<hbm>>
      %dma_wait3A_990 = tpu.memref_slice %arg8[%dma_wait3A_981] : memref<8x!tpu.dma_semaphore, #tpu.memory_space<semaphore_mem>> -> memref<1x!tpu.dma_semaphore, #tpu.memory_space<semaphore_mem>>
      %dma_wait3A_991 = tpu.memref_squeeze %dma_wait3A_990 : memref<1x!tpu.dma_semaphore, #tpu.memory_space<semaphore_mem>> -> memref<!tpu.dma_semaphore, #tpu.memory_space<semaphore_mem>>
      %dma_wait3A_992 = arith.constant 0 : i32
      %dma_wait3A_993 = arith.constant 0 : i32
      %dma_wait3A_994 = tpu.memref_slice %arg4[%add3A_979, %dma_wait3A_992, %dma_wait3A_993] : memref<4096x50x32xf32, #tpu.memory_space<hbm>> -> memref<1x50x32xf32, #tpu.memory_space<hbm>>
      %dma_wait3A_995 = tpu.memref_squeeze %dma_wait3A_994 : memref<1x50x32xf32, #tpu.memory_space<hbm>> -> memref<50x32xf32, #tpu.memory_space<hbm>>
      %dma_wait3A_996 = arith.constant 0 : i32
      %dma_wait3A_997 = arith.constant 0 : i32
      %dma_wait3A_998 = tpu.memref_slice %arg6[%dma_wait3A_980, %dma_wait3A_996, %dma_wait3A_997] : memref<8x50x32xf32, #tpu.memory_space<vmem>> -> memref<1x50x32xf32, #tpu.memory_space<vmem>>
      %dma_wait3A_999 = tpu.memref_squeeze %dma_wait3A_998 : memref<1x50x32xf32, #tpu.memory_space<vmem>> -> memref<50x32xf32, #tpu.memory_space<vmem>>
      tpu.wait_dma2 semaphore(%dma_wait3A_991 : memref<!tpu.dma_semaphore, #tpu.memory_space<semaphore_mem>>) src(%dma_wait3A_999 : memref<50x32xf32, #tpu.memory_space<vmem>>) dst(%dma_wait3A_995 : memref<50x32xf32, #tpu.memory_space<hbm>>)
      %add3A_1000 = arith.constant 8 : i32
      %add3A_1001 = arith.addi %add3A_939, %add3A_1000 : i32
      %dma_start3A_1002 = arith.constant 4 : i32
      %dma_start3A_1003 = arith.constant 4 : i32
      %dma_start3A_1004 = arith.constant 0 : i32
      %dma_start3A_1005 = arith.constant 0 : i32
      %dma_start3A_1006 = tpu.memref_slice %arg6[%dma_start3A_1002, %dma_start3A_1004, %dma_start3A_1005] : memref<8x50x32xf32, #tpu.memory_space<vmem>> -> memref<1x50x32xf32, #tpu.memory_space<vmem>>
      %dma_start3A_1007 = tpu.memref_squeeze %dma_start3A_1006 : memref<1x50x32xf32, #tpu.memory_space<vmem>> -> memref<50x32xf32, #tpu.memory_space<vmem>>
      %dma_start3A_1008 = arith.constant 0 : i32
      %dma_start3A_1009 = tpu.memref_slice %arg5[%add3A_1001, %dma_start3A_1008] : memref<128x50xi32, #tpu.memory_space<vmem>> -> memref<1x50xi32, #tpu.memory_space<vmem>>
      %dma_start3A_1010 = tpu.memref_squeeze %dma_start3A_1009 : memref<1x50xi32, #tpu.memory_space<vmem>> -> memref<50xi32, #tpu.memory_space<vmem>>
      %dma_start3A_1011 = arith.constant 0 : i32
      %dma_start3A_1012 = arith.constant 0 : i32
      %dma_start3A_1013 = tpu.memref_slice %arg3[%dma_start3A_1011, %dma_start3A_1012] : memref<100001x32xf32, #tpu.memory_space<hbm>> -> memref<100001x32xf32, #tpu.memory_space<hbm>>
      %dma_start3A_1014 = tpu.memref_slice %arg7[%dma_start3A_1003] : memref<8x!tpu.dma_semaphore, #tpu.memory_space<semaphore_mem>> -> memref<1x!tpu.dma_semaphore, #tpu.memory_space<semaphore_mem>>
      %dma_start3A_1015 = tpu.memref_squeeze %dma_start3A_1014 : memref<1x!tpu.dma_semaphore, #tpu.memory_space<semaphore_mem>> -> memref<!tpu.dma_semaphore, #tpu.memory_space<semaphore_mem>>
      tpu.enqueue_indirect_dma source(%dma_start3A_1013 : memref<100001x32xf32, #tpu.memory_space<hbm>>) target(%dma_start3A_1007 : memref<50x32xf32, #tpu.memory_space<vmem>>) offsets(%dma_start3A_1010 : memref<50xi32, #tpu.memory_space<vmem>>) semaphore(%dma_start3A_1015 : memref<!tpu.dma_semaphore, #tpu.memory_space<semaphore_mem>>)
      %add3A_1016 = arith.constant 5 : i32
      %add3A_1017 = arith.addi %add3A_625, %add3A_1016 : i32
      %dma_wait3A_1018 = arith.constant 5 : i32
      %dma_wait3A_1019 = arith.constant 5 : i32
      %dma_wait3A_1020 = arith.constant 0 : i32
      %dma_wait3A_1021 = arith.constant 0 : i32
      %dma_wait3A_1022 = tpu.memref_slice %arg6[%dma_wait3A_1018, %dma_wait3A_1020, %dma_wait3A_1021] : memref<8x50x32xf32, #tpu.memory_space<vmem>> -> memref<1x50x32xf32, #tpu.memory_space<vmem>>
      %dma_wait3A_1023 = tpu.memref_squeeze %dma_wait3A_1022 : memref<1x50x32xf32, #tpu.memory_space<vmem>> -> memref<50x32xf32, #tpu.memory_space<vmem>>
      %dma_wait3A_1024 = arith.constant 0 : i32
      %dma_wait3A_1025 = arith.constant 0 : i32
      %dma_wait3A_1026 = tpu.memref_slice %arg3[%dma_wait3A_1024, %dma_wait3A_1025] : memref<100001x32xf32, #tpu.memory_space<hbm>> -> memref<50x32xf32, #tpu.memory_space<hbm>>
      %dma_wait3A_1027 = tpu.memref_slice %arg7[%dma_wait3A_1019] : memref<8x!tpu.dma_semaphore, #tpu.memory_space<semaphore_mem>> -> memref<1x!tpu.dma_semaphore, #tpu.memory_space<semaphore_mem>>
      %dma_wait3A_1028 = tpu.memref_squeeze %dma_wait3A_1027 : memref<1x!tpu.dma_semaphore, #tpu.memory_space<semaphore_mem>> -> memref<!tpu.dma_semaphore, #tpu.memory_space<semaphore_mem>>
      %dma_wait3A_1029 = arith.constant 0 : i32
      %dma_wait3A_1030 = arith.constant 0 : i32
      %dma_wait3A_1031 = tpu.memref_slice %arg6[%dma_wait3A_1018, %dma_wait3A_1029, %dma_wait3A_1030] : memref<8x50x32xf32, #tpu.memory_space<vmem>> -> memref<1x50x32xf32, #tpu.memory_space<vmem>>
      %dma_wait3A_1032 = tpu.memref_squeeze %dma_wait3A_1031 : memref<1x50x32xf32, #tpu.memory_space<vmem>> -> memref<50x32xf32, #tpu.memory_space<vmem>>
      %dma_wait3A_1033 = arith.constant 0 : i32
      %dma_wait3A_1034 = arith.constant 0 : i32
      %dma_wait3A_1035 = tpu.memref_slice %arg3[%dma_wait3A_1033, %dma_wait3A_1034] : memref<100001x32xf32, #tpu.memory_space<hbm>> -> memref<50x32xf32, #tpu.memory_space<hbm>>
      tpu.wait_dma2 semaphore(%dma_wait3A_1028 : memref<!tpu.dma_semaphore, #tpu.memory_space<semaphore_mem>>) src(%dma_wait3A_1035 : memref<50x32xf32, #tpu.memory_space<hbm>>) dst(%dma_wait3A_1032 : memref<50x32xf32, #tpu.memory_space<vmem>>)
      %add3A_1036 = arith.addi %mul3A_2, %add3A_1017 : i32
      %dma_start3A_1037 = arith.constant 5 : i32
      %dma_start3A_1038 = arith.constant 5 : i32
      %dma_start3A_1039 = arith.constant 0 : i32
      %dma_start3A_1040 = arith.constant 0 : i32
      %dma_start3A_1041 = tpu.memref_slice %arg6[%dma_start3A_1037, %dma_start3A_1039, %dma_start3A_1040] : memref<8x50x32xf32, #tpu.memory_space<vmem>> -> memref<1x50x32xf32, #tpu.memory_space<vmem>>
      %dma_start3A_1042 = tpu.memref_squeeze %dma_start3A_1041 : memref<1x50x32xf32, #tpu.memory_space<vmem>> -> memref<50x32xf32, #tpu.memory_space<vmem>>
      %dma_start3A_1043 = arith.constant 0 : i32
      %dma_start3A_1044 = arith.constant 0 : i32
      %dma_start3A_1045 = tpu.memref_slice %arg4[%add3A_1036, %dma_start3A_1043, %dma_start3A_1044] : memref<4096x50x32xf32, #tpu.memory_space<hbm>> -> memref<1x50x32xf32, #tpu.memory_space<hbm>>
      %dma_start3A_1046 = tpu.memref_squeeze %dma_start3A_1045 : memref<1x50x32xf32, #tpu.memory_space<hbm>> -> memref<50x32xf32, #tpu.memory_space<hbm>>
      %dma_start3A_1047 = tpu.memref_slice %arg8[%dma_start3A_1038] : memref<8x!tpu.dma_semaphore, #tpu.memory_space<semaphore_mem>> -> memref<1x!tpu.dma_semaphore, #tpu.memory_space<semaphore_mem>>
      %dma_start3A_1048 = tpu.memref_squeeze %dma_start3A_1047 : memref<1x!tpu.dma_semaphore, #tpu.memory_space<semaphore_mem>> -> memref<!tpu.dma_semaphore, #tpu.memory_space<semaphore_mem>>
      %dma_start3A_1049 = arith.constant 0 : i32
      %dma_start3A_1050 = arith.constant 0 : i32
      %dma_start3A_1051 = tpu.memref_slice %arg4[%add3A_1036, %dma_start3A_1049, %dma_start3A_1050] : memref<4096x50x32xf32, #tpu.memory_space<hbm>> -> memref<1x50x32xf32, #tpu.memory_space<hbm>>
      %dma_start3A_1052 = tpu.memref_squeeze %dma_start3A_1051 : memref<1x50x32xf32, #tpu.memory_space<hbm>> -> memref<50x32xf32, #tpu.memory_space<hbm>>
      %dma_start3A_1053 = arith.constant 0 : i32
      %dma_start3A_1054 = arith.constant 0 : i32
      %dma_start3A_1055 = tpu.memref_slice %arg6[%dma_start3A_1037, %dma_start3A_1053, %dma_start3A_1054] : memref<8x50x32xf32, #tpu.memory_space<vmem>> -> memref<1x50x32xf32, #tpu.memory_space<vmem>>
      %dma_start3A_1056 = tpu.memref_squeeze %dma_start3A_1055 : memref<1x50x32xf32, #tpu.memory_space<vmem>> -> memref<50x32xf32, #tpu.memory_space<vmem>>
      tpu.enqueue_dma source(%dma_start3A_1056 : memref<50x32xf32, #tpu.memory_space<vmem>>) target(%dma_start3A_1052 : memref<50x32xf32, #tpu.memory_space<hbm>>) target_semaphore(%dma_start3A_1048 : memref<!tpu.dma_semaphore, #tpu.memory_space<semaphore_mem>>)
      %add3A_1057 = arith.addi %mul3A_2, %add3A_1017 : i32
      %dma_wait3A_1058 = arith.constant 5 : i32
      %dma_wait3A_1059 = arith.constant 5 : i32
      %dma_wait3A_1060 = arith.constant 0 : i32
      %dma_wait3A_1061 = arith.constant 0 : i32
      %dma_wait3A_1062 = tpu.memref_slice %arg6[%dma_wait3A_1058, %dma_wait3A_1060, %dma_wait3A_1061] : memref<8x50x32xf32, #tpu.memory_space<vmem>> -> memref<1x50x32xf32, #tpu.memory_space<vmem>>
      %dma_wait3A_1063 = tpu.memref_squeeze %dma_wait3A_1062 : memref<1x50x32xf32, #tpu.memory_space<vmem>> -> memref<50x32xf32, #tpu.memory_space<vmem>>
      %dma_wait3A_1064 = arith.constant 0 : i32
      %dma_wait3A_1065 = arith.constant 0 : i32
      %dma_wait3A_1066 = tpu.memref_slice %arg4[%add3A_1057, %dma_wait3A_1064, %dma_wait3A_1065] : memref<4096x50x32xf32, #tpu.memory_space<hbm>> -> memref<1x50x32xf32, #tpu.memory_space<hbm>>
      %dma_wait3A_1067 = tpu.memref_squeeze %dma_wait3A_1066 : memref<1x50x32xf32, #tpu.memory_space<hbm>> -> memref<50x32xf32, #tpu.memory_space<hbm>>
      %dma_wait3A_1068 = tpu.memref_slice %arg8[%dma_wait3A_1059] : memref<8x!tpu.dma_semaphore, #tpu.memory_space<semaphore_mem>> -> memref<1x!tpu.dma_semaphore, #tpu.memory_space<semaphore_mem>>
      %dma_wait3A_1069 = tpu.memref_squeeze %dma_wait3A_1068 : memref<1x!tpu.dma_semaphore, #tpu.memory_space<semaphore_mem>> -> memref<!tpu.dma_semaphore, #tpu.memory_space<semaphore_mem>>
      %dma_wait3A_1070 = arith.constant 0 : i32
      %dma_wait3A_1071 = arith.constant 0 : i32
      %dma_wait3A_1072 = tpu.memref_slice %arg4[%add3A_1057, %dma_wait3A_1070, %dma_wait3A_1071] : memref<4096x50x32xf32, #tpu.memory_space<hbm>> -> memref<1x50x32xf32, #tpu.memory_space<hbm>>
      %dma_wait3A_1073 = tpu.memref_squeeze %dma_wait3A_1072 : memref<1x50x32xf32, #tpu.memory_space<hbm>> -> memref<50x32xf32, #tpu.memory_space<hbm>>
      %dma_wait3A_1074 = arith.constant 0 : i32
      %dma_wait3A_1075 = arith.constant 0 : i32
      %dma_wait3A_1076 = tpu.memref_slice %arg6[%dma_wait3A_1058, %dma_wait3A_1074, %dma_wait3A_1075] : memref<8x50x32xf32, #tpu.memory_space<vmem>> -> memref<1x50x32xf32, #tpu.memory_space<vmem>>
      %dma_wait3A_1077 = tpu.memref_squeeze %dma_wait3A_1076 : memref<1x50x32xf32, #tpu.memory_space<vmem>> -> memref<50x32xf32, #tpu.memory_space<vmem>>
      tpu.wait_dma2 semaphore(%dma_wait3A_1069 : memref<!tpu.dma_semaphore, #tpu.memory_space<semaphore_mem>>) src(%dma_wait3A_1077 : memref<50x32xf32, #tpu.memory_space<vmem>>) dst(%dma_wait3A_1073 : memref<50x32xf32, #tpu.memory_space<hbm>>)
      %add3A_1078 = arith.constant 8 : i32
      %add3A_1079 = arith.addi %add3A_1017, %add3A_1078 : i32
      %dma_start3A_1080 = arith.constant 5 : i32
      %dma_start3A_1081 = arith.constant 5 : i32
      %dma_start3A_1082 = arith.constant 0 : i32
      %dma_start3A_1083 = arith.constant 0 : i32
      %dma_start3A_1084 = tpu.memref_slice %arg6[%dma_start3A_1080, %dma_start3A_1082, %dma_start3A_1083] : memref<8x50x32xf32, #tpu.memory_space<vmem>> -> memref<1x50x32xf32, #tpu.memory_space<vmem>>
      %dma_start3A_1085 = tpu.memref_squeeze %dma_start3A_1084 : memref<1x50x32xf32, #tpu.memory_space<vmem>> -> memref<50x32xf32, #tpu.memory_space<vmem>>
      %dma_start3A_1086 = arith.constant 0 : i32
      %dma_start3A_1087 = tpu.memref_slice %arg5[%add3A_1079, %dma_start3A_1086] : memref<128x50xi32, #tpu.memory_space<vmem>> -> memref<1x50xi32, #tpu.memory_space<vmem>>
      %dma_start3A_1088 = tpu.memref_squeeze %dma_start3A_1087 : memref<1x50xi32, #tpu.memory_space<vmem>> -> memref<50xi32, #tpu.memory_space<vmem>>
      %dma_start3A_1089 = arith.constant 0 : i32
      %dma_start3A_1090 = arith.constant 0 : i32
      %dma_start3A_1091 = tpu.memref_slice %arg3[%dma_start3A_1089, %dma_start3A_1090] : memref<100001x32xf32, #tpu.memory_space<hbm>> -> memref<100001x32xf32, #tpu.memory_space<hbm>>
      %dma_start3A_1092 = tpu.memref_slice %arg7[%dma_start3A_1081] : memref<8x!tpu.dma_semaphore, #tpu.memory_space<semaphore_mem>> -> memref<1x!tpu.dma_semaphore, #tpu.memory_space<semaphore_mem>>
      %dma_start3A_1093 = tpu.memref_squeeze %dma_start3A_1092 : memref<1x!tpu.dma_semaphore, #tpu.memory_space<semaphore_mem>> -> memref<!tpu.dma_semaphore, #tpu.memory_space<semaphore_mem>>
      tpu.enqueue_indirect_dma source(%dma_start3A_1091 : memref<100001x32xf32, #tpu.memory_space<hbm>>) target(%dma_start3A_1085 : memref<50x32xf32, #tpu.memory_space<vmem>>) offsets(%dma_start3A_1088 : memref<50xi32, #tpu.memory_space<vmem>>) semaphore(%dma_start3A_1093 : memref<!tpu.dma_semaphore, #tpu.memory_space<semaphore_mem>>)
      %add3A_1094 = arith.constant 6 : i32
      %add3A_1095 = arith.addi %add3A_625, %add3A_1094 : i32
      %dma_wait3A_1096 = arith.constant 6 : i32
      %dma_wait3A_1097 = arith.constant 6 : i32
      %dma_wait3A_1098 = arith.constant 0 : i32
      %dma_wait3A_1099 = arith.constant 0 : i32
      %dma_wait3A_1100 = tpu.memref_slice %arg6[%dma_wait3A_1096, %dma_wait3A_1098, %dma_wait3A_1099] : memref<8x50x32xf32, #tpu.memory_space<vmem>> -> memref<1x50x32xf32, #tpu.memory_space<vmem>>
      %dma_wait3A_1101 = tpu.memref_squeeze %dma_wait3A_1100 : memref<1x50x32xf32, #tpu.memory_space<vmem>> -> memref<50x32xf32, #tpu.memory_space<vmem>>
      %dma_wait3A_1102 = arith.constant 0 : i32
      %dma_wait3A_1103 = arith.constant 0 : i32
      %dma_wait3A_1104 = tpu.memref_slice %arg3[%dma_wait3A_1102, %dma_wait3A_1103] : memref<100001x32xf32, #tpu.memory_space<hbm>> -> memref<50x32xf32, #tpu.memory_space<hbm>>
      %dma_wait3A_1105 = tpu.memref_slice %arg7[%dma_wait3A_1097] : memref<8x!tpu.dma_semaphore, #tpu.memory_space<semaphore_mem>> -> memref<1x!tpu.dma_semaphore, #tpu.memory_space<semaphore_mem>>
      %dma_wait3A_1106 = tpu.memref_squeeze %dma_wait3A_1105 : memref<1x!tpu.dma_semaphore, #tpu.memory_space<semaphore_mem>> -> memref<!tpu.dma_semaphore, #tpu.memory_space<semaphore_mem>>
      %dma_wait3A_1107 = arith.constant 0 : i32
      %dma_wait3A_1108 = arith.constant 0 : i32
      %dma_wait3A_1109 = tpu.memref_slice %arg6[%dma_wait3A_1096, %dma_wait3A_1107, %dma_wait3A_1108] : memref<8x50x32xf32, #tpu.memory_space<vmem>> -> memref<1x50x32xf32, #tpu.memory_space<vmem>>
      %dma_wait3A_1110 = tpu.memref_squeeze %dma_wait3A_1109 : memref<1x50x32xf32, #tpu.memory_space<vmem>> -> memref<50x32xf32, #tpu.memory_space<vmem>>
      %dma_wait3A_1111 = arith.constant 0 : i32
      %dma_wait3A_1112 = arith.constant 0 : i32
      %dma_wait3A_1113 = tpu.memref_slice %arg3[%dma_wait3A_1111, %dma_wait3A_1112] : memref<100001x32xf32, #tpu.memory_space<hbm>> -> memref<50x32xf32, #tpu.memory_space<hbm>>
      tpu.wait_dma2 semaphore(%dma_wait3A_1106 : memref<!tpu.dma_semaphore, #tpu.memory_space<semaphore_mem>>) src(%dma_wait3A_1113 : memref<50x32xf32, #tpu.memory_space<hbm>>) dst(%dma_wait3A_1110 : memref<50x32xf32, #tpu.memory_space<vmem>>)
      %add3A_1114 = arith.addi %mul3A_2, %add3A_1095 : i32
      %dma_start3A_1115 = arith.constant 6 : i32
      %dma_start3A_1116 = arith.constant 6 : i32
      %dma_start3A_1117 = arith.constant 0 : i32
      %dma_start3A_1118 = arith.constant 0 : i32
      %dma_start3A_1119 = tpu.memref_slice %arg6[%dma_start3A_1115, %dma_start3A_1117, %dma_start3A_1118] : memref<8x50x32xf32, #tpu.memory_space<vmem>> -> memref<1x50x32xf32, #tpu.memory_space<vmem>>
      %dma_start3A_1120 = tpu.memref_squeeze %dma_start3A_1119 : memref<1x50x32xf32, #tpu.memory_space<vmem>> -> memref<50x32xf32, #tpu.memory_space<vmem>>
      %dma_start3A_1121 = arith.constant 0 : i32
      %dma_start3A_1122 = arith.constant 0 : i32
      %dma_start3A_1123 = tpu.memref_slice %arg4[%add3A_1114, %dma_start3A_1121, %dma_start3A_1122] : memref<4096x50x32xf32, #tpu.memory_space<hbm>> -> memref<1x50x32xf32, #tpu.memory_space<hbm>>
      %dma_start3A_1124 = tpu.memref_squeeze %dma_start3A_1123 : memref<1x50x32xf32, #tpu.memory_space<hbm>> -> memref<50x32xf32, #tpu.memory_space<hbm>>
      %dma_start3A_1125 = tpu.memref_slice %arg8[%dma_start3A_1116] : memref<8x!tpu.dma_semaphore, #tpu.memory_space<semaphore_mem>> -> memref<1x!tpu.dma_semaphore, #tpu.memory_space<semaphore_mem>>
      %dma_start3A_1126 = tpu.memref_squeeze %dma_start3A_1125 : memref<1x!tpu.dma_semaphore, #tpu.memory_space<semaphore_mem>> -> memref<!tpu.dma_semaphore, #tpu.memory_space<semaphore_mem>>
      %dma_start3A_1127 = arith.constant 0 : i32
      %dma_start3A_1128 = arith.constant 0 : i32
      %dma_start3A_1129 = tpu.memref_slice %arg4[%add3A_1114, %dma_start3A_1127, %dma_start3A_1128] : memref<4096x50x32xf32, #tpu.memory_space<hbm>> -> memref<1x50x32xf32, #tpu.memory_space<hbm>>
      %dma_start3A_1130 = tpu.memref_squeeze %dma_start3A_1129 : memref<1x50x32xf32, #tpu.memory_space<hbm>> -> memref<50x32xf32, #tpu.memory_space<hbm>>
      %dma_start3A_1131 = arith.constant 0 : i32
      %dma_start3A_1132 = arith.constant 0 : i32
      %dma_start3A_1133 = tpu.memref_slice %arg6[%dma_start3A_1115, %dma_start3A_1131, %dma_start3A_1132] : memref<8x50x32xf32, #tpu.memory_space<vmem>> -> memref<1x50x32xf32, #tpu.memory_space<vmem>>
      %dma_start3A_1134 = tpu.memref_squeeze %dma_start3A_1133 : memref<1x50x32xf32, #tpu.memory_space<vmem>> -> memref<50x32xf32, #tpu.memory_space<vmem>>
      tpu.enqueue_dma source(%dma_start3A_1134 : memref<50x32xf32, #tpu.memory_space<vmem>>) target(%dma_start3A_1130 : memref<50x32xf32, #tpu.memory_space<hbm>>) target_semaphore(%dma_start3A_1126 : memref<!tpu.dma_semaphore, #tpu.memory_space<semaphore_mem>>)
      %add3A_1135 = arith.addi %mul3A_2, %add3A_1095 : i32
      %dma_wait3A_1136 = arith.constant 6 : i32
      %dma_wait3A_1137 = arith.constant 6 : i32
      %dma_wait3A_1138 = arith.constant 0 : i32
      %dma_wait3A_1139 = arith.constant 0 : i32
      %dma_wait3A_1140 = tpu.memref_slice %arg6[%dma_wait3A_1136, %dma_wait3A_1138, %dma_wait3A_1139] : memref<8x50x32xf32, #tpu.memory_space<vmem>> -> memref<1x50x32xf32, #tpu.memory_space<vmem>>
      %dma_wait3A_1141 = tpu.memref_squeeze %dma_wait3A_1140 : memref<1x50x32xf32, #tpu.memory_space<vmem>> -> memref<50x32xf32, #tpu.memory_space<vmem>>
      %dma_wait3A_1142 = arith.constant 0 : i32
      %dma_wait3A_1143 = arith.constant 0 : i32
      %dma_wait3A_1144 = tpu.memref_slice %arg4[%add3A_1135, %dma_wait3A_1142, %dma_wait3A_1143] : memref<4096x50x32xf32, #tpu.memory_space<hbm>> -> memref<1x50x32xf32, #tpu.memory_space<hbm>>
      %dma_wait3A_1145 = tpu.memref_squeeze %dma_wait3A_1144 : memref<1x50x32xf32, #tpu.memory_space<hbm>> -> memref<50x32xf32, #tpu.memory_space<hbm>>
      %dma_wait3A_1146 = tpu.memref_slice %arg8[%dma_wait3A_1137] : memref<8x!tpu.dma_semaphore, #tpu.memory_space<semaphore_mem>> -> memref<1x!tpu.dma_semaphore, #tpu.memory_space<semaphore_mem>>
      %dma_wait3A_1147 = tpu.memref_squeeze %dma_wait3A_1146 : memref<1x!tpu.dma_semaphore, #tpu.memory_space<semaphore_mem>> -> memref<!tpu.dma_semaphore, #tpu.memory_space<semaphore_mem>>
      %dma_wait3A_1148 = arith.constant 0 : i32
      %dma_wait3A_1149 = arith.constant 0 : i32
      %dma_wait3A_1150 = tpu.memref_slice %arg4[%add3A_1135, %dma_wait3A_1148, %dma_wait3A_1149] : memref<4096x50x32xf32, #tpu.memory_space<hbm>> -> memref<1x50x32xf32, #tpu.memory_space<hbm>>
      %dma_wait3A_1151 = tpu.memref_squeeze %dma_wait3A_1150 : memref<1x50x32xf32, #tpu.memory_space<hbm>> -> memref<50x32xf32, #tpu.memory_space<hbm>>
      %dma_wait3A_1152 = arith.constant 0 : i32
      %dma_wait3A_1153 = arith.constant 0 : i32
      %dma_wait3A_1154 = tpu.memref_slice %arg6[%dma_wait3A_1136, %dma_wait3A_1152, %dma_wait3A_1153] : memref<8x50x32xf32, #tpu.memory_space<vmem>> -> memref<1x50x32xf32, #tpu.memory_space<vmem>>
      %dma_wait3A_1155 = tpu.memref_squeeze %dma_wait3A_1154 : memref<1x50x32xf32, #tpu.memory_space<vmem>> -> memref<50x32xf32, #tpu.memory_space<vmem>>
      tpu.wait_dma2 semaphore(%dma_wait3A_1147 : memref<!tpu.dma_semaphore, #tpu.memory_space<semaphore_mem>>) src(%dma_wait3A_1155 : memref<50x32xf32, #tpu.memory_space<vmem>>) dst(%dma_wait3A_1151 : memref<50x32xf32, #tpu.memory_space<hbm>>)
      %add3A_1156 = arith.constant 8 : i32
      %add3A_1157 = arith.addi %add3A_1095, %add3A_1156 : i32
      %dma_start3A_1158 = arith.constant 6 : i32
      %dma_start3A_1159 = arith.constant 6 : i32
      %dma_start3A_1160 = arith.constant 0 : i32
      %dma_start3A_1161 = arith.constant 0 : i32
      %dma_start3A_1162 = tpu.memref_slice %arg6[%dma_start3A_1158, %dma_start3A_1160, %dma_start3A_1161] : memref<8x50x32xf32, #tpu.memory_space<vmem>> -> memref<1x50x32xf32, #tpu.memory_space<vmem>>
      %dma_start3A_1163 = tpu.memref_squeeze %dma_start3A_1162 : memref<1x50x32xf32, #tpu.memory_space<vmem>> -> memref<50x32xf32, #tpu.memory_space<vmem>>
      %dma_start3A_1164 = arith.constant 0 : i32
      %dma_start3A_1165 = tpu.memref_slice %arg5[%add3A_1157, %dma_start3A_1164] : memref<128x50xi32, #tpu.memory_space<vmem>> -> memref<1x50xi32, #tpu.memory_space<vmem>>
      %dma_start3A_1166 = tpu.memref_squeeze %dma_start3A_1165 : memref<1x50xi32, #tpu.memory_space<vmem>> -> memref<50xi32, #tpu.memory_space<vmem>>
      %dma_start3A_1167 = arith.constant 0 : i32
      %dma_start3A_1168 = arith.constant 0 : i32
      %dma_start3A_1169 = tpu.memref_slice %arg3[%dma_start3A_1167, %dma_start3A_1168] : memref<100001x32xf32, #tpu.memory_space<hbm>> -> memref<100001x32xf32, #tpu.memory_space<hbm>>
      %dma_start3A_1170 = tpu.memref_slice %arg7[%dma_start3A_1159] : memref<8x!tpu.dma_semaphore, #tpu.memory_space<semaphore_mem>> -> memref<1x!tpu.dma_semaphore, #tpu.memory_space<semaphore_mem>>
      %dma_start3A_1171 = tpu.memref_squeeze %dma_start3A_1170 : memref<1x!tpu.dma_semaphore, #tpu.memory_space<semaphore_mem>> -> memref<!tpu.dma_semaphore, #tpu.memory_space<semaphore_mem>>
      tpu.enqueue_indirect_dma source(%dma_start3A_1169 : memref<100001x32xf32, #tpu.memory_space<hbm>>) target(%dma_start3A_1163 : memref<50x32xf32, #tpu.memory_space<vmem>>) offsets(%dma_start3A_1166 : memref<50xi32, #tpu.memory_space<vmem>>) semaphore(%dma_start3A_1171 : memref<!tpu.dma_semaphore, #tpu.memory_space<semaphore_mem>>)
      %add3A_1172 = arith.constant 7 : i32
      %add3A_1173 = arith.addi %add3A_625, %add3A_1172 : i32
      %dma_wait3A_1174 = arith.constant 7 : i32
      %dma_wait3A_1175 = arith.constant 7 : i32
      %dma_wait3A_1176 = arith.constant 0 : i32
      %dma_wait3A_1177 = arith.constant 0 : i32
      %dma_wait3A_1178 = tpu.memref_slice %arg6[%dma_wait3A_1174, %dma_wait3A_1176, %dma_wait3A_1177] : memref<8x50x32xf32, #tpu.memory_space<vmem>> -> memref<1x50x32xf32, #tpu.memory_space<vmem>>
      %dma_wait3A_1179 = tpu.memref_squeeze %dma_wait3A_1178 : memref<1x50x32xf32, #tpu.memory_space<vmem>> -> memref<50x32xf32, #tpu.memory_space<vmem>>
      %dma_wait3A_1180 = arith.constant 0 : i32
      %dma_wait3A_1181 = arith.constant 0 : i32
      %dma_wait3A_1182 = tpu.memref_slice %arg3[%dma_wait3A_1180, %dma_wait3A_1181] : memref<100001x32xf32, #tpu.memory_space<hbm>> -> memref<50x32xf32, #tpu.memory_space<hbm>>
      %dma_wait3A_1183 = tpu.memref_slice %arg7[%dma_wait3A_1175] : memref<8x!tpu.dma_semaphore, #tpu.memory_space<semaphore_mem>> -> memref<1x!tpu.dma_semaphore, #tpu.memory_space<semaphore_mem>>
      %dma_wait3A_1184 = tpu.memref_squeeze %dma_wait3A_1183 : memref<1x!tpu.dma_semaphore, #tpu.memory_space<semaphore_mem>> -> memref<!tpu.dma_semaphore, #tpu.memory_space<semaphore_mem>>
      %dma_wait3A_1185 = arith.constant 0 : i32
      %dma_wait3A_1186 = arith.constant 0 : i32
      %dma_wait3A_1187 = tpu.memref_slice %arg6[%dma_wait3A_1174, %dma_wait3A_1185, %dma_wait3A_1186] : memref<8x50x32xf32, #tpu.memory_space<vmem>> -> memref<1x50x32xf32, #tpu.memory_space<vmem>>
      %dma_wait3A_1188 = tpu.memref_squeeze %dma_wait3A_1187 : memref<1x50x32xf32, #tpu.memory_space<vmem>> -> memref<50x32xf32, #tpu.memory_space<vmem>>
      %dma_wait3A_1189 = arith.constant 0 : i32
      %dma_wait3A_1190 = arith.constant 0 : i32
      %dma_wait3A_1191 = tpu.memref_slice %arg3[%dma_wait3A_1189, %dma_wait3A_1190] : memref<100001x32xf32, #tpu.memory_space<hbm>> -> memref<50x32xf32, #tpu.memory_space<hbm>>
      tpu.wait_dma2 semaphore(%dma_wait3A_1184 : memref<!tpu.dma_semaphore, #tpu.memory_space<semaphore_mem>>) src(%dma_wait3A_1191 : memref<50x32xf32, #tpu.memory_space<hbm>>) dst(%dma_wait3A_1188 : memref<50x32xf32, #tpu.memory_space<vmem>>)
      %add3A_1192 = arith.addi %mul3A_2, %add3A_1173 : i32
      %dma_start3A_1193 = arith.constant 7 : i32
      %dma_start3A_1194 = arith.constant 7 : i32
      %dma_start3A_1195 = arith.constant 0 : i32
      %dma_start3A_1196 = arith.constant 0 : i32
      %dma_start3A_1197 = tpu.memref_slice %arg6[%dma_start3A_1193, %dma_start3A_1195, %dma_start3A_1196] : memref<8x50x32xf32, #tpu.memory_space<vmem>> -> memref<1x50x32xf32, #tpu.memory_space<vmem>>
      %dma_start3A_1198 = tpu.memref_squeeze %dma_start3A_1197 : memref<1x50x32xf32, #tpu.memory_space<vmem>> -> memref<50x32xf32, #tpu.memory_space<vmem>>
      %dma_start3A_1199 = arith.constant 0 : i32
      %dma_start3A_1200 = arith.constant 0 : i32
      %dma_start3A_1201 = tpu.memref_slice %arg4[%add3A_1192, %dma_start3A_1199, %dma_start3A_1200] : memref<4096x50x32xf32, #tpu.memory_space<hbm>> -> memref<1x50x32xf32, #tpu.memory_space<hbm>>
      %dma_start3A_1202 = tpu.memref_squeeze %dma_start3A_1201 : memref<1x50x32xf32, #tpu.memory_space<hbm>> -> memref<50x32xf32, #tpu.memory_space<hbm>>
      %dma_start3A_1203 = tpu.memref_slice %arg8[%dma_start3A_1194] : memref<8x!tpu.dma_semaphore, #tpu.memory_space<semaphore_mem>> -> memref<1x!tpu.dma_semaphore, #tpu.memory_space<semaphore_mem>>
      %dma_start3A_1204 = tpu.memref_squeeze %dma_start3A_1203 : memref<1x!tpu.dma_semaphore, #tpu.memory_space<semaphore_mem>> -> memref<!tpu.dma_semaphore, #tpu.memory_space<semaphore_mem>>
      %dma_start3A_1205 = arith.constant 0 : i32
      %dma_start3A_1206 = arith.constant 0 : i32
      %dma_start3A_1207 = tpu.memref_slice %arg4[%add3A_1192, %dma_start3A_1205, %dma_start3A_1206] : memref<4096x50x32xf32, #tpu.memory_space<hbm>> -> memref<1x50x32xf32, #tpu.memory_space<hbm>>
      %dma_start3A_1208 = tpu.memref_squeeze %dma_start3A_1207 : memref<1x50x32xf32, #tpu.memory_space<hbm>> -> memref<50x32xf32, #tpu.memory_space<hbm>>
      %dma_start3A_1209 = arith.constant 0 : i32
      %dma_start3A_1210 = arith.constant 0 : i32
      %dma_start3A_1211 = tpu.memref_slice %arg6[%dma_start3A_1193, %dma_start3A_1209, %dma_start3A_1210] : memref<8x50x32xf32, #tpu.memory_space<vmem>> -> memref<1x50x32xf32, #tpu.memory_space<vmem>>
      %dma_start3A_1212 = tpu.memref_squeeze %dma_start3A_1211 : memref<1x50x32xf32, #tpu.memory_space<vmem>> -> memref<50x32xf32, #tpu.memory_space<vmem>>
      tpu.enqueue_dma source(%dma_start3A_1212 : memref<50x32xf32, #tpu.memory_space<vmem>>) target(%dma_start3A_1208 : memref<50x32xf32, #tpu.memory_space<hbm>>) target_semaphore(%dma_start3A_1204 : memref<!tpu.dma_semaphore, #tpu.memory_space<semaphore_mem>>)
      %add3A_1213 = arith.addi %mul3A_2, %add3A_1173 : i32
      %dma_wait3A_1214 = arith.constant 7 : i32
      %dma_wait3A_1215 = arith.constant 7 : i32
      %dma_wait3A_1216 = arith.constant 0 : i32
      %dma_wait3A_1217 = arith.constant 0 : i32
      %dma_wait3A_1218 = tpu.memref_slice %arg6[%dma_wait3A_1214, %dma_wait3A_1216, %dma_wait3A_1217] : memref<8x50x32xf32, #tpu.memory_space<vmem>> -> memref<1x50x32xf32, #tpu.memory_space<vmem>>
      %dma_wait3A_1219 = tpu.memref_squeeze %dma_wait3A_1218 : memref<1x50x32xf32, #tpu.memory_space<vmem>> -> memref<50x32xf32, #tpu.memory_space<vmem>>
      %dma_wait3A_1220 = arith.constant 0 : i32
      %dma_wait3A_1221 = arith.constant 0 : i32
      %dma_wait3A_1222 = tpu.memref_slice %arg4[%add3A_1213, %dma_wait3A_1220, %dma_wait3A_1221] : memref<4096x50x32xf32, #tpu.memory_space<hbm>> -> memref<1x50x32xf32, #tpu.memory_space<hbm>>
      %dma_wait3A_1223 = tpu.memref_squeeze %dma_wait3A_1222 : memref<1x50x32xf32, #tpu.memory_space<hbm>> -> memref<50x32xf32, #tpu.memory_space<hbm>>
      %dma_wait3A_1224 = tpu.memref_slice %arg8[%dma_wait3A_1215] : memref<8x!tpu.dma_semaphore, #tpu.memory_space<semaphore_mem>> -> memref<1x!tpu.dma_semaphore, #tpu.memory_space<semaphore_mem>>
      %dma_wait3A_1225 = tpu.memref_squeeze %dma_wait3A_1224 : memref<1x!tpu.dma_semaphore, #tpu.memory_space<semaphore_mem>> -> memref<!tpu.dma_semaphore, #tpu.memory_space<semaphore_mem>>
      %dma_wait3A_1226 = arith.constant 0 : i32
      %dma_wait3A_1227 = arith.constant 0 : i32
      %dma_wait3A_1228 = tpu.memref_slice %arg4[%add3A_1213, %dma_wait3A_1226, %dma_wait3A_1227] : memref<4096x50x32xf32, #tpu.memory_space<hbm>> -> memref<1x50x32xf32, #tpu.memory_space<hbm>>
      %dma_wait3A_1229 = tpu.memref_squeeze %dma_wait3A_1228 : memref<1x50x32xf32, #tpu.memory_space<hbm>> -> memref<50x32xf32, #tpu.memory_space<hbm>>
      %dma_wait3A_1230 = arith.constant 0 : i32
      %dma_wait3A_1231 = arith.constant 0 : i32
      %dma_wait3A_1232 = tpu.memref_slice %arg6[%dma_wait3A_1214, %dma_wait3A_1230, %dma_wait3A_1231] : memref<8x50x32xf32, #tpu.memory_space<vmem>> -> memref<1x50x32xf32, #tpu.memory_space<vmem>>
      %dma_wait3A_1233 = tpu.memref_squeeze %dma_wait3A_1232 : memref<1x50x32xf32, #tpu.memory_space<vmem>> -> memref<50x32xf32, #tpu.memory_space<vmem>>
      tpu.wait_dma2 semaphore(%dma_wait3A_1225 : memref<!tpu.dma_semaphore, #tpu.memory_space<semaphore_mem>>) src(%dma_wait3A_1233 : memref<50x32xf32, #tpu.memory_space<vmem>>) dst(%dma_wait3A_1229 : memref<50x32xf32, #tpu.memory_space<hbm>>)
      %add3A_1234 = arith.constant 8 : i32
      %add3A_1235 = arith.addi %add3A_1173, %add3A_1234 : i32
      %dma_start3A_1236 = arith.constant 7 : i32
      %dma_start3A_1237 = arith.constant 7 : i32
      %dma_start3A_1238 = arith.constant 0 : i32
      %dma_start3A_1239 = arith.constant 0 : i32
      %dma_start3A_1240 = tpu.memref_slice %arg6[%dma_start3A_1236, %dma_start3A_1238, %dma_start3A_1239] : memref<8x50x32xf32, #tpu.memory_space<vmem>> -> memref<1x50x32xf32, #tpu.memory_space<vmem>>
      %dma_start3A_1241 = tpu.memref_squeeze %dma_start3A_1240 : memref<1x50x32xf32, #tpu.memory_space<vmem>> -> memref<50x32xf32, #tpu.memory_space<vmem>>
      %dma_start3A_1242 = arith.constant 0 : i32
      %dma_start3A_1243 = tpu.memref_slice %arg5[%add3A_1235, %dma_start3A_1242] : memref<128x50xi32, #tpu.memory_space<vmem>> -> memref<1x50xi32, #tpu.memory_space<vmem>>
      %dma_start3A_1244 = tpu.memref_squeeze %dma_start3A_1243 : memref<1x50xi32, #tpu.memory_space<vmem>> -> memref<50xi32, #tpu.memory_space<vmem>>
      %dma_start3A_1245 = arith.constant 0 : i32
      %dma_start3A_1246 = arith.constant 0 : i32
      %dma_start3A_1247 = tpu.memref_slice %arg3[%dma_start3A_1245, %dma_start3A_1246] : memref<100001x32xf32, #tpu.memory_space<hbm>> -> memref<100001x32xf32, #tpu.memory_space<hbm>>
      %dma_start3A_1248 = tpu.memref_slice %arg7[%dma_start3A_1237] : memref<8x!tpu.dma_semaphore, #tpu.memory_space<semaphore_mem>> -> memref<1x!tpu.dma_semaphore, #tpu.memory_space<semaphore_mem>>
      %dma_start3A_1249 = tpu.memref_squeeze %dma_start3A_1248 : memref<1x!tpu.dma_semaphore, #tpu.memory_space<semaphore_mem>> -> memref<!tpu.dma_semaphore, #tpu.memory_space<semaphore_mem>>
      tpu.enqueue_indirect_dma source(%dma_start3A_1247 : memref<100001x32xf32, #tpu.memory_space<hbm>>) target(%dma_start3A_1241 : memref<50x32xf32, #tpu.memory_space<vmem>>) offsets(%dma_start3A_1244 : memref<50xi32, #tpu.memory_space<vmem>>) semaphore(%dma_start3A_1249 : memref<!tpu.dma_semaphore, #tpu.memory_space<semaphore_mem>>)
    }
    %scan3A_125 = arith.constant 15 : i32
    %dma_wait3A = arith.constant 0 : i32
    %dma_wait3A_126 = arith.constant 0 : i32
    %dma_wait3A_127 = arith.constant 0 : i32
    %dma_wait3A_128 = arith.constant 0 : i32
    %dma_wait3A_129 = tpu.memref_slice %arg6[%dma_wait3A, %dma_wait3A_127, %dma_wait3A_128] : memref<8x50x32xf32, #tpu.memory_space<vmem>> -> memref<1x50x32xf32, #tpu.memory_space<vmem>>
    %dma_wait3A_130 = tpu.memref_squeeze %dma_wait3A_129 : memref<1x50x32xf32, #tpu.memory_space<vmem>> -> memref<50x32xf32, #tpu.memory_space<vmem>>
    %dma_wait3A_131 = arith.constant 0 : i32
    %dma_wait3A_132 = arith.constant 0 : i32
    %dma_wait3A_133 = tpu.memref_slice %arg3[%dma_wait3A_131, %dma_wait3A_132] : memref<100001x32xf32, #tpu.memory_space<hbm>> -> memref<50x32xf32, #tpu.memory_space<hbm>>
    %dma_wait3A_134 = tpu.memref_slice %arg7[%dma_wait3A_126] : memref<8x!tpu.dma_semaphore, #tpu.memory_space<semaphore_mem>> -> memref<1x!tpu.dma_semaphore, #tpu.memory_space<semaphore_mem>>
    %dma_wait3A_135 = tpu.memref_squeeze %dma_wait3A_134 : memref<1x!tpu.dma_semaphore, #tpu.memory_space<semaphore_mem>> -> memref<!tpu.dma_semaphore, #tpu.memory_space<semaphore_mem>>
    %dma_wait3A_136 = arith.constant 0 : i32
    %dma_wait3A_137 = arith.constant 0 : i32
    %dma_wait3A_138 = tpu.memref_slice %arg6[%dma_wait3A, %dma_wait3A_136, %dma_wait3A_137] : memref<8x50x32xf32, #tpu.memory_space<vmem>> -> memref<1x50x32xf32, #tpu.memory_space<vmem>>
    %dma_wait3A_139 = tpu.memref_squeeze %dma_wait3A_138 : memref<1x50x32xf32, #tpu.memory_space<vmem>> -> memref<50x32xf32, #tpu.memory_space<vmem>>
    %dma_wait3A_140 = arith.constant 0 : i32
    %dma_wait3A_141 = arith.constant 0 : i32
    %dma_wait3A_142 = tpu.memref_slice %arg3[%dma_wait3A_140, %dma_wait3A_141] : memref<100001x32xf32, #tpu.memory_space<hbm>> -> memref<50x32xf32, #tpu.memory_space<hbm>>
    tpu.wait_dma2 semaphore(%dma_wait3A_135 : memref<!tpu.dma_semaphore, #tpu.memory_space<semaphore_mem>>) src(%dma_wait3A_142 : memref<50x32xf32, #tpu.memory_space<hbm>>) dst(%dma_wait3A_139 : memref<50x32xf32, #tpu.memory_space<vmem>>)
    %add3A_143 = arith.constant 120 : i32
    %add3A_144 = arith.addi %mul3A_2, %add3A_143 : i32
    %dma_start3A_145 = arith.constant 0 : i32
    %dma_start3A_146 = arith.constant 0 : i32
    %dma_start3A_147 = arith.constant 0 : i32
    %dma_start3A_148 = arith.constant 0 : i32
    %dma_start3A_149 = tpu.memref_slice %arg6[%dma_start3A_145, %dma_start3A_147, %dma_start3A_148] : memref<8x50x32xf32, #tpu.memory_space<vmem>> -> memref<1x50x32xf32, #tpu.memory_space<vmem>>
    %dma_start3A_150 = tpu.memref_squeeze %dma_start3A_149 : memref<1x50x32xf32, #tpu.memory_space<vmem>> -> memref<50x32xf32, #tpu.memory_space<vmem>>
    %dma_start3A_151 = arith.constant 0 : i32
    %dma_start3A_152 = arith.constant 0 : i32
    %dma_start3A_153 = tpu.memref_slice %arg4[%add3A_144, %dma_start3A_151, %dma_start3A_152] : memref<4096x50x32xf32, #tpu.memory_space<hbm>> -> memref<1x50x32xf32, #tpu.memory_space<hbm>>
    %dma_start3A_154 = tpu.memref_squeeze %dma_start3A_153 : memref<1x50x32xf32, #tpu.memory_space<hbm>> -> memref<50x32xf32, #tpu.memory_space<hbm>>
    %dma_start3A_155 = tpu.memref_slice %arg8[%dma_start3A_146] : memref<8x!tpu.dma_semaphore, #tpu.memory_space<semaphore_mem>> -> memref<1x!tpu.dma_semaphore, #tpu.memory_space<semaphore_mem>>
    %dma_start3A_156 = tpu.memref_squeeze %dma_start3A_155 : memref<1x!tpu.dma_semaphore, #tpu.memory_space<semaphore_mem>> -> memref<!tpu.dma_semaphore, #tpu.memory_space<semaphore_mem>>
    %dma_start3A_157 = arith.constant 0 : i32
    %dma_start3A_158 = arith.constant 0 : i32
    %dma_start3A_159 = tpu.memref_slice %arg4[%add3A_144, %dma_start3A_157, %dma_start3A_158] : memref<4096x50x32xf32, #tpu.memory_space<hbm>> -> memref<1x50x32xf32, #tpu.memory_space<hbm>>
    %dma_start3A_160 = tpu.memref_squeeze %dma_start3A_159 : memref<1x50x32xf32, #tpu.memory_space<hbm>> -> memref<50x32xf32, #tpu.memory_space<hbm>>
    %dma_start3A_161 = arith.constant 0 : i32
    %dma_start3A_162 = arith.constant 0 : i32
    %dma_start3A_163 = tpu.memref_slice %arg6[%dma_start3A_145, %dma_start3A_161, %dma_start3A_162] : memref<8x50x32xf32, #tpu.memory_space<vmem>> -> memref<1x50x32xf32, #tpu.memory_space<vmem>>
    %dma_start3A_164 = tpu.memref_squeeze %dma_start3A_163 : memref<1x50x32xf32, #tpu.memory_space<vmem>> -> memref<50x32xf32, #tpu.memory_space<vmem>>
    tpu.enqueue_dma source(%dma_start3A_164 : memref<50x32xf32, #tpu.memory_space<vmem>>) target(%dma_start3A_160 : memref<50x32xf32, #tpu.memory_space<hbm>>) target_semaphore(%dma_start3A_156 : memref<!tpu.dma_semaphore, #tpu.memory_space<semaphore_mem>>)
    %dma_wait3A_165 = arith.constant 1 : i32
    %dma_wait3A_166 = arith.constant 1 : i32
    %dma_wait3A_167 = arith.constant 0 : i32
    %dma_wait3A_168 = arith.constant 0 : i32
    %dma_wait3A_169 = tpu.memref_slice %arg6[%dma_wait3A_165, %dma_wait3A_167, %dma_wait3A_168] : memref<8x50x32xf32, #tpu.memory_space<vmem>> -> memref<1x50x32xf32, #tpu.memory_space<vmem>>
    %dma_wait3A_170 = tpu.memref_squeeze %dma_wait3A_169 : memref<1x50x32xf32, #tpu.memory_space<vmem>> -> memref<50x32xf32, #tpu.memory_space<vmem>>
    %dma_wait3A_171 = arith.constant 0 : i32
    %dma_wait3A_172 = arith.constant 0 : i32
    %dma_wait3A_173 = tpu.memref_slice %arg3[%dma_wait3A_171, %dma_wait3A_172] : memref<100001x32xf32, #tpu.memory_space<hbm>> -> memref<50x32xf32, #tpu.memory_space<hbm>>
    %dma_wait3A_174 = tpu.memref_slice %arg7[%dma_wait3A_166] : memref<8x!tpu.dma_semaphore, #tpu.memory_space<semaphore_mem>> -> memref<1x!tpu.dma_semaphore, #tpu.memory_space<semaphore_mem>>
    %dma_wait3A_175 = tpu.memref_squeeze %dma_wait3A_174 : memref<1x!tpu.dma_semaphore, #tpu.memory_space<semaphore_mem>> -> memref<!tpu.dma_semaphore, #tpu.memory_space<semaphore_mem>>
    %dma_wait3A_176 = arith.constant 0 : i32
    %dma_wait3A_177 = arith.constant 0 : i32
    %dma_wait3A_178 = tpu.memref_slice %arg6[%dma_wait3A_165, %dma_wait3A_176, %dma_wait3A_177] : memref<8x50x32xf32, #tpu.memory_space<vmem>> -> memref<1x50x32xf32, #tpu.memory_space<vmem>>
    %dma_wait3A_179 = tpu.memref_squeeze %dma_wait3A_178 : memref<1x50x32xf32, #tpu.memory_space<vmem>> -> memref<50x32xf32, #tpu.memory_space<vmem>>
    %dma_wait3A_180 = arith.constant 0 : i32
    %dma_wait3A_181 = arith.constant 0 : i32
    %dma_wait3A_182 = tpu.memref_slice %arg3[%dma_wait3A_180, %dma_wait3A_181] : memref<100001x32xf32, #tpu.memory_space<hbm>> -> memref<50x32xf32, #tpu.memory_space<hbm>>
    tpu.wait_dma2 semaphore(%dma_wait3A_175 : memref<!tpu.dma_semaphore, #tpu.memory_space<semaphore_mem>>) src(%dma_wait3A_182 : memref<50x32xf32, #tpu.memory_space<hbm>>) dst(%dma_wait3A_179 : memref<50x32xf32, #tpu.memory_space<vmem>>)
    %add3A_183 = arith.constant 121 : i32
    %add3A_184 = arith.addi %mul3A_2, %add3A_183 : i32
    %dma_start3A_185 = arith.constant 1 : i32
    %dma_start3A_186 = arith.constant 1 : i32
    %dma_start3A_187 = arith.constant 0 : i32
    %dma_start3A_188 = arith.constant 0 : i32
    %dma_start3A_189 = tpu.memref_slice %arg6[%dma_start3A_185, %dma_start3A_187, %dma_start3A_188] : memref<8x50x32xf32, #tpu.memory_space<vmem>> -> memref<1x50x32xf32, #tpu.memory_space<vmem>>
    %dma_start3A_190 = tpu.memref_squeeze %dma_start3A_189 : memref<1x50x32xf32, #tpu.memory_space<vmem>> -> memref<50x32xf32, #tpu.memory_space<vmem>>
    %dma_start3A_191 = arith.constant 0 : i32
    %dma_start3A_192 = arith.constant 0 : i32
    %dma_start3A_193 = tpu.memref_slice %arg4[%add3A_184, %dma_start3A_191, %dma_start3A_192] : memref<4096x50x32xf32, #tpu.memory_space<hbm>> -> memref<1x50x32xf32, #tpu.memory_space<hbm>>
    %dma_start3A_194 = tpu.memref_squeeze %dma_start3A_193 : memref<1x50x32xf32, #tpu.memory_space<hbm>> -> memref<50x32xf32, #tpu.memory_space<hbm>>
    %dma_start3A_195 = tpu.memref_slice %arg8[%dma_start3A_186] : memref<8x!tpu.dma_semaphore, #tpu.memory_space<semaphore_mem>> -> memref<1x!tpu.dma_semaphore, #tpu.memory_space<semaphore_mem>>
    %dma_start3A_196 = tpu.memref_squeeze %dma_start3A_195 : memref<1x!tpu.dma_semaphore, #tpu.memory_space<semaphore_mem>> -> memref<!tpu.dma_semaphore, #tpu.memory_space<semaphore_mem>>
    %dma_start3A_197 = arith.constant 0 : i32
    %dma_start3A_198 = arith.constant 0 : i32
    %dma_start3A_199 = tpu.memref_slice %arg4[%add3A_184, %dma_start3A_197, %dma_start3A_198] : memref<4096x50x32xf32, #tpu.memory_space<hbm>> -> memref<1x50x32xf32, #tpu.memory_space<hbm>>
    %dma_start3A_200 = tpu.memref_squeeze %dma_start3A_199 : memref<1x50x32xf32, #tpu.memory_space<hbm>> -> memref<50x32xf32, #tpu.memory_space<hbm>>
    %dma_start3A_201 = arith.constant 0 : i32
    %dma_start3A_202 = arith.constant 0 : i32
    %dma_start3A_203 = tpu.memref_slice %arg6[%dma_start3A_185, %dma_start3A_201, %dma_start3A_202] : memref<8x50x32xf32, #tpu.memory_space<vmem>> -> memref<1x50x32xf32, #tpu.memory_space<vmem>>
    %dma_start3A_204 = tpu.memref_squeeze %dma_start3A_203 : memref<1x50x32xf32, #tpu.memory_space<vmem>> -> memref<50x32xf32, #tpu.memory_space<vmem>>
    tpu.enqueue_dma source(%dma_start3A_204 : memref<50x32xf32, #tpu.memory_space<vmem>>) target(%dma_start3A_200 : memref<50x32xf32, #tpu.memory_space<hbm>>) target_semaphore(%dma_start3A_196 : memref<!tpu.dma_semaphore, #tpu.memory_space<semaphore_mem>>)
    %dma_wait3A_205 = arith.constant 2 : i32
    %dma_wait3A_206 = arith.constant 2 : i32
    %dma_wait3A_207 = arith.constant 0 : i32
    %dma_wait3A_208 = arith.constant 0 : i32
    %dma_wait3A_209 = tpu.memref_slice %arg6[%dma_wait3A_205, %dma_wait3A_207, %dma_wait3A_208] : memref<8x50x32xf32, #tpu.memory_space<vmem>> -> memref<1x50x32xf32, #tpu.memory_space<vmem>>
    %dma_wait3A_210 = tpu.memref_squeeze %dma_wait3A_209 : memref<1x50x32xf32, #tpu.memory_space<vmem>> -> memref<50x32xf32, #tpu.memory_space<vmem>>
    %dma_wait3A_211 = arith.constant 0 : i32
    %dma_wait3A_212 = arith.constant 0 : i32
    %dma_wait3A_213 = tpu.memref_slice %arg3[%dma_wait3A_211, %dma_wait3A_212] : memref<100001x32xf32, #tpu.memory_space<hbm>> -> memref<50x32xf32, #tpu.memory_space<hbm>>
    %dma_wait3A_214 = tpu.memref_slice %arg7[%dma_wait3A_206] : memref<8x!tpu.dma_semaphore, #tpu.memory_space<semaphore_mem>> -> memref<1x!tpu.dma_semaphore, #tpu.memory_space<semaphore_mem>>
    %dma_wait3A_215 = tpu.memref_squeeze %dma_wait3A_214 : memref<1x!tpu.dma_semaphore, #tpu.memory_space<semaphore_mem>> -> memref<!tpu.dma_semaphore, #tpu.memory_space<semaphore_mem>>
    %dma_wait3A_216 = arith.constant 0 : i32
    %dma_wait3A_217 = arith.constant 0 : i32
    %dma_wait3A_218 = tpu.memref_slice %arg6[%dma_wait3A_205, %dma_wait3A_216, %dma_wait3A_217] : memref<8x50x32xf32, #tpu.memory_space<vmem>> -> memref<1x50x32xf32, #tpu.memory_space<vmem>>
    %dma_wait3A_219 = tpu.memref_squeeze %dma_wait3A_218 : memref<1x50x32xf32, #tpu.memory_space<vmem>> -> memref<50x32xf32, #tpu.memory_space<vmem>>
    %dma_wait3A_220 = arith.constant 0 : i32
    %dma_wait3A_221 = arith.constant 0 : i32
    %dma_wait3A_222 = tpu.memref_slice %arg3[%dma_wait3A_220, %dma_wait3A_221] : memref<100001x32xf32, #tpu.memory_space<hbm>> -> memref<50x32xf32, #tpu.memory_space<hbm>>
    tpu.wait_dma2 semaphore(%dma_wait3A_215 : memref<!tpu.dma_semaphore, #tpu.memory_space<semaphore_mem>>) src(%dma_wait3A_222 : memref<50x32xf32, #tpu.memory_space<hbm>>) dst(%dma_wait3A_219 : memref<50x32xf32, #tpu.memory_space<vmem>>)
    %add3A_223 = arith.constant 122 : i32
    %add3A_224 = arith.addi %mul3A_2, %add3A_223 : i32
    %dma_start3A_225 = arith.constant 2 : i32
    %dma_start3A_226 = arith.constant 2 : i32
    %dma_start3A_227 = arith.constant 0 : i32
    %dma_start3A_228 = arith.constant 0 : i32
    %dma_start3A_229 = tpu.memref_slice %arg6[%dma_start3A_225, %dma_start3A_227, %dma_start3A_228] : memref<8x50x32xf32, #tpu.memory_space<vmem>> -> memref<1x50x32xf32, #tpu.memory_space<vmem>>
    %dma_start3A_230 = tpu.memref_squeeze %dma_start3A_229 : memref<1x50x32xf32, #tpu.memory_space<vmem>> -> memref<50x32xf32, #tpu.memory_space<vmem>>
    %dma_start3A_231 = arith.constant 0 : i32
    %dma_start3A_232 = arith.constant 0 : i32
    %dma_start3A_233 = tpu.memref_slice %arg4[%add3A_224, %dma_start3A_231, %dma_start3A_232] : memref<4096x50x32xf32, #tpu.memory_space<hbm>> -> memref<1x50x32xf32, #tpu.memory_space<hbm>>
    %dma_start3A_234 = tpu.memref_squeeze %dma_start3A_233 : memref<1x50x32xf32, #tpu.memory_space<hbm>> -> memref<50x32xf32, #tpu.memory_space<hbm>>
    %dma_start3A_235 = tpu.memref_slice %arg8[%dma_start3A_226] : memref<8x!tpu.dma_semaphore, #tpu.memory_space<semaphore_mem>> -> memref<1x!tpu.dma_semaphore, #tpu.memory_space<semaphore_mem>>
    %dma_start3A_236 = tpu.memref_squeeze %dma_start3A_235 : memref<1x!tpu.dma_semaphore, #tpu.memory_space<semaphore_mem>> -> memref<!tpu.dma_semaphore, #tpu.memory_space<semaphore_mem>>
    %dma_start3A_237 = arith.constant 0 : i32
    %dma_start3A_238 = arith.constant 0 : i32
    %dma_start3A_239 = tpu.memref_slice %arg4[%add3A_224, %dma_start3A_237, %dma_start3A_238] : memref<4096x50x32xf32, #tpu.memory_space<hbm>> -> memref<1x50x32xf32, #tpu.memory_space<hbm>>
    %dma_start3A_240 = tpu.memref_squeeze %dma_start3A_239 : memref<1x50x32xf32, #tpu.memory_space<hbm>> -> memref<50x32xf32, #tpu.memory_space<hbm>>
    %dma_start3A_241 = arith.constant 0 : i32
    %dma_start3A_242 = arith.constant 0 : i32
    %dma_start3A_243 = tpu.memref_slice %arg6[%dma_start3A_225, %dma_start3A_241, %dma_start3A_242] : memref<8x50x32xf32, #tpu.memory_space<vmem>> -> memref<1x50x32xf32, #tpu.memory_space<vmem>>
    %dma_start3A_244 = tpu.memref_squeeze %dma_start3A_243 : memref<1x50x32xf32, #tpu.memory_space<vmem>> -> memref<50x32xf32, #tpu.memory_space<vmem>>
    tpu.enqueue_dma source(%dma_start3A_244 : memref<50x32xf32, #tpu.memory_space<vmem>>) target(%dma_start3A_240 : memref<50x32xf32, #tpu.memory_space<hbm>>) target_semaphore(%dma_start3A_236 : memref<!tpu.dma_semaphore, #tpu.memory_space<semaphore_mem>>)
    %dma_wait3A_245 = arith.constant 3 : i32
    %dma_wait3A_246 = arith.constant 3 : i32
    %dma_wait3A_247 = arith.constant 0 : i32
    %dma_wait3A_248 = arith.constant 0 : i32
    %dma_wait3A_249 = tpu.memref_slice %arg6[%dma_wait3A_245, %dma_wait3A_247, %dma_wait3A_248] : memref<8x50x32xf32, #tpu.memory_space<vmem>> -> memref<1x50x32xf32, #tpu.memory_space<vmem>>
    %dma_wait3A_250 = tpu.memref_squeeze %dma_wait3A_249 : memref<1x50x32xf32, #tpu.memory_space<vmem>> -> memref<50x32xf32, #tpu.memory_space<vmem>>
    %dma_wait3A_251 = arith.constant 0 : i32
    %dma_wait3A_252 = arith.constant 0 : i32
    %dma_wait3A_253 = tpu.memref_slice %arg3[%dma_wait3A_251, %dma_wait3A_252] : memref<100001x32xf32, #tpu.memory_space<hbm>> -> memref<50x32xf32, #tpu.memory_space<hbm>>
    %dma_wait3A_254 = tpu.memref_slice %arg7[%dma_wait3A_246] : memref<8x!tpu.dma_semaphore, #tpu.memory_space<semaphore_mem>> -> memref<1x!tpu.dma_semaphore, #tpu.memory_space<semaphore_mem>>
    %dma_wait3A_255 = tpu.memref_squeeze %dma_wait3A_254 : memref<1x!tpu.dma_semaphore, #tpu.memory_space<semaphore_mem>> -> memref<!tpu.dma_semaphore, #tpu.memory_space<semaphore_mem>>
    %dma_wait3A_256 = arith.constant 0 : i32
    %dma_wait3A_257 = arith.constant 0 : i32
    %dma_wait3A_258 = tpu.memref_slice %arg6[%dma_wait3A_245, %dma_wait3A_256, %dma_wait3A_257] : memref<8x50x32xf32, #tpu.memory_space<vmem>> -> memref<1x50x32xf32, #tpu.memory_space<vmem>>
    %dma_wait3A_259 = tpu.memref_squeeze %dma_wait3A_258 : memref<1x50x32xf32, #tpu.memory_space<vmem>> -> memref<50x32xf32, #tpu.memory_space<vmem>>
    %dma_wait3A_260 = arith.constant 0 : i32
    %dma_wait3A_261 = arith.constant 0 : i32
    %dma_wait3A_262 = tpu.memref_slice %arg3[%dma_wait3A_260, %dma_wait3A_261] : memref<100001x32xf32, #tpu.memory_space<hbm>> -> memref<50x32xf32, #tpu.memory_space<hbm>>
    tpu.wait_dma2 semaphore(%dma_wait3A_255 : memref<!tpu.dma_semaphore, #tpu.memory_space<semaphore_mem>>) src(%dma_wait3A_262 : memref<50x32xf32, #tpu.memory_space<hbm>>) dst(%dma_wait3A_259 : memref<50x32xf32, #tpu.memory_space<vmem>>)
    %add3A_263 = arith.constant 123 : i32
    %add3A_264 = arith.addi %mul3A_2, %add3A_263 : i32
    %dma_start3A_265 = arith.constant 3 : i32
    %dma_start3A_266 = arith.constant 3 : i32
    %dma_start3A_267 = arith.constant 0 : i32
    %dma_start3A_268 = arith.constant 0 : i32
    %dma_start3A_269 = tpu.memref_slice %arg6[%dma_start3A_265, %dma_start3A_267, %dma_start3A_268] : memref<8x50x32xf32, #tpu.memory_space<vmem>> -> memref<1x50x32xf32, #tpu.memory_space<vmem>>
    %dma_start3A_270 = tpu.memref_squeeze %dma_start3A_269 : memref<1x50x32xf32, #tpu.memory_space<vmem>> -> memref<50x32xf32, #tpu.memory_space<vmem>>
    %dma_start3A_271 = arith.constant 0 : i32
    %dma_start3A_272 = arith.constant 0 : i32
    %dma_start3A_273 = tpu.memref_slice %arg4[%add3A_264, %dma_start3A_271, %dma_start3A_272] : memref<4096x50x32xf32, #tpu.memory_space<hbm>> -> memref<1x50x32xf32, #tpu.memory_space<hbm>>
    %dma_start3A_274 = tpu.memref_squeeze %dma_start3A_273 : memref<1x50x32xf32, #tpu.memory_space<hbm>> -> memref<50x32xf32, #tpu.memory_space<hbm>>
    %dma_start3A_275 = tpu.memref_slice %arg8[%dma_start3A_266] : memref<8x!tpu.dma_semaphore, #tpu.memory_space<semaphore_mem>> -> memref<1x!tpu.dma_semaphore, #tpu.memory_space<semaphore_mem>>
    %dma_start3A_276 = tpu.memref_squeeze %dma_start3A_275 : memref<1x!tpu.dma_semaphore, #tpu.memory_space<semaphore_mem>> -> memref<!tpu.dma_semaphore, #tpu.memory_space<semaphore_mem>>
    %dma_start3A_277 = arith.constant 0 : i32
    %dma_start3A_278 = arith.constant 0 : i32
    %dma_start3A_279 = tpu.memref_slice %arg4[%add3A_264, %dma_start3A_277, %dma_start3A_278] : memref<4096x50x32xf32, #tpu.memory_space<hbm>> -> memref<1x50x32xf32, #tpu.memory_space<hbm>>
    %dma_start3A_280 = tpu.memref_squeeze %dma_start3A_279 : memref<1x50x32xf32, #tpu.memory_space<hbm>> -> memref<50x32xf32, #tpu.memory_space<hbm>>
    %dma_start3A_281 = arith.constant 0 : i32
    %dma_start3A_282 = arith.constant 0 : i32
    %dma_start3A_283 = tpu.memref_slice %arg6[%dma_start3A_265, %dma_start3A_281, %dma_start3A_282] : memref<8x50x32xf32, #tpu.memory_space<vmem>> -> memref<1x50x32xf32, #tpu.memory_space<vmem>>
    %dma_start3A_284 = tpu.memref_squeeze %dma_start3A_283 : memref<1x50x32xf32, #tpu.memory_space<vmem>> -> memref<50x32xf32, #tpu.memory_space<vmem>>
    tpu.enqueue_dma source(%dma_start3A_284 : memref<50x32xf32, #tpu.memory_space<vmem>>) target(%dma_start3A_280 : memref<50x32xf32, #tpu.memory_space<hbm>>) target_semaphore(%dma_start3A_276 : memref<!tpu.dma_semaphore, #tpu.memory_space<semaphore_mem>>)
    %dma_wait3A_285 = arith.constant 4 : i32
    %dma_wait3A_286 = arith.constant 4 : i32
    %dma_wait3A_287 = arith.constant 0 : i32
    %dma_wait3A_288 = arith.constant 0 : i32
    %dma_wait3A_289 = tpu.memref_slice %arg6[%dma_wait3A_285, %dma_wait3A_287, %dma_wait3A_288] : memref<8x50x32xf32, #tpu.memory_space<vmem>> -> memref<1x50x32xf32, #tpu.memory_space<vmem>>
    %dma_wait3A_290 = tpu.memref_squeeze %dma_wait3A_289 : memref<1x50x32xf32, #tpu.memory_space<vmem>> -> memref<50x32xf32, #tpu.memory_space<vmem>>
    %dma_wait3A_291 = arith.constant 0 : i32
    %dma_wait3A_292 = arith.constant 0 : i32
    %dma_wait3A_293 = tpu.memref_slice %arg3[%dma_wait3A_291, %dma_wait3A_292] : memref<100001x32xf32, #tpu.memory_space<hbm>> -> memref<50x32xf32, #tpu.memory_space<hbm>>
    %dma_wait3A_294 = tpu.memref_slice %arg7[%dma_wait3A_286] : memref<8x!tpu.dma_semaphore, #tpu.memory_space<semaphore_mem>> -> memref<1x!tpu.dma_semaphore, #tpu.memory_space<semaphore_mem>>
    %dma_wait3A_295 = tpu.memref_squeeze %dma_wait3A_294 : memref<1x!tpu.dma_semaphore, #tpu.memory_space<semaphore_mem>> -> memref<!tpu.dma_semaphore, #tpu.memory_space<semaphore_mem>>
    %dma_wait3A_296 = arith.constant 0 : i32
    %dma_wait3A_297 = arith.constant 0 : i32
    %dma_wait3A_298 = tpu.memref_slice %arg6[%dma_wait3A_285, %dma_wait3A_296, %dma_wait3A_297] : memref<8x50x32xf32, #tpu.memory_space<vmem>> -> memref<1x50x32xf32, #tpu.memory_space<vmem>>
    %dma_wait3A_299 = tpu.memref_squeeze %dma_wait3A_298 : memref<1x50x32xf32, #tpu.memory_space<vmem>> -> memref<50x32xf32, #tpu.memory_space<vmem>>
    %dma_wait3A_300 = arith.constant 0 : i32
    %dma_wait3A_301 = arith.constant 0 : i32
    %dma_wait3A_302 = tpu.memref_slice %arg3[%dma_wait3A_300, %dma_wait3A_301] : memref<100001x32xf32, #tpu.memory_space<hbm>> -> memref<50x32xf32, #tpu.memory_space<hbm>>
    tpu.wait_dma2 semaphore(%dma_wait3A_295 : memref<!tpu.dma_semaphore, #tpu.memory_space<semaphore_mem>>) src(%dma_wait3A_302 : memref<50x32xf32, #tpu.memory_space<hbm>>) dst(%dma_wait3A_299 : memref<50x32xf32, #tpu.memory_space<vmem>>)
    %add3A_303 = arith.constant 124 : i32
    %add3A_304 = arith.addi %mul3A_2, %add3A_303 : i32
    %dma_start3A_305 = arith.constant 4 : i32
    %dma_start3A_306 = arith.constant 4 : i32
    %dma_start3A_307 = arith.constant 0 : i32
    %dma_start3A_308 = arith.constant 0 : i32
    %dma_start3A_309 = tpu.memref_slice %arg6[%dma_start3A_305, %dma_start3A_307, %dma_start3A_308] : memref<8x50x32xf32, #tpu.memory_space<vmem>> -> memref<1x50x32xf32, #tpu.memory_space<vmem>>
    %dma_start3A_310 = tpu.memref_squeeze %dma_start3A_309 : memref<1x50x32xf32, #tpu.memory_space<vmem>> -> memref<50x32xf32, #tpu.memory_space<vmem>>
    %dma_start3A_311 = arith.constant 0 : i32
    %dma_start3A_312 = arith.constant 0 : i32
    %dma_start3A_313 = tpu.memref_slice %arg4[%add3A_304, %dma_start3A_311, %dma_start3A_312] : memref<4096x50x32xf32, #tpu.memory_space<hbm>> -> memref<1x50x32xf32, #tpu.memory_space<hbm>>
    %dma_start3A_314 = tpu.memref_squeeze %dma_start3A_313 : memref<1x50x32xf32, #tpu.memory_space<hbm>> -> memref<50x32xf32, #tpu.memory_space<hbm>>
    %dma_start3A_315 = tpu.memref_slice %arg8[%dma_start3A_306] : memref<8x!tpu.dma_semaphore, #tpu.memory_space<semaphore_mem>> -> memref<1x!tpu.dma_semaphore, #tpu.memory_space<semaphore_mem>>
    %dma_start3A_316 = tpu.memref_squeeze %dma_start3A_315 : memref<1x!tpu.dma_semaphore, #tpu.memory_space<semaphore_mem>> -> memref<!tpu.dma_semaphore, #tpu.memory_space<semaphore_mem>>
    %dma_start3A_317 = arith.constant 0 : i32
    %dma_start3A_318 = arith.constant 0 : i32
    %dma_start3A_319 = tpu.memref_slice %arg4[%add3A_304, %dma_start3A_317, %dma_start3A_318] : memref<4096x50x32xf32, #tpu.memory_space<hbm>> -> memref<1x50x32xf32, #tpu.memory_space<hbm>>
    %dma_start3A_320 = tpu.memref_squeeze %dma_start3A_319 : memref<1x50x32xf32, #tpu.memory_space<hbm>> -> memref<50x32xf32, #tpu.memory_space<hbm>>
    %dma_start3A_321 = arith.constant 0 : i32
    %dma_start3A_322 = arith.constant 0 : i32
    %dma_start3A_323 = tpu.memref_slice %arg6[%dma_start3A_305, %dma_start3A_321, %dma_start3A_322] : memref<8x50x32xf32, #tpu.memory_space<vmem>> -> memref<1x50x32xf32, #tpu.memory_space<vmem>>
    %dma_start3A_324 = tpu.memref_squeeze %dma_start3A_323 : memref<1x50x32xf32, #tpu.memory_space<vmem>> -> memref<50x32xf32, #tpu.memory_space<vmem>>
    tpu.enqueue_dma source(%dma_start3A_324 : memref<50x32xf32, #tpu.memory_space<vmem>>) target(%dma_start3A_320 : memref<50x32xf32, #tpu.memory_space<hbm>>) target_semaphore(%dma_start3A_316 : memref<!tpu.dma_semaphore, #tpu.memory_space<semaphore_mem>>)
    %dma_wait3A_325 = arith.constant 5 : i32
    %dma_wait3A_326 = arith.constant 5 : i32
    %dma_wait3A_327 = arith.constant 0 : i32
    %dma_wait3A_328 = arith.constant 0 : i32
    %dma_wait3A_329 = tpu.memref_slice %arg6[%dma_wait3A_325, %dma_wait3A_327, %dma_wait3A_328] : memref<8x50x32xf32, #tpu.memory_space<vmem>> -> memref<1x50x32xf32, #tpu.memory_space<vmem>>
    %dma_wait3A_330 = tpu.memref_squeeze %dma_wait3A_329 : memref<1x50x32xf32, #tpu.memory_space<vmem>> -> memref<50x32xf32, #tpu.memory_space<vmem>>
    %dma_wait3A_331 = arith.constant 0 : i32
    %dma_wait3A_332 = arith.constant 0 : i32
    %dma_wait3A_333 = tpu.memref_slice %arg3[%dma_wait3A_331, %dma_wait3A_332] : memref<100001x32xf32, #tpu.memory_space<hbm>> -> memref<50x32xf32, #tpu.memory_space<hbm>>
    %dma_wait3A_334 = tpu.memref_slice %arg7[%dma_wait3A_326] : memref<8x!tpu.dma_semaphore, #tpu.memory_space<semaphore_mem>> -> memref<1x!tpu.dma_semaphore, #tpu.memory_space<semaphore_mem>>
    %dma_wait3A_335 = tpu.memref_squeeze %dma_wait3A_334 : memref<1x!tpu.dma_semaphore, #tpu.memory_space<semaphore_mem>> -> memref<!tpu.dma_semaphore, #tpu.memory_space<semaphore_mem>>
    %dma_wait3A_336 = arith.constant 0 : i32
    %dma_wait3A_337 = arith.constant 0 : i32
    %dma_wait3A_338 = tpu.memref_slice %arg6[%dma_wait3A_325, %dma_wait3A_336, %dma_wait3A_337] : memref<8x50x32xf32, #tpu.memory_space<vmem>> -> memref<1x50x32xf32, #tpu.memory_space<vmem>>
    %dma_wait3A_339 = tpu.memref_squeeze %dma_wait3A_338 : memref<1x50x32xf32, #tpu.memory_space<vmem>> -> memref<50x32xf32, #tpu.memory_space<vmem>>
    %dma_wait3A_340 = arith.constant 0 : i32
    %dma_wait3A_341 = arith.constant 0 : i32
    %dma_wait3A_342 = tpu.memref_slice %arg3[%dma_wait3A_340, %dma_wait3A_341] : memref<100001x32xf32, #tpu.memory_space<hbm>> -> memref<50x32xf32, #tpu.memory_space<hbm>>
    tpu.wait_dma2 semaphore(%dma_wait3A_335 : memref<!tpu.dma_semaphore, #tpu.memory_space<semaphore_mem>>) src(%dma_wait3A_342 : memref<50x32xf32, #tpu.memory_space<hbm>>) dst(%dma_wait3A_339 : memref<50x32xf32, #tpu.memory_space<vmem>>)
    %add3A_343 = arith.constant 125 : i32
    %add3A_344 = arith.addi %mul3A_2, %add3A_343 : i32
    %dma_start3A_345 = arith.constant 5 : i32
    %dma_start3A_346 = arith.constant 5 : i32
    %dma_start3A_347 = arith.constant 0 : i32
    %dma_start3A_348 = arith.constant 0 : i32
    %dma_start3A_349 = tpu.memref_slice %arg6[%dma_start3A_345, %dma_start3A_347, %dma_start3A_348] : memref<8x50x32xf32, #tpu.memory_space<vmem>> -> memref<1x50x32xf32, #tpu.memory_space<vmem>>
    %dma_start3A_350 = tpu.memref_squeeze %dma_start3A_349 : memref<1x50x32xf32, #tpu.memory_space<vmem>> -> memref<50x32xf32, #tpu.memory_space<vmem>>
    %dma_start3A_351 = arith.constant 0 : i32
    %dma_start3A_352 = arith.constant 0 : i32
    %dma_start3A_353 = tpu.memref_slice %arg4[%add3A_344, %dma_start3A_351, %dma_start3A_352] : memref<4096x50x32xf32, #tpu.memory_space<hbm>> -> memref<1x50x32xf32, #tpu.memory_space<hbm>>
    %dma_start3A_354 = tpu.memref_squeeze %dma_start3A_353 : memref<1x50x32xf32, #tpu.memory_space<hbm>> -> memref<50x32xf32, #tpu.memory_space<hbm>>
    %dma_start3A_355 = tpu.memref_slice %arg8[%dma_start3A_346] : memref<8x!tpu.dma_semaphore, #tpu.memory_space<semaphore_mem>> -> memref<1x!tpu.dma_semaphore, #tpu.memory_space<semaphore_mem>>
    %dma_start3A_356 = tpu.memref_squeeze %dma_start3A_355 : memref<1x!tpu.dma_semaphore, #tpu.memory_space<semaphore_mem>> -> memref<!tpu.dma_semaphore, #tpu.memory_space<semaphore_mem>>
    %dma_start3A_357 = arith.constant 0 : i32
    %dma_start3A_358 = arith.constant 0 : i32
    %dma_start3A_359 = tpu.memref_slice %arg4[%add3A_344, %dma_start3A_357, %dma_start3A_358] : memref<4096x50x32xf32, #tpu.memory_space<hbm>> -> memref<1x50x32xf32, #tpu.memory_space<hbm>>
    %dma_start3A_360 = tpu.memref_squeeze %dma_start3A_359 : memref<1x50x32xf32, #tpu.memory_space<hbm>> -> memref<50x32xf32, #tpu.memory_space<hbm>>
    %dma_start3A_361 = arith.constant 0 : i32
    %dma_start3A_362 = arith.constant 0 : i32
    %dma_start3A_363 = tpu.memref_slice %arg6[%dma_start3A_345, %dma_start3A_361, %dma_start3A_362] : memref<8x50x32xf32, #tpu.memory_space<vmem>> -> memref<1x50x32xf32, #tpu.memory_space<vmem>>
    %dma_start3A_364 = tpu.memref_squeeze %dma_start3A_363 : memref<1x50x32xf32, #tpu.memory_space<vmem>> -> memref<50x32xf32, #tpu.memory_space<vmem>>
    tpu.enqueue_dma source(%dma_start3A_364 : memref<50x32xf32, #tpu.memory_space<vmem>>) target(%dma_start3A_360 : memref<50x32xf32, #tpu.memory_space<hbm>>) target_semaphore(%dma_start3A_356 : memref<!tpu.dma_semaphore, #tpu.memory_space<semaphore_mem>>)
    %dma_wait3A_365 = arith.constant 6 : i32
    %dma_wait3A_366 = arith.constant 6 : i32
    %dma_wait3A_367 = arith.constant 0 : i32
    %dma_wait3A_368 = arith.constant 0 : i32
    %dma_wait3A_369 = tpu.memref_slice %arg6[%dma_wait3A_365, %dma_wait3A_367, %dma_wait3A_368] : memref<8x50x32xf32, #tpu.memory_space<vmem>> -> memref<1x50x32xf32, #tpu.memory_space<vmem>>
    %dma_wait3A_370 = tpu.memref_squeeze %dma_wait3A_369 : memref<1x50x32xf32, #tpu.memory_space<vmem>> -> memref<50x32xf32, #tpu.memory_space<vmem>>
    %dma_wait3A_371 = arith.constant 0 : i32
    %dma_wait3A_372 = arith.constant 0 : i32
    %dma_wait3A_373 = tpu.memref_slice %arg3[%dma_wait3A_371, %dma_wait3A_372] : memref<100001x32xf32, #tpu.memory_space<hbm>> -> memref<50x32xf32, #tpu.memory_space<hbm>>
    %dma_wait3A_374 = tpu.memref_slice %arg7[%dma_wait3A_366] : memref<8x!tpu.dma_semaphore, #tpu.memory_space<semaphore_mem>> -> memref<1x!tpu.dma_semaphore, #tpu.memory_space<semaphore_mem>>
    %dma_wait3A_375 = tpu.memref_squeeze %dma_wait3A_374 : memref<1x!tpu.dma_semaphore, #tpu.memory_space<semaphore_mem>> -> memref<!tpu.dma_semaphore, #tpu.memory_space<semaphore_mem>>
    %dma_wait3A_376 = arith.constant 0 : i32
    %dma_wait3A_377 = arith.constant 0 : i32
    %dma_wait3A_378 = tpu.memref_slice %arg6[%dma_wait3A_365, %dma_wait3A_376, %dma_wait3A_377] : memref<8x50x32xf32, #tpu.memory_space<vmem>> -> memref<1x50x32xf32, #tpu.memory_space<vmem>>
    %dma_wait3A_379 = tpu.memref_squeeze %dma_wait3A_378 : memref<1x50x32xf32, #tpu.memory_space<vmem>> -> memref<50x32xf32, #tpu.memory_space<vmem>>
    %dma_wait3A_380 = arith.constant 0 : i32
    %dma_wait3A_381 = arith.constant 0 : i32
    %dma_wait3A_382 = tpu.memref_slice %arg3[%dma_wait3A_380, %dma_wait3A_381] : memref<100001x32xf32, #tpu.memory_space<hbm>> -> memref<50x32xf32, #tpu.memory_space<hbm>>
    tpu.wait_dma2 semaphore(%dma_wait3A_375 : memref<!tpu.dma_semaphore, #tpu.memory_space<semaphore_mem>>) src(%dma_wait3A_382 : memref<50x32xf32, #tpu.memory_space<hbm>>) dst(%dma_wait3A_379 : memref<50x32xf32, #tpu.memory_space<vmem>>)
    %add3A_383 = arith.constant 126 : i32
    %add3A_384 = arith.addi %mul3A_2, %add3A_383 : i32
    %dma_start3A_385 = arith.constant 6 : i32
    %dma_start3A_386 = arith.constant 6 : i32
    %dma_start3A_387 = arith.constant 0 : i32
    %dma_start3A_388 = arith.constant 0 : i32
    %dma_start3A_389 = tpu.memref_slice %arg6[%dma_start3A_385, %dma_start3A_387, %dma_start3A_388] : memref<8x50x32xf32, #tpu.memory_space<vmem>> -> memref<1x50x32xf32, #tpu.memory_space<vmem>>
    %dma_start3A_390 = tpu.memref_squeeze %dma_start3A_389 : memref<1x50x32xf32, #tpu.memory_space<vmem>> -> memref<50x32xf32, #tpu.memory_space<vmem>>
    %dma_start3A_391 = arith.constant 0 : i32
    %dma_start3A_392 = arith.constant 0 : i32
    %dma_start3A_393 = tpu.memref_slice %arg4[%add3A_384, %dma_start3A_391, %dma_start3A_392] : memref<4096x50x32xf32, #tpu.memory_space<hbm>> -> memref<1x50x32xf32, #tpu.memory_space<hbm>>
    %dma_start3A_394 = tpu.memref_squeeze %dma_start3A_393 : memref<1x50x32xf32, #tpu.memory_space<hbm>> -> memref<50x32xf32, #tpu.memory_space<hbm>>
    %dma_start3A_395 = tpu.memref_slice %arg8[%dma_start3A_386] : memref<8x!tpu.dma_semaphore, #tpu.memory_space<semaphore_mem>> -> memref<1x!tpu.dma_semaphore, #tpu.memory_space<semaphore_mem>>
    %dma_start3A_396 = tpu.memref_squeeze %dma_start3A_395 : memref<1x!tpu.dma_semaphore, #tpu.memory_space<semaphore_mem>> -> memref<!tpu.dma_semaphore, #tpu.memory_space<semaphore_mem>>
    %dma_start3A_397 = arith.constant 0 : i32
    %dma_start3A_398 = arith.constant 0 : i32
    %dma_start3A_399 = tpu.memref_slice %arg4[%add3A_384, %dma_start3A_397, %dma_start3A_398] : memref<4096x50x32xf32, #tpu.memory_space<hbm>> -> memref<1x50x32xf32, #tpu.memory_space<hbm>>
    %dma_start3A_400 = tpu.memref_squeeze %dma_start3A_399 : memref<1x50x32xf32, #tpu.memory_space<hbm>> -> memref<50x32xf32, #tpu.memory_space<hbm>>
    %dma_start3A_401 = arith.constant 0 : i32
    %dma_start3A_402 = arith.constant 0 : i32
    %dma_start3A_403 = tpu.memref_slice %arg6[%dma_start3A_385, %dma_start3A_401, %dma_start3A_402] : memref<8x50x32xf32, #tpu.memory_space<vmem>> -> memref<1x50x32xf32, #tpu.memory_space<vmem>>
    %dma_start3A_404 = tpu.memref_squeeze %dma_start3A_403 : memref<1x50x32xf32, #tpu.memory_space<vmem>> -> memref<50x32xf32, #tpu.memory_space<vmem>>
    tpu.enqueue_dma source(%dma_start3A_404 : memref<50x32xf32, #tpu.memory_space<vmem>>) target(%dma_start3A_400 : memref<50x32xf32, #tpu.memory_space<hbm>>) target_semaphore(%dma_start3A_396 : memref<!tpu.dma_semaphore, #tpu.memory_space<semaphore_mem>>)
    %dma_wait3A_405 = arith.constant 7 : i32
    %dma_wait3A_406 = arith.constant 7 : i32
    %dma_wait3A_407 = arith.constant 0 : i32
    %dma_wait3A_408 = arith.constant 0 : i32
    %dma_wait3A_409 = tpu.memref_slice %arg6[%dma_wait3A_405, %dma_wait3A_407, %dma_wait3A_408] : memref<8x50x32xf32, #tpu.memory_space<vmem>> -> memref<1x50x32xf32, #tpu.memory_space<vmem>>
    %dma_wait3A_410 = tpu.memref_squeeze %dma_wait3A_409 : memref<1x50x32xf32, #tpu.memory_space<vmem>> -> memref<50x32xf32, #tpu.memory_space<vmem>>
    %dma_wait3A_411 = arith.constant 0 : i32
    %dma_wait3A_412 = arith.constant 0 : i32
    %dma_wait3A_413 = tpu.memref_slice %arg3[%dma_wait3A_411, %dma_wait3A_412] : memref<100001x32xf32, #tpu.memory_space<hbm>> -> memref<50x32xf32, #tpu.memory_space<hbm>>
    %dma_wait3A_414 = tpu.memref_slice %arg7[%dma_wait3A_406] : memref<8x!tpu.dma_semaphore, #tpu.memory_space<semaphore_mem>> -> memref<1x!tpu.dma_semaphore, #tpu.memory_space<semaphore_mem>>
    %dma_wait3A_415 = tpu.memref_squeeze %dma_wait3A_414 : memref<1x!tpu.dma_semaphore, #tpu.memory_space<semaphore_mem>> -> memref<!tpu.dma_semaphore, #tpu.memory_space<semaphore_mem>>
    %dma_wait3A_416 = arith.constant 0 : i32
    %dma_wait3A_417 = arith.constant 0 : i32
    %dma_wait3A_418 = tpu.memref_slice %arg6[%dma_wait3A_405, %dma_wait3A_416, %dma_wait3A_417] : memref<8x50x32xf32, #tpu.memory_space<vmem>> -> memref<1x50x32xf32, #tpu.memory_space<vmem>>
    %dma_wait3A_419 = tpu.memref_squeeze %dma_wait3A_418 : memref<1x50x32xf32, #tpu.memory_space<vmem>> -> memref<50x32xf32, #tpu.memory_space<vmem>>
    %dma_wait3A_420 = arith.constant 0 : i32
    %dma_wait3A_421 = arith.constant 0 : i32
    %dma_wait3A_422 = tpu.memref_slice %arg3[%dma_wait3A_420, %dma_wait3A_421] : memref<100001x32xf32, #tpu.memory_space<hbm>> -> memref<50x32xf32, #tpu.memory_space<hbm>>
    tpu.wait_dma2 semaphore(%dma_wait3A_415 : memref<!tpu.dma_semaphore, #tpu.memory_space<semaphore_mem>>) src(%dma_wait3A_422 : memref<50x32xf32, #tpu.memory_space<hbm>>) dst(%dma_wait3A_419 : memref<50x32xf32, #tpu.memory_space<vmem>>)
    %add3A_423 = arith.constant 127 : i32
    %add3A_424 = arith.addi %mul3A_2, %add3A_423 : i32
    %dma_start3A_425 = arith.constant 7 : i32
    %dma_start3A_426 = arith.constant 7 : i32
    %dma_start3A_427 = arith.constant 0 : i32
    %dma_start3A_428 = arith.constant 0 : i32
    %dma_start3A_429 = tpu.memref_slice %arg6[%dma_start3A_425, %dma_start3A_427, %dma_start3A_428] : memref<8x50x32xf32, #tpu.memory_space<vmem>> -> memref<1x50x32xf32, #tpu.memory_space<vmem>>
    %dma_start3A_430 = tpu.memref_squeeze %dma_start3A_429 : memref<1x50x32xf32, #tpu.memory_space<vmem>> -> memref<50x32xf32, #tpu.memory_space<vmem>>
    %dma_start3A_431 = arith.constant 0 : i32
    %dma_start3A_432 = arith.constant 0 : i32
    %dma_start3A_433 = tpu.memref_slice %arg4[%add3A_424, %dma_start3A_431, %dma_start3A_432] : memref<4096x50x32xf32, #tpu.memory_space<hbm>> -> memref<1x50x32xf32, #tpu.memory_space<hbm>>
    %dma_start3A_434 = tpu.memref_squeeze %dma_start3A_433 : memref<1x50x32xf32, #tpu.memory_space<hbm>> -> memref<50x32xf32, #tpu.memory_space<hbm>>
    %dma_start3A_435 = tpu.memref_slice %arg8[%dma_start3A_426] : memref<8x!tpu.dma_semaphore, #tpu.memory_space<semaphore_mem>> -> memref<1x!tpu.dma_semaphore, #tpu.memory_space<semaphore_mem>>
    %dma_start3A_436 = tpu.memref_squeeze %dma_start3A_435 : memref<1x!tpu.dma_semaphore, #tpu.memory_space<semaphore_mem>> -> memref<!tpu.dma_semaphore, #tpu.memory_space<semaphore_mem>>
    %dma_start3A_437 = arith.constant 0 : i32
    %dma_start3A_438 = arith.constant 0 : i32
    %dma_start3A_439 = tpu.memref_slice %arg4[%add3A_424, %dma_start3A_437, %dma_start3A_438] : memref<4096x50x32xf32, #tpu.memory_space<hbm>> -> memref<1x50x32xf32, #tpu.memory_space<hbm>>
    %dma_start3A_440 = tpu.memref_squeeze %dma_start3A_439 : memref<1x50x32xf32, #tpu.memory_space<hbm>> -> memref<50x32xf32, #tpu.memory_space<hbm>>
    %dma_start3A_441 = arith.constant 0 : i32
    %dma_start3A_442 = arith.constant 0 : i32
    %dma_start3A_443 = tpu.memref_slice %arg6[%dma_start3A_425, %dma_start3A_441, %dma_start3A_442] : memref<8x50x32xf32, #tpu.memory_space<vmem>> -> memref<1x50x32xf32, #tpu.memory_space<vmem>>
    %dma_start3A_444 = tpu.memref_squeeze %dma_start3A_443 : memref<1x50x32xf32, #tpu.memory_space<vmem>> -> memref<50x32xf32, #tpu.memory_space<vmem>>
    tpu.enqueue_dma source(%dma_start3A_444 : memref<50x32xf32, #tpu.memory_space<vmem>>) target(%dma_start3A_440 : memref<50x32xf32, #tpu.memory_space<hbm>>) target_semaphore(%dma_start3A_436 : memref<!tpu.dma_semaphore, #tpu.memory_space<semaphore_mem>>)
    %add3A_445 = arith.constant 120 : i32
    %add3A_446 = arith.addi %mul3A_2, %add3A_445 : i32
    %dma_wait3A_447 = arith.constant 0 : i32
    %dma_wait3A_448 = arith.constant 0 : i32
    %dma_wait3A_449 = arith.constant 0 : i32
    %dma_wait3A_450 = arith.constant 0 : i32
    %dma_wait3A_451 = tpu.memref_slice %arg6[%dma_wait3A_447, %dma_wait3A_449, %dma_wait3A_450] : memref<8x50x32xf32, #tpu.memory_space<vmem>> -> memref<1x50x32xf32, #tpu.memory_space<vmem>>
    %dma_wait3A_452 = tpu.memref_squeeze %dma_wait3A_451 : memref<1x50x32xf32, #tpu.memory_space<vmem>> -> memref<50x32xf32, #tpu.memory_space<vmem>>
    %dma_wait3A_453 = arith.constant 0 : i32
    %dma_wait3A_454 = arith.constant 0 : i32
    %dma_wait3A_455 = tpu.memref_slice %arg4[%add3A_446, %dma_wait3A_453, %dma_wait3A_454] : memref<4096x50x32xf32, #tpu.memory_space<hbm>> -> memref<1x50x32xf32, #tpu.memory_space<hbm>>
    %dma_wait3A_456 = tpu.memref_squeeze %dma_wait3A_455 : memref<1x50x32xf32, #tpu.memory_space<hbm>> -> memref<50x32xf32, #tpu.memory_space<hbm>>
    %dma_wait3A_457 = tpu.memref_slice %arg8[%dma_wait3A_448] : memref<8x!tpu.dma_semaphore, #tpu.memory_space<semaphore_mem>> -> memref<1x!tpu.dma_semaphore, #tpu.memory_space<semaphore_mem>>
    %dma_wait3A_458 = tpu.memref_squeeze %dma_wait3A_457 : memref<1x!tpu.dma_semaphore, #tpu.memory_space<semaphore_mem>> -> memref<!tpu.dma_semaphore, #tpu.memory_space<semaphore_mem>>
    %dma_wait3A_459 = arith.constant 0 : i32
    %dma_wait3A_460 = arith.constant 0 : i32
    %dma_wait3A_461 = tpu.memref_slice %arg4[%add3A_446, %dma_wait3A_459, %dma_wait3A_460] : memref<4096x50x32xf32, #tpu.memory_space<hbm>> -> memref<1x50x32xf32, #tpu.memory_space<hbm>>
    %dma_wait3A_462 = tpu.memref_squeeze %dma_wait3A_461 : memref<1x50x32xf32, #tpu.memory_space<hbm>> -> memref<50x32xf32, #tpu.memory_space<hbm>>
    %dma_wait3A_463 = arith.constant 0 : i32
    %dma_wait3A_464 = arith.constant 0 : i32
    %dma_wait3A_465 = tpu.memref_slice %arg6[%dma_wait3A_447, %dma_wait3A_463, %dma_wait3A_464] : memref<8x50x32xf32, #tpu.memory_space<vmem>> -> memref<1x50x32xf32, #tpu.memory_space<vmem>>
    %dma_wait3A_466 = tpu.memref_squeeze %dma_wait3A_465 : memref<1x50x32xf32, #tpu.memory_space<vmem>> -> memref<50x32xf32, #tpu.memory_space<vmem>>
    tpu.wait_dma2 semaphore(%dma_wait3A_458 : memref<!tpu.dma_semaphore, #tpu.memory_space<semaphore_mem>>) src(%dma_wait3A_466 : memref<50x32xf32, #tpu.memory_space<vmem>>) dst(%dma_wait3A_462 : memref<50x32xf32, #tpu.memory_space<hbm>>)
    %add3A_467 = arith.constant 121 : i32
    %add3A_468 = arith.addi %mul3A_2, %add3A_467 : i32
    %dma_wait3A_469 = arith.constant 1 : i32
    %dma_wait3A_470 = arith.constant 1 : i32
    %dma_wait3A_471 = arith.constant 0 : i32
    %dma_wait3A_472 = arith.constant 0 : i32
    %dma_wait3A_473 = tpu.memref_slice %arg6[%dma_wait3A_469, %dma_wait3A_471, %dma_wait3A_472] : memref<8x50x32xf32, #tpu.memory_space<vmem>> -> memref<1x50x32xf32, #tpu.memory_space<vmem>>
    %dma_wait3A_474 = tpu.memref_squeeze %dma_wait3A_473 : memref<1x50x32xf32, #tpu.memory_space<vmem>> -> memref<50x32xf32, #tpu.memory_space<vmem>>
    %dma_wait3A_475 = arith.constant 0 : i32
    %dma_wait3A_476 = arith.constant 0 : i32
    %dma_wait3A_477 = tpu.memref_slice %arg4[%add3A_468, %dma_wait3A_475, %dma_wait3A_476] : memref<4096x50x32xf32, #tpu.memory_space<hbm>> -> memref<1x50x32xf32, #tpu.memory_space<hbm>>
    %dma_wait3A_478 = tpu.memref_squeeze %dma_wait3A_477 : memref<1x50x32xf32, #tpu.memory_space<hbm>> -> memref<50x32xf32, #tpu.memory_space<hbm>>
    %dma_wait3A_479 = tpu.memref_slice %arg8[%dma_wait3A_470] : memref<8x!tpu.dma_semaphore, #tpu.memory_space<semaphore_mem>> -> memref<1x!tpu.dma_semaphore, #tpu.memory_space<semaphore_mem>>
    %dma_wait3A_480 = tpu.memref_squeeze %dma_wait3A_479 : memref<1x!tpu.dma_semaphore, #tpu.memory_space<semaphore_mem>> -> memref<!tpu.dma_semaphore, #tpu.memory_space<semaphore_mem>>
    %dma_wait3A_481 = arith.constant 0 : i32
    %dma_wait3A_482 = arith.constant 0 : i32
    %dma_wait3A_483 = tpu.memref_slice %arg4[%add3A_468, %dma_wait3A_481, %dma_wait3A_482] : memref<4096x50x32xf32, #tpu.memory_space<hbm>> -> memref<1x50x32xf32, #tpu.memory_space<hbm>>
    %dma_wait3A_484 = tpu.memref_squeeze %dma_wait3A_483 : memref<1x50x32xf32, #tpu.memory_space<hbm>> -> memref<50x32xf32, #tpu.memory_space<hbm>>
    %dma_wait3A_485 = arith.constant 0 : i32
    %dma_wait3A_486 = arith.constant 0 : i32
    %dma_wait3A_487 = tpu.memref_slice %arg6[%dma_wait3A_469, %dma_wait3A_485, %dma_wait3A_486] : memref<8x50x32xf32, #tpu.memory_space<vmem>> -> memref<1x50x32xf32, #tpu.memory_space<vmem>>
    %dma_wait3A_488 = tpu.memref_squeeze %dma_wait3A_487 : memref<1x50x32xf32, #tpu.memory_space<vmem>> -> memref<50x32xf32, #tpu.memory_space<vmem>>
    tpu.wait_dma2 semaphore(%dma_wait3A_480 : memref<!tpu.dma_semaphore, #tpu.memory_space<semaphore_mem>>) src(%dma_wait3A_488 : memref<50x32xf32, #tpu.memory_space<vmem>>) dst(%dma_wait3A_484 : memref<50x32xf32, #tpu.memory_space<hbm>>)
    %add3A_489 = arith.constant 122 : i32
    %add3A_490 = arith.addi %mul3A_2, %add3A_489 : i32
    %dma_wait3A_491 = arith.constant 2 : i32
    %dma_wait3A_492 = arith.constant 2 : i32
    %dma_wait3A_493 = arith.constant 0 : i32
    %dma_wait3A_494 = arith.constant 0 : i32
    %dma_wait3A_495 = tpu.memref_slice %arg6[%dma_wait3A_491, %dma_wait3A_493, %dma_wait3A_494] : memref<8x50x32xf32, #tpu.memory_space<vmem>> -> memref<1x50x32xf32, #tpu.memory_space<vmem>>
    %dma_wait3A_496 = tpu.memref_squeeze %dma_wait3A_495 : memref<1x50x32xf32, #tpu.memory_space<vmem>> -> memref<50x32xf32, #tpu.memory_space<vmem>>
    %dma_wait3A_497 = arith.constant 0 : i32
    %dma_wait3A_498 = arith.constant 0 : i32
    %dma_wait3A_499 = tpu.memref_slice %arg4[%add3A_490, %dma_wait3A_497, %dma_wait3A_498] : memref<4096x50x32xf32, #tpu.memory_space<hbm>> -> memref<1x50x32xf32, #tpu.memory_space<hbm>>
    %dma_wait3A_500 = tpu.memref_squeeze %dma_wait3A_499 : memref<1x50x32xf32, #tpu.memory_space<hbm>> -> memref<50x32xf32, #tpu.memory_space<hbm>>
    %dma_wait3A_501 = tpu.memref_slice %arg8[%dma_wait3A_492] : memref<8x!tpu.dma_semaphore, #tpu.memory_space<semaphore_mem>> -> memref<1x!tpu.dma_semaphore, #tpu.memory_space<semaphore_mem>>
    %dma_wait3A_502 = tpu.memref_squeeze %dma_wait3A_501 : memref<1x!tpu.dma_semaphore, #tpu.memory_space<semaphore_mem>> -> memref<!tpu.dma_semaphore, #tpu.memory_space<semaphore_mem>>
    %dma_wait3A_503 = arith.constant 0 : i32
    %dma_wait3A_504 = arith.constant 0 : i32
    %dma_wait3A_505 = tpu.memref_slice %arg4[%add3A_490, %dma_wait3A_503, %dma_wait3A_504] : memref<4096x50x32xf32, #tpu.memory_space<hbm>> -> memref<1x50x32xf32, #tpu.memory_space<hbm>>
    %dma_wait3A_506 = tpu.memref_squeeze %dma_wait3A_505 : memref<1x50x32xf32, #tpu.memory_space<hbm>> -> memref<50x32xf32, #tpu.memory_space<hbm>>
    %dma_wait3A_507 = arith.constant 0 : i32
    %dma_wait3A_508 = arith.constant 0 : i32
    %dma_wait3A_509 = tpu.memref_slice %arg6[%dma_wait3A_491, %dma_wait3A_507, %dma_wait3A_508] : memref<8x50x32xf32, #tpu.memory_space<vmem>> -> memref<1x50x32xf32, #tpu.memory_space<vmem>>
    %dma_wait3A_510 = tpu.memref_squeeze %dma_wait3A_509 : memref<1x50x32xf32, #tpu.memory_space<vmem>> -> memref<50x32xf32, #tpu.memory_space<vmem>>
    tpu.wait_dma2 semaphore(%dma_wait3A_502 : memref<!tpu.dma_semaphore, #tpu.memory_space<semaphore_mem>>) src(%dma_wait3A_510 : memref<50x32xf32, #tpu.memory_space<vmem>>) dst(%dma_wait3A_506 : memref<50x32xf32, #tpu.memory_space<hbm>>)
    %add3A_511 = arith.constant 123 : i32
    %add3A_512 = arith.addi %mul3A_2, %add3A_511 : i32
    %dma_wait3A_513 = arith.constant 3 : i32
    %dma_wait3A_514 = arith.constant 3 : i32
    %dma_wait3A_515 = arith.constant 0 : i32
    %dma_wait3A_516 = arith.constant 0 : i32
    %dma_wait3A_517 = tpu.memref_slice %arg6[%dma_wait3A_513, %dma_wait3A_515, %dma_wait3A_516] : memref<8x50x32xf32, #tpu.memory_space<vmem>> -> memref<1x50x32xf32, #tpu.memory_space<vmem>>
    %dma_wait3A_518 = tpu.memref_squeeze %dma_wait3A_517 : memref<1x50x32xf32, #tpu.memory_space<vmem>> -> memref<50x32xf32, #tpu.memory_space<vmem>>
    %dma_wait3A_519 = arith.constant 0 : i32
    %dma_wait3A_520 = arith.constant 0 : i32
    %dma_wait3A_521 = tpu.memref_slice %arg4[%add3A_512, %dma_wait3A_519, %dma_wait3A_520] : memref<4096x50x32xf32, #tpu.memory_space<hbm>> -> memref<1x50x32xf32, #tpu.memory_space<hbm>>
    %dma_wait3A_522 = tpu.memref_squeeze %dma_wait3A_521 : memref<1x50x32xf32, #tpu.memory_space<hbm>> -> memref<50x32xf32, #tpu.memory_space<hbm>>
    %dma_wait3A_523 = tpu.memref_slice %arg8[%dma_wait3A_514] : memref<8x!tpu.dma_semaphore, #tpu.memory_space<semaphore_mem>> -> memref<1x!tpu.dma_semaphore, #tpu.memory_space<semaphore_mem>>
    %dma_wait3A_524 = tpu.memref_squeeze %dma_wait3A_523 : memref<1x!tpu.dma_semaphore, #tpu.memory_space<semaphore_mem>> -> memref<!tpu.dma_semaphore, #tpu.memory_space<semaphore_mem>>
    %dma_wait3A_525 = arith.constant 0 : i32
    %dma_wait3A_526 = arith.constant 0 : i32
    %dma_wait3A_527 = tpu.memref_slice %arg4[%add3A_512, %dma_wait3A_525, %dma_wait3A_526] : memref<4096x50x32xf32, #tpu.memory_space<hbm>> -> memref<1x50x32xf32, #tpu.memory_space<hbm>>
    %dma_wait3A_528 = tpu.memref_squeeze %dma_wait3A_527 : memref<1x50x32xf32, #tpu.memory_space<hbm>> -> memref<50x32xf32, #tpu.memory_space<hbm>>
    %dma_wait3A_529 = arith.constant 0 : i32
    %dma_wait3A_530 = arith.constant 0 : i32
    %dma_wait3A_531 = tpu.memref_slice %arg6[%dma_wait3A_513, %dma_wait3A_529, %dma_wait3A_530] : memref<8x50x32xf32, #tpu.memory_space<vmem>> -> memref<1x50x32xf32, #tpu.memory_space<vmem>>
    %dma_wait3A_532 = tpu.memref_squeeze %dma_wait3A_531 : memref<1x50x32xf32, #tpu.memory_space<vmem>> -> memref<50x32xf32, #tpu.memory_space<vmem>>
    tpu.wait_dma2 semaphore(%dma_wait3A_524 : memref<!tpu.dma_semaphore, #tpu.memory_space<semaphore_mem>>) src(%dma_wait3A_532 : memref<50x32xf32, #tpu.memory_space<vmem>>) dst(%dma_wait3A_528 : memref<50x32xf32, #tpu.memory_space<hbm>>)
    %add3A_533 = arith.constant 124 : i32
    %add3A_534 = arith.addi %mul3A_2, %add3A_533 : i32
    %dma_wait3A_535 = arith.constant 4 : i32
    %dma_wait3A_536 = arith.constant 4 : i32
    %dma_wait3A_537 = arith.constant 0 : i32
    %dma_wait3A_538 = arith.constant 0 : i32
    %dma_wait3A_539 = tpu.memref_slice %arg6[%dma_wait3A_535, %dma_wait3A_537, %dma_wait3A_538] : memref<8x50x32xf32, #tpu.memory_space<vmem>> -> memref<1x50x32xf32, #tpu.memory_space<vmem>>
    %dma_wait3A_540 = tpu.memref_squeeze %dma_wait3A_539 : memref<1x50x32xf32, #tpu.memory_space<vmem>> -> memref<50x32xf32, #tpu.memory_space<vmem>>
    %dma_wait3A_541 = arith.constant 0 : i32
    %dma_wait3A_542 = arith.constant 0 : i32
    %dma_wait3A_543 = tpu.memref_slice %arg4[%add3A_534, %dma_wait3A_541, %dma_wait3A_542] : memref<4096x50x32xf32, #tpu.memory_space<hbm>> -> memref<1x50x32xf32, #tpu.memory_space<hbm>>
    %dma_wait3A_544 = tpu.memref_squeeze %dma_wait3A_543 : memref<1x50x32xf32, #tpu.memory_space<hbm>> -> memref<50x32xf32, #tpu.memory_space<hbm>>
    %dma_wait3A_545 = tpu.memref_slice %arg8[%dma_wait3A_536] : memref<8x!tpu.dma_semaphore, #tpu.memory_space<semaphore_mem>> -> memref<1x!tpu.dma_semaphore, #tpu.memory_space<semaphore_mem>>
    %dma_wait3A_546 = tpu.memref_squeeze %dma_wait3A_545 : memref<1x!tpu.dma_semaphore, #tpu.memory_space<semaphore_mem>> -> memref<!tpu.dma_semaphore, #tpu.memory_space<semaphore_mem>>
    %dma_wait3A_547 = arith.constant 0 : i32
    %dma_wait3A_548 = arith.constant 0 : i32
    %dma_wait3A_549 = tpu.memref_slice %arg4[%add3A_534, %dma_wait3A_547, %dma_wait3A_548] : memref<4096x50x32xf32, #tpu.memory_space<hbm>> -> memref<1x50x32xf32, #tpu.memory_space<hbm>>
    %dma_wait3A_550 = tpu.memref_squeeze %dma_wait3A_549 : memref<1x50x32xf32, #tpu.memory_space<hbm>> -> memref<50x32xf32, #tpu.memory_space<hbm>>
    %dma_wait3A_551 = arith.constant 0 : i32
    %dma_wait3A_552 = arith.constant 0 : i32
    %dma_wait3A_553 = tpu.memref_slice %arg6[%dma_wait3A_535, %dma_wait3A_551, %dma_wait3A_552] : memref<8x50x32xf32, #tpu.memory_space<vmem>> -> memref<1x50x32xf32, #tpu.memory_space<vmem>>
    %dma_wait3A_554 = tpu.memref_squeeze %dma_wait3A_553 : memref<1x50x32xf32, #tpu.memory_space<vmem>> -> memref<50x32xf32, #tpu.memory_space<vmem>>
    tpu.wait_dma2 semaphore(%dma_wait3A_546 : memref<!tpu.dma_semaphore, #tpu.memory_space<semaphore_mem>>) src(%dma_wait3A_554 : memref<50x32xf32, #tpu.memory_space<vmem>>) dst(%dma_wait3A_550 : memref<50x32xf32, #tpu.memory_space<hbm>>)
    %add3A_555 = arith.constant 125 : i32
    %add3A_556 = arith.addi %mul3A_2, %add3A_555 : i32
    %dma_wait3A_557 = arith.constant 5 : i32
    %dma_wait3A_558 = arith.constant 5 : i32
    %dma_wait3A_559 = arith.constant 0 : i32
    %dma_wait3A_560 = arith.constant 0 : i32
    %dma_wait3A_561 = tpu.memref_slice %arg6[%dma_wait3A_557, %dma_wait3A_559, %dma_wait3A_560] : memref<8x50x32xf32, #tpu.memory_space<vmem>> -> memref<1x50x32xf32, #tpu.memory_space<vmem>>
    %dma_wait3A_562 = tpu.memref_squeeze %dma_wait3A_561 : memref<1x50x32xf32, #tpu.memory_space<vmem>> -> memref<50x32xf32, #tpu.memory_space<vmem>>
    %dma_wait3A_563 = arith.constant 0 : i32
    %dma_wait3A_564 = arith.constant 0 : i32
    %dma_wait3A_565 = tpu.memref_slice %arg4[%add3A_556, %dma_wait3A_563, %dma_wait3A_564] : memref<4096x50x32xf32, #tpu.memory_space<hbm>> -> memref<1x50x32xf32, #tpu.memory_space<hbm>>
    %dma_wait3A_566 = tpu.memref_squeeze %dma_wait3A_565 : memref<1x50x32xf32, #tpu.memory_space<hbm>> -> memref<50x32xf32, #tpu.memory_space<hbm>>
    %dma_wait3A_567 = tpu.memref_slice %arg8[%dma_wait3A_558] : memref<8x!tpu.dma_semaphore, #tpu.memory_space<semaphore_mem>> -> memref<1x!tpu.dma_semaphore, #tpu.memory_space<semaphore_mem>>
    %dma_wait3A_568 = tpu.memref_squeeze %dma_wait3A_567 : memref<1x!tpu.dma_semaphore, #tpu.memory_space<semaphore_mem>> -> memref<!tpu.dma_semaphore, #tpu.memory_space<semaphore_mem>>
    %dma_wait3A_569 = arith.constant 0 : i32
    %dma_wait3A_570 = arith.constant 0 : i32
    %dma_wait3A_571 = tpu.memref_slice %arg4[%add3A_556, %dma_wait3A_569, %dma_wait3A_570] : memref<4096x50x32xf32, #tpu.memory_space<hbm>> -> memref<1x50x32xf32, #tpu.memory_space<hbm>>
    %dma_wait3A_572 = tpu.memref_squeeze %dma_wait3A_571 : memref<1x50x32xf32, #tpu.memory_space<hbm>> -> memref<50x32xf32, #tpu.memory_space<hbm>>
    %dma_wait3A_573 = arith.constant 0 : i32
    %dma_wait3A_574 = arith.constant 0 : i32
    %dma_wait3A_575 = tpu.memref_slice %arg6[%dma_wait3A_557, %dma_wait3A_573, %dma_wait3A_574] : memref<8x50x32xf32, #tpu.memory_space<vmem>> -> memref<1x50x32xf32, #tpu.memory_space<vmem>>
    %dma_wait3A_576 = tpu.memref_squeeze %dma_wait3A_575 : memref<1x50x32xf32, #tpu.memory_space<vmem>> -> memref<50x32xf32, #tpu.memory_space<vmem>>
    tpu.wait_dma2 semaphore(%dma_wait3A_568 : memref<!tpu.dma_semaphore, #tpu.memory_space<semaphore_mem>>) src(%dma_wait3A_576 : memref<50x32xf32, #tpu.memory_space<vmem>>) dst(%dma_wait3A_572 : memref<50x32xf32, #tpu.memory_space<hbm>>)
    %add3A_577 = arith.constant 126 : i32
    %add3A_578 = arith.addi %mul3A_2, %add3A_577 : i32
    %dma_wait3A_579 = arith.constant 6 : i32
    %dma_wait3A_580 = arith.constant 6 : i32
    %dma_wait3A_581 = arith.constant 0 : i32
    %dma_wait3A_582 = arith.constant 0 : i32
    %dma_wait3A_583 = tpu.memref_slice %arg6[%dma_wait3A_579, %dma_wait3A_581, %dma_wait3A_582] : memref<8x50x32xf32, #tpu.memory_space<vmem>> -> memref<1x50x32xf32, #tpu.memory_space<vmem>>
    %dma_wait3A_584 = tpu.memref_squeeze %dma_wait3A_583 : memref<1x50x32xf32, #tpu.memory_space<vmem>> -> memref<50x32xf32, #tpu.memory_space<vmem>>
    %dma_wait3A_585 = arith.constant 0 : i32
    %dma_wait3A_586 = arith.constant 0 : i32
    %dma_wait3A_587 = tpu.memref_slice %arg4[%add3A_578, %dma_wait3A_585, %dma_wait3A_586] : memref<4096x50x32xf32, #tpu.memory_space<hbm>> -> memref<1x50x32xf32, #tpu.memory_space<hbm>>
    %dma_wait3A_588 = tpu.memref_squeeze %dma_wait3A_587 : memref<1x50x32xf32, #tpu.memory_space<hbm>> -> memref<50x32xf32, #tpu.memory_space<hbm>>
    %dma_wait3A_589 = tpu.memref_slice %arg8[%dma_wait3A_580] : memref<8x!tpu.dma_semaphore, #tpu.memory_space<semaphore_mem>> -> memref<1x!tpu.dma_semaphore, #tpu.memory_space<semaphore_mem>>
    %dma_wait3A_590 = tpu.memref_squeeze %dma_wait3A_589 : memref<1x!tpu.dma_semaphore, #tpu.memory_space<semaphore_mem>> -> memref<!tpu.dma_semaphore, #tpu.memory_space<semaphore_mem>>
    %dma_wait3A_591 = arith.constant 0 : i32
    %dma_wait3A_592 = arith.constant 0 : i32
    %dma_wait3A_593 = tpu.memref_slice %arg4[%add3A_578, %dma_wait3A_591, %dma_wait3A_592] : memref<4096x50x32xf32, #tpu.memory_space<hbm>> -> memref<1x50x32xf32, #tpu.memory_space<hbm>>
    %dma_wait3A_594 = tpu.memref_squeeze %dma_wait3A_593 : memref<1x50x32xf32, #tpu.memory_space<hbm>> -> memref<50x32xf32, #tpu.memory_space<hbm>>
    %dma_wait3A_595 = arith.constant 0 : i32
    %dma_wait3A_596 = arith.constant 0 : i32
    %dma_wait3A_597 = tpu.memref_slice %arg6[%dma_wait3A_579, %dma_wait3A_595, %dma_wait3A_596] : memref<8x50x32xf32, #tpu.memory_space<vmem>> -> memref<1x50x32xf32, #tpu.memory_space<vmem>>
    %dma_wait3A_598 = tpu.memref_squeeze %dma_wait3A_597 : memref<1x50x32xf32, #tpu.memory_space<vmem>> -> memref<50x32xf32, #tpu.memory_space<vmem>>
    tpu.wait_dma2 semaphore(%dma_wait3A_590 : memref<!tpu.dma_semaphore, #tpu.memory_space<semaphore_mem>>) src(%dma_wait3A_598 : memref<50x32xf32, #tpu.memory_space<vmem>>) dst(%dma_wait3A_594 : memref<50x32xf32, #tpu.memory_space<hbm>>)
    %add3A_599 = arith.constant 127 : i32
    %add3A_600 = arith.addi %mul3A_2, %add3A_599 : i32
    %dma_wait3A_601 = arith.constant 7 : i32
    %dma_wait3A_602 = arith.constant 7 : i32
    %dma_wait3A_603 = arith.constant 0 : i32
    %dma_wait3A_604 = arith.constant 0 : i32
    %dma_wait3A_605 = tpu.memref_slice %arg6[%dma_wait3A_601, %dma_wait3A_603, %dma_wait3A_604] : memref<8x50x32xf32, #tpu.memory_space<vmem>> -> memref<1x50x32xf32, #tpu.memory_space<vmem>>
    %dma_wait3A_606 = tpu.memref_squeeze %dma_wait3A_605 : memref<1x50x32xf32, #tpu.memory_space<vmem>> -> memref<50x32xf32, #tpu.memory_space<vmem>>
    %dma_wait3A_607 = arith.constant 0 : i32
    %dma_wait3A_608 = arith.constant 0 : i32
    %dma_wait3A_609 = tpu.memref_slice %arg4[%add3A_600, %dma_wait3A_607, %dma_wait3A_608] : memref<4096x50x32xf32, #tpu.memory_space<hbm>> -> memref<1x50x32xf32, #tpu.memory_space<hbm>>
    %dma_wait3A_610 = tpu.memref_squeeze %dma_wait3A_609 : memref<1x50x32xf32, #tpu.memory_space<hbm>> -> memref<50x32xf32, #tpu.memory_space<hbm>>
    %dma_wait3A_611 = tpu.memref_slice %arg8[%dma_wait3A_602] : memref<8x!tpu.dma_semaphore, #tpu.memory_space<semaphore_mem>> -> memref<1x!tpu.dma_semaphore, #tpu.memory_space<semaphore_mem>>
    %dma_wait3A_612 = tpu.memref_squeeze %dma_wait3A_611 : memref<1x!tpu.dma_semaphore, #tpu.memory_space<semaphore_mem>> -> memref<!tpu.dma_semaphore, #tpu.memory_space<semaphore_mem>>
    %dma_wait3A_613 = arith.constant 0 : i32
    %dma_wait3A_614 = arith.constant 0 : i32
    %dma_wait3A_615 = tpu.memref_slice %arg4[%add3A_600, %dma_wait3A_613, %dma_wait3A_614] : memref<4096x50x32xf32, #tpu.memory_space<hbm>> -> memref<1x50x32xf32, #tpu.memory_space<hbm>>
    %dma_wait3A_616 = tpu.memref_squeeze %dma_wait3A_615 : memref<1x50x32xf32, #tpu.memory_space<hbm>> -> memref<50x32xf32, #tpu.memory_space<hbm>>
    %dma_wait3A_617 = arith.constant 0 : i32
    %dma_wait3A_618 = arith.constant 0 : i32
    %dma_wait3A_619 = tpu.memref_slice %arg6[%dma_wait3A_601, %dma_wait3A_617, %dma_wait3A_618] : memref<8x50x32xf32, #tpu.memory_space<vmem>> -> memref<1x50x32xf32, #tpu.memory_space<vmem>>
    %dma_wait3A_620 = tpu.memref_squeeze %dma_wait3A_619 : memref<1x50x32xf32, #tpu.memory_space<vmem>> -> memref<50x32xf32, #tpu.memory_space<vmem>>
    tpu.wait_dma2 semaphore(%dma_wait3A_612 : memref<!tpu.dma_semaphore, #tpu.memory_space<semaphore_mem>>) src(%dma_wait3A_620 : memref<50x32xf32, #tpu.memory_space<vmem>>) dst(%dma_wait3A_616 : memref<50x32xf32, #tpu.memory_space<hbm>>)
    return
  }
}

#map = affine_map<(d0, d1) -> (0, 0)>
#map1 = affine_map<(d0, d1) -> (0, 0, 0)>
module attributes {stable_mosaic.version = 14 : i64} {
  func.func @emb_kernel(%arg0: i32, %arg1: i32, %arg2: memref<50x4096xi32, #tpu.memory_space<hbm>>, %arg3: memref<100000x32xf32, #tpu.memory_space<hbm>>, %arg4: memref<50x4x32768xf32, #tpu.memory_space<hbm>>, %arg5: memref<50x128xi32, #tpu.memory_space<vmem>>, %arg6: memref<2x128x32xf32, #tpu.memory_space<vmem>>, %arg7: memref<2x4096xf32, #tpu.memory_space<vmem>>, %arg8: memref<2x!tpu.dma_semaphore, #tpu.memory_space<semaphore_mem>>, %arg9: memref<2x!tpu.dma_semaphore, #tpu.memory_space<semaphore_mem>>) attributes {dimension_semantics = [#tpu.dimension_semantics<core_parallel>, #tpu.dimension_semantics<subcore_parallel>], iteration_bounds = array<i64: 2, 16>, scalar_prefetch = 0 : i64, scratch_operands = 5 : i64, tpu.core_type = #tpu.core_type<sc_vector_subcore>, window_params = [{transform_indices = #map}, {transform_indices = #map}, {transform_indices = #map1}]} {
    %mul3A = arith.constant 2 : i32
    %mul3A_0 = arith.muli %arg1, %mul3A : i32
    %add3A = arith.addi %mul3A_0, %arg0 : i32
    %mul3A_1 = arith.constant 128 : i32
    %mul3A_2 = arith.muli %add3A, %mul3A_1 : i32
    "tpu.region"() ({
      %run_scoped3A = tpu.sem_alloc : memref<!tpu.dma_semaphore, #tpu.memory_space<semaphore_mem>>
      %dma_start3A_811 = arith.constant 0 : i32
      %dma_start3A_812 = tpu.memref_slice %arg2[%dma_start3A_811, %mul3A_2] : memref<50x4096xi32, #tpu.memory_space<hbm>> -> memref<50x128xi32, #tpu.memory_space<hbm>>
      %dma_start3A_813 = arith.constant 0 : i32
      %dma_start3A_814 = tpu.memref_slice %arg2[%dma_start3A_813, %mul3A_2] : memref<50x4096xi32, #tpu.memory_space<hbm>> -> memref<50x128xi32, #tpu.memory_space<hbm>>
      tpu.enqueue_dma source(%dma_start3A_814 : memref<50x128xi32, #tpu.memory_space<hbm>>) target(%arg5 : memref<50x128xi32, #tpu.memory_space<vmem>>) target_semaphore(%run_scoped3A : memref<!tpu.dma_semaphore, #tpu.memory_space<semaphore_mem>>)
      %dma_wait3A_815 = arith.constant 0 : i32
      %dma_wait3A_816 = tpu.memref_slice %arg2[%dma_wait3A_815, %mul3A_2] : memref<50x4096xi32, #tpu.memory_space<hbm>> -> memref<50x128xi32, #tpu.memory_space<hbm>>
      %dma_wait3A_817 = arith.constant 0 : i32
      %dma_wait3A_818 = tpu.memref_slice %arg2[%dma_wait3A_817, %mul3A_2] : memref<50x4096xi32, #tpu.memory_space<hbm>> -> memref<50x128xi32, #tpu.memory_space<hbm>>
      tpu.wait_dma2 semaphore(%run_scoped3A : memref<!tpu.dma_semaphore, #tpu.memory_space<semaphore_mem>>) src(%dma_wait3A_818 : memref<50x128xi32, #tpu.memory_space<hbm>>) dst(%arg5 : memref<50x128xi32, #tpu.memory_space<vmem>>)
      tpu.yield
    }) : () -> ()
    %iota3A = tpu.iota {dimensions = array<i32: 0>} : vector<16xi32>
    %and3A = arith.constant 7 : i32
    %and3A_3 = vector.broadcast %and3A : i32 to vector<16xi32>
    %and3A_4 = arith.andi %iota3A, %and3A_3 : vector<16xi32>
    %mul3A_5 = arith.constant 128 : i32
    %mul3A_6 = vector.broadcast %mul3A_5 : i32 to vector<16xi32>
    %mul3A_7 = arith.muli %and3A_4, %mul3A_6 : vector<16xi32>
    %shift_right_logical3A = arith.constant 3 : i32
    %shift_right_logical3A_8 = vector.broadcast %shift_right_logical3A : i32 to vector<16xi32>
    %shift_right_logical3A_9 = arith.shrui %iota3A, %shift_right_logical3A_8 : vector<16xi32>
    %mul3A_10 = arith.constant 1024 : i32
    %mul3A_11 = vector.broadcast %mul3A_10 : i32 to vector<16xi32>
    %mul3A_12 = arith.muli %shift_right_logical3A_9, %mul3A_11 : vector<16xi32>
    %add3A_13 = arith.addi %mul3A_12, %mul3A_7 : vector<16xi32>
    %add3A_14 = arith.constant 2048 : i32
    %add3A_15 = vector.broadcast %add3A_14 : i32 to vector<16xi32>
    %add3A_16 = arith.addi %add3A_13, %add3A_15 : vector<16xi32>
    %dma_start3A = arith.constant 0 : i32
    %dma_start3A_17 = arith.constant 0 : i32
    %dma_start3A_18 = arith.constant 0 : i32
    %dma_start3A_19 = arith.constant 0 : i32
    %dma_start3A_20 = arith.constant 0 : i32
    %dma_start3A_21 = tpu.memref_slice %arg6[%dma_start3A_17, %dma_start3A_19, %dma_start3A_20] : memref<2x128x32xf32, #tpu.memory_space<vmem>> -> memref<1x128x32xf32, #tpu.memory_space<vmem>>
    %dma_start3A_22 = tpu.memref_squeeze %dma_start3A_21 : memref<1x128x32xf32, #tpu.memory_space<vmem>> -> memref<128x32xf32, #tpu.memory_space<vmem>>
    %dma_start3A_23 = arith.constant 0 : i32
    %dma_start3A_24 = tpu.memref_slice %arg5[%dma_start3A, %dma_start3A_23] : memref<50x128xi32, #tpu.memory_space<vmem>> -> memref<1x128xi32, #tpu.memory_space<vmem>>
    %dma_start3A_25 = tpu.memref_squeeze %dma_start3A_24 : memref<1x128xi32, #tpu.memory_space<vmem>> -> memref<128xi32, #tpu.memory_space<vmem>>
    %dma_start3A_26 = arith.constant 0 : i32
    %dma_start3A_27 = arith.constant 0 : i32
    %dma_start3A_28 = tpu.memref_slice %arg3[%dma_start3A_26, %dma_start3A_27] : memref<100000x32xf32, #tpu.memory_space<hbm>> -> memref<100000x32xf32, #tpu.memory_space<hbm>>
    %dma_start3A_29 = tpu.memref_slice %arg8[%dma_start3A_18] : memref<2x!tpu.dma_semaphore, #tpu.memory_space<semaphore_mem>> -> memref<1x!tpu.dma_semaphore, #tpu.memory_space<semaphore_mem>>
    %dma_start3A_30 = tpu.memref_squeeze %dma_start3A_29 : memref<1x!tpu.dma_semaphore, #tpu.memory_space<semaphore_mem>> -> memref<!tpu.dma_semaphore, #tpu.memory_space<semaphore_mem>>
    tpu.enqueue_indirect_dma source(%dma_start3A_28 : memref<100000x32xf32, #tpu.memory_space<hbm>>) target(%dma_start3A_22 : memref<128x32xf32, #tpu.memory_space<vmem>>) offsets(%dma_start3A_25 : memref<128xi32, #tpu.memory_space<vmem>>) semaphore(%dma_start3A_30 : memref<!tpu.dma_semaphore, #tpu.memory_space<semaphore_mem>>)
    %dma_start3A_31 = arith.constant 1 : i32
    %dma_start3A_32 = arith.constant 1 : i32
    %dma_start3A_33 = arith.constant 1 : i32
    %dma_start3A_34 = arith.constant 0 : i32
    %dma_start3A_35 = arith.constant 0 : i32
    %dma_start3A_36 = tpu.memref_slice %arg6[%dma_start3A_32, %dma_start3A_34, %dma_start3A_35] : memref<2x128x32xf32, #tpu.memory_space<vmem>> -> memref<1x128x32xf32, #tpu.memory_space<vmem>>
    %dma_start3A_37 = tpu.memref_squeeze %dma_start3A_36 : memref<1x128x32xf32, #tpu.memory_space<vmem>> -> memref<128x32xf32, #tpu.memory_space<vmem>>
    %dma_start3A_38 = arith.constant 0 : i32
    %dma_start3A_39 = tpu.memref_slice %arg5[%dma_start3A_31, %dma_start3A_38] : memref<50x128xi32, #tpu.memory_space<vmem>> -> memref<1x128xi32, #tpu.memory_space<vmem>>
    %dma_start3A_40 = tpu.memref_squeeze %dma_start3A_39 : memref<1x128xi32, #tpu.memory_space<vmem>> -> memref<128xi32, #tpu.memory_space<vmem>>
    %dma_start3A_41 = arith.constant 0 : i32
    %dma_start3A_42 = arith.constant 0 : i32
    %dma_start3A_43 = tpu.memref_slice %arg3[%dma_start3A_41, %dma_start3A_42] : memref<100000x32xf32, #tpu.memory_space<hbm>> -> memref<100000x32xf32, #tpu.memory_space<hbm>>
    %dma_start3A_44 = tpu.memref_slice %arg8[%dma_start3A_33] : memref<2x!tpu.dma_semaphore, #tpu.memory_space<semaphore_mem>> -> memref<1x!tpu.dma_semaphore, #tpu.memory_space<semaphore_mem>>
    %dma_start3A_45 = tpu.memref_squeeze %dma_start3A_44 : memref<1x!tpu.dma_semaphore, #tpu.memory_space<semaphore_mem>> -> memref<!tpu.dma_semaphore, #tpu.memory_space<semaphore_mem>>
    tpu.enqueue_indirect_dma source(%dma_start3A_43 : memref<100000x32xf32, #tpu.memory_space<hbm>>) target(%dma_start3A_37 : memref<128x32xf32, #tpu.memory_space<vmem>>) offsets(%dma_start3A_40 : memref<128xi32, #tpu.memory_space<vmem>>) semaphore(%dma_start3A_45 : memref<!tpu.dma_semaphore, #tpu.memory_space<semaphore_mem>>)
    %dma_wait3A = arith.constant 0 : i32
    %dma_wait3A_46 = arith.constant 0 : i32
    %dma_wait3A_47 = arith.constant 0 : i32
    %dma_wait3A_48 = arith.constant 0 : i32
    %dma_wait3A_49 = tpu.memref_slice %arg6[%dma_wait3A, %dma_wait3A_47, %dma_wait3A_48] : memref<2x128x32xf32, #tpu.memory_space<vmem>> -> memref<1x128x32xf32, #tpu.memory_space<vmem>>
    %dma_wait3A_50 = tpu.memref_squeeze %dma_wait3A_49 : memref<1x128x32xf32, #tpu.memory_space<vmem>> -> memref<128x32xf32, #tpu.memory_space<vmem>>
    %dma_wait3A_51 = arith.constant 0 : i32
    %dma_wait3A_52 = arith.constant 0 : i32
    %dma_wait3A_53 = tpu.memref_slice %arg3[%dma_wait3A_51, %dma_wait3A_52] : memref<100000x32xf32, #tpu.memory_space<hbm>> -> memref<128x32xf32, #tpu.memory_space<hbm>>
    %dma_wait3A_54 = tpu.memref_slice %arg8[%dma_wait3A_46] : memref<2x!tpu.dma_semaphore, #tpu.memory_space<semaphore_mem>> -> memref<1x!tpu.dma_semaphore, #tpu.memory_space<semaphore_mem>>
    %dma_wait3A_55 = tpu.memref_squeeze %dma_wait3A_54 : memref<1x!tpu.dma_semaphore, #tpu.memory_space<semaphore_mem>> -> memref<!tpu.dma_semaphore, #tpu.memory_space<semaphore_mem>>
    %dma_wait3A_56 = arith.constant 0 : i32
    %dma_wait3A_57 = arith.constant 0 : i32
    %dma_wait3A_58 = tpu.memref_slice %arg6[%dma_wait3A, %dma_wait3A_56, %dma_wait3A_57] : memref<2x128x32xf32, #tpu.memory_space<vmem>> -> memref<1x128x32xf32, #tpu.memory_space<vmem>>
    %dma_wait3A_59 = tpu.memref_squeeze %dma_wait3A_58 : memref<1x128x32xf32, #tpu.memory_space<vmem>> -> memref<128x32xf32, #tpu.memory_space<vmem>>
    %dma_wait3A_60 = arith.constant 0 : i32
    %dma_wait3A_61 = arith.constant 0 : i32
    %dma_wait3A_62 = tpu.memref_slice %arg3[%dma_wait3A_60, %dma_wait3A_61] : memref<100000x32xf32, #tpu.memory_space<hbm>> -> memref<128x32xf32, #tpu.memory_space<hbm>>
    tpu.wait_dma2 semaphore(%dma_wait3A_55 : memref<!tpu.dma_semaphore, #tpu.memory_space<semaphore_mem>>) src(%dma_wait3A_62 : memref<128x32xf32, #tpu.memory_space<hbm>>) dst(%dma_wait3A_59 : memref<128x32xf32, #tpu.memory_space<vmem>>)
    %scan3A = arith.constant 0 : i32
    %scan3A_63 = arith.constant 128 : i32
    %scan3A_64 = arith.addi %scan3A, %scan3A_63 : i32
    %scan3A_65 = arith.constant 8 : i32
    scf.for %scan3A_811 = %scan3A to %scan3A_64 step %scan3A_65  : i32 {
      %mul3A_812 = arith.constant 1 : i32
      %mul3A_813 = arith.muli %scan3A_811, %mul3A_812 : i32
      %add3A_814 = arith.constant 0 : i32
      %add3A_815 = arith.addi %add3A_814, %mul3A_813 : i32
      %get3A = arith.constant 0 : i32
      %get3A_816 = arith.index_cast %get3A : i32 to index
      %get3A_817 = arith.index_cast %add3A_815 : i32 to index
      %get3A_818 = arith.constant 0 : index
      %get3A_819 = tpu.vector_load %arg6[%get3A_816, %get3A_817, %get3A_818] {strides = array<i32>} : memref<2x128x32xf32, #tpu.memory_space<vmem>>, vector<16xf32>,
      %add3A_820 = vector.broadcast %add3A_815 : i32 to vector<16xi32>
      %add3A_821 = arith.addi %add3A_13, %add3A_820 : vector<16xi32>
      %scatter3A = arith.constant 0 : i32
      %scatter3A_822 = arith.constant 0 : i32
      %scatter3A_823 = tpu.memref_slice %arg7[%scatter3A, %scatter3A_822] : memref<2x4096xf32, #tpu.memory_space<vmem>> -> memref<1x4096xf32, #tpu.memory_space<vmem>>
      %scatter3A_824 = tpu.memref_squeeze %scatter3A_823 : memref<1x4096xf32, #tpu.memory_space<vmem>> -> memref<4096xf32, #tpu.memory_space<vmem>>
      tpu.vector_store_idx %scatter3A_824[%add3A_821], %get3A_819 : memref<4096xf32, #tpu.memory_space<vmem>>[vector<16xi32>], vector<16xf32>,
      %get3A_825 = arith.constant 0 : i32
      %get3A_826 = arith.index_cast %get3A_825 : i32 to index
      %get3A_827 = arith.index_cast %add3A_815 : i32 to index
      %get3A_828 = arith.constant 16 : index
      %get3A_829 = tpu.vector_load %arg6[%get3A_826, %get3A_827, %get3A_828] {strides = array<i32>} : memref<2x128x32xf32, #tpu.memory_space<vmem>>, vector<16xf32>,
      %add3A_830 = vector.broadcast %add3A_815 : i32 to vector<16xi32>
      %add3A_831 = arith.addi %add3A_16, %add3A_830 : vector<16xi32>
      %scatter3A_832 = arith.constant 0 : i32
      %scatter3A_833 = arith.constant 0 : i32
      %scatter3A_834 = tpu.memref_slice %arg7[%scatter3A_832, %scatter3A_833] : memref<2x4096xf32, #tpu.memory_space<vmem>> -> memref<1x4096xf32, #tpu.memory_space<vmem>>
      %scatter3A_835 = tpu.memref_squeeze %scatter3A_834 : memref<1x4096xf32, #tpu.memory_space<vmem>> -> memref<4096xf32, #tpu.memory_space<vmem>>
      tpu.vector_store_idx %scatter3A_835[%add3A_831], %get3A_829 : memref<4096xf32, #tpu.memory_space<vmem>>[vector<16xi32>], vector<16xf32>,
      %scan3A_836 = arith.constant 1 : i32
      %scan3A_837 = arith.addi %scan3A_811, %scan3A_836 : i32
      %mul3A_838 = arith.constant 1 : i32
      %mul3A_839 = arith.muli %scan3A_837, %mul3A_838 : i32
      %add3A_840 = arith.constant 0 : i32
      %add3A_841 = arith.addi %add3A_840, %mul3A_839 : i32
      %get3A_842 = arith.constant 0 : i32
      %get3A_843 = arith.index_cast %get3A_842 : i32 to index
      %get3A_844 = arith.index_cast %add3A_841 : i32 to index
      %get3A_845 = arith.constant 0 : index
      %get3A_846 = tpu.vector_load %arg6[%get3A_843, %get3A_844, %get3A_845] {strides = array<i32>} : memref<2x128x32xf32, #tpu.memory_space<vmem>>, vector<16xf32>,
      %add3A_847 = vector.broadcast %add3A_841 : i32 to vector<16xi32>
      %add3A_848 = arith.addi %add3A_13, %add3A_847 : vector<16xi32>
      %scatter3A_849 = arith.constant 0 : i32
      %scatter3A_850 = arith.constant 0 : i32
      %scatter3A_851 = tpu.memref_slice %arg7[%scatter3A_849, %scatter3A_850] : memref<2x4096xf32, #tpu.memory_space<vmem>> -> memref<1x4096xf32, #tpu.memory_space<vmem>>
      %scatter3A_852 = tpu.memref_squeeze %scatter3A_851 : memref<1x4096xf32, #tpu.memory_space<vmem>> -> memref<4096xf32, #tpu.memory_space<vmem>>
      tpu.vector_store_idx %scatter3A_852[%add3A_848], %get3A_846 : memref<4096xf32, #tpu.memory_space<vmem>>[vector<16xi32>], vector<16xf32>,
      %get3A_853 = arith.constant 0 : i32
      %get3A_854 = arith.index_cast %get3A_853 : i32 to index
      %get3A_855 = arith.index_cast %add3A_841 : i32 to index
      %get3A_856 = arith.constant 16 : index
      %get3A_857 = tpu.vector_load %arg6[%get3A_854, %get3A_855, %get3A_856] {strides = array<i32>} : memref<2x128x32xf32, #tpu.memory_space<vmem>>, vector<16xf32>,
      %add3A_858 = vector.broadcast %add3A_841 : i32 to vector<16xi32>
      %add3A_859 = arith.addi %add3A_16, %add3A_858 : vector<16xi32>
      %scatter3A_860 = arith.constant 0 : i32
      %scatter3A_861 = arith.constant 0 : i32
      %scatter3A_862 = tpu.memref_slice %arg7[%scatter3A_860, %scatter3A_861] : memref<2x4096xf32, #tpu.memory_space<vmem>> -> memref<1x4096xf32, #tpu.memory_space<vmem>>
      %scatter3A_863 = tpu.memref_squeeze %scatter3A_862 : memref<1x4096xf32, #tpu.memory_space<vmem>> -> memref<4096xf32, #tpu.memory_space<vmem>>
      tpu.vector_store_idx %scatter3A_863[%add3A_859], %get3A_857 : memref<4096xf32, #tpu.memory_space<vmem>>[vector<16xi32>], vector<16xf32>,
      %scan3A_864 = arith.constant 2 : i32
      %scan3A_865 = arith.addi %scan3A_811, %scan3A_864 : i32
      %mul3A_866 = arith.constant 1 : i32
      %mul3A_867 = arith.muli %scan3A_865, %mul3A_866 : i32
      %add3A_868 = arith.constant 0 : i32
      %add3A_869 = arith.addi %add3A_868, %mul3A_867 : i32
      %get3A_870 = arith.constant 0 : i32
      %get3A_871 = arith.index_cast %get3A_870 : i32 to index
      %get3A_872 = arith.index_cast %add3A_869 : i32 to index
      %get3A_873 = arith.constant 0 : index
      %get3A_874 = tpu.vector_load %arg6[%get3A_871, %get3A_872, %get3A_873] {strides = array<i32>} : memref<2x128x32xf32, #tpu.memory_space<vmem>>, vector<16xf32>,
      %add3A_875 = vector.broadcast %add3A_869 : i32 to vector<16xi32>
      %add3A_876 = arith.addi %add3A_13, %add3A_875 : vector<16xi32>
      %scatter3A_877 = arith.constant 0 : i32
      %scatter3A_878 = arith.constant 0 : i32
      %scatter3A_879 = tpu.memref_slice %arg7[%scatter3A_877, %scatter3A_878] : memref<2x4096xf32, #tpu.memory_space<vmem>> -> memref<1x4096xf32, #tpu.memory_space<vmem>>
      %scatter3A_880 = tpu.memref_squeeze %scatter3A_879 : memref<1x4096xf32, #tpu.memory_space<vmem>> -> memref<4096xf32, #tpu.memory_space<vmem>>
      tpu.vector_store_idx %scatter3A_880[%add3A_876], %get3A_874 : memref<4096xf32, #tpu.memory_space<vmem>>[vector<16xi32>], vector<16xf32>,
      %get3A_881 = arith.constant 0 : i32
      %get3A_882 = arith.index_cast %get3A_881 : i32 to index
      %get3A_883 = arith.index_cast %add3A_869 : i32 to index
      %get3A_884 = arith.constant 16 : index
      %get3A_885 = tpu.vector_load %arg6[%get3A_882, %get3A_883, %get3A_884] {strides = array<i32>} : memref<2x128x32xf32, #tpu.memory_space<vmem>>, vector<16xf32>,
      %add3A_886 = vector.broadcast %add3A_869 : i32 to vector<16xi32>
      %add3A_887 = arith.addi %add3A_16, %add3A_886 : vector<16xi32>
      %scatter3A_888 = arith.constant 0 : i32
      %scatter3A_889 = arith.constant 0 : i32
      %scatter3A_890 = tpu.memref_slice %arg7[%scatter3A_888, %scatter3A_889] : memref<2x4096xf32, #tpu.memory_space<vmem>> -> memref<1x4096xf32, #tpu.memory_space<vmem>>
      %scatter3A_891 = tpu.memref_squeeze %scatter3A_890 : memref<1x4096xf32, #tpu.memory_space<vmem>> -> memref<4096xf32, #tpu.memory_space<vmem>>
      tpu.vector_store_idx %scatter3A_891[%add3A_887], %get3A_885 : memref<4096xf32, #tpu.memory_space<vmem>>[vector<16xi32>], vector<16xf32>,
      %scan3A_892 = arith.constant 3 : i32
      %scan3A_893 = arith.addi %scan3A_811, %scan3A_892 : i32
      %mul3A_894 = arith.constant 1 : i32
      %mul3A_895 = arith.muli %scan3A_893, %mul3A_894 : i32
      %add3A_896 = arith.constant 0 : i32
      %add3A_897 = arith.addi %add3A_896, %mul3A_895 : i32
      %get3A_898 = arith.constant 0 : i32
      %get3A_899 = arith.index_cast %get3A_898 : i32 to index
      %get3A_900 = arith.index_cast %add3A_897 : i32 to index
      %get3A_901 = arith.constant 0 : index
      %get3A_902 = tpu.vector_load %arg6[%get3A_899, %get3A_900, %get3A_901] {strides = array<i32>} : memref<2x128x32xf32, #tpu.memory_space<vmem>>, vector<16xf32>,
      %add3A_903 = vector.broadcast %add3A_897 : i32 to vector<16xi32>
      %add3A_904 = arith.addi %add3A_13, %add3A_903 : vector<16xi32>
      %scatter3A_905 = arith.constant 0 : i32
      %scatter3A_906 = arith.constant 0 : i32
      %scatter3A_907 = tpu.memref_slice %arg7[%scatter3A_905, %scatter3A_906] : memref<2x4096xf32, #tpu.memory_space<vmem>> -> memref<1x4096xf32, #tpu.memory_space<vmem>>
      %scatter3A_908 = tpu.memref_squeeze %scatter3A_907 : memref<1x4096xf32, #tpu.memory_space<vmem>> -> memref<4096xf32, #tpu.memory_space<vmem>>
      tpu.vector_store_idx %scatter3A_908[%add3A_904], %get3A_902 : memref<4096xf32, #tpu.memory_space<vmem>>[vector<16xi32>], vector<16xf32>,
      %get3A_909 = arith.constant 0 : i32
      %get3A_910 = arith.index_cast %get3A_909 : i32 to index
      %get3A_911 = arith.index_cast %add3A_897 : i32 to index
      %get3A_912 = arith.constant 16 : index
      %get3A_913 = tpu.vector_load %arg6[%get3A_910, %get3A_911, %get3A_912] {strides = array<i32>} : memref<2x128x32xf32, #tpu.memory_space<vmem>>, vector<16xf32>,
      %add3A_914 = vector.broadcast %add3A_897 : i32 to vector<16xi32>
      %add3A_915 = arith.addi %add3A_16, %add3A_914 : vector<16xi32>
      %scatter3A_916 = arith.constant 0 : i32
      %scatter3A_917 = arith.constant 0 : i32
      %scatter3A_918 = tpu.memref_slice %arg7[%scatter3A_916, %scatter3A_917] : memref<2x4096xf32, #tpu.memory_space<vmem>> -> memref<1x4096xf32, #tpu.memory_space<vmem>>
      %scatter3A_919 = tpu.memref_squeeze %scatter3A_918 : memref<1x4096xf32, #tpu.memory_space<vmem>> -> memref<4096xf32, #tpu.memory_space<vmem>>
      tpu.vector_store_idx %scatter3A_919[%add3A_915], %get3A_913 : memref<4096xf32, #tpu.memory_space<vmem>>[vector<16xi32>], vector<16xf32>,
      %scan3A_920 = arith.constant 4 : i32
      %scan3A_921 = arith.addi %scan3A_811, %scan3A_920 : i32
      %mul3A_922 = arith.constant 1 : i32
      %mul3A_923 = arith.muli %scan3A_921, %mul3A_922 : i32
      %add3A_924 = arith.constant 0 : i32
      %add3A_925 = arith.addi %add3A_924, %mul3A_923 : i32
      %get3A_926 = arith.constant 0 : i32
      %get3A_927 = arith.index_cast %get3A_926 : i32 to index
      %get3A_928 = arith.index_cast %add3A_925 : i32 to index
      %get3A_929 = arith.constant 0 : index
      %get3A_930 = tpu.vector_load %arg6[%get3A_927, %get3A_928, %get3A_929] {strides = array<i32>} : memref<2x128x32xf32, #tpu.memory_space<vmem>>, vector<16xf32>,
      %add3A_931 = vector.broadcast %add3A_925 : i32 to vector<16xi32>
      %add3A_932 = arith.addi %add3A_13, %add3A_931 : vector<16xi32>
      %scatter3A_933 = arith.constant 0 : i32
      %scatter3A_934 = arith.constant 0 : i32
      %scatter3A_935 = tpu.memref_slice %arg7[%scatter3A_933, %scatter3A_934] : memref<2x4096xf32, #tpu.memory_space<vmem>> -> memref<1x4096xf32, #tpu.memory_space<vmem>>
      %scatter3A_936 = tpu.memref_squeeze %scatter3A_935 : memref<1x4096xf32, #tpu.memory_space<vmem>> -> memref<4096xf32, #tpu.memory_space<vmem>>
      tpu.vector_store_idx %scatter3A_936[%add3A_932], %get3A_930 : memref<4096xf32, #tpu.memory_space<vmem>>[vector<16xi32>], vector<16xf32>,
      %get3A_937 = arith.constant 0 : i32
      %get3A_938 = arith.index_cast %get3A_937 : i32 to index
      %get3A_939 = arith.index_cast %add3A_925 : i32 to index
      %get3A_940 = arith.constant 16 : index
      %get3A_941 = tpu.vector_load %arg6[%get3A_938, %get3A_939, %get3A_940] {strides = array<i32>} : memref<2x128x32xf32, #tpu.memory_space<vmem>>, vector<16xf32>,
      %add3A_942 = vector.broadcast %add3A_925 : i32 to vector<16xi32>
      %add3A_943 = arith.addi %add3A_16, %add3A_942 : vector<16xi32>
      %scatter3A_944 = arith.constant 0 : i32
      %scatter3A_945 = arith.constant 0 : i32
      %scatter3A_946 = tpu.memref_slice %arg7[%scatter3A_944, %scatter3A_945] : memref<2x4096xf32, #tpu.memory_space<vmem>> -> memref<1x4096xf32, #tpu.memory_space<vmem>>
      %scatter3A_947 = tpu.memref_squeeze %scatter3A_946 : memref<1x4096xf32, #tpu.memory_space<vmem>> -> memref<4096xf32, #tpu.memory_space<vmem>>
      tpu.vector_store_idx %scatter3A_947[%add3A_943], %get3A_941 : memref<4096xf32, #tpu.memory_space<vmem>>[vector<16xi32>], vector<16xf32>,
      %scan3A_948 = arith.constant 5 : i32
      %scan3A_949 = arith.addi %scan3A_811, %scan3A_948 : i32
      %mul3A_950 = arith.constant 1 : i32
      %mul3A_951 = arith.muli %scan3A_949, %mul3A_950 : i32
      %add3A_952 = arith.constant 0 : i32
      %add3A_953 = arith.addi %add3A_952, %mul3A_951 : i32
      %get3A_954 = arith.constant 0 : i32
      %get3A_955 = arith.index_cast %get3A_954 : i32 to index
      %get3A_956 = arith.index_cast %add3A_953 : i32 to index
      %get3A_957 = arith.constant 0 : index
      %get3A_958 = tpu.vector_load %arg6[%get3A_955, %get3A_956, %get3A_957] {strides = array<i32>} : memref<2x128x32xf32, #tpu.memory_space<vmem>>, vector<16xf32>,
      %add3A_959 = vector.broadcast %add3A_953 : i32 to vector<16xi32>
      %add3A_960 = arith.addi %add3A_13, %add3A_959 : vector<16xi32>
      %scatter3A_961 = arith.constant 0 : i32
      %scatter3A_962 = arith.constant 0 : i32
      %scatter3A_963 = tpu.memref_slice %arg7[%scatter3A_961, %scatter3A_962] : memref<2x4096xf32, #tpu.memory_space<vmem>> -> memref<1x4096xf32, #tpu.memory_space<vmem>>
      %scatter3A_964 = tpu.memref_squeeze %scatter3A_963 : memref<1x4096xf32, #tpu.memory_space<vmem>> -> memref<4096xf32, #tpu.memory_space<vmem>>
      tpu.vector_store_idx %scatter3A_964[%add3A_960], %get3A_958 : memref<4096xf32, #tpu.memory_space<vmem>>[vector<16xi32>], vector<16xf32>,
      %get3A_965 = arith.constant 0 : i32
      %get3A_966 = arith.index_cast %get3A_965 : i32 to index
      %get3A_967 = arith.index_cast %add3A_953 : i32 to index
      %get3A_968 = arith.constant 16 : index
      %get3A_969 = tpu.vector_load %arg6[%get3A_966, %get3A_967, %get3A_968] {strides = array<i32>} : memref<2x128x32xf32, #tpu.memory_space<vmem>>, vector<16xf32>,
      %add3A_970 = vector.broadcast %add3A_953 : i32 to vector<16xi32>
      %add3A_971 = arith.addi %add3A_16, %add3A_970 : vector<16xi32>
      %scatter3A_972 = arith.constant 0 : i32
      %scatter3A_973 = arith.constant 0 : i32
      %scatter3A_974 = tpu.memref_slice %arg7[%scatter3A_972, %scatter3A_973] : memref<2x4096xf32, #tpu.memory_space<vmem>> -> memref<1x4096xf32, #tpu.memory_space<vmem>>
      %scatter3A_975 = tpu.memref_squeeze %scatter3A_974 : memref<1x4096xf32, #tpu.memory_space<vmem>> -> memref<4096xf32, #tpu.memory_space<vmem>>
      tpu.vector_store_idx %scatter3A_975[%add3A_971], %get3A_969 : memref<4096xf32, #tpu.memory_space<vmem>>[vector<16xi32>], vector<16xf32>,
      %scan3A_976 = arith.constant 6 : i32
      %scan3A_977 = arith.addi %scan3A_811, %scan3A_976 : i32
      %mul3A_978 = arith.constant 1 : i32
      %mul3A_979 = arith.muli %scan3A_977, %mul3A_978 : i32
      %add3A_980 = arith.constant 0 : i32
      %add3A_981 = arith.addi %add3A_980, %mul3A_979 : i32
      %get3A_982 = arith.constant 0 : i32
      %get3A_983 = arith.index_cast %get3A_982 : i32 to index
      %get3A_984 = arith.index_cast %add3A_981 : i32 to index
      %get3A_985 = arith.constant 0 : index
      %get3A_986 = tpu.vector_load %arg6[%get3A_983, %get3A_984, %get3A_985] {strides = array<i32>} : memref<2x128x32xf32, #tpu.memory_space<vmem>>, vector<16xf32>,
      %add3A_987 = vector.broadcast %add3A_981 : i32 to vector<16xi32>
      %add3A_988 = arith.addi %add3A_13, %add3A_987 : vector<16xi32>
      %scatter3A_989 = arith.constant 0 : i32
      %scatter3A_990 = arith.constant 0 : i32
      %scatter3A_991 = tpu.memref_slice %arg7[%scatter3A_989, %scatter3A_990] : memref<2x4096xf32, #tpu.memory_space<vmem>> -> memref<1x4096xf32, #tpu.memory_space<vmem>>
      %scatter3A_992 = tpu.memref_squeeze %scatter3A_991 : memref<1x4096xf32, #tpu.memory_space<vmem>> -> memref<4096xf32, #tpu.memory_space<vmem>>
      tpu.vector_store_idx %scatter3A_992[%add3A_988], %get3A_986 : memref<4096xf32, #tpu.memory_space<vmem>>[vector<16xi32>], vector<16xf32>,
      %get3A_993 = arith.constant 0 : i32
      %get3A_994 = arith.index_cast %get3A_993 : i32 to index
      %get3A_995 = arith.index_cast %add3A_981 : i32 to index
      %get3A_996 = arith.constant 16 : index
      %get3A_997 = tpu.vector_load %arg6[%get3A_994, %get3A_995, %get3A_996] {strides = array<i32>} : memref<2x128x32xf32, #tpu.memory_space<vmem>>, vector<16xf32>,
      %add3A_998 = vector.broadcast %add3A_981 : i32 to vector<16xi32>
      %add3A_999 = arith.addi %add3A_16, %add3A_998 : vector<16xi32>
      %scatter3A_1000 = arith.constant 0 : i32
      %scatter3A_1001 = arith.constant 0 : i32
      %scatter3A_1002 = tpu.memref_slice %arg7[%scatter3A_1000, %scatter3A_1001] : memref<2x4096xf32, #tpu.memory_space<vmem>> -> memref<1x4096xf32, #tpu.memory_space<vmem>>
      %scatter3A_1003 = tpu.memref_squeeze %scatter3A_1002 : memref<1x4096xf32, #tpu.memory_space<vmem>> -> memref<4096xf32, #tpu.memory_space<vmem>>
      tpu.vector_store_idx %scatter3A_1003[%add3A_999], %get3A_997 : memref<4096xf32, #tpu.memory_space<vmem>>[vector<16xi32>], vector<16xf32>,
      %scan3A_1004 = arith.constant 7 : i32
      %scan3A_1005 = arith.addi %scan3A_811, %scan3A_1004 : i32
      %mul3A_1006 = arith.constant 1 : i32
      %mul3A_1007 = arith.muli %scan3A_1005, %mul3A_1006 : i32
      %add3A_1008 = arith.constant 0 : i32
      %add3A_1009 = arith.addi %add3A_1008, %mul3A_1007 : i32
      %get3A_1010 = arith.constant 0 : i32
      %get3A_1011 = arith.index_cast %get3A_1010 : i32 to index
      %get3A_1012 = arith.index_cast %add3A_1009 : i32 to index
      %get3A_1013 = arith.constant 0 : index
      %get3A_1014 = tpu.vector_load %arg6[%get3A_1011, %get3A_1012, %get3A_1013] {strides = array<i32>} : memref<2x128x32xf32, #tpu.memory_space<vmem>>, vector<16xf32>,
      %add3A_1015 = vector.broadcast %add3A_1009 : i32 to vector<16xi32>
      %add3A_1016 = arith.addi %add3A_13, %add3A_1015 : vector<16xi32>
      %scatter3A_1017 = arith.constant 0 : i32
      %scatter3A_1018 = arith.constant 0 : i32
      %scatter3A_1019 = tpu.memref_slice %arg7[%scatter3A_1017, %scatter3A_1018] : memref<2x4096xf32, #tpu.memory_space<vmem>> -> memref<1x4096xf32, #tpu.memory_space<vmem>>
      %scatter3A_1020 = tpu.memref_squeeze %scatter3A_1019 : memref<1x4096xf32, #tpu.memory_space<vmem>> -> memref<4096xf32, #tpu.memory_space<vmem>>
      tpu.vector_store_idx %scatter3A_1020[%add3A_1016], %get3A_1014 : memref<4096xf32, #tpu.memory_space<vmem>>[vector<16xi32>], vector<16xf32>,
      %get3A_1021 = arith.constant 0 : i32
      %get3A_1022 = arith.index_cast %get3A_1021 : i32 to index
      %get3A_1023 = arith.index_cast %add3A_1009 : i32 to index
      %get3A_1024 = arith.constant 16 : index
      %get3A_1025 = tpu.vector_load %arg6[%get3A_1022, %get3A_1023, %get3A_1024] {strides = array<i32>} : memref<2x128x32xf32, #tpu.memory_space<vmem>>, vector<16xf32>,
      %add3A_1026 = vector.broadcast %add3A_1009 : i32 to vector<16xi32>
      %add3A_1027 = arith.addi %add3A_16, %add3A_1026 : vector<16xi32>
      %scatter3A_1028 = arith.constant 0 : i32
      %scatter3A_1029 = arith.constant 0 : i32
      %scatter3A_1030 = tpu.memref_slice %arg7[%scatter3A_1028, %scatter3A_1029] : memref<2x4096xf32, #tpu.memory_space<vmem>> -> memref<1x4096xf32, #tpu.memory_space<vmem>>
      %scatter3A_1031 = tpu.memref_squeeze %scatter3A_1030 : memref<1x4096xf32, #tpu.memory_space<vmem>> -> memref<4096xf32, #tpu.memory_space<vmem>>
      tpu.vector_store_idx %scatter3A_1031[%add3A_1027], %get3A_1025 : memref<4096xf32, #tpu.memory_space<vmem>>[vector<16xi32>], vector<16xf32>,
    }
    %scan3A_66 = arith.constant 128 : i32
    %mul3A_67 = arith.constant 8 : i32
    %mul3A_68 = arith.muli %add3A, %mul3A_67 : i32
    %mul3A_69 = arith.constant 128 : i32
    %mul3A_70 = arith.muli %mul3A_68, %mul3A_69 : i32
    %dma_start3A_71 = arith.constant 0 : i32
    %dma_start3A_72 = arith.constant 0 : i32
    %dma_start3A_73 = arith.constant 0 : i32
    %dma_start3A_74 = arith.constant 0 : i32
    %dma_start3A_75 = arith.constant 0 : i32
    %dma_start3A_76 = tpu.memref_slice %arg7[%dma_start3A_71, %dma_start3A_75] : memref<2x4096xf32, #tpu.memory_space<vmem>> -> memref<1x1024xf32, #tpu.memory_space<vmem>>
    %dma_start3A_77 = tpu.memref_squeeze %dma_start3A_76 : memref<1x1024xf32, #tpu.memory_space<vmem>> -> memref<1024xf32, #tpu.memory_space<vmem>>
    %dma_start3A_78 = tpu.memref_slice %arg4[%dma_start3A_72, %dma_start3A_73, %mul3A_70] : memref<50x4x32768xf32, #tpu.memory_space<hbm>> -> memref<1x1x1024xf32, #tpu.memory_space<hbm>>
    %dma_start3A_79 = tpu.memref_squeeze %dma_start3A_78 : memref<1x1x1024xf32, #tpu.memory_space<hbm>> -> memref<1024xf32, #tpu.memory_space<hbm>>
    %dma_start3A_80 = tpu.memref_slice %arg9[%dma_start3A_74] : memref<2x!tpu.dma_semaphore, #tpu.memory_space<semaphore_mem>> -> memref<1x!tpu.dma_semaphore, #tpu.memory_space<semaphore_mem>>
    %dma_start3A_81 = tpu.memref_squeeze %dma_start3A_80 : memref<1x!tpu.dma_semaphore, #tpu.memory_space<semaphore_mem>> -> memref<!tpu.dma_semaphore, #tpu.memory_space<semaphore_mem>>
    %dma_start3A_82 = tpu.memref_slice %arg4[%dma_start3A_72, %dma_start3A_73, %mul3A_70] : memref<50x4x32768xf32, #tpu.memory_space<hbm>> -> memref<1x1x1024xf32, #tpu.memory_space<hbm>>
    %dma_start3A_83 = tpu.memref_squeeze %dma_start3A_82 : memref<1x1x1024xf32, #tpu.memory_space<hbm>> -> memref<1024xf32, #tpu.memory_space<hbm>>
    %dma_start3A_84 = arith.constant 0 : i32
    %dma_start3A_85 = tpu.memref_slice %arg7[%dma_start3A_71, %dma_start3A_84] : memref<2x4096xf32, #tpu.memory_space<vmem>> -> memref<1x1024xf32, #tpu.memory_space<vmem>>
    %dma_start3A_86 = tpu.memref_squeeze %dma_start3A_85 : memref<1x1024xf32, #tpu.memory_space<vmem>> -> memref<1024xf32, #tpu.memory_space<vmem>>
    tpu.enqueue_dma source(%dma_start3A_86 : memref<1024xf32, #tpu.memory_space<vmem>>) target(%dma_start3A_83 : memref<1024xf32, #tpu.memory_space<hbm>>) target_semaphore(%dma_start3A_81 : memref<!tpu.dma_semaphore, #tpu.memory_space<semaphore_mem>>)
    %mul3A_87 = arith.constant 8 : i32
    %mul3A_88 = arith.muli %add3A, %mul3A_87 : i32
    %mul3A_89 = arith.constant 128 : i32
    %mul3A_90 = arith.muli %mul3A_88, %mul3A_89 : i32
    %dma_start3A_91 = arith.constant 0 : i32
    %dma_start3A_92 = arith.constant 0 : i32
    %dma_start3A_93 = arith.constant 1 : i32
    %dma_start3A_94 = arith.constant 0 : i32
    %dma_start3A_95 = arith.constant 1024 : i32
    %dma_start3A_96 = tpu.memref_slice %arg7[%dma_start3A_91, %dma_start3A_95] : memref<2x4096xf32, #tpu.memory_space<vmem>> -> memref<1x1024xf32, #tpu.memory_space<vmem>>
    %dma_start3A_97 = tpu.memref_squeeze %dma_start3A_96 : memref<1x1024xf32, #tpu.memory_space<vmem>> -> memref<1024xf32, #tpu.memory_space<vmem>>
    %dma_start3A_98 = tpu.memref_slice %arg4[%dma_start3A_92, %dma_start3A_93, %mul3A_90] : memref<50x4x32768xf32, #tpu.memory_space<hbm>> -> memref<1x1x1024xf32, #tpu.memory_space<hbm>>
    %dma_start3A_99 = tpu.memref_squeeze %dma_start3A_98 : memref<1x1x1024xf32, #tpu.memory_space<hbm>> -> memref<1024xf32, #tpu.memory_space<hbm>>
    %dma_start3A_100 = tpu.memref_slice %arg9[%dma_start3A_94] : memref<2x!tpu.dma_semaphore, #tpu.memory_space<semaphore_mem>> -> memref<1x!tpu.dma_semaphore, #tpu.memory_space<semaphore_mem>>
    %dma_start3A_101 = tpu.memref_squeeze %dma_start3A_100 : memref<1x!tpu.dma_semaphore, #tpu.memory_space<semaphore_mem>> -> memref<!tpu.dma_semaphore, #tpu.memory_space<semaphore_mem>>
    %dma_start3A_102 = tpu.memref_slice %arg4[%dma_start3A_92, %dma_start3A_93, %mul3A_90] : memref<50x4x32768xf32, #tpu.memory_space<hbm>> -> memref<1x1x1024xf32, #tpu.memory_space<hbm>>
    %dma_start3A_103 = tpu.memref_squeeze %dma_start3A_102 : memref<1x1x1024xf32, #tpu.memory_space<hbm>> -> memref<1024xf32, #tpu.memory_space<hbm>>
    %dma_start3A_104 = arith.constant 1024 : i32
    %dma_start3A_105 = tpu.memref_slice %arg7[%dma_start3A_91, %dma_start3A_104] : memref<2x4096xf32, #tpu.memory_space<vmem>> -> memref<1x1024xf32, #tpu.memory_space<vmem>>
    %dma_start3A_106 = tpu.memref_squeeze %dma_start3A_105 : memref<1x1024xf32, #tpu.memory_space<vmem>> -> memref<1024xf32, #tpu.memory_space<vmem>>
    tpu.enqueue_dma source(%dma_start3A_106 : memref<1024xf32, #tpu.memory_space<vmem>>) target(%dma_start3A_103 : memref<1024xf32, #tpu.memory_space<hbm>>) target_semaphore(%dma_start3A_101 : memref<!tpu.dma_semaphore, #tpu.memory_space<semaphore_mem>>)
    %mul3A_107 = arith.constant 8 : i32
    %mul3A_108 = arith.muli %add3A, %mul3A_107 : i32
    %mul3A_109 = arith.constant 128 : i32
    %mul3A_110 = arith.muli %mul3A_108, %mul3A_109 : i32
    %dma_start3A_111 = arith.constant 0 : i32
    %dma_start3A_112 = arith.constant 0 : i32
    %dma_start3A_113 = arith.constant 2 : i32
    %dma_start3A_114 = arith.constant 0 : i32
    %dma_start3A_115 = arith.constant 2048 : i32
    %dma_start3A_116 = tpu.memref_slice %arg7[%dma_start3A_111, %dma_start3A_115] : memref<2x4096xf32, #tpu.memory_space<vmem>> -> memref<1x1024xf32, #tpu.memory_space<vmem>>
    %dma_start3A_117 = tpu.memref_squeeze %dma_start3A_116 : memref<1x1024xf32, #tpu.memory_space<vmem>> -> memref<1024xf32, #tpu.memory_space<vmem>>
    %dma_start3A_118 = tpu.memref_slice %arg4[%dma_start3A_112, %dma_start3A_113, %mul3A_110] : memref<50x4x32768xf32, #tpu.memory_space<hbm>> -> memref<1x1x1024xf32, #tpu.memory_space<hbm>>
    %dma_start3A_119 = tpu.memref_squeeze %dma_start3A_118 : memref<1x1x1024xf32, #tpu.memory_space<hbm>> -> memref<1024xf32, #tpu.memory_space<hbm>>
    %dma_start3A_120 = tpu.memref_slice %arg9[%dma_start3A_114] : memref<2x!tpu.dma_semaphore, #tpu.memory_space<semaphore_mem>> -> memref<1x!tpu.dma_semaphore, #tpu.memory_space<semaphore_mem>>
    %dma_start3A_121 = tpu.memref_squeeze %dma_start3A_120 : memref<1x!tpu.dma_semaphore, #tpu.memory_space<semaphore_mem>> -> memref<!tpu.dma_semaphore, #tpu.memory_space<semaphore_mem>>
    %dma_start3A_122 = tpu.memref_slice %arg4[%dma_start3A_112, %dma_start3A_113, %mul3A_110] : memref<50x4x32768xf32, #tpu.memory_space<hbm>> -> memref<1x1x1024xf32, #tpu.memory_space<hbm>>
    %dma_start3A_123 = tpu.memref_squeeze %dma_start3A_122 : memref<1x1x1024xf32, #tpu.memory_space<hbm>> -> memref<1024xf32, #tpu.memory_space<hbm>>
    %dma_start3A_124 = arith.constant 2048 : i32
    %dma_start3A_125 = tpu.memref_slice %arg7[%dma_start3A_111, %dma_start3A_124] : memref<2x4096xf32, #tpu.memory_space<vmem>> -> memref<1x1024xf32, #tpu.memory_space<vmem>>
    %dma_start3A_126 = tpu.memref_squeeze %dma_start3A_125 : memref<1x1024xf32, #tpu.memory_space<vmem>> -> memref<1024xf32, #tpu.memory_space<vmem>>
    tpu.enqueue_dma source(%dma_start3A_126 : memref<1024xf32, #tpu.memory_space<vmem>>) target(%dma_start3A_123 : memref<1024xf32, #tpu.memory_space<hbm>>) target_semaphore(%dma_start3A_121 : memref<!tpu.dma_semaphore, #tpu.memory_space<semaphore_mem>>)
    %mul3A_127 = arith.constant 8 : i32
    %mul3A_128 = arith.muli %add3A, %mul3A_127 : i32
    %mul3A_129 = arith.constant 128 : i32
    %mul3A_130 = arith.muli %mul3A_128, %mul3A_129 : i32
    %dma_start3A_131 = arith.constant 0 : i32
    %dma_start3A_132 = arith.constant 0 : i32
    %dma_start3A_133 = arith.constant 3 : i32
    %dma_start3A_134 = arith.constant 0 : i32
    %dma_start3A_135 = arith.constant 3072 : i32
    %dma_start3A_136 = tpu.memref_slice %arg7[%dma_start3A_131, %dma_start3A_135] : memref<2x4096xf32, #tpu.memory_space<vmem>> -> memref<1x1024xf32, #tpu.memory_space<vmem>>
    %dma_start3A_137 = tpu.memref_squeeze %dma_start3A_136 : memref<1x1024xf32, #tpu.memory_space<vmem>> -> memref<1024xf32, #tpu.memory_space<vmem>>
    %dma_start3A_138 = tpu.memref_slice %arg4[%dma_start3A_132, %dma_start3A_133, %mul3A_130] : memref<50x4x32768xf32, #tpu.memory_space<hbm>> -> memref<1x1x1024xf32, #tpu.memory_space<hbm>>
    %dma_start3A_139 = tpu.memref_squeeze %dma_start3A_138 : memref<1x1x1024xf32, #tpu.memory_space<hbm>> -> memref<1024xf32, #tpu.memory_space<hbm>>
    %dma_start3A_140 = tpu.memref_slice %arg9[%dma_start3A_134] : memref<2x!tpu.dma_semaphore, #tpu.memory_space<semaphore_mem>> -> memref<1x!tpu.dma_semaphore, #tpu.memory_space<semaphore_mem>>
    %dma_start3A_141 = tpu.memref_squeeze %dma_start3A_140 : memref<1x!tpu.dma_semaphore, #tpu.memory_space<semaphore_mem>> -> memref<!tpu.dma_semaphore, #tpu.memory_space<semaphore_mem>>
    %dma_start3A_142 = tpu.memref_slice %arg4[%dma_start3A_132, %dma_start3A_133, %mul3A_130] : memref<50x4x32768xf32, #tpu.memory_space<hbm>> -> memref<1x1x1024xf32, #tpu.memory_space<hbm>>
    %dma_start3A_143 = tpu.memref_squeeze %dma_start3A_142 : memref<1x1x1024xf32, #tpu.memory_space<hbm>> -> memref<1024xf32, #tpu.memory_space<hbm>>
    %dma_start3A_144 = arith.constant 3072 : i32
    %dma_start3A_145 = tpu.memref_slice %arg7[%dma_start3A_131, %dma_start3A_144] : memref<2x4096xf32, #tpu.memory_space<vmem>> -> memref<1x1024xf32, #tpu.memory_space<vmem>>
    %dma_start3A_146 = tpu.memref_squeeze %dma_start3A_145 : memref<1x1024xf32, #tpu.memory_space<vmem>> -> memref<1024xf32, #tpu.memory_space<vmem>>
    tpu.enqueue_dma source(%dma_start3A_146 : memref<1024xf32, #tpu.memory_space<vmem>>) target(%dma_start3A_143 : memref<1024xf32, #tpu.memory_space<hbm>>) target_semaphore(%dma_start3A_141 : memref<!tpu.dma_semaphore, #tpu.memory_space<semaphore_mem>>)
    %dma_start3A_147 = arith.constant 2 : i32
    %dma_start3A_148 = arith.constant 0 : i32
    %dma_start3A_149 = arith.constant 0 : i32
    %dma_start3A_150 = arith.constant 0 : i32
    %dma_start3A_151 = arith.constant 0 : i32
    %dma_start3A_152 = tpu.memref_slice %arg6[%dma_start3A_148, %dma_start3A_150, %dma_start3A_151] : memref<2x128x32xf32, #tpu.memory_space<vmem>> -> memref<1x128x32xf32, #tpu.memory_space<vmem>>
    %dma_start3A_153 = tpu.memref_squeeze %dma_start3A_152 : memref<1x128x32xf32, #tpu.memory_space<vmem>> -> memref<128x32xf32, #tpu.memory_space<vmem>>
    %dma_start3A_154 = arith.constant 0 : i32
    %dma_start3A_155 = tpu.memref_slice %arg5[%dma_start3A_147, %dma_start3A_154] : memref<50x128xi32, #tpu.memory_space<vmem>> -> memref<1x128xi32, #tpu.memory_space<vmem>>
    %dma_start3A_156 = tpu.memref_squeeze %dma_start3A_155 : memref<1x128xi32, #tpu.memory_space<vmem>> -> memref<128xi32, #tpu.memory_space<vmem>>
    %dma_start3A_157 = arith.constant 0 : i32
    %dma_start3A_158 = arith.constant 0 : i32
    %dma_start3A_159 = tpu.memref_slice %arg3[%dma_start3A_157, %dma_start3A_158] : memref<100000x32xf32, #tpu.memory_space<hbm>> -> memref<100000x32xf32, #tpu.memory_space<hbm>>
    %dma_start3A_160 = tpu.memref_slice %arg8[%dma_start3A_149] : memref<2x!tpu.dma_semaphore, #tpu.memory_space<semaphore_mem>> -> memref<1x!tpu.dma_semaphore, #tpu.memory_space<semaphore_mem>>
    %dma_start3A_161 = tpu.memref_squeeze %dma_start3A_160 : memref<1x!tpu.dma_semaphore, #tpu.memory_space<semaphore_mem>> -> memref<!tpu.dma_semaphore, #tpu.memory_space<semaphore_mem>>
    tpu.enqueue_indirect_dma source(%dma_start3A_159 : memref<100000x32xf32, #tpu.memory_space<hbm>>) target(%dma_start3A_153 : memref<128x32xf32, #tpu.memory_space<vmem>>) offsets(%dma_start3A_156 : memref<128xi32, #tpu.memory_space<vmem>>) semaphore(%dma_start3A_161 : memref<!tpu.dma_semaphore, #tpu.memory_space<semaphore_mem>>)
    %dma_wait3A_162 = arith.constant 1 : i32
    %dma_wait3A_163 = arith.constant 1 : i32
    %dma_wait3A_164 = arith.constant 0 : i32
    %dma_wait3A_165 = arith.constant 0 : i32
    %dma_wait3A_166 = tpu.memref_slice %arg6[%dma_wait3A_162, %dma_wait3A_164, %dma_wait3A_165] : memref<2x128x32xf32, #tpu.memory_space<vmem>> -> memref<1x128x32xf32, #tpu.memory_space<vmem>>
    %dma_wait3A_167 = tpu.memref_squeeze %dma_wait3A_166 : memref<1x128x32xf32, #tpu.memory_space<vmem>> -> memref<128x32xf32, #tpu.memory_space<vmem>>
    %dma_wait3A_168 = arith.constant 0 : i32
    %dma_wait3A_169 = arith.constant 0 : i32
    %dma_wait3A_170 = tpu.memref_slice %arg3[%dma_wait3A_168, %dma_wait3A_169] : memref<100000x32xf32, #tpu.memory_space<hbm>> -> memref<128x32xf32, #tpu.memory_space<hbm>>
    %dma_wait3A_171 = tpu.memref_slice %arg8[%dma_wait3A_163] : memref<2x!tpu.dma_semaphore, #tpu.memory_space<semaphore_mem>> -> memref<1x!tpu.dma_semaphore, #tpu.memory_space<semaphore_mem>>
    %dma_wait3A_172 = tpu.memref_squeeze %dma_wait3A_171 : memref<1x!tpu.dma_semaphore, #tpu.memory_space<semaphore_mem>> -> memref<!tpu.dma_semaphore, #tpu.memory_space<semaphore_mem>>
    %dma_wait3A_173 = arith.constant 0 : i32
    %dma_wait3A_174 = arith.constant 0 : i32
    %dma_wait3A_175 = tpu.memref_slice %arg6[%dma_wait3A_162, %dma_wait3A_173, %dma_wait3A_174] : memref<2x128x32xf32, #tpu.memory_space<vmem>> -> memref<1x128x32xf32, #tpu.memory_space<vmem>>
    %dma_wait3A_176 = tpu.memref_squeeze %dma_wait3A_175 : memref<1x128x32xf32, #tpu.memory_space<vmem>> -> memref<128x32xf32, #tpu.memory_space<vmem>>
    %dma_wait3A_177 = arith.constant 0 : i32
    %dma_wait3A_178 = arith.constant 0 : i32
    %dma_wait3A_179 = tpu.memref_slice %arg3[%dma_wait3A_177, %dma_wait3A_178] : memref<100000x32xf32, #tpu.memory_space<hbm>> -> memref<128x32xf32, #tpu.memory_space<hbm>>
    tpu.wait_dma2 semaphore(%dma_wait3A_172 : memref<!tpu.dma_semaphore, #tpu.memory_space<semaphore_mem>>) src(%dma_wait3A_179 : memref<128x32xf32, #tpu.memory_space<hbm>>) dst(%dma_wait3A_176 : memref<128x32xf32, #tpu.memory_space<vmem>>)
    %scan3A_180 = arith.constant 0 : i32
    %scan3A_181 = arith.constant 128 : i32
    %scan3A_182 = arith.addi %scan3A_180, %scan3A_181 : i32
    %scan3A_183 = arith.constant 8 : i32
    scf.for %scan3A_811 = %scan3A_180 to %scan3A_182 step %scan3A_183  : i32 {
      %mul3A_812 = arith.constant 1 : i32
      %mul3A_813 = arith.muli %scan3A_811, %mul3A_812 : i32
      %add3A_814 = arith.constant 0 : i32
      %add3A_815 = arith.addi %add3A_814, %mul3A_813 : i32
      %get3A = arith.constant 1 : i32
      %get3A_816 = arith.index_cast %get3A : i32 to index
      %get3A_817 = arith.index_cast %add3A_815 : i32 to index
      %get3A_818 = arith.constant 0 : index
      %get3A_819 = tpu.vector_load %arg6[%get3A_816, %get3A_817, %get3A_818] {strides = array<i32>} : memref<2x128x32xf32, #tpu.memory_space<vmem>>, vector<16xf32>,
      %add3A_820 = vector.broadcast %add3A_815 : i32 to vector<16xi32>
      %add3A_821 = arith.addi %add3A_13, %add3A_820 : vector<16xi32>
      %scatter3A = arith.constant 1 : i32
      %scatter3A_822 = arith.constant 0 : i32
      %scatter3A_823 = tpu.memref_slice %arg7[%scatter3A, %scatter3A_822] : memref<2x4096xf32, #tpu.memory_space<vmem>> -> memref<1x4096xf32, #tpu.memory_space<vmem>>
      %scatter3A_824 = tpu.memref_squeeze %scatter3A_823 : memref<1x4096xf32, #tpu.memory_space<vmem>> -> memref<4096xf32, #tpu.memory_space<vmem>>
      tpu.vector_store_idx %scatter3A_824[%add3A_821], %get3A_819 : memref<4096xf32, #tpu.memory_space<vmem>>[vector<16xi32>], vector<16xf32>,
      %get3A_825 = arith.constant 1 : i32
      %get3A_826 = arith.index_cast %get3A_825 : i32 to index
      %get3A_827 = arith.index_cast %add3A_815 : i32 to index
      %get3A_828 = arith.constant 16 : index
      %get3A_829 = tpu.vector_load %arg6[%get3A_826, %get3A_827, %get3A_828] {strides = array<i32>} : memref<2x128x32xf32, #tpu.memory_space<vmem>>, vector<16xf32>,
      %add3A_830 = vector.broadcast %add3A_815 : i32 to vector<16xi32>
      %add3A_831 = arith.addi %add3A_16, %add3A_830 : vector<16xi32>
      %scatter3A_832 = arith.constant 1 : i32
      %scatter3A_833 = arith.constant 0 : i32
      %scatter3A_834 = tpu.memref_slice %arg7[%scatter3A_832, %scatter3A_833] : memref<2x4096xf32, #tpu.memory_space<vmem>> -> memref<1x4096xf32, #tpu.memory_space<vmem>>
      %scatter3A_835 = tpu.memref_squeeze %scatter3A_834 : memref<1x4096xf32, #tpu.memory_space<vmem>> -> memref<4096xf32, #tpu.memory_space<vmem>>
      tpu.vector_store_idx %scatter3A_835[%add3A_831], %get3A_829 : memref<4096xf32, #tpu.memory_space<vmem>>[vector<16xi32>], vector<16xf32>,
      %scan3A_836 = arith.constant 1 : i32
      %scan3A_837 = arith.addi %scan3A_811, %scan3A_836 : i32
      %mul3A_838 = arith.constant 1 : i32
      %mul3A_839 = arith.muli %scan3A_837, %mul3A_838 : i32
      %add3A_840 = arith.constant 0 : i32
      %add3A_841 = arith.addi %add3A_840, %mul3A_839 : i32
      %get3A_842 = arith.constant 1 : i32
      %get3A_843 = arith.index_cast %get3A_842 : i32 to index
      %get3A_844 = arith.index_cast %add3A_841 : i32 to index
      %get3A_845 = arith.constant 0 : index
      %get3A_846 = tpu.vector_load %arg6[%get3A_843, %get3A_844, %get3A_845] {strides = array<i32>} : memref<2x128x32xf32, #tpu.memory_space<vmem>>, vector<16xf32>,
      %add3A_847 = vector.broadcast %add3A_841 : i32 to vector<16xi32>
      %add3A_848 = arith.addi %add3A_13, %add3A_847 : vector<16xi32>
      %scatter3A_849 = arith.constant 1 : i32
      %scatter3A_850 = arith.constant 0 : i32
      %scatter3A_851 = tpu.memref_slice %arg7[%scatter3A_849, %scatter3A_850] : memref<2x4096xf32, #tpu.memory_space<vmem>> -> memref<1x4096xf32, #tpu.memory_space<vmem>>
      %scatter3A_852 = tpu.memref_squeeze %scatter3A_851 : memref<1x4096xf32, #tpu.memory_space<vmem>> -> memref<4096xf32, #tpu.memory_space<vmem>>
      tpu.vector_store_idx %scatter3A_852[%add3A_848], %get3A_846 : memref<4096xf32, #tpu.memory_space<vmem>>[vector<16xi32>], vector<16xf32>,
      %get3A_853 = arith.constant 1 : i32
      %get3A_854 = arith.index_cast %get3A_853 : i32 to index
      %get3A_855 = arith.index_cast %add3A_841 : i32 to index
      %get3A_856 = arith.constant 16 : index
      %get3A_857 = tpu.vector_load %arg6[%get3A_854, %get3A_855, %get3A_856] {strides = array<i32>} : memref<2x128x32xf32, #tpu.memory_space<vmem>>, vector<16xf32>,
      %add3A_858 = vector.broadcast %add3A_841 : i32 to vector<16xi32>
      %add3A_859 = arith.addi %add3A_16, %add3A_858 : vector<16xi32>
      %scatter3A_860 = arith.constant 1 : i32
      %scatter3A_861 = arith.constant 0 : i32
      %scatter3A_862 = tpu.memref_slice %arg7[%scatter3A_860, %scatter3A_861] : memref<2x4096xf32, #tpu.memory_space<vmem>> -> memref<1x4096xf32, #tpu.memory_space<vmem>>
      %scatter3A_863 = tpu.memref_squeeze %scatter3A_862 : memref<1x4096xf32, #tpu.memory_space<vmem>> -> memref<4096xf32, #tpu.memory_space<vmem>>
      tpu.vector_store_idx %scatter3A_863[%add3A_859], %get3A_857 : memref<4096xf32, #tpu.memory_space<vmem>>[vector<16xi32>], vector<16xf32>,
      %scan3A_864 = arith.constant 2 : i32
      %scan3A_865 = arith.addi %scan3A_811, %scan3A_864 : i32
      %mul3A_866 = arith.constant 1 : i32
      %mul3A_867 = arith.muli %scan3A_865, %mul3A_866 : i32
      %add3A_868 = arith.constant 0 : i32
      %add3A_869 = arith.addi %add3A_868, %mul3A_867 : i32
      %get3A_870 = arith.constant 1 : i32
      %get3A_871 = arith.index_cast %get3A_870 : i32 to index
      %get3A_872 = arith.index_cast %add3A_869 : i32 to index
      %get3A_873 = arith.constant 0 : index
      %get3A_874 = tpu.vector_load %arg6[%get3A_871, %get3A_872, %get3A_873] {strides = array<i32>} : memref<2x128x32xf32, #tpu.memory_space<vmem>>, vector<16xf32>,
      %add3A_875 = vector.broadcast %add3A_869 : i32 to vector<16xi32>
      %add3A_876 = arith.addi %add3A_13, %add3A_875 : vector<16xi32>
      %scatter3A_877 = arith.constant 1 : i32
      %scatter3A_878 = arith.constant 0 : i32
      %scatter3A_879 = tpu.memref_slice %arg7[%scatter3A_877, %scatter3A_878] : memref<2x4096xf32, #tpu.memory_space<vmem>> -> memref<1x4096xf32, #tpu.memory_space<vmem>>
      %scatter3A_880 = tpu.memref_squeeze %scatter3A_879 : memref<1x4096xf32, #tpu.memory_space<vmem>> -> memref<4096xf32, #tpu.memory_space<vmem>>
      tpu.vector_store_idx %scatter3A_880[%add3A_876], %get3A_874 : memref<4096xf32, #tpu.memory_space<vmem>>[vector<16xi32>], vector<16xf32>,
      %get3A_881 = arith.constant 1 : i32
      %get3A_882 = arith.index_cast %get3A_881 : i32 to index
      %get3A_883 = arith.index_cast %add3A_869 : i32 to index
      %get3A_884 = arith.constant 16 : index
      %get3A_885 = tpu.vector_load %arg6[%get3A_882, %get3A_883, %get3A_884] {strides = array<i32>} : memref<2x128x32xf32, #tpu.memory_space<vmem>>, vector<16xf32>,
      %add3A_886 = vector.broadcast %add3A_869 : i32 to vector<16xi32>
      %add3A_887 = arith.addi %add3A_16, %add3A_886 : vector<16xi32>
      %scatter3A_888 = arith.constant 1 : i32
      %scatter3A_889 = arith.constant 0 : i32
      %scatter3A_890 = tpu.memref_slice %arg7[%scatter3A_888, %scatter3A_889] : memref<2x4096xf32, #tpu.memory_space<vmem>> -> memref<1x4096xf32, #tpu.memory_space<vmem>>
      %scatter3A_891 = tpu.memref_squeeze %scatter3A_890 : memref<1x4096xf32, #tpu.memory_space<vmem>> -> memref<4096xf32, #tpu.memory_space<vmem>>
      tpu.vector_store_idx %scatter3A_891[%add3A_887], %get3A_885 : memref<4096xf32, #tpu.memory_space<vmem>>[vector<16xi32>], vector<16xf32>,
      %scan3A_892 = arith.constant 3 : i32
      %scan3A_893 = arith.addi %scan3A_811, %scan3A_892 : i32
      %mul3A_894 = arith.constant 1 : i32
      %mul3A_895 = arith.muli %scan3A_893, %mul3A_894 : i32
      %add3A_896 = arith.constant 0 : i32
      %add3A_897 = arith.addi %add3A_896, %mul3A_895 : i32
      %get3A_898 = arith.constant 1 : i32
      %get3A_899 = arith.index_cast %get3A_898 : i32 to index
      %get3A_900 = arith.index_cast %add3A_897 : i32 to index
      %get3A_901 = arith.constant 0 : index
      %get3A_902 = tpu.vector_load %arg6[%get3A_899, %get3A_900, %get3A_901] {strides = array<i32>} : memref<2x128x32xf32, #tpu.memory_space<vmem>>, vector<16xf32>,
      %add3A_903 = vector.broadcast %add3A_897 : i32 to vector<16xi32>
      %add3A_904 = arith.addi %add3A_13, %add3A_903 : vector<16xi32>
      %scatter3A_905 = arith.constant 1 : i32
      %scatter3A_906 = arith.constant 0 : i32
      %scatter3A_907 = tpu.memref_slice %arg7[%scatter3A_905, %scatter3A_906] : memref<2x4096xf32, #tpu.memory_space<vmem>> -> memref<1x4096xf32, #tpu.memory_space<vmem>>
      %scatter3A_908 = tpu.memref_squeeze %scatter3A_907 : memref<1x4096xf32, #tpu.memory_space<vmem>> -> memref<4096xf32, #tpu.memory_space<vmem>>
      tpu.vector_store_idx %scatter3A_908[%add3A_904], %get3A_902 : memref<4096xf32, #tpu.memory_space<vmem>>[vector<16xi32>], vector<16xf32>,
      %get3A_909 = arith.constant 1 : i32
      %get3A_910 = arith.index_cast %get3A_909 : i32 to index
      %get3A_911 = arith.index_cast %add3A_897 : i32 to index
      %get3A_912 = arith.constant 16 : index
      %get3A_913 = tpu.vector_load %arg6[%get3A_910, %get3A_911, %get3A_912] {strides = array<i32>} : memref<2x128x32xf32, #tpu.memory_space<vmem>>, vector<16xf32>,
      %add3A_914 = vector.broadcast %add3A_897 : i32 to vector<16xi32>
      %add3A_915 = arith.addi %add3A_16, %add3A_914 : vector<16xi32>
      %scatter3A_916 = arith.constant 1 : i32
      %scatter3A_917 = arith.constant 0 : i32
      %scatter3A_918 = tpu.memref_slice %arg7[%scatter3A_916, %scatter3A_917] : memref<2x4096xf32, #tpu.memory_space<vmem>> -> memref<1x4096xf32, #tpu.memory_space<vmem>>
      %scatter3A_919 = tpu.memref_squeeze %scatter3A_918 : memref<1x4096xf32, #tpu.memory_space<vmem>> -> memref<4096xf32, #tpu.memory_space<vmem>>
      tpu.vector_store_idx %scatter3A_919[%add3A_915], %get3A_913 : memref<4096xf32, #tpu.memory_space<vmem>>[vector<16xi32>], vector<16xf32>,
      %scan3A_920 = arith.constant 4 : i32
      %scan3A_921 = arith.addi %scan3A_811, %scan3A_920 : i32
      %mul3A_922 = arith.constant 1 : i32
      %mul3A_923 = arith.muli %scan3A_921, %mul3A_922 : i32
      %add3A_924 = arith.constant 0 : i32
      %add3A_925 = arith.addi %add3A_924, %mul3A_923 : i32
      %get3A_926 = arith.constant 1 : i32
      %get3A_927 = arith.index_cast %get3A_926 : i32 to index
      %get3A_928 = arith.index_cast %add3A_925 : i32 to index
      %get3A_929 = arith.constant 0 : index
      %get3A_930 = tpu.vector_load %arg6[%get3A_927, %get3A_928, %get3A_929] {strides = array<i32>} : memref<2x128x32xf32, #tpu.memory_space<vmem>>, vector<16xf32>,
      %add3A_931 = vector.broadcast %add3A_925 : i32 to vector<16xi32>
      %add3A_932 = arith.addi %add3A_13, %add3A_931 : vector<16xi32>
      %scatter3A_933 = arith.constant 1 : i32
      %scatter3A_934 = arith.constant 0 : i32
      %scatter3A_935 = tpu.memref_slice %arg7[%scatter3A_933, %scatter3A_934] : memref<2x4096xf32, #tpu.memory_space<vmem>> -> memref<1x4096xf32, #tpu.memory_space<vmem>>
      %scatter3A_936 = tpu.memref_squeeze %scatter3A_935 : memref<1x4096xf32, #tpu.memory_space<vmem>> -> memref<4096xf32, #tpu.memory_space<vmem>>
      tpu.vector_store_idx %scatter3A_936[%add3A_932], %get3A_930 : memref<4096xf32, #tpu.memory_space<vmem>>[vector<16xi32>], vector<16xf32>,
      %get3A_937 = arith.constant 1 : i32
      %get3A_938 = arith.index_cast %get3A_937 : i32 to index
      %get3A_939 = arith.index_cast %add3A_925 : i32 to index
      %get3A_940 = arith.constant 16 : index
      %get3A_941 = tpu.vector_load %arg6[%get3A_938, %get3A_939, %get3A_940] {strides = array<i32>} : memref<2x128x32xf32, #tpu.memory_space<vmem>>, vector<16xf32>,
      %add3A_942 = vector.broadcast %add3A_925 : i32 to vector<16xi32>
      %add3A_943 = arith.addi %add3A_16, %add3A_942 : vector<16xi32>
      %scatter3A_944 = arith.constant 1 : i32
      %scatter3A_945 = arith.constant 0 : i32
      %scatter3A_946 = tpu.memref_slice %arg7[%scatter3A_944, %scatter3A_945] : memref<2x4096xf32, #tpu.memory_space<vmem>> -> memref<1x4096xf32, #tpu.memory_space<vmem>>
      %scatter3A_947 = tpu.memref_squeeze %scatter3A_946 : memref<1x4096xf32, #tpu.memory_space<vmem>> -> memref<4096xf32, #tpu.memory_space<vmem>>
      tpu.vector_store_idx %scatter3A_947[%add3A_943], %get3A_941 : memref<4096xf32, #tpu.memory_space<vmem>>[vector<16xi32>], vector<16xf32>,
      %scan3A_948 = arith.constant 5 : i32
      %scan3A_949 = arith.addi %scan3A_811, %scan3A_948 : i32
      %mul3A_950 = arith.constant 1 : i32
      %mul3A_951 = arith.muli %scan3A_949, %mul3A_950 : i32
      %add3A_952 = arith.constant 0 : i32
      %add3A_953 = arith.addi %add3A_952, %mul3A_951 : i32
      %get3A_954 = arith.constant 1 : i32
      %get3A_955 = arith.index_cast %get3A_954 : i32 to index
      %get3A_956 = arith.index_cast %add3A_953 : i32 to index
      %get3A_957 = arith.constant 0 : index
      %get3A_958 = tpu.vector_load %arg6[%get3A_955, %get3A_956, %get3A_957] {strides = array<i32>} : memref<2x128x32xf32, #tpu.memory_space<vmem>>, vector<16xf32>,
      %add3A_959 = vector.broadcast %add3A_953 : i32 to vector<16xi32>
      %add3A_960 = arith.addi %add3A_13, %add3A_959 : vector<16xi32>
      %scatter3A_961 = arith.constant 1 : i32
      %scatter3A_962 = arith.constant 0 : i32
      %scatter3A_963 = tpu.memref_slice %arg7[%scatter3A_961, %scatter3A_962] : memref<2x4096xf32, #tpu.memory_space<vmem>> -> memref<1x4096xf32, #tpu.memory_space<vmem>>
      %scatter3A_964 = tpu.memref_squeeze %scatter3A_963 : memref<1x4096xf32, #tpu.memory_space<vmem>> -> memref<4096xf32, #tpu.memory_space<vmem>>
      tpu.vector_store_idx %scatter3A_964[%add3A_960], %get3A_958 : memref<4096xf32, #tpu.memory_space<vmem>>[vector<16xi32>], vector<16xf32>,
      %get3A_965 = arith.constant 1 : i32
      %get3A_966 = arith.index_cast %get3A_965 : i32 to index
      %get3A_967 = arith.index_cast %add3A_953 : i32 to index
      %get3A_968 = arith.constant 16 : index
      %get3A_969 = tpu.vector_load %arg6[%get3A_966, %get3A_967, %get3A_968] {strides = array<i32>} : memref<2x128x32xf32, #tpu.memory_space<vmem>>, vector<16xf32>,
      %add3A_970 = vector.broadcast %add3A_953 : i32 to vector<16xi32>
      %add3A_971 = arith.addi %add3A_16, %add3A_970 : vector<16xi32>
      %scatter3A_972 = arith.constant 1 : i32
      %scatter3A_973 = arith.constant 0 : i32
      %scatter3A_974 = tpu.memref_slice %arg7[%scatter3A_972, %scatter3A_973] : memref<2x4096xf32, #tpu.memory_space<vmem>> -> memref<1x4096xf32, #tpu.memory_space<vmem>>
      %scatter3A_975 = tpu.memref_squeeze %scatter3A_974 : memref<1x4096xf32, #tpu.memory_space<vmem>> -> memref<4096xf32, #tpu.memory_space<vmem>>
      tpu.vector_store_idx %scatter3A_975[%add3A_971], %get3A_969 : memref<4096xf32, #tpu.memory_space<vmem>>[vector<16xi32>], vector<16xf32>,
      %scan3A_976 = arith.constant 6 : i32
      %scan3A_977 = arith.addi %scan3A_811, %scan3A_976 : i32
      %mul3A_978 = arith.constant 1 : i32
      %mul3A_979 = arith.muli %scan3A_977, %mul3A_978 : i32
      %add3A_980 = arith.constant 0 : i32
      %add3A_981 = arith.addi %add3A_980, %mul3A_979 : i32
      %get3A_982 = arith.constant 1 : i32
      %get3A_983 = arith.index_cast %get3A_982 : i32 to index
      %get3A_984 = arith.index_cast %add3A_981 : i32 to index
      %get3A_985 = arith.constant 0 : index
      %get3A_986 = tpu.vector_load %arg6[%get3A_983, %get3A_984, %get3A_985] {strides = array<i32>} : memref<2x128x32xf32, #tpu.memory_space<vmem>>, vector<16xf32>,
      %add3A_987 = vector.broadcast %add3A_981 : i32 to vector<16xi32>
      %add3A_988 = arith.addi %add3A_13, %add3A_987 : vector<16xi32>
      %scatter3A_989 = arith.constant 1 : i32
      %scatter3A_990 = arith.constant 0 : i32
      %scatter3A_991 = tpu.memref_slice %arg7[%scatter3A_989, %scatter3A_990] : memref<2x4096xf32, #tpu.memory_space<vmem>> -> memref<1x4096xf32, #tpu.memory_space<vmem>>
      %scatter3A_992 = tpu.memref_squeeze %scatter3A_991 : memref<1x4096xf32, #tpu.memory_space<vmem>> -> memref<4096xf32, #tpu.memory_space<vmem>>
      tpu.vector_store_idx %scatter3A_992[%add3A_988], %get3A_986 : memref<4096xf32, #tpu.memory_space<vmem>>[vector<16xi32>], vector<16xf32>,
      %get3A_993 = arith.constant 1 : i32
      %get3A_994 = arith.index_cast %get3A_993 : i32 to index
      %get3A_995 = arith.index_cast %add3A_981 : i32 to index
      %get3A_996 = arith.constant 16 : index
      %get3A_997 = tpu.vector_load %arg6[%get3A_994, %get3A_995, %get3A_996] {strides = array<i32>} : memref<2x128x32xf32, #tpu.memory_space<vmem>>, vector<16xf32>,
      %add3A_998 = vector.broadcast %add3A_981 : i32 to vector<16xi32>
      %add3A_999 = arith.addi %add3A_16, %add3A_998 : vector<16xi32>
      %scatter3A_1000 = arith.constant 1 : i32
      %scatter3A_1001 = arith.constant 0 : i32
      %scatter3A_1002 = tpu.memref_slice %arg7[%scatter3A_1000, %scatter3A_1001] : memref<2x4096xf32, #tpu.memory_space<vmem>> -> memref<1x4096xf32, #tpu.memory_space<vmem>>
      %scatter3A_1003 = tpu.memref_squeeze %scatter3A_1002 : memref<1x4096xf32, #tpu.memory_space<vmem>> -> memref<4096xf32, #tpu.memory_space<vmem>>
      tpu.vector_store_idx %scatter3A_1003[%add3A_999], %get3A_997 : memref<4096xf32, #tpu.memory_space<vmem>>[vector<16xi32>], vector<16xf32>,
      %scan3A_1004 = arith.constant 7 : i32
      %scan3A_1005 = arith.addi %scan3A_811, %scan3A_1004 : i32
      %mul3A_1006 = arith.constant 1 : i32
      %mul3A_1007 = arith.muli %scan3A_1005, %mul3A_1006 : i32
      %add3A_1008 = arith.constant 0 : i32
      %add3A_1009 = arith.addi %add3A_1008, %mul3A_1007 : i32
      %get3A_1010 = arith.constant 1 : i32
      %get3A_1011 = arith.index_cast %get3A_1010 : i32 to index
      %get3A_1012 = arith.index_cast %add3A_1009 : i32 to index
      %get3A_1013 = arith.constant 0 : index
      %get3A_1014 = tpu.vector_load %arg6[%get3A_1011, %get3A_1012, %get3A_1013] {strides = array<i32>} : memref<2x128x32xf32, #tpu.memory_space<vmem>>, vector<16xf32>,
      %add3A_1015 = vector.broadcast %add3A_1009 : i32 to vector<16xi32>
      %add3A_1016 = arith.addi %add3A_13, %add3A_1015 : vector<16xi32>
      %scatter3A_1017 = arith.constant 1 : i32
      %scatter3A_1018 = arith.constant 0 : i32
      %scatter3A_1019 = tpu.memref_slice %arg7[%scatter3A_1017, %scatter3A_1018] : memref<2x4096xf32, #tpu.memory_space<vmem>> -> memref<1x4096xf32, #tpu.memory_space<vmem>>
      %scatter3A_1020 = tpu.memref_squeeze %scatter3A_1019 : memref<1x4096xf32, #tpu.memory_space<vmem>> -> memref<4096xf32, #tpu.memory_space<vmem>>
      tpu.vector_store_idx %scatter3A_1020[%add3A_1016], %get3A_1014 : memref<4096xf32, #tpu.memory_space<vmem>>[vector<16xi32>], vector<16xf32>,
      %get3A_1021 = arith.constant 1 : i32
      %get3A_1022 = arith.index_cast %get3A_1021 : i32 to index
      %get3A_1023 = arith.index_cast %add3A_1009 : i32 to index
      %get3A_1024 = arith.constant 16 : index
      %get3A_1025 = tpu.vector_load %arg6[%get3A_1022, %get3A_1023, %get3A_1024] {strides = array<i32>} : memref<2x128x32xf32, #tpu.memory_space<vmem>>, vector<16xf32>,
      %add3A_1026 = vector.broadcast %add3A_1009 : i32 to vector<16xi32>
      %add3A_1027 = arith.addi %add3A_16, %add3A_1026 : vector<16xi32>
      %scatter3A_1028 = arith.constant 1 : i32
      %scatter3A_1029 = arith.constant 0 : i32
      %scatter3A_1030 = tpu.memref_slice %arg7[%scatter3A_1028, %scatter3A_1029] : memref<2x4096xf32, #tpu.memory_space<vmem>> -> memref<1x4096xf32, #tpu.memory_space<vmem>>
      %scatter3A_1031 = tpu.memref_squeeze %scatter3A_1030 : memref<1x4096xf32, #tpu.memory_space<vmem>> -> memref<4096xf32, #tpu.memory_space<vmem>>
      tpu.vector_store_idx %scatter3A_1031[%add3A_1027], %get3A_1025 : memref<4096xf32, #tpu.memory_space<vmem>>[vector<16xi32>], vector<16xf32>,
    }
    %scan3A_184 = arith.constant 128 : i32
    %mul3A_185 = arith.constant 8 : i32
    %mul3A_186 = arith.muli %add3A, %mul3A_185 : i32
    %mul3A_187 = arith.constant 128 : i32
    %mul3A_188 = arith.muli %mul3A_186, %mul3A_187 : i32
    %dma_start3A_189 = arith.constant 1 : i32
    %dma_start3A_190 = arith.constant 1 : i32
    %dma_start3A_191 = arith.constant 0 : i32
    %dma_start3A_192 = arith.constant 1 : i32
    %dma_start3A_193 = arith.constant 0 : i32
    %dma_start3A_194 = tpu.memref_slice %arg7[%dma_start3A_189, %dma_start3A_193] : memref<2x4096xf32, #tpu.memory_space<vmem>> -> memref<1x1024xf32, #tpu.memory_space<vmem>>
    %dma_start3A_195 = tpu.memref_squeeze %dma_start3A_194 : memref<1x1024xf32, #tpu.memory_space<vmem>> -> memref<1024xf32, #tpu.memory_space<vmem>>
    %dma_start3A_196 = tpu.memref_slice %arg4[%dma_start3A_190, %dma_start3A_191, %mul3A_188] : memref<50x4x32768xf32, #tpu.memory_space<hbm>> -> memref<1x1x1024xf32, #tpu.memory_space<hbm>>
    %dma_start3A_197 = tpu.memref_squeeze %dma_start3A_196 : memref<1x1x1024xf32, #tpu.memory_space<hbm>> -> memref<1024xf32, #tpu.memory_space<hbm>>
    %dma_start3A_198 = tpu.memref_slice %arg9[%dma_start3A_192] : memref<2x!tpu.dma_semaphore, #tpu.memory_space<semaphore_mem>> -> memref<1x!tpu.dma_semaphore, #tpu.memory_space<semaphore_mem>>
    %dma_start3A_199 = tpu.memref_squeeze %dma_start3A_198 : memref<1x!tpu.dma_semaphore, #tpu.memory_space<semaphore_mem>> -> memref<!tpu.dma_semaphore, #tpu.memory_space<semaphore_mem>>
    %dma_start3A_200 = tpu.memref_slice %arg4[%dma_start3A_190, %dma_start3A_191, %mul3A_188] : memref<50x4x32768xf32, #tpu.memory_space<hbm>> -> memref<1x1x1024xf32, #tpu.memory_space<hbm>>
    %dma_start3A_201 = tpu.memref_squeeze %dma_start3A_200 : memref<1x1x1024xf32, #tpu.memory_space<hbm>> -> memref<1024xf32, #tpu.memory_space<hbm>>
    %dma_start3A_202 = arith.constant 0 : i32
    %dma_start3A_203 = tpu.memref_slice %arg7[%dma_start3A_189, %dma_start3A_202] : memref<2x4096xf32, #tpu.memory_space<vmem>> -> memref<1x1024xf32, #tpu.memory_space<vmem>>
    %dma_start3A_204 = tpu.memref_squeeze %dma_start3A_203 : memref<1x1024xf32, #tpu.memory_space<vmem>> -> memref<1024xf32, #tpu.memory_space<vmem>>
    tpu.enqueue_dma source(%dma_start3A_204 : memref<1024xf32, #tpu.memory_space<vmem>>) target(%dma_start3A_201 : memref<1024xf32, #tpu.memory_space<hbm>>) target_semaphore(%dma_start3A_199 : memref<!tpu.dma_semaphore, #tpu.memory_space<semaphore_mem>>)
    %mul3A_205 = arith.constant 8 : i32
    %mul3A_206 = arith.muli %add3A, %mul3A_205 : i32
    %mul3A_207 = arith.constant 128 : i32
    %mul3A_208 = arith.muli %mul3A_206, %mul3A_207 : i32
    %dma_start3A_209 = arith.constant 1 : i32
    %dma_start3A_210 = arith.constant 1 : i32
    %dma_start3A_211 = arith.constant 1 : i32
    %dma_start3A_212 = arith.constant 1 : i32
    %dma_start3A_213 = arith.constant 1024 : i32
    %dma_start3A_214 = tpu.memref_slice %arg7[%dma_start3A_209, %dma_start3A_213] : memref<2x4096xf32, #tpu.memory_space<vmem>> -> memref<1x1024xf32, #tpu.memory_space<vmem>>
    %dma_start3A_215 = tpu.memref_squeeze %dma_start3A_214 : memref<1x1024xf32, #tpu.memory_space<vmem>> -> memref<1024xf32, #tpu.memory_space<vmem>>
    %dma_start3A_216 = tpu.memref_slice %arg4[%dma_start3A_210, %dma_start3A_211, %mul3A_208] : memref<50x4x32768xf32, #tpu.memory_space<hbm>> -> memref<1x1x1024xf32, #tpu.memory_space<hbm>>
    %dma_start3A_217 = tpu.memref_squeeze %dma_start3A_216 : memref<1x1x1024xf32, #tpu.memory_space<hbm>> -> memref<1024xf32, #tpu.memory_space<hbm>>
    %dma_start3A_218 = tpu.memref_slice %arg9[%dma_start3A_212] : memref<2x!tpu.dma_semaphore, #tpu.memory_space<semaphore_mem>> -> memref<1x!tpu.dma_semaphore, #tpu.memory_space<semaphore_mem>>
    %dma_start3A_219 = tpu.memref_squeeze %dma_start3A_218 : memref<1x!tpu.dma_semaphore, #tpu.memory_space<semaphore_mem>> -> memref<!tpu.dma_semaphore, #tpu.memory_space<semaphore_mem>>
    %dma_start3A_220 = tpu.memref_slice %arg4[%dma_start3A_210, %dma_start3A_211, %mul3A_208] : memref<50x4x32768xf32, #tpu.memory_space<hbm>> -> memref<1x1x1024xf32, #tpu.memory_space<hbm>>
    %dma_start3A_221 = tpu.memref_squeeze %dma_start3A_220 : memref<1x1x1024xf32, #tpu.memory_space<hbm>> -> memref<1024xf32, #tpu.memory_space<hbm>>
    %dma_start3A_222 = arith.constant 1024 : i32
    %dma_start3A_223 = tpu.memref_slice %arg7[%dma_start3A_209, %dma_start3A_222] : memref<2x4096xf32, #tpu.memory_space<vmem>> -> memref<1x1024xf32, #tpu.memory_space<vmem>>
    %dma_start3A_224 = tpu.memref_squeeze %dma_start3A_223 : memref<1x1024xf32, #tpu.memory_space<vmem>> -> memref<1024xf32, #tpu.memory_space<vmem>>
    tpu.enqueue_dma source(%dma_start3A_224 : memref<1024xf32, #tpu.memory_space<vmem>>) target(%dma_start3A_221 : memref<1024xf32, #tpu.memory_space<hbm>>) target_semaphore(%dma_start3A_219 : memref<!tpu.dma_semaphore, #tpu.memory_space<semaphore_mem>>)
    %mul3A_225 = arith.constant 8 : i32
    %mul3A_226 = arith.muli %add3A, %mul3A_225 : i32
    %mul3A_227 = arith.constant 128 : i32
    %mul3A_228 = arith.muli %mul3A_226, %mul3A_227 : i32
    %dma_start3A_229 = arith.constant 1 : i32
    %dma_start3A_230 = arith.constant 1 : i32
    %dma_start3A_231 = arith.constant 2 : i32
    %dma_start3A_232 = arith.constant 1 : i32
    %dma_start3A_233 = arith.constant 2048 : i32
    %dma_start3A_234 = tpu.memref_slice %arg7[%dma_start3A_229, %dma_start3A_233] : memref<2x4096xf32, #tpu.memory_space<vmem>> -> memref<1x1024xf32, #tpu.memory_space<vmem>>
    %dma_start3A_235 = tpu.memref_squeeze %dma_start3A_234 : memref<1x1024xf32, #tpu.memory_space<vmem>> -> memref<1024xf32, #tpu.memory_space<vmem>>
    %dma_start3A_236 = tpu.memref_slice %arg4[%dma_start3A_230, %dma_start3A_231, %mul3A_228] : memref<50x4x32768xf32, #tpu.memory_space<hbm>> -> memref<1x1x1024xf32, #tpu.memory_space<hbm>>
    %dma_start3A_237 = tpu.memref_squeeze %dma_start3A_236 : memref<1x1x1024xf32, #tpu.memory_space<hbm>> -> memref<1024xf32, #tpu.memory_space<hbm>>
    %dma_start3A_238 = tpu.memref_slice %arg9[%dma_start3A_232] : memref<2x!tpu.dma_semaphore, #tpu.memory_space<semaphore_mem>> -> memref<1x!tpu.dma_semaphore, #tpu.memory_space<semaphore_mem>>
    %dma_start3A_239 = tpu.memref_squeeze %dma_start3A_238 : memref<1x!tpu.dma_semaphore, #tpu.memory_space<semaphore_mem>> -> memref<!tpu.dma_semaphore, #tpu.memory_space<semaphore_mem>>
    %dma_start3A_240 = tpu.memref_slice %arg4[%dma_start3A_230, %dma_start3A_231, %mul3A_228] : memref<50x4x32768xf32, #tpu.memory_space<hbm>> -> memref<1x1x1024xf32, #tpu.memory_space<hbm>>
    %dma_start3A_241 = tpu.memref_squeeze %dma_start3A_240 : memref<1x1x1024xf32, #tpu.memory_space<hbm>> -> memref<1024xf32, #tpu.memory_space<hbm>>
    %dma_start3A_242 = arith.constant 2048 : i32
    %dma_start3A_243 = tpu.memref_slice %arg7[%dma_start3A_229, %dma_start3A_242] : memref<2x4096xf32, #tpu.memory_space<vmem>> -> memref<1x1024xf32, #tpu.memory_space<vmem>>
    %dma_start3A_244 = tpu.memref_squeeze %dma_start3A_243 : memref<1x1024xf32, #tpu.memory_space<vmem>> -> memref<1024xf32, #tpu.memory_space<vmem>>
    tpu.enqueue_dma source(%dma_start3A_244 : memref<1024xf32, #tpu.memory_space<vmem>>) target(%dma_start3A_241 : memref<1024xf32, #tpu.memory_space<hbm>>) target_semaphore(%dma_start3A_239 : memref<!tpu.dma_semaphore, #tpu.memory_space<semaphore_mem>>)
    %mul3A_245 = arith.constant 8 : i32
    %mul3A_246 = arith.muli %add3A, %mul3A_245 : i32
    %mul3A_247 = arith.constant 128 : i32
    %mul3A_248 = arith.muli %mul3A_246, %mul3A_247 : i32
    %dma_start3A_249 = arith.constant 1 : i32
    %dma_start3A_250 = arith.constant 1 : i32
    %dma_start3A_251 = arith.constant 3 : i32
    %dma_start3A_252 = arith.constant 1 : i32
    %dma_start3A_253 = arith.constant 3072 : i32
    %dma_start3A_254 = tpu.memref_slice %arg7[%dma_start3A_249, %dma_start3A_253] : memref<2x4096xf32, #tpu.memory_space<vmem>> -> memref<1x1024xf32, #tpu.memory_space<vmem>>
    %dma_start3A_255 = tpu.memref_squeeze %dma_start3A_254 : memref<1x1024xf32, #tpu.memory_space<vmem>> -> memref<1024xf32, #tpu.memory_space<vmem>>
    %dma_start3A_256 = tpu.memref_slice %arg4[%dma_start3A_250, %dma_start3A_251, %mul3A_248] : memref<50x4x32768xf32, #tpu.memory_space<hbm>> -> memref<1x1x1024xf32, #tpu.memory_space<hbm>>
    %dma_start3A_257 = tpu.memref_squeeze %dma_start3A_256 : memref<1x1x1024xf32, #tpu.memory_space<hbm>> -> memref<1024xf32, #tpu.memory_space<hbm>>
    %dma_start3A_258 = tpu.memref_slice %arg9[%dma_start3A_252] : memref<2x!tpu.dma_semaphore, #tpu.memory_space<semaphore_mem>> -> memref<1x!tpu.dma_semaphore, #tpu.memory_space<semaphore_mem>>
    %dma_start3A_259 = tpu.memref_squeeze %dma_start3A_258 : memref<1x!tpu.dma_semaphore, #tpu.memory_space<semaphore_mem>> -> memref<!tpu.dma_semaphore, #tpu.memory_space<semaphore_mem>>
    %dma_start3A_260 = tpu.memref_slice %arg4[%dma_start3A_250, %dma_start3A_251, %mul3A_248] : memref<50x4x32768xf32, #tpu.memory_space<hbm>> -> memref<1x1x1024xf32, #tpu.memory_space<hbm>>
    %dma_start3A_261 = tpu.memref_squeeze %dma_start3A_260 : memref<1x1x1024xf32, #tpu.memory_space<hbm>> -> memref<1024xf32, #tpu.memory_space<hbm>>
    %dma_start3A_262 = arith.constant 3072 : i32
    %dma_start3A_263 = tpu.memref_slice %arg7[%dma_start3A_249, %dma_start3A_262] : memref<2x4096xf32, #tpu.memory_space<vmem>> -> memref<1x1024xf32, #tpu.memory_space<vmem>>
    %dma_start3A_264 = tpu.memref_squeeze %dma_start3A_263 : memref<1x1024xf32, #tpu.memory_space<vmem>> -> memref<1024xf32, #tpu.memory_space<vmem>>
    tpu.enqueue_dma source(%dma_start3A_264 : memref<1024xf32, #tpu.memory_space<vmem>>) target(%dma_start3A_261 : memref<1024xf32, #tpu.memory_space<hbm>>) target_semaphore(%dma_start3A_259 : memref<!tpu.dma_semaphore, #tpu.memory_space<semaphore_mem>>)
    %dma_start3A_265 = arith.constant 3 : i32
    %dma_start3A_266 = arith.constant 1 : i32
    %dma_start3A_267 = arith.constant 1 : i32
    %dma_start3A_268 = arith.constant 0 : i32
    %dma_start3A_269 = arith.constant 0 : i32
    %dma_start3A_270 = tpu.memref_slice %arg6[%dma_start3A_266, %dma_start3A_268, %dma_start3A_269] : memref<2x128x32xf32, #tpu.memory_space<vmem>> -> memref<1x128x32xf32, #tpu.memory_space<vmem>>
    %dma_start3A_271 = tpu.memref_squeeze %dma_start3A_270 : memref<1x128x32xf32, #tpu.memory_space<vmem>> -> memref<128x32xf32, #tpu.memory_space<vmem>>
    %dma_start3A_272 = arith.constant 0 : i32
    %dma_start3A_273 = tpu.memref_slice %arg5[%dma_start3A_265, %dma_start3A_272] : memref<50x128xi32, #tpu.memory_space<vmem>> -> memref<1x128xi32, #tpu.memory_space<vmem>>
    %dma_start3A_274 = tpu.memref_squeeze %dma_start3A_273 : memref<1x128xi32, #tpu.memory_space<vmem>> -> memref<128xi32, #tpu.memory_space<vmem>>
    %dma_start3A_275 = arith.constant 0 : i32
    %dma_start3A_276 = arith.constant 0 : i32
    %dma_start3A_277 = tpu.memref_slice %arg3[%dma_start3A_275, %dma_start3A_276] : memref<100000x32xf32, #tpu.memory_space<hbm>> -> memref<100000x32xf32, #tpu.memory_space<hbm>>
    %dma_start3A_278 = tpu.memref_slice %arg8[%dma_start3A_267] : memref<2x!tpu.dma_semaphore, #tpu.memory_space<semaphore_mem>> -> memref<1x!tpu.dma_semaphore, #tpu.memory_space<semaphore_mem>>
    %dma_start3A_279 = tpu.memref_squeeze %dma_start3A_278 : memref<1x!tpu.dma_semaphore, #tpu.memory_space<semaphore_mem>> -> memref<!tpu.dma_semaphore, #tpu.memory_space<semaphore_mem>>
    tpu.enqueue_indirect_dma source(%dma_start3A_277 : memref<100000x32xf32, #tpu.memory_space<hbm>>) target(%dma_start3A_271 : memref<128x32xf32, #tpu.memory_space<vmem>>) offsets(%dma_start3A_274 : memref<128xi32, #tpu.memory_space<vmem>>) semaphore(%dma_start3A_279 : memref<!tpu.dma_semaphore, #tpu.memory_space<semaphore_mem>>)
    %scan3A_280 = arith.constant 0 : i32
    %scan3A_281 = arith.constant 23 : i32
    %scan3A_282 = arith.addi %scan3A_280, %scan3A_281 : i32
    %scan3A_283 = arith.constant 1 : i32
    scf.for %scan3A_811 = %scan3A_280 to %scan3A_282 step %scan3A_283  : i32 {
      %mul3A_812 = arith.constant 2 : i32
      %mul3A_813 = arith.muli %scan3A_811, %mul3A_812 : i32
      %add3A_814 = arith.constant 2 : i32
      %add3A_815 = arith.addi %add3A_814, %mul3A_813 : i32
      %add3A_816 = arith.constant 0 : i32
      %add3A_817 = arith.addi %add3A_815, %add3A_816 : i32
      %dma_wait3A_818 = arith.constant 0 : i32
      %dma_wait3A_819 = arith.constant 0 : i32
      %dma_wait3A_820 = arith.constant 0 : i32
      %dma_wait3A_821 = arith.constant 0 : i32
      %dma_wait3A_822 = tpu.memref_slice %arg6[%dma_wait3A_818, %dma_wait3A_820, %dma_wait3A_821] : memref<2x128x32xf32, #tpu.memory_space<vmem>> -> memref<1x128x32xf32, #tpu.memory_space<vmem>>
      %dma_wait3A_823 = tpu.memref_squeeze %dma_wait3A_822 : memref<1x128x32xf32, #tpu.memory_space<vmem>> -> memref<128x32xf32, #tpu.memory_space<vmem>>
      %dma_wait3A_824 = arith.constant 0 : i32
      %dma_wait3A_825 = arith.constant 0 : i32
      %dma_wait3A_826 = tpu.memref_slice %arg3[%dma_wait3A_824, %dma_wait3A_825] : memref<100000x32xf32, #tpu.memory_space<hbm>> -> memref<128x32xf32, #tpu.memory_space<hbm>>
      %dma_wait3A_827 = tpu.memref_slice %arg8[%dma_wait3A_819] : memref<2x!tpu.dma_semaphore, #tpu.memory_space<semaphore_mem>> -> memref<1x!tpu.dma_semaphore, #tpu.memory_space<semaphore_mem>>
      %dma_wait3A_828 = tpu.memref_squeeze %dma_wait3A_827 : memref<1x!tpu.dma_semaphore, #tpu.memory_space<semaphore_mem>> -> memref<!tpu.dma_semaphore, #tpu.memory_space<semaphore_mem>>
      %dma_wait3A_829 = arith.constant 0 : i32
      %dma_wait3A_830 = arith.constant 0 : i32
      %dma_wait3A_831 = tpu.memref_slice %arg6[%dma_wait3A_818, %dma_wait3A_829, %dma_wait3A_830] : memref<2x128x32xf32, #tpu.memory_space<vmem>> -> memref<1x128x32xf32, #tpu.memory_space<vmem>>
      %dma_wait3A_832 = tpu.memref_squeeze %dma_wait3A_831 : memref<1x128x32xf32, #tpu.memory_space<vmem>> -> memref<128x32xf32, #tpu.memory_space<vmem>>
      %dma_wait3A_833 = arith.constant 0 : i32
      %dma_wait3A_834 = arith.constant 0 : i32
      %dma_wait3A_835 = tpu.memref_slice %arg3[%dma_wait3A_833, %dma_wait3A_834] : memref<100000x32xf32, #tpu.memory_space<hbm>> -> memref<128x32xf32, #tpu.memory_space<hbm>>
      tpu.wait_dma2 semaphore(%dma_wait3A_828 : memref<!tpu.dma_semaphore, #tpu.memory_space<semaphore_mem>>) src(%dma_wait3A_835 : memref<128x32xf32, #tpu.memory_space<hbm>>) dst(%dma_wait3A_832 : memref<128x32xf32, #tpu.memory_space<vmem>>)
      %sub3A = arith.constant 2 : i32
      %sub3A_836 = arith.subi %add3A_817, %sub3A : i32
      %mul3A_837 = arith.constant 8 : i32
      %mul3A_838 = arith.muli %add3A, %mul3A_837 : i32
      %mul3A_839 = arith.constant 128 : i32
      %mul3A_840 = arith.muli %mul3A_838, %mul3A_839 : i32
      %dma_wait3A_841 = arith.constant 0 : i32
      %dma_wait3A_842 = arith.constant 0 : i32
      %dma_wait3A_843 = arith.constant 0 : i32
      %dma_wait3A_844 = arith.constant 0 : i32
      %dma_wait3A_845 = tpu.memref_slice %arg7[%dma_wait3A_841, %dma_wait3A_844] : memref<2x4096xf32, #tpu.memory_space<vmem>> -> memref<1x1024xf32, #tpu.memory_space<vmem>>
      %dma_wait3A_846 = tpu.memref_squeeze %dma_wait3A_845 : memref<1x1024xf32, #tpu.memory_space<vmem>> -> memref<1024xf32, #tpu.memory_space<vmem>>
      %dma_wait3A_847 = tpu.memref_slice %arg4[%sub3A_836, %dma_wait3A_842, %mul3A_840] : memref<50x4x32768xf32, #tpu.memory_space<hbm>> -> memref<1x1x1024xf32, #tpu.memory_space<hbm>>
      %dma_wait3A_848 = tpu.memref_squeeze %dma_wait3A_847 : memref<1x1x1024xf32, #tpu.memory_space<hbm>> -> memref<1024xf32, #tpu.memory_space<hbm>>
      %dma_wait3A_849 = tpu.memref_slice %arg9[%dma_wait3A_843] : memref<2x!tpu.dma_semaphore, #tpu.memory_space<semaphore_mem>> -> memref<1x!tpu.dma_semaphore, #tpu.memory_space<semaphore_mem>>
      %dma_wait3A_850 = tpu.memref_squeeze %dma_wait3A_849 : memref<1x!tpu.dma_semaphore, #tpu.memory_space<semaphore_mem>> -> memref<!tpu.dma_semaphore, #tpu.memory_space<semaphore_mem>>
      %dma_wait3A_851 = tpu.memref_slice %arg4[%sub3A_836, %dma_wait3A_842, %mul3A_840] : memref<50x4x32768xf32, #tpu.memory_space<hbm>> -> memref<1x1x1024xf32, #tpu.memory_space<hbm>>
      %dma_wait3A_852 = tpu.memref_squeeze %dma_wait3A_851 : memref<1x1x1024xf32, #tpu.memory_space<hbm>> -> memref<1024xf32, #tpu.memory_space<hbm>>
      %dma_wait3A_853 = arith.constant 0 : i32
      %dma_wait3A_854 = tpu.memref_slice %arg7[%dma_wait3A_841, %dma_wait3A_853] : memref<2x4096xf32, #tpu.memory_space<vmem>> -> memref<1x1024xf32, #tpu.memory_space<vmem>>
      %dma_wait3A_855 = tpu.memref_squeeze %dma_wait3A_854 : memref<1x1024xf32, #tpu.memory_space<vmem>> -> memref<1024xf32, #tpu.memory_space<vmem>>
      tpu.wait_dma2 semaphore(%dma_wait3A_850 : memref<!tpu.dma_semaphore, #tpu.memory_space<semaphore_mem>>) src(%dma_wait3A_855 : memref<1024xf32, #tpu.memory_space<vmem>>) dst(%dma_wait3A_852 : memref<1024xf32, #tpu.memory_space<hbm>>)
      %mul3A_856 = arith.constant 8 : i32
      %mul3A_857 = arith.muli %add3A, %mul3A_856 : i32
      %mul3A_858 = arith.constant 128 : i32
      %mul3A_859 = arith.muli %mul3A_857, %mul3A_858 : i32
      %dma_wait3A_860 = arith.constant 0 : i32
      %dma_wait3A_861 = arith.constant 1 : i32
      %dma_wait3A_862 = arith.constant 0 : i32
      %dma_wait3A_863 = arith.constant 1024 : i32
      %dma_wait3A_864 = tpu.memref_slice %arg7[%dma_wait3A_860, %dma_wait3A_863] : memref<2x4096xf32, #tpu.memory_space<vmem>> -> memref<1x1024xf32, #tpu.memory_space<vmem>>
      %dma_wait3A_865 = tpu.memref_squeeze %dma_wait3A_864 : memref<1x1024xf32, #tpu.memory_space<vmem>> -> memref<1024xf32, #tpu.memory_space<vmem>>
      %dma_wait3A_866 = tpu.memref_slice %arg4[%sub3A_836, %dma_wait3A_861, %mul3A_859] : memref<50x4x32768xf32, #tpu.memory_space<hbm>> -> memref<1x1x1024xf32, #tpu.memory_space<hbm>>
      %dma_wait3A_867 = tpu.memref_squeeze %dma_wait3A_866 : memref<1x1x1024xf32, #tpu.memory_space<hbm>> -> memref<1024xf32, #tpu.memory_space<hbm>>
      %dma_wait3A_868 = tpu.memref_slice %arg9[%dma_wait3A_862] : memref<2x!tpu.dma_semaphore, #tpu.memory_space<semaphore_mem>> -> memref<1x!tpu.dma_semaphore, #tpu.memory_space<semaphore_mem>>
      %dma_wait3A_869 = tpu.memref_squeeze %dma_wait3A_868 : memref<1x!tpu.dma_semaphore, #tpu.memory_space<semaphore_mem>> -> memref<!tpu.dma_semaphore, #tpu.memory_space<semaphore_mem>>
      %dma_wait3A_870 = tpu.memref_slice %arg4[%sub3A_836, %dma_wait3A_861, %mul3A_859] : memref<50x4x32768xf32, #tpu.memory_space<hbm>> -> memref<1x1x1024xf32, #tpu.memory_space<hbm>>
      %dma_wait3A_871 = tpu.memref_squeeze %dma_wait3A_870 : memref<1x1x1024xf32, #tpu.memory_space<hbm>> -> memref<1024xf32, #tpu.memory_space<hbm>>
      %dma_wait3A_872 = arith.constant 1024 : i32
      %dma_wait3A_873 = tpu.memref_slice %arg7[%dma_wait3A_860, %dma_wait3A_872] : memref<2x4096xf32, #tpu.memory_space<vmem>> -> memref<1x1024xf32, #tpu.memory_space<vmem>>
      %dma_wait3A_874 = tpu.memref_squeeze %dma_wait3A_873 : memref<1x1024xf32, #tpu.memory_space<vmem>> -> memref<1024xf32, #tpu.memory_space<vmem>>
      tpu.wait_dma2 semaphore(%dma_wait3A_869 : memref<!tpu.dma_semaphore, #tpu.memory_space<semaphore_mem>>) src(%dma_wait3A_874 : memref<1024xf32, #tpu.memory_space<vmem>>) dst(%dma_wait3A_871 : memref<1024xf32, #tpu.memory_space<hbm>>)
      %mul3A_875 = arith.constant 8 : i32
      %mul3A_876 = arith.muli %add3A, %mul3A_875 : i32
      %mul3A_877 = arith.constant 128 : i32
      %mul3A_878 = arith.muli %mul3A_876, %mul3A_877 : i32
      %dma_wait3A_879 = arith.constant 0 : i32
      %dma_wait3A_880 = arith.constant 2 : i32
      %dma_wait3A_881 = arith.constant 0 : i32
      %dma_wait3A_882 = arith.constant 2048 : i32
      %dma_wait3A_883 = tpu.memref_slice %arg7[%dma_wait3A_879, %dma_wait3A_882] : memref<2x4096xf32, #tpu.memory_space<vmem>> -> memref<1x1024xf32, #tpu.memory_space<vmem>>
      %dma_wait3A_884 = tpu.memref_squeeze %dma_wait3A_883 : memref<1x1024xf32, #tpu.memory_space<vmem>> -> memref<1024xf32, #tpu.memory_space<vmem>>
      %dma_wait3A_885 = tpu.memref_slice %arg4[%sub3A_836, %dma_wait3A_880, %mul3A_878] : memref<50x4x32768xf32, #tpu.memory_space<hbm>> -> memref<1x1x1024xf32, #tpu.memory_space<hbm>>
      %dma_wait3A_886 = tpu.memref_squeeze %dma_wait3A_885 : memref<1x1x1024xf32, #tpu.memory_space<hbm>> -> memref<1024xf32, #tpu.memory_space<hbm>>
      %dma_wait3A_887 = tpu.memref_slice %arg9[%dma_wait3A_881] : memref<2x!tpu.dma_semaphore, #tpu.memory_space<semaphore_mem>> -> memref<1x!tpu.dma_semaphore, #tpu.memory_space<semaphore_mem>>
      %dma_wait3A_888 = tpu.memref_squeeze %dma_wait3A_887 : memref<1x!tpu.dma_semaphore, #tpu.memory_space<semaphore_mem>> -> memref<!tpu.dma_semaphore, #tpu.memory_space<semaphore_mem>>
      %dma_wait3A_889 = tpu.memref_slice %arg4[%sub3A_836, %dma_wait3A_880, %mul3A_878] : memref<50x4x32768xf32, #tpu.memory_space<hbm>> -> memref<1x1x1024xf32, #tpu.memory_space<hbm>>
      %dma_wait3A_890 = tpu.memref_squeeze %dma_wait3A_889 : memref<1x1x1024xf32, #tpu.memory_space<hbm>> -> memref<1024xf32, #tpu.memory_space<hbm>>
      %dma_wait3A_891 = arith.constant 2048 : i32
      %dma_wait3A_892 = tpu.memref_slice %arg7[%dma_wait3A_879, %dma_wait3A_891] : memref<2x4096xf32, #tpu.memory_space<vmem>> -> memref<1x1024xf32, #tpu.memory_space<vmem>>
      %dma_wait3A_893 = tpu.memref_squeeze %dma_wait3A_892 : memref<1x1024xf32, #tpu.memory_space<vmem>> -> memref<1024xf32, #tpu.memory_space<vmem>>
      tpu.wait_dma2 semaphore(%dma_wait3A_888 : memref<!tpu.dma_semaphore, #tpu.memory_space<semaphore_mem>>) src(%dma_wait3A_893 : memref<1024xf32, #tpu.memory_space<vmem>>) dst(%dma_wait3A_890 : memref<1024xf32, #tpu.memory_space<hbm>>)
      %mul3A_894 = arith.constant 8 : i32
      %mul3A_895 = arith.muli %add3A, %mul3A_894 : i32
      %mul3A_896 = arith.constant 128 : i32
      %mul3A_897 = arith.muli %mul3A_895, %mul3A_896 : i32
      %dma_wait3A_898 = arith.constant 0 : i32
      %dma_wait3A_899 = arith.constant 3 : i32
      %dma_wait3A_900 = arith.constant 0 : i32
      %dma_wait3A_901 = arith.constant 3072 : i32
      %dma_wait3A_902 = tpu.memref_slice %arg7[%dma_wait3A_898, %dma_wait3A_901] : memref<2x4096xf32, #tpu.memory_space<vmem>> -> memref<1x1024xf32, #tpu.memory_space<vmem>>
      %dma_wait3A_903 = tpu.memref_squeeze %dma_wait3A_902 : memref<1x1024xf32, #tpu.memory_space<vmem>> -> memref<1024xf32, #tpu.memory_space<vmem>>
      %dma_wait3A_904 = tpu.memref_slice %arg4[%sub3A_836, %dma_wait3A_899, %mul3A_897] : memref<50x4x32768xf32, #tpu.memory_space<hbm>> -> memref<1x1x1024xf32, #tpu.memory_space<hbm>>
      %dma_wait3A_905 = tpu.memref_squeeze %dma_wait3A_904 : memref<1x1x1024xf32, #tpu.memory_space<hbm>> -> memref<1024xf32, #tpu.memory_space<hbm>>
      %dma_wait3A_906 = tpu.memref_slice %arg9[%dma_wait3A_900] : memref<2x!tpu.dma_semaphore, #tpu.memory_space<semaphore_mem>> -> memref<1x!tpu.dma_semaphore, #tpu.memory_space<semaphore_mem>>
      %dma_wait3A_907 = tpu.memref_squeeze %dma_wait3A_906 : memref<1x!tpu.dma_semaphore, #tpu.memory_space<semaphore_mem>> -> memref<!tpu.dma_semaphore, #tpu.memory_space<semaphore_mem>>
      %dma_wait3A_908 = tpu.memref_slice %arg4[%sub3A_836, %dma_wait3A_899, %mul3A_897] : memref<50x4x32768xf32, #tpu.memory_space<hbm>> -> memref<1x1x1024xf32, #tpu.memory_space<hbm>>
      %dma_wait3A_909 = tpu.memref_squeeze %dma_wait3A_908 : memref<1x1x1024xf32, #tpu.memory_space<hbm>> -> memref<1024xf32, #tpu.memory_space<hbm>>
      %dma_wait3A_910 = arith.constant 3072 : i32
      %dma_wait3A_911 = tpu.memref_slice %arg7[%dma_wait3A_898, %dma_wait3A_910] : memref<2x4096xf32, #tpu.memory_space<vmem>> -> memref<1x1024xf32, #tpu.memory_space<vmem>>
      %dma_wait3A_912 = tpu.memref_squeeze %dma_wait3A_911 : memref<1x1024xf32, #tpu.memory_space<vmem>> -> memref<1024xf32, #tpu.memory_space<vmem>>
      tpu.wait_dma2 semaphore(%dma_wait3A_907 : memref<!tpu.dma_semaphore, #tpu.memory_space<semaphore_mem>>) src(%dma_wait3A_912 : memref<1024xf32, #tpu.memory_space<vmem>>) dst(%dma_wait3A_909 : memref<1024xf32, #tpu.memory_space<hbm>>)
      %scan3A_913 = arith.constant 0 : i32
      %scan3A_914 = arith.constant 128 : i32
      %scan3A_915 = arith.addi %scan3A_913, %scan3A_914 : i32
      %scan3A_916 = arith.constant 8 : i32
      scf.for %scan3A_1205 = %scan3A_913 to %scan3A_915 step %scan3A_916  : i32 {
        %mul3A_1206 = arith.constant 1 : i32
        %mul3A_1207 = arith.muli %scan3A_1205, %mul3A_1206 : i32
        %add3A_1208 = arith.constant 0 : i32
        %add3A_1209 = arith.addi %add3A_1208, %mul3A_1207 : i32
        %get3A = arith.constant 0 : i32
        %get3A_1210 = arith.index_cast %get3A : i32 to index
        %get3A_1211 = arith.index_cast %add3A_1209 : i32 to index
        %get3A_1212 = arith.constant 0 : index
        %get3A_1213 = tpu.vector_load %arg6[%get3A_1210, %get3A_1211, %get3A_1212] {strides = array<i32>} : memref<2x128x32xf32, #tpu.memory_space<vmem>>, vector<16xf32>,
        %add3A_1214 = vector.broadcast %add3A_1209 : i32 to vector<16xi32>
        %add3A_1215 = arith.addi %add3A_13, %add3A_1214 : vector<16xi32>
        %scatter3A = arith.constant 0 : i32
        %scatter3A_1216 = arith.constant 0 : i32
        %scatter3A_1217 = tpu.memref_slice %arg7[%scatter3A, %scatter3A_1216] : memref<2x4096xf32, #tpu.memory_space<vmem>> -> memref<1x4096xf32, #tpu.memory_space<vmem>>
        %scatter3A_1218 = tpu.memref_squeeze %scatter3A_1217 : memref<1x4096xf32, #tpu.memory_space<vmem>> -> memref<4096xf32, #tpu.memory_space<vmem>>
        tpu.vector_store_idx %scatter3A_1218[%add3A_1215], %get3A_1213 : memref<4096xf32, #tpu.memory_space<vmem>>[vector<16xi32>], vector<16xf32>,
        %get3A_1219 = arith.constant 0 : i32
        %get3A_1220 = arith.index_cast %get3A_1219 : i32 to index
        %get3A_1221 = arith.index_cast %add3A_1209 : i32 to index
        %get3A_1222 = arith.constant 16 : index
        %get3A_1223 = tpu.vector_load %arg6[%get3A_1220, %get3A_1221, %get3A_1222] {strides = array<i32>} : memref<2x128x32xf32, #tpu.memory_space<vmem>>, vector<16xf32>,
        %add3A_1224 = vector.broadcast %add3A_1209 : i32 to vector<16xi32>
        %add3A_1225 = arith.addi %add3A_16, %add3A_1224 : vector<16xi32>
        %scatter3A_1226 = arith.constant 0 : i32
        %scatter3A_1227 = arith.constant 0 : i32
        %scatter3A_1228 = tpu.memref_slice %arg7[%scatter3A_1226, %scatter3A_1227] : memref<2x4096xf32, #tpu.memory_space<vmem>> -> memref<1x4096xf32, #tpu.memory_space<vmem>>
        %scatter3A_1229 = tpu.memref_squeeze %scatter3A_1228 : memref<1x4096xf32, #tpu.memory_space<vmem>> -> memref<4096xf32, #tpu.memory_space<vmem>>
        tpu.vector_store_idx %scatter3A_1229[%add3A_1225], %get3A_1223 : memref<4096xf32, #tpu.memory_space<vmem>>[vector<16xi32>], vector<16xf32>,
        %scan3A_1230 = arith.constant 1 : i32
        %scan3A_1231 = arith.addi %scan3A_1205, %scan3A_1230 : i32
        %mul3A_1232 = arith.constant 1 : i32
        %mul3A_1233 = arith.muli %scan3A_1231, %mul3A_1232 : i32
        %add3A_1234 = arith.constant 0 : i32
        %add3A_1235 = arith.addi %add3A_1234, %mul3A_1233 : i32
        %get3A_1236 = arith.constant 0 : i32
        %get3A_1237 = arith.index_cast %get3A_1236 : i32 to index
        %get3A_1238 = arith.index_cast %add3A_1235 : i32 to index
        %get3A_1239 = arith.constant 0 : index
        %get3A_1240 = tpu.vector_load %arg6[%get3A_1237, %get3A_1238, %get3A_1239] {strides = array<i32>} : memref<2x128x32xf32, #tpu.memory_space<vmem>>, vector<16xf32>,
        %add3A_1241 = vector.broadcast %add3A_1235 : i32 to vector<16xi32>
        %add3A_1242 = arith.addi %add3A_13, %add3A_1241 : vector<16xi32>
        %scatter3A_1243 = arith.constant 0 : i32
        %scatter3A_1244 = arith.constant 0 : i32
        %scatter3A_1245 = tpu.memref_slice %arg7[%scatter3A_1243, %scatter3A_1244] : memref<2x4096xf32, #tpu.memory_space<vmem>> -> memref<1x4096xf32, #tpu.memory_space<vmem>>
        %scatter3A_1246 = tpu.memref_squeeze %scatter3A_1245 : memref<1x4096xf32, #tpu.memory_space<vmem>> -> memref<4096xf32, #tpu.memory_space<vmem>>
        tpu.vector_store_idx %scatter3A_1246[%add3A_1242], %get3A_1240 : memref<4096xf32, #tpu.memory_space<vmem>>[vector<16xi32>], vector<16xf32>,
        %get3A_1247 = arith.constant 0 : i32
        %get3A_1248 = arith.index_cast %get3A_1247 : i32 to index
        %get3A_1249 = arith.index_cast %add3A_1235 : i32 to index
        %get3A_1250 = arith.constant 16 : index
        %get3A_1251 = tpu.vector_load %arg6[%get3A_1248, %get3A_1249, %get3A_1250] {strides = array<i32>} : memref<2x128x32xf32, #tpu.memory_space<vmem>>, vector<16xf32>,
        %add3A_1252 = vector.broadcast %add3A_1235 : i32 to vector<16xi32>
        %add3A_1253 = arith.addi %add3A_16, %add3A_1252 : vector<16xi32>
        %scatter3A_1254 = arith.constant 0 : i32
        %scatter3A_1255 = arith.constant 0 : i32
        %scatter3A_1256 = tpu.memref_slice %arg7[%scatter3A_1254, %scatter3A_1255] : memref<2x4096xf32, #tpu.memory_space<vmem>> -> memref<1x4096xf32, #tpu.memory_space<vmem>>
        %scatter3A_1257 = tpu.memref_squeeze %scatter3A_1256 : memref<1x4096xf32, #tpu.memory_space<vmem>> -> memref<4096xf32, #tpu.memory_space<vmem>>
        tpu.vector_store_idx %scatter3A_1257[%add3A_1253], %get3A_1251 : memref<4096xf32, #tpu.memory_space<vmem>>[vector<16xi32>], vector<16xf32>,
        %scan3A_1258 = arith.constant 2 : i32
        %scan3A_1259 = arith.addi %scan3A_1205, %scan3A_1258 : i32
        %mul3A_1260 = arith.constant 1 : i32
        %mul3A_1261 = arith.muli %scan3A_1259, %mul3A_1260 : i32
        %add3A_1262 = arith.constant 0 : i32
        %add3A_1263 = arith.addi %add3A_1262, %mul3A_1261 : i32
        %get3A_1264 = arith.constant 0 : i32
        %get3A_1265 = arith.index_cast %get3A_1264 : i32 to index
        %get3A_1266 = arith.index_cast %add3A_1263 : i32 to index
        %get3A_1267 = arith.constant 0 : index
        %get3A_1268 = tpu.vector_load %arg6[%get3A_1265, %get3A_1266, %get3A_1267] {strides = array<i32>} : memref<2x128x32xf32, #tpu.memory_space<vmem>>, vector<16xf32>,
        %add3A_1269 = vector.broadcast %add3A_1263 : i32 to vector<16xi32>
        %add3A_1270 = arith.addi %add3A_13, %add3A_1269 : vector<16xi32>
        %scatter3A_1271 = arith.constant 0 : i32
        %scatter3A_1272 = arith.constant 0 : i32
        %scatter3A_1273 = tpu.memref_slice %arg7[%scatter3A_1271, %scatter3A_1272] : memref<2x4096xf32, #tpu.memory_space<vmem>> -> memref<1x4096xf32, #tpu.memory_space<vmem>>
        %scatter3A_1274 = tpu.memref_squeeze %scatter3A_1273 : memref<1x4096xf32, #tpu.memory_space<vmem>> -> memref<4096xf32, #tpu.memory_space<vmem>>
        tpu.vector_store_idx %scatter3A_1274[%add3A_1270], %get3A_1268 : memref<4096xf32, #tpu.memory_space<vmem>>[vector<16xi32>], vector<16xf32>,
        %get3A_1275 = arith.constant 0 : i32
        %get3A_1276 = arith.index_cast %get3A_1275 : i32 to index
        %get3A_1277 = arith.index_cast %add3A_1263 : i32 to index
        %get3A_1278 = arith.constant 16 : index
        %get3A_1279 = tpu.vector_load %arg6[%get3A_1276, %get3A_1277, %get3A_1278] {strides = array<i32>} : memref<2x128x32xf32, #tpu.memory_space<vmem>>, vector<16xf32>,
        %add3A_1280 = vector.broadcast %add3A_1263 : i32 to vector<16xi32>
        %add3A_1281 = arith.addi %add3A_16, %add3A_1280 : vector<16xi32>
        %scatter3A_1282 = arith.constant 0 : i32
        %scatter3A_1283 = arith.constant 0 : i32
        %scatter3A_1284 = tpu.memref_slice %arg7[%scatter3A_1282, %scatter3A_1283] : memref<2x4096xf32, #tpu.memory_space<vmem>> -> memref<1x4096xf32, #tpu.memory_space<vmem>>
        %scatter3A_1285 = tpu.memref_squeeze %scatter3A_1284 : memref<1x4096xf32, #tpu.memory_space<vmem>> -> memref<4096xf32, #tpu.memory_space<vmem>>
        tpu.vector_store_idx %scatter3A_1285[%add3A_1281], %get3A_1279 : memref<4096xf32, #tpu.memory_space<vmem>>[vector<16xi32>], vector<16xf32>,
        %scan3A_1286 = arith.constant 3 : i32
        %scan3A_1287 = arith.addi %scan3A_1205, %scan3A_1286 : i32
        %mul3A_1288 = arith.constant 1 : i32
        %mul3A_1289 = arith.muli %scan3A_1287, %mul3A_1288 : i32
        %add3A_1290 = arith.constant 0 : i32
        %add3A_1291 = arith.addi %add3A_1290, %mul3A_1289 : i32
        %get3A_1292 = arith.constant 0 : i32
        %get3A_1293 = arith.index_cast %get3A_1292 : i32 to index
        %get3A_1294 = arith.index_cast %add3A_1291 : i32 to index
        %get3A_1295 = arith.constant 0 : index
        %get3A_1296 = tpu.vector_load %arg6[%get3A_1293, %get3A_1294, %get3A_1295] {strides = array<i32>} : memref<2x128x32xf32, #tpu.memory_space<vmem>>, vector<16xf32>,
        %add3A_1297 = vector.broadcast %add3A_1291 : i32 to vector<16xi32>
        %add3A_1298 = arith.addi %add3A_13, %add3A_1297 : vector<16xi32>
        %scatter3A_1299 = arith.constant 0 : i32
        %scatter3A_1300 = arith.constant 0 : i32
        %scatter3A_1301 = tpu.memref_slice %arg7[%scatter3A_1299, %scatter3A_1300] : memref<2x4096xf32, #tpu.memory_space<vmem>> -> memref<1x4096xf32, #tpu.memory_space<vmem>>
        %scatter3A_1302 = tpu.memref_squeeze %scatter3A_1301 : memref<1x4096xf32, #tpu.memory_space<vmem>> -> memref<4096xf32, #tpu.memory_space<vmem>>
        tpu.vector_store_idx %scatter3A_1302[%add3A_1298], %get3A_1296 : memref<4096xf32, #tpu.memory_space<vmem>>[vector<16xi32>], vector<16xf32>,
        %get3A_1303 = arith.constant 0 : i32
        %get3A_1304 = arith.index_cast %get3A_1303 : i32 to index
        %get3A_1305 = arith.index_cast %add3A_1291 : i32 to index
        %get3A_1306 = arith.constant 16 : index
        %get3A_1307 = tpu.vector_load %arg6[%get3A_1304, %get3A_1305, %get3A_1306] {strides = array<i32>} : memref<2x128x32xf32, #tpu.memory_space<vmem>>, vector<16xf32>,
        %add3A_1308 = vector.broadcast %add3A_1291 : i32 to vector<16xi32>
        %add3A_1309 = arith.addi %add3A_16, %add3A_1308 : vector<16xi32>
        %scatter3A_1310 = arith.constant 0 : i32
        %scatter3A_1311 = arith.constant 0 : i32
        %scatter3A_1312 = tpu.memref_slice %arg7[%scatter3A_1310, %scatter3A_1311] : memref<2x4096xf32, #tpu.memory_space<vmem>> -> memref<1x4096xf32, #tpu.memory_space<vmem>>
        %scatter3A_1313 = tpu.memref_squeeze %scatter3A_1312 : memref<1x4096xf32, #tpu.memory_space<vmem>> -> memref<4096xf32, #tpu.memory_space<vmem>>
        tpu.vector_store_idx %scatter3A_1313[%add3A_1309], %get3A_1307 : memref<4096xf32, #tpu.memory_space<vmem>>[vector<16xi32>], vector<16xf32>,
        %scan3A_1314 = arith.constant 4 : i32
        %scan3A_1315 = arith.addi %scan3A_1205, %scan3A_1314 : i32
        %mul3A_1316 = arith.constant 1 : i32
        %mul3A_1317 = arith.muli %scan3A_1315, %mul3A_1316 : i32
        %add3A_1318 = arith.constant 0 : i32
        %add3A_1319 = arith.addi %add3A_1318, %mul3A_1317 : i32
        %get3A_1320 = arith.constant 0 : i32
        %get3A_1321 = arith.index_cast %get3A_1320 : i32 to index
        %get3A_1322 = arith.index_cast %add3A_1319 : i32 to index
        %get3A_1323 = arith.constant 0 : index
        %get3A_1324 = tpu.vector_load %arg6[%get3A_1321, %get3A_1322, %get3A_1323] {strides = array<i32>} : memref<2x128x32xf32, #tpu.memory_space<vmem>>, vector<16xf32>,
        %add3A_1325 = vector.broadcast %add3A_1319 : i32 to vector<16xi32>
        %add3A_1326 = arith.addi %add3A_13, %add3A_1325 : vector<16xi32>
        %scatter3A_1327 = arith.constant 0 : i32
        %scatter3A_1328 = arith.constant 0 : i32
        %scatter3A_1329 = tpu.memref_slice %arg7[%scatter3A_1327, %scatter3A_1328] : memref<2x4096xf32, #tpu.memory_space<vmem>> -> memref<1x4096xf32, #tpu.memory_space<vmem>>
        %scatter3A_1330 = tpu.memref_squeeze %scatter3A_1329 : memref<1x4096xf32, #tpu.memory_space<vmem>> -> memref<4096xf32, #tpu.memory_space<vmem>>
        tpu.vector_store_idx %scatter3A_1330[%add3A_1326], %get3A_1324 : memref<4096xf32, #tpu.memory_space<vmem>>[vector<16xi32>], vector<16xf32>,
        %get3A_1331 = arith.constant 0 : i32
        %get3A_1332 = arith.index_cast %get3A_1331 : i32 to index
        %get3A_1333 = arith.index_cast %add3A_1319 : i32 to index
        %get3A_1334 = arith.constant 16 : index
        %get3A_1335 = tpu.vector_load %arg6[%get3A_1332, %get3A_1333, %get3A_1334] {strides = array<i32>} : memref<2x128x32xf32, #tpu.memory_space<vmem>>, vector<16xf32>,
        %add3A_1336 = vector.broadcast %add3A_1319 : i32 to vector<16xi32>
        %add3A_1337 = arith.addi %add3A_16, %add3A_1336 : vector<16xi32>
        %scatter3A_1338 = arith.constant 0 : i32
        %scatter3A_1339 = arith.constant 0 : i32
        %scatter3A_1340 = tpu.memref_slice %arg7[%scatter3A_1338, %scatter3A_1339] : memref<2x4096xf32, #tpu.memory_space<vmem>> -> memref<1x4096xf32, #tpu.memory_space<vmem>>
        %scatter3A_1341 = tpu.memref_squeeze %scatter3A_1340 : memref<1x4096xf32, #tpu.memory_space<vmem>> -> memref<4096xf32, #tpu.memory_space<vmem>>
        tpu.vector_store_idx %scatter3A_1341[%add3A_1337], %get3A_1335 : memref<4096xf32, #tpu.memory_space<vmem>>[vector<16xi32>], vector<16xf32>,
        %scan3A_1342 = arith.constant 5 : i32
        %scan3A_1343 = arith.addi %scan3A_1205, %scan3A_1342 : i32
        %mul3A_1344 = arith.constant 1 : i32
        %mul3A_1345 = arith.muli %scan3A_1343, %mul3A_1344 : i32
        %add3A_1346 = arith.constant 0 : i32
        %add3A_1347 = arith.addi %add3A_1346, %mul3A_1345 : i32
        %get3A_1348 = arith.constant 0 : i32
        %get3A_1349 = arith.index_cast %get3A_1348 : i32 to index
        %get3A_1350 = arith.index_cast %add3A_1347 : i32 to index
        %get3A_1351 = arith.constant 0 : index
        %get3A_1352 = tpu.vector_load %arg6[%get3A_1349, %get3A_1350, %get3A_1351] {strides = array<i32>} : memref<2x128x32xf32, #tpu.memory_space<vmem>>, vector<16xf32>,
        %add3A_1353 = vector.broadcast %add3A_1347 : i32 to vector<16xi32>
        %add3A_1354 = arith.addi %add3A_13, %add3A_1353 : vector<16xi32>
        %scatter3A_1355 = arith.constant 0 : i32
        %scatter3A_1356 = arith.constant 0 : i32
        %scatter3A_1357 = tpu.memref_slice %arg7[%scatter3A_1355, %scatter3A_1356] : memref<2x4096xf32, #tpu.memory_space<vmem>> -> memref<1x4096xf32, #tpu.memory_space<vmem>>
        %scatter3A_1358 = tpu.memref_squeeze %scatter3A_1357 : memref<1x4096xf32, #tpu.memory_space<vmem>> -> memref<4096xf32, #tpu.memory_space<vmem>>
        tpu.vector_store_idx %scatter3A_1358[%add3A_1354], %get3A_1352 : memref<4096xf32, #tpu.memory_space<vmem>>[vector<16xi32>], vector<16xf32>,
        %get3A_1359 = arith.constant 0 : i32
        %get3A_1360 = arith.index_cast %get3A_1359 : i32 to index
        %get3A_1361 = arith.index_cast %add3A_1347 : i32 to index
        %get3A_1362 = arith.constant 16 : index
        %get3A_1363 = tpu.vector_load %arg6[%get3A_1360, %get3A_1361, %get3A_1362] {strides = array<i32>} : memref<2x128x32xf32, #tpu.memory_space<vmem>>, vector<16xf32>,
        %add3A_1364 = vector.broadcast %add3A_1347 : i32 to vector<16xi32>
        %add3A_1365 = arith.addi %add3A_16, %add3A_1364 : vector<16xi32>
        %scatter3A_1366 = arith.constant 0 : i32
        %scatter3A_1367 = arith.constant 0 : i32
        %scatter3A_1368 = tpu.memref_slice %arg7[%scatter3A_1366, %scatter3A_1367] : memref<2x4096xf32, #tpu.memory_space<vmem>> -> memref<1x4096xf32, #tpu.memory_space<vmem>>
        %scatter3A_1369 = tpu.memref_squeeze %scatter3A_1368 : memref<1x4096xf32, #tpu.memory_space<vmem>> -> memref<4096xf32, #tpu.memory_space<vmem>>
        tpu.vector_store_idx %scatter3A_1369[%add3A_1365], %get3A_1363 : memref<4096xf32, #tpu.memory_space<vmem>>[vector<16xi32>], vector<16xf32>,
        %scan3A_1370 = arith.constant 6 : i32
        %scan3A_1371 = arith.addi %scan3A_1205, %scan3A_1370 : i32
        %mul3A_1372 = arith.constant 1 : i32
        %mul3A_1373 = arith.muli %scan3A_1371, %mul3A_1372 : i32
        %add3A_1374 = arith.constant 0 : i32
        %add3A_1375 = arith.addi %add3A_1374, %mul3A_1373 : i32
        %get3A_1376 = arith.constant 0 : i32
        %get3A_1377 = arith.index_cast %get3A_1376 : i32 to index
        %get3A_1378 = arith.index_cast %add3A_1375 : i32 to index
        %get3A_1379 = arith.constant 0 : index
        %get3A_1380 = tpu.vector_load %arg6[%get3A_1377, %get3A_1378, %get3A_1379] {strides = array<i32>} : memref<2x128x32xf32, #tpu.memory_space<vmem>>, vector<16xf32>,
        %add3A_1381 = vector.broadcast %add3A_1375 : i32 to vector<16xi32>
        %add3A_1382 = arith.addi %add3A_13, %add3A_1381 : vector<16xi32>
        %scatter3A_1383 = arith.constant 0 : i32
        %scatter3A_1384 = arith.constant 0 : i32
        %scatter3A_1385 = tpu.memref_slice %arg7[%scatter3A_1383, %scatter3A_1384] : memref<2x4096xf32, #tpu.memory_space<vmem>> -> memref<1x4096xf32, #tpu.memory_space<vmem>>
        %scatter3A_1386 = tpu.memref_squeeze %scatter3A_1385 : memref<1x4096xf32, #tpu.memory_space<vmem>> -> memref<4096xf32, #tpu.memory_space<vmem>>
        tpu.vector_store_idx %scatter3A_1386[%add3A_1382], %get3A_1380 : memref<4096xf32, #tpu.memory_space<vmem>>[vector<16xi32>], vector<16xf32>,
        %get3A_1387 = arith.constant 0 : i32
        %get3A_1388 = arith.index_cast %get3A_1387 : i32 to index
        %get3A_1389 = arith.index_cast %add3A_1375 : i32 to index
        %get3A_1390 = arith.constant 16 : index
        %get3A_1391 = tpu.vector_load %arg6[%get3A_1388, %get3A_1389, %get3A_1390] {strides = array<i32>} : memref<2x128x32xf32, #tpu.memory_space<vmem>>, vector<16xf32>,
        %add3A_1392 = vector.broadcast %add3A_1375 : i32 to vector<16xi32>
        %add3A_1393 = arith.addi %add3A_16, %add3A_1392 : vector<16xi32>
        %scatter3A_1394 = arith.constant 0 : i32
        %scatter3A_1395 = arith.constant 0 : i32
        %scatter3A_1396 = tpu.memref_slice %arg7[%scatter3A_1394, %scatter3A_1395] : memref<2x4096xf32, #tpu.memory_space<vmem>> -> memref<1x4096xf32, #tpu.memory_space<vmem>>
        %scatter3A_1397 = tpu.memref_squeeze %scatter3A_1396 : memref<1x4096xf32, #tpu.memory_space<vmem>> -> memref<4096xf32, #tpu.memory_space<vmem>>
        tpu.vector_store_idx %scatter3A_1397[%add3A_1393], %get3A_1391 : memref<4096xf32, #tpu.memory_space<vmem>>[vector<16xi32>], vector<16xf32>,
        %scan3A_1398 = arith.constant 7 : i32
        %scan3A_1399 = arith.addi %scan3A_1205, %scan3A_1398 : i32
        %mul3A_1400 = arith.constant 1 : i32
        %mul3A_1401 = arith.muli %scan3A_1399, %mul3A_1400 : i32
        %add3A_1402 = arith.constant 0 : i32
        %add3A_1403 = arith.addi %add3A_1402, %mul3A_1401 : i32
        %get3A_1404 = arith.constant 0 : i32
        %get3A_1405 = arith.index_cast %get3A_1404 : i32 to index
        %get3A_1406 = arith.index_cast %add3A_1403 : i32 to index
        %get3A_1407 = arith.constant 0 : index
        %get3A_1408 = tpu.vector_load %arg6[%get3A_1405, %get3A_1406, %get3A_1407] {strides = array<i32>} : memref<2x128x32xf32, #tpu.memory_space<vmem>>, vector<16xf32>,
        %add3A_1409 = vector.broadcast %add3A_1403 : i32 to vector<16xi32>
        %add3A_1410 = arith.addi %add3A_13, %add3A_1409 : vector<16xi32>
        %scatter3A_1411 = arith.constant 0 : i32
        %scatter3A_1412 = arith.constant 0 : i32
        %scatter3A_1413 = tpu.memref_slice %arg7[%scatter3A_1411, %scatter3A_1412] : memref<2x4096xf32, #tpu.memory_space<vmem>> -> memref<1x4096xf32, #tpu.memory_space<vmem>>
        %scatter3A_1414 = tpu.memref_squeeze %scatter3A_1413 : memref<1x4096xf32, #tpu.memory_space<vmem>> -> memref<4096xf32, #tpu.memory_space<vmem>>
        tpu.vector_store_idx %scatter3A_1414[%add3A_1410], %get3A_1408 : memref<4096xf32, #tpu.memory_space<vmem>>[vector<16xi32>], vector<16xf32>,
        %get3A_1415 = arith.constant 0 : i32
        %get3A_1416 = arith.index_cast %get3A_1415 : i32 to index
        %get3A_1417 = arith.index_cast %add3A_1403 : i32 to index
        %get3A_1418 = arith.constant 16 : index
        %get3A_1419 = tpu.vector_load %arg6[%get3A_1416, %get3A_1417, %get3A_1418] {strides = array<i32>} : memref<2x128x32xf32, #tpu.memory_space<vmem>>, vector<16xf32>,
        %add3A_1420 = vector.broadcast %add3A_1403 : i32 to vector<16xi32>
        %add3A_1421 = arith.addi %add3A_16, %add3A_1420 : vector<16xi32>
        %scatter3A_1422 = arith.constant 0 : i32
        %scatter3A_1423 = arith.constant 0 : i32
        %scatter3A_1424 = tpu.memref_slice %arg7[%scatter3A_1422, %scatter3A_1423] : memref<2x4096xf32, #tpu.memory_space<vmem>> -> memref<1x4096xf32, #tpu.memory_space<vmem>>
        %scatter3A_1425 = tpu.memref_squeeze %scatter3A_1424 : memref<1x4096xf32, #tpu.memory_space<vmem>> -> memref<4096xf32, #tpu.memory_space<vmem>>
        tpu.vector_store_idx %scatter3A_1425[%add3A_1421], %get3A_1419 : memref<4096xf32, #tpu.memory_space<vmem>>[vector<16xi32>], vector<16xf32>,
      }
      %scan3A_917 = arith.constant 128 : i32
      %mul3A_918 = arith.constant 8 : i32
      %mul3A_919 = arith.muli %add3A, %mul3A_918 : i32
      %mul3A_920 = arith.constant 128 : i32
      %mul3A_921 = arith.muli %mul3A_919, %mul3A_920 : i32
      %dma_start3A_922 = arith.constant 0 : i32
      %dma_start3A_923 = arith.constant 0 : i32
      %dma_start3A_924 = arith.constant 0 : i32
      %dma_start3A_925 = arith.constant 0 : i32
      %dma_start3A_926 = tpu.memref_slice %arg7[%dma_start3A_922, %dma_start3A_925] : memref<2x4096xf32, #tpu.memory_space<vmem>> -> memref<1x1024xf32, #tpu.memory_space<vmem>>
      %dma_start3A_927 = tpu.memref_squeeze %dma_start3A_926 : memref<1x1024xf32, #tpu.memory_space<vmem>> -> memref<1024xf32, #tpu.memory_space<vmem>>
      %dma_start3A_928 = tpu.memref_slice %arg4[%add3A_817, %dma_start3A_923, %mul3A_921] : memref<50x4x32768xf32, #tpu.memory_space<hbm>> -> memref<1x1x1024xf32, #tpu.memory_space<hbm>>
      %dma_start3A_929 = tpu.memref_squeeze %dma_start3A_928 : memref<1x1x1024xf32, #tpu.memory_space<hbm>> -> memref<1024xf32, #tpu.memory_space<hbm>>
      %dma_start3A_930 = tpu.memref_slice %arg9[%dma_start3A_924] : memref<2x!tpu.dma_semaphore, #tpu.memory_space<semaphore_mem>> -> memref<1x!tpu.dma_semaphore, #tpu.memory_space<semaphore_mem>>
      %dma_start3A_931 = tpu.memref_squeeze %dma_start3A_930 : memref<1x!tpu.dma_semaphore, #tpu.memory_space<semaphore_mem>> -> memref<!tpu.dma_semaphore, #tpu.memory_space<semaphore_mem>>
      %dma_start3A_932 = tpu.memref_slice %arg4[%add3A_817, %dma_start3A_923, %mul3A_921] : memref<50x4x32768xf32, #tpu.memory_space<hbm>> -> memref<1x1x1024xf32, #tpu.memory_space<hbm>>
      %dma_start3A_933 = tpu.memref_squeeze %dma_start3A_932 : memref<1x1x1024xf32, #tpu.memory_space<hbm>> -> memref<1024xf32, #tpu.memory_space<hbm>>
      %dma_start3A_934 = arith.constant 0 : i32
      %dma_start3A_935 = tpu.memref_slice %arg7[%dma_start3A_922, %dma_start3A_934] : memref<2x4096xf32, #tpu.memory_space<vmem>> -> memref<1x1024xf32, #tpu.memory_space<vmem>>
      %dma_start3A_936 = tpu.memref_squeeze %dma_start3A_935 : memref<1x1024xf32, #tpu.memory_space<vmem>> -> memref<1024xf32, #tpu.memory_space<vmem>>
      tpu.enqueue_dma source(%dma_start3A_936 : memref<1024xf32, #tpu.memory_space<vmem>>) target(%dma_start3A_933 : memref<1024xf32, #tpu.memory_space<hbm>>) target_semaphore(%dma_start3A_931 : memref<!tpu.dma_semaphore, #tpu.memory_space<semaphore_mem>>)
      %mul3A_937 = arith.constant 8 : i32
      %mul3A_938 = arith.muli %add3A, %mul3A_937 : i32
      %mul3A_939 = arith.constant 128 : i32
      %mul3A_940 = arith.muli %mul3A_938, %mul3A_939 : i32
      %dma_start3A_941 = arith.constant 0 : i32
      %dma_start3A_942 = arith.constant 1 : i32
      %dma_start3A_943 = arith.constant 0 : i32
      %dma_start3A_944 = arith.constant 1024 : i32
      %dma_start3A_945 = tpu.memref_slice %arg7[%dma_start3A_941, %dma_start3A_944] : memref<2x4096xf32, #tpu.memory_space<vmem>> -> memref<1x1024xf32, #tpu.memory_space<vmem>>
      %dma_start3A_946 = tpu.memref_squeeze %dma_start3A_945 : memref<1x1024xf32, #tpu.memory_space<vmem>> -> memref<1024xf32, #tpu.memory_space<vmem>>
      %dma_start3A_947 = tpu.memref_slice %arg4[%add3A_817, %dma_start3A_942, %mul3A_940] : memref<50x4x32768xf32, #tpu.memory_space<hbm>> -> memref<1x1x1024xf32, #tpu.memory_space<hbm>>
      %dma_start3A_948 = tpu.memref_squeeze %dma_start3A_947 : memref<1x1x1024xf32, #tpu.memory_space<hbm>> -> memref<1024xf32, #tpu.memory_space<hbm>>
      %dma_start3A_949 = tpu.memref_slice %arg9[%dma_start3A_943] : memref<2x!tpu.dma_semaphore, #tpu.memory_space<semaphore_mem>> -> memref<1x!tpu.dma_semaphore, #tpu.memory_space<semaphore_mem>>
      %dma_start3A_950 = tpu.memref_squeeze %dma_start3A_949 : memref<1x!tpu.dma_semaphore, #tpu.memory_space<semaphore_mem>> -> memref<!tpu.dma_semaphore, #tpu.memory_space<semaphore_mem>>
      %dma_start3A_951 = tpu.memref_slice %arg4[%add3A_817, %dma_start3A_942, %mul3A_940] : memref<50x4x32768xf32, #tpu.memory_space<hbm>> -> memref<1x1x1024xf32, #tpu.memory_space<hbm>>
      %dma_start3A_952 = tpu.memref_squeeze %dma_start3A_951 : memref<1x1x1024xf32, #tpu.memory_space<hbm>> -> memref<1024xf32, #tpu.memory_space<hbm>>
      %dma_start3A_953 = arith.constant 1024 : i32
      %dma_start3A_954 = tpu.memref_slice %arg7[%dma_start3A_941, %dma_start3A_953] : memref<2x4096xf32, #tpu.memory_space<vmem>> -> memref<1x1024xf32, #tpu.memory_space<vmem>>
      %dma_start3A_955 = tpu.memref_squeeze %dma_start3A_954 : memref<1x1024xf32, #tpu.memory_space<vmem>> -> memref<1024xf32, #tpu.memory_space<vmem>>
      tpu.enqueue_dma source(%dma_start3A_955 : memref<1024xf32, #tpu.memory_space<vmem>>) target(%dma_start3A_952 : memref<1024xf32, #tpu.memory_space<hbm>>) target_semaphore(%dma_start3A_950 : memref<!tpu.dma_semaphore, #tpu.memory_space<semaphore_mem>>)
      %mul3A_956 = arith.constant 8 : i32
      %mul3A_957 = arith.muli %add3A, %mul3A_956 : i32
      %mul3A_958 = arith.constant 128 : i32
      %mul3A_959 = arith.muli %mul3A_957, %mul3A_958 : i32
      %dma_start3A_960 = arith.constant 0 : i32
      %dma_start3A_961 = arith.constant 2 : i32
      %dma_start3A_962 = arith.constant 0 : i32
      %dma_start3A_963 = arith.constant 2048 : i32
      %dma_start3A_964 = tpu.memref_slice %arg7[%dma_start3A_960, %dma_start3A_963] : memref<2x4096xf32, #tpu.memory_space<vmem>> -> memref<1x1024xf32, #tpu.memory_space<vmem>>
      %dma_start3A_965 = tpu.memref_squeeze %dma_start3A_964 : memref<1x1024xf32, #tpu.memory_space<vmem>> -> memref<1024xf32, #tpu.memory_space<vmem>>
      %dma_start3A_966 = tpu.memref_slice %arg4[%add3A_817, %dma_start3A_961, %mul3A_959] : memref<50x4x32768xf32, #tpu.memory_space<hbm>> -> memref<1x1x1024xf32, #tpu.memory_space<hbm>>
      %dma_start3A_967 = tpu.memref_squeeze %dma_start3A_966 : memref<1x1x1024xf32, #tpu.memory_space<hbm>> -> memref<1024xf32, #tpu.memory_space<hbm>>
      %dma_start3A_968 = tpu.memref_slice %arg9[%dma_start3A_962] : memref<2x!tpu.dma_semaphore, #tpu.memory_space<semaphore_mem>> -> memref<1x!tpu.dma_semaphore, #tpu.memory_space<semaphore_mem>>
      %dma_start3A_969 = tpu.memref_squeeze %dma_start3A_968 : memref<1x!tpu.dma_semaphore, #tpu.memory_space<semaphore_mem>> -> memref<!tpu.dma_semaphore, #tpu.memory_space<semaphore_mem>>
      %dma_start3A_970 = tpu.memref_slice %arg4[%add3A_817, %dma_start3A_961, %mul3A_959] : memref<50x4x32768xf32, #tpu.memory_space<hbm>> -> memref<1x1x1024xf32, #tpu.memory_space<hbm>>
      %dma_start3A_971 = tpu.memref_squeeze %dma_start3A_970 : memref<1x1x1024xf32, #tpu.memory_space<hbm>> -> memref<1024xf32, #tpu.memory_space<hbm>>
      %dma_start3A_972 = arith.constant 2048 : i32
      %dma_start3A_973 = tpu.memref_slice %arg7[%dma_start3A_960, %dma_start3A_972] : memref<2x4096xf32, #tpu.memory_space<vmem>> -> memref<1x1024xf32, #tpu.memory_space<vmem>>
      %dma_start3A_974 = tpu.memref_squeeze %dma_start3A_973 : memref<1x1024xf32, #tpu.memory_space<vmem>> -> memref<1024xf32, #tpu.memory_space<vmem>>
      tpu.enqueue_dma source(%dma_start3A_974 : memref<1024xf32, #tpu.memory_space<vmem>>) target(%dma_start3A_971 : memref<1024xf32, #tpu.memory_space<hbm>>) target_semaphore(%dma_start3A_969 : memref<!tpu.dma_semaphore, #tpu.memory_space<semaphore_mem>>)
      %mul3A_975 = arith.constant 8 : i32
      %mul3A_976 = arith.muli %add3A, %mul3A_975 : i32
      %mul3A_977 = arith.constant 128 : i32
      %mul3A_978 = arith.muli %mul3A_976, %mul3A_977 : i32
      %dma_start3A_979 = arith.constant 0 : i32
      %dma_start3A_980 = arith.constant 3 : i32
      %dma_start3A_981 = arith.constant 0 : i32
      %dma_start3A_982 = arith.constant 3072 : i32
      %dma_start3A_983 = tpu.memref_slice %arg7[%dma_start3A_979, %dma_start3A_982] : memref<2x4096xf32, #tpu.memory_space<vmem>> -> memref<1x1024xf32, #tpu.memory_space<vmem>>
      %dma_start3A_984 = tpu.memref_squeeze %dma_start3A_983 : memref<1x1024xf32, #tpu.memory_space<vmem>> -> memref<1024xf32, #tpu.memory_space<vmem>>
      %dma_start3A_985 = tpu.memref_slice %arg4[%add3A_817, %dma_start3A_980, %mul3A_978] : memref<50x4x32768xf32, #tpu.memory_space<hbm>> -> memref<1x1x1024xf32, #tpu.memory_space<hbm>>
      %dma_start3A_986 = tpu.memref_squeeze %dma_start3A_985 : memref<1x1x1024xf32, #tpu.memory_space<hbm>> -> memref<1024xf32, #tpu.memory_space<hbm>>
      %dma_start3A_987 = tpu.memref_slice %arg9[%dma_start3A_981] : memref<2x!tpu.dma_semaphore, #tpu.memory_space<semaphore_mem>> -> memref<1x!tpu.dma_semaphore, #tpu.memory_space<semaphore_mem>>
      %dma_start3A_988 = tpu.memref_squeeze %dma_start3A_987 : memref<1x!tpu.dma_semaphore, #tpu.memory_space<semaphore_mem>> -> memref<!tpu.dma_semaphore, #tpu.memory_space<semaphore_mem>>
      %dma_start3A_989 = tpu.memref_slice %arg4[%add3A_817, %dma_start3A_980, %mul3A_978] : memref<50x4x32768xf32, #tpu.memory_space<hbm>> -> memref<1x1x1024xf32, #tpu.memory_space<hbm>>
      %dma_start3A_990 = tpu.memref_squeeze %dma_start3A_989 : memref<1x1x1024xf32, #tpu.memory_space<hbm>> -> memref<1024xf32, #tpu.memory_space<hbm>>
      %dma_start3A_991 = arith.constant 3072 : i32
      %dma_start3A_992 = tpu.memref_slice %arg7[%dma_start3A_979, %dma_start3A_991] : memref<2x4096xf32, #tpu.memory_space<vmem>> -> memref<1x1024xf32, #tpu.memory_space<vmem>>
      %dma_start3A_993 = tpu.memref_squeeze %dma_start3A_992 : memref<1x1024xf32, #tpu.memory_space<vmem>> -> memref<1024xf32, #tpu.memory_space<vmem>>
      tpu.enqueue_dma source(%dma_start3A_993 : memref<1024xf32, #tpu.memory_space<vmem>>) target(%dma_start3A_990 : memref<1024xf32, #tpu.memory_space<hbm>>) target_semaphore(%dma_start3A_988 : memref<!tpu.dma_semaphore, #tpu.memory_space<semaphore_mem>>)
      %add3A_994 = arith.constant 2 : i32
      %add3A_995 = arith.addi %add3A_817, %add3A_994 : i32
      %dma_start3A_996 = arith.constant 0 : i32
      %dma_start3A_997 = arith.constant 0 : i32
      %dma_start3A_998 = arith.constant 0 : i32
      %dma_start3A_999 = arith.constant 0 : i32
      %dma_start3A_1000 = tpu.memref_slice %arg6[%dma_start3A_996, %dma_start3A_998, %dma_start3A_999] : memref<2x128x32xf32, #tpu.memory_space<vmem>> -> memref<1x128x32xf32, #tpu.memory_space<vmem>>
      %dma_start3A_1001 = tpu.memref_squeeze %dma_start3A_1000 : memref<1x128x32xf32, #tpu.memory_space<vmem>> -> memref<128x32xf32, #tpu.memory_space<vmem>>
      %dma_start3A_1002 = arith.constant 0 : i32
      %dma_start3A_1003 = tpu.memref_slice %arg5[%add3A_995, %dma_start3A_1002] : memref<50x128xi32, #tpu.memory_space<vmem>> -> memref<1x128xi32, #tpu.memory_space<vmem>>
      %dma_start3A_1004 = tpu.memref_squeeze %dma_start3A_1003 : memref<1x128xi32, #tpu.memory_space<vmem>> -> memref<128xi32, #tpu.memory_space<vmem>>
      %dma_start3A_1005 = arith.constant 0 : i32
      %dma_start3A_1006 = arith.constant 0 : i32
      %dma_start3A_1007 = tpu.memref_slice %arg3[%dma_start3A_1005, %dma_start3A_1006] : memref<100000x32xf32, #tpu.memory_space<hbm>> -> memref<100000x32xf32, #tpu.memory_space<hbm>>
      %dma_start3A_1008 = tpu.memref_slice %arg8[%dma_start3A_997] : memref<2x!tpu.dma_semaphore, #tpu.memory_space<semaphore_mem>> -> memref<1x!tpu.dma_semaphore, #tpu.memory_space<semaphore_mem>>
      %dma_start3A_1009 = tpu.memref_squeeze %dma_start3A_1008 : memref<1x!tpu.dma_semaphore, #tpu.memory_space<semaphore_mem>> -> memref<!tpu.dma_semaphore, #tpu.memory_space<semaphore_mem>>
      tpu.enqueue_indirect_dma source(%dma_start3A_1007 : memref<100000x32xf32, #tpu.memory_space<hbm>>) target(%dma_start3A_1001 : memref<128x32xf32, #tpu.memory_space<vmem>>) offsets(%dma_start3A_1004 : memref<128xi32, #tpu.memory_space<vmem>>) semaphore(%dma_start3A_1009 : memref<!tpu.dma_semaphore, #tpu.memory_space<semaphore_mem>>)
      %add3A_1010 = arith.constant 1 : i32
      %add3A_1011 = arith.addi %add3A_815, %add3A_1010 : i32
      %dma_wait3A_1012 = arith.constant 1 : i32
      %dma_wait3A_1013 = arith.constant 1 : i32
      %dma_wait3A_1014 = arith.constant 0 : i32
      %dma_wait3A_1015 = arith.constant 0 : i32
      %dma_wait3A_1016 = tpu.memref_slice %arg6[%dma_wait3A_1012, %dma_wait3A_1014, %dma_wait3A_1015] : memref<2x128x32xf32, #tpu.memory_space<vmem>> -> memref<1x128x32xf32, #tpu.memory_space<vmem>>
      %dma_wait3A_1017 = tpu.memref_squeeze %dma_wait3A_1016 : memref<1x128x32xf32, #tpu.memory_space<vmem>> -> memref<128x32xf32, #tpu.memory_space<vmem>>
      %dma_wait3A_1018 = arith.constant 0 : i32
      %dma_wait3A_1019 = arith.constant 0 : i32
      %dma_wait3A_1020 = tpu.memref_slice %arg3[%dma_wait3A_1018, %dma_wait3A_1019] : memref<100000x32xf32, #tpu.memory_space<hbm>> -> memref<128x32xf32, #tpu.memory_space<hbm>>
      %dma_wait3A_1021 = tpu.memref_slice %arg8[%dma_wait3A_1013] : memref<2x!tpu.dma_semaphore, #tpu.memory_space<semaphore_mem>> -> memref<1x!tpu.dma_semaphore, #tpu.memory_space<semaphore_mem>>
      %dma_wait3A_1022 = tpu.memref_squeeze %dma_wait3A_1021 : memref<1x!tpu.dma_semaphore, #tpu.memory_space<semaphore_mem>> -> memref<!tpu.dma_semaphore, #tpu.memory_space<semaphore_mem>>
      %dma_wait3A_1023 = arith.constant 0 : i32
      %dma_wait3A_1024 = arith.constant 0 : i32
      %dma_wait3A_1025 = tpu.memref_slice %arg6[%dma_wait3A_1012, %dma_wait3A_1023, %dma_wait3A_1024] : memref<2x128x32xf32, #tpu.memory_space<vmem>> -> memref<1x128x32xf32, #tpu.memory_space<vmem>>
      %dma_wait3A_1026 = tpu.memref_squeeze %dma_wait3A_1025 : memref<1x128x32xf32, #tpu.memory_space<vmem>> -> memref<128x32xf32, #tpu.memory_space<vmem>>
      %dma_wait3A_1027 = arith.constant 0 : i32
      %dma_wait3A_1028 = arith.constant 0 : i32
      %dma_wait3A_1029 = tpu.memref_slice %arg3[%dma_wait3A_1027, %dma_wait3A_1028] : memref<100000x32xf32, #tpu.memory_space<hbm>> -> memref<128x32xf32, #tpu.memory_space<hbm>>
      tpu.wait_dma2 semaphore(%dma_wait3A_1022 : memref<!tpu.dma_semaphore, #tpu.memory_space<semaphore_mem>>) src(%dma_wait3A_1029 : memref<128x32xf32, #tpu.memory_space<hbm>>) dst(%dma_wait3A_1026 : memref<128x32xf32, #tpu.memory_space<vmem>>)
      %sub3A_1030 = arith.constant 2 : i32
      %sub3A_1031 = arith.subi %add3A_1011, %sub3A_1030 : i32
      %mul3A_1032 = arith.constant 8 : i32
      %mul3A_1033 = arith.muli %add3A, %mul3A_1032 : i32
      %mul3A_1034 = arith.constant 128 : i32
      %mul3A_1035 = arith.muli %mul3A_1033, %mul3A_1034 : i32
      %dma_wait3A_1036 = arith.constant 1 : i32
      %dma_wait3A_1037 = arith.constant 0 : i32
      %dma_wait3A_1038 = arith.constant 1 : i32
      %dma_wait3A_1039 = arith.constant 0 : i32
      %dma_wait3A_1040 = tpu.memref_slice %arg7[%dma_wait3A_1036, %dma_wait3A_1039] : memref<2x4096xf32, #tpu.memory_space<vmem>> -> memref<1x1024xf32, #tpu.memory_space<vmem>>
      %dma_wait3A_1041 = tpu.memref_squeeze %dma_wait3A_1040 : memref<1x1024xf32, #tpu.memory_space<vmem>> -> memref<1024xf32, #tpu.memory_space<vmem>>
      %dma_wait3A_1042 = tpu.memref_slice %arg4[%sub3A_1031, %dma_wait3A_1037, %mul3A_1035] : memref<50x4x32768xf32, #tpu.memory_space<hbm>> -> memref<1x1x1024xf32, #tpu.memory_space<hbm>>
      %dma_wait3A_1043 = tpu.memref_squeeze %dma_wait3A_1042 : memref<1x1x1024xf32, #tpu.memory_space<hbm>> -> memref<1024xf32, #tpu.memory_space<hbm>>
      %dma_wait3A_1044 = tpu.memref_slice %arg9[%dma_wait3A_1038] : memref<2x!tpu.dma_semaphore, #tpu.memory_space<semaphore_mem>> -> memref<1x!tpu.dma_semaphore, #tpu.memory_space<semaphore_mem>>
      %dma_wait3A_1045 = tpu.memref_squeeze %dma_wait3A_1044 : memref<1x!tpu.dma_semaphore, #tpu.memory_space<semaphore_mem>> -> memref<!tpu.dma_semaphore, #tpu.memory_space<semaphore_mem>>
      %dma_wait3A_1046 = tpu.memref_slice %arg4[%sub3A_1031, %dma_wait3A_1037, %mul3A_1035] : memref<50x4x32768xf32, #tpu.memory_space<hbm>> -> memref<1x1x1024xf32, #tpu.memory_space<hbm>>
      %dma_wait3A_1047 = tpu.memref_squeeze %dma_wait3A_1046 : memref<1x1x1024xf32, #tpu.memory_space<hbm>> -> memref<1024xf32, #tpu.memory_space<hbm>>
      %dma_wait3A_1048 = arith.constant 0 : i32
      %dma_wait3A_1049 = tpu.memref_slice %arg7[%dma_wait3A_1036, %dma_wait3A_1048] : memref<2x4096xf32, #tpu.memory_space<vmem>> -> memref<1x1024xf32, #tpu.memory_space<vmem>>
      %dma_wait3A_1050 = tpu.memref_squeeze %dma_wait3A_1049 : memref<1x1024xf32, #tpu.memory_space<vmem>> -> memref<1024xf32, #tpu.memory_space<vmem>>
      tpu.wait_dma2 semaphore(%dma_wait3A_1045 : memref<!tpu.dma_semaphore, #tpu.memory_space<semaphore_mem>>) src(%dma_wait3A_1050 : memref<1024xf32, #tpu.memory_space<vmem>>) dst(%dma_wait3A_1047 : memref<1024xf32, #tpu.memory_space<hbm>>)
      %mul3A_1051 = arith.constant 8 : i32
      %mul3A_1052 = arith.muli %add3A, %mul3A_1051 : i32
      %mul3A_1053 = arith.constant 128 : i32
      %mul3A_1054 = arith.muli %mul3A_1052, %mul3A_1053 : i32
      %dma_wait3A_1055 = arith.constant 1 : i32
      %dma_wait3A_1056 = arith.constant 1 : i32
      %dma_wait3A_1057 = arith.constant 1 : i32
      %dma_wait3A_1058 = arith.constant 1024 : i32
      %dma_wait3A_1059 = tpu.memref_slice %arg7[%dma_wait3A_1055, %dma_wait3A_1058] : memref<2x4096xf32, #tpu.memory_space<vmem>> -> memref<1x1024xf32, #tpu.memory_space<vmem>>
      %dma_wait3A_1060 = tpu.memref_squeeze %dma_wait3A_1059 : memref<1x1024xf32, #tpu.memory_space<vmem>> -> memref<1024xf32, #tpu.memory_space<vmem>>
      %dma_wait3A_1061 = tpu.memref_slice %arg4[%sub3A_1031, %dma_wait3A_1056, %mul3A_1054] : memref<50x4x32768xf32, #tpu.memory_space<hbm>> -> memref<1x1x1024xf32, #tpu.memory_space<hbm>>
      %dma_wait3A_1062 = tpu.memref_squeeze %dma_wait3A_1061 : memref<1x1x1024xf32, #tpu.memory_space<hbm>> -> memref<1024xf32, #tpu.memory_space<hbm>>
      %dma_wait3A_1063 = tpu.memref_slice %arg9[%dma_wait3A_1057] : memref<2x!tpu.dma_semaphore, #tpu.memory_space<semaphore_mem>> -> memref<1x!tpu.dma_semaphore, #tpu.memory_space<semaphore_mem>>
      %dma_wait3A_1064 = tpu.memref_squeeze %dma_wait3A_1063 : memref<1x!tpu.dma_semaphore, #tpu.memory_space<semaphore_mem>> -> memref<!tpu.dma_semaphore, #tpu.memory_space<semaphore_mem>>
      %dma_wait3A_1065 = tpu.memref_slice %arg4[%sub3A_1031, %dma_wait3A_1056, %mul3A_1054] : memref<50x4x32768xf32, #tpu.memory_space<hbm>> -> memref<1x1x1024xf32, #tpu.memory_space<hbm>>
      %dma_wait3A_1066 = tpu.memref_squeeze %dma_wait3A_1065 : memref<1x1x1024xf32, #tpu.memory_space<hbm>> -> memref<1024xf32, #tpu.memory_space<hbm>>
      %dma_wait3A_1067 = arith.constant 1024 : i32
      %dma_wait3A_1068 = tpu.memref_slice %arg7[%dma_wait3A_1055, %dma_wait3A_1067] : memref<2x4096xf32, #tpu.memory_space<vmem>> -> memref<1x1024xf32, #tpu.memory_space<vmem>>
      %dma_wait3A_1069 = tpu.memref_squeeze %dma_wait3A_1068 : memref<1x1024xf32, #tpu.memory_space<vmem>> -> memref<1024xf32, #tpu.memory_space<vmem>>
      tpu.wait_dma2 semaphore(%dma_wait3A_1064 : memref<!tpu.dma_semaphore, #tpu.memory_space<semaphore_mem>>) src(%dma_wait3A_1069 : memref<1024xf32, #tpu.memory_space<vmem>>) dst(%dma_wait3A_1066 : memref<1024xf32, #tpu.memory_space<hbm>>)
      %mul3A_1070 = arith.constant 8 : i32
      %mul3A_1071 = arith.muli %add3A, %mul3A_1070 : i32
      %mul3A_1072 = arith.constant 128 : i32
      %mul3A_1073 = arith.muli %mul3A_1071, %mul3A_1072 : i32
      %dma_wait3A_1074 = arith.constant 1 : i32
      %dma_wait3A_1075 = arith.constant 2 : i32
      %dma_wait3A_1076 = arith.constant 1 : i32
      %dma_wait3A_1077 = arith.constant 2048 : i32
      %dma_wait3A_1078 = tpu.memref_slice %arg7[%dma_wait3A_1074, %dma_wait3A_1077] : memref<2x4096xf32, #tpu.memory_space<vmem>> -> memref<1x1024xf32, #tpu.memory_space<vmem>>
      %dma_wait3A_1079 = tpu.memref_squeeze %dma_wait3A_1078 : memref<1x1024xf32, #tpu.memory_space<vmem>> -> memref<1024xf32, #tpu.memory_space<vmem>>
      %dma_wait3A_1080 = tpu.memref_slice %arg4[%sub3A_1031, %dma_wait3A_1075, %mul3A_1073] : memref<50x4x32768xf32, #tpu.memory_space<hbm>> -> memref<1x1x1024xf32, #tpu.memory_space<hbm>>
      %dma_wait3A_1081 = tpu.memref_squeeze %dma_wait3A_1080 : memref<1x1x1024xf32, #tpu.memory_space<hbm>> -> memref<1024xf32, #tpu.memory_space<hbm>>
      %dma_wait3A_1082 = tpu.memref_slice %arg9[%dma_wait3A_1076] : memref<2x!tpu.dma_semaphore, #tpu.memory_space<semaphore_mem>> -> memref<1x!tpu.dma_semaphore, #tpu.memory_space<semaphore_mem>>
      %dma_wait3A_1083 = tpu.memref_squeeze %dma_wait3A_1082 : memref<1x!tpu.dma_semaphore, #tpu.memory_space<semaphore_mem>> -> memref<!tpu.dma_semaphore, #tpu.memory_space<semaphore_mem>>
      %dma_wait3A_1084 = tpu.memref_slice %arg4[%sub3A_1031, %dma_wait3A_1075, %mul3A_1073] : memref<50x4x32768xf32, #tpu.memory_space<hbm>> -> memref<1x1x1024xf32, #tpu.memory_space<hbm>>
      %dma_wait3A_1085 = tpu.memref_squeeze %dma_wait3A_1084 : memref<1x1x1024xf32, #tpu.memory_space<hbm>> -> memref<1024xf32, #tpu.memory_space<hbm>>
      %dma_wait3A_1086 = arith.constant 2048 : i32
      %dma_wait3A_1087 = tpu.memref_slice %arg7[%dma_wait3A_1074, %dma_wait3A_1086] : memref<2x4096xf32, #tpu.memory_space<vmem>> -> memref<1x1024xf32, #tpu.memory_space<vmem>>
      %dma_wait3A_1088 = tpu.memref_squeeze %dma_wait3A_1087 : memref<1x1024xf32, #tpu.memory_space<vmem>> -> memref<1024xf32, #tpu.memory_space<vmem>>
      tpu.wait_dma2 semaphore(%dma_wait3A_1083 : memref<!tpu.dma_semaphore, #tpu.memory_space<semaphore_mem>>) src(%dma_wait3A_1088 : memref<1024xf32, #tpu.memory_space<vmem>>) dst(%dma_wait3A_1085 : memref<1024xf32, #tpu.memory_space<hbm>>)
      %mul3A_1089 = arith.constant 8 : i32
      %mul3A_1090 = arith.muli %add3A, %mul3A_1089 : i32
      %mul3A_1091 = arith.constant 128 : i32
      %mul3A_1092 = arith.muli %mul3A_1090, %mul3A_1091 : i32
      %dma_wait3A_1093 = arith.constant 1 : i32
      %dma_wait3A_1094 = arith.constant 3 : i32
      %dma_wait3A_1095 = arith.constant 1 : i32
      %dma_wait3A_1096 = arith.constant 3072 : i32
      %dma_wait3A_1097 = tpu.memref_slice %arg7[%dma_wait3A_1093, %dma_wait3A_1096] : memref<2x4096xf32, #tpu.memory_space<vmem>> -> memref<1x1024xf32, #tpu.memory_space<vmem>>
      %dma_wait3A_1098 = tpu.memref_squeeze %dma_wait3A_1097 : memref<1x1024xf32, #tpu.memory_space<vmem>> -> memref<1024xf32, #tpu.memory_space<vmem>>
      %dma_wait3A_1099 = tpu.memref_slice %arg4[%sub3A_1031, %dma_wait3A_1094, %mul3A_1092] : memref<50x4x32768xf32, #tpu.memory_space<hbm>> -> memref<1x1x1024xf32, #tpu.memory_space<hbm>>
      %dma_wait3A_1100 = tpu.memref_squeeze %dma_wait3A_1099 : memref<1x1x1024xf32, #tpu.memory_space<hbm>> -> memref<1024xf32, #tpu.memory_space<hbm>>
      %dma_wait3A_1101 = tpu.memref_slice %arg9[%dma_wait3A_1095] : memref<2x!tpu.dma_semaphore, #tpu.memory_space<semaphore_mem>> -> memref<1x!tpu.dma_semaphore, #tpu.memory_space<semaphore_mem>>
      %dma_wait3A_1102 = tpu.memref_squeeze %dma_wait3A_1101 : memref<1x!tpu.dma_semaphore, #tpu.memory_space<semaphore_mem>> -> memref<!tpu.dma_semaphore, #tpu.memory_space<semaphore_mem>>
      %dma_wait3A_1103 = tpu.memref_slice %arg4[%sub3A_1031, %dma_wait3A_1094, %mul3A_1092] : memref<50x4x32768xf32, #tpu.memory_space<hbm>> -> memref<1x1x1024xf32, #tpu.memory_space<hbm>>
      %dma_wait3A_1104 = tpu.memref_squeeze %dma_wait3A_1103 : memref<1x1x1024xf32, #tpu.memory_space<hbm>> -> memref<1024xf32, #tpu.memory_space<hbm>>
      %dma_wait3A_1105 = arith.constant 3072 : i32
      %dma_wait3A_1106 = tpu.memref_slice %arg7[%dma_wait3A_1093, %dma_wait3A_1105] : memref<2x4096xf32, #tpu.memory_space<vmem>> -> memref<1x1024xf32, #tpu.memory_space<vmem>>
      %dma_wait3A_1107 = tpu.memref_squeeze %dma_wait3A_1106 : memref<1x1024xf32, #tpu.memory_space<vmem>> -> memref<1024xf32, #tpu.memory_space<vmem>>
      tpu.wait_dma2 semaphore(%dma_wait3A_1102 : memref<!tpu.dma_semaphore, #tpu.memory_space<semaphore_mem>>) src(%dma_wait3A_1107 : memref<1024xf32, #tpu.memory_space<vmem>>) dst(%dma_wait3A_1104 : memref<1024xf32, #tpu.memory_space<hbm>>)
      %scan3A_1108 = arith.constant 0 : i32
      %scan3A_1109 = arith.constant 128 : i32
      %scan3A_1110 = arith.addi %scan3A_1108, %scan3A_1109 : i32
      %scan3A_1111 = arith.constant 8 : i32
      scf.for %scan3A_1205 = %scan3A_1108 to %scan3A_1110 step %scan3A_1111  : i32 {
        %mul3A_1206 = arith.constant 1 : i32
        %mul3A_1207 = arith.muli %scan3A_1205, %mul3A_1206 : i32
        %add3A_1208 = arith.constant 0 : i32
        %add3A_1209 = arith.addi %add3A_1208, %mul3A_1207 : i32
        %get3A = arith.constant 1 : i32
        %get3A_1210 = arith.index_cast %get3A : i32 to index
        %get3A_1211 = arith.index_cast %add3A_1209 : i32 to index
        %get3A_1212 = arith.constant 0 : index
        %get3A_1213 = tpu.vector_load %arg6[%get3A_1210, %get3A_1211, %get3A_1212] {strides = array<i32>} : memref<2x128x32xf32, #tpu.memory_space<vmem>>, vector<16xf32>,
        %add3A_1214 = vector.broadcast %add3A_1209 : i32 to vector<16xi32>
        %add3A_1215 = arith.addi %add3A_13, %add3A_1214 : vector<16xi32>
        %scatter3A = arith.constant 1 : i32
        %scatter3A_1216 = arith.constant 0 : i32
        %scatter3A_1217 = tpu.memref_slice %arg7[%scatter3A, %scatter3A_1216] : memref<2x4096xf32, #tpu.memory_space<vmem>> -> memref<1x4096xf32, #tpu.memory_space<vmem>>
        %scatter3A_1218 = tpu.memref_squeeze %scatter3A_1217 : memref<1x4096xf32, #tpu.memory_space<vmem>> -> memref<4096xf32, #tpu.memory_space<vmem>>
        tpu.vector_store_idx %scatter3A_1218[%add3A_1215], %get3A_1213 : memref<4096xf32, #tpu.memory_space<vmem>>[vector<16xi32>], vector<16xf32>,
        %get3A_1219 = arith.constant 1 : i32
        %get3A_1220 = arith.index_cast %get3A_1219 : i32 to index
        %get3A_1221 = arith.index_cast %add3A_1209 : i32 to index
        %get3A_1222 = arith.constant 16 : index
        %get3A_1223 = tpu.vector_load %arg6[%get3A_1220, %get3A_1221, %get3A_1222] {strides = array<i32>} : memref<2x128x32xf32, #tpu.memory_space<vmem>>, vector<16xf32>,
        %add3A_1224 = vector.broadcast %add3A_1209 : i32 to vector<16xi32>
        %add3A_1225 = arith.addi %add3A_16, %add3A_1224 : vector<16xi32>
        %scatter3A_1226 = arith.constant 1 : i32
        %scatter3A_1227 = arith.constant 0 : i32
        %scatter3A_1228 = tpu.memref_slice %arg7[%scatter3A_1226, %scatter3A_1227] : memref<2x4096xf32, #tpu.memory_space<vmem>> -> memref<1x4096xf32, #tpu.memory_space<vmem>>
        %scatter3A_1229 = tpu.memref_squeeze %scatter3A_1228 : memref<1x4096xf32, #tpu.memory_space<vmem>> -> memref<4096xf32, #tpu.memory_space<vmem>>
        tpu.vector_store_idx %scatter3A_1229[%add3A_1225], %get3A_1223 : memref<4096xf32, #tpu.memory_space<vmem>>[vector<16xi32>], vector<16xf32>,
        %scan3A_1230 = arith.constant 1 : i32
        %scan3A_1231 = arith.addi %scan3A_1205, %scan3A_1230 : i32
        %mul3A_1232 = arith.constant 1 : i32
        %mul3A_1233 = arith.muli %scan3A_1231, %mul3A_1232 : i32
        %add3A_1234 = arith.constant 0 : i32
        %add3A_1235 = arith.addi %add3A_1234, %mul3A_1233 : i32
        %get3A_1236 = arith.constant 1 : i32
        %get3A_1237 = arith.index_cast %get3A_1236 : i32 to index
        %get3A_1238 = arith.index_cast %add3A_1235 : i32 to index
        %get3A_1239 = arith.constant 0 : index
        %get3A_1240 = tpu.vector_load %arg6[%get3A_1237, %get3A_1238, %get3A_1239] {strides = array<i32>} : memref<2x128x32xf32, #tpu.memory_space<vmem>>, vector<16xf32>,
        %add3A_1241 = vector.broadcast %add3A_1235 : i32 to vector<16xi32>
        %add3A_1242 = arith.addi %add3A_13, %add3A_1241 : vector<16xi32>
        %scatter3A_1243 = arith.constant 1 : i32
        %scatter3A_1244 = arith.constant 0 : i32
        %scatter3A_1245 = tpu.memref_slice %arg7[%scatter3A_1243, %scatter3A_1244] : memref<2x4096xf32, #tpu.memory_space<vmem>> -> memref<1x4096xf32, #tpu.memory_space<vmem>>
        %scatter3A_1246 = tpu.memref_squeeze %scatter3A_1245 : memref<1x4096xf32, #tpu.memory_space<vmem>> -> memref<4096xf32, #tpu.memory_space<vmem>>
        tpu.vector_store_idx %scatter3A_1246[%add3A_1242], %get3A_1240 : memref<4096xf32, #tpu.memory_space<vmem>>[vector<16xi32>], vector<16xf32>,
        %get3A_1247 = arith.constant 1 : i32
        %get3A_1248 = arith.index_cast %get3A_1247 : i32 to index
        %get3A_1249 = arith.index_cast %add3A_1235 : i32 to index
        %get3A_1250 = arith.constant 16 : index
        %get3A_1251 = tpu.vector_load %arg6[%get3A_1248, %get3A_1249, %get3A_1250] {strides = array<i32>} : memref<2x128x32xf32, #tpu.memory_space<vmem>>, vector<16xf32>,
        %add3A_1252 = vector.broadcast %add3A_1235 : i32 to vector<16xi32>
        %add3A_1253 = arith.addi %add3A_16, %add3A_1252 : vector<16xi32>
        %scatter3A_1254 = arith.constant 1 : i32
        %scatter3A_1255 = arith.constant 0 : i32
        %scatter3A_1256 = tpu.memref_slice %arg7[%scatter3A_1254, %scatter3A_1255] : memref<2x4096xf32, #tpu.memory_space<vmem>> -> memref<1x4096xf32, #tpu.memory_space<vmem>>
        %scatter3A_1257 = tpu.memref_squeeze %scatter3A_1256 : memref<1x4096xf32, #tpu.memory_space<vmem>> -> memref<4096xf32, #tpu.memory_space<vmem>>
        tpu.vector_store_idx %scatter3A_1257[%add3A_1253], %get3A_1251 : memref<4096xf32, #tpu.memory_space<vmem>>[vector<16xi32>], vector<16xf32>,
        %scan3A_1258 = arith.constant 2 : i32
        %scan3A_1259 = arith.addi %scan3A_1205, %scan3A_1258 : i32
        %mul3A_1260 = arith.constant 1 : i32
        %mul3A_1261 = arith.muli %scan3A_1259, %mul3A_1260 : i32
        %add3A_1262 = arith.constant 0 : i32
        %add3A_1263 = arith.addi %add3A_1262, %mul3A_1261 : i32
        %get3A_1264 = arith.constant 1 : i32
        %get3A_1265 = arith.index_cast %get3A_1264 : i32 to index
        %get3A_1266 = arith.index_cast %add3A_1263 : i32 to index
        %get3A_1267 = arith.constant 0 : index
        %get3A_1268 = tpu.vector_load %arg6[%get3A_1265, %get3A_1266, %get3A_1267] {strides = array<i32>} : memref<2x128x32xf32, #tpu.memory_space<vmem>>, vector<16xf32>,
        %add3A_1269 = vector.broadcast %add3A_1263 : i32 to vector<16xi32>
        %add3A_1270 = arith.addi %add3A_13, %add3A_1269 : vector<16xi32>
        %scatter3A_1271 = arith.constant 1 : i32
        %scatter3A_1272 = arith.constant 0 : i32
        %scatter3A_1273 = tpu.memref_slice %arg7[%scatter3A_1271, %scatter3A_1272] : memref<2x4096xf32, #tpu.memory_space<vmem>> -> memref<1x4096xf32, #tpu.memory_space<vmem>>
        %scatter3A_1274 = tpu.memref_squeeze %scatter3A_1273 : memref<1x4096xf32, #tpu.memory_space<vmem>> -> memref<4096xf32, #tpu.memory_space<vmem>>
        tpu.vector_store_idx %scatter3A_1274[%add3A_1270], %get3A_1268 : memref<4096xf32, #tpu.memory_space<vmem>>[vector<16xi32>], vector<16xf32>,
        %get3A_1275 = arith.constant 1 : i32
        %get3A_1276 = arith.index_cast %get3A_1275 : i32 to index
        %get3A_1277 = arith.index_cast %add3A_1263 : i32 to index
        %get3A_1278 = arith.constant 16 : index
        %get3A_1279 = tpu.vector_load %arg6[%get3A_1276, %get3A_1277, %get3A_1278] {strides = array<i32>} : memref<2x128x32xf32, #tpu.memory_space<vmem>>, vector<16xf32>,
        %add3A_1280 = vector.broadcast %add3A_1263 : i32 to vector<16xi32>
        %add3A_1281 = arith.addi %add3A_16, %add3A_1280 : vector<16xi32>
        %scatter3A_1282 = arith.constant 1 : i32
        %scatter3A_1283 = arith.constant 0 : i32
        %scatter3A_1284 = tpu.memref_slice %arg7[%scatter3A_1282, %scatter3A_1283] : memref<2x4096xf32, #tpu.memory_space<vmem>> -> memref<1x4096xf32, #tpu.memory_space<vmem>>
        %scatter3A_1285 = tpu.memref_squeeze %scatter3A_1284 : memref<1x4096xf32, #tpu.memory_space<vmem>> -> memref<4096xf32, #tpu.memory_space<vmem>>
        tpu.vector_store_idx %scatter3A_1285[%add3A_1281], %get3A_1279 : memref<4096xf32, #tpu.memory_space<vmem>>[vector<16xi32>], vector<16xf32>,
        %scan3A_1286 = arith.constant 3 : i32
        %scan3A_1287 = arith.addi %scan3A_1205, %scan3A_1286 : i32
        %mul3A_1288 = arith.constant 1 : i32
        %mul3A_1289 = arith.muli %scan3A_1287, %mul3A_1288 : i32
        %add3A_1290 = arith.constant 0 : i32
        %add3A_1291 = arith.addi %add3A_1290, %mul3A_1289 : i32
        %get3A_1292 = arith.constant 1 : i32
        %get3A_1293 = arith.index_cast %get3A_1292 : i32 to index
        %get3A_1294 = arith.index_cast %add3A_1291 : i32 to index
        %get3A_1295 = arith.constant 0 : index
        %get3A_1296 = tpu.vector_load %arg6[%get3A_1293, %get3A_1294, %get3A_1295] {strides = array<i32>} : memref<2x128x32xf32, #tpu.memory_space<vmem>>, vector<16xf32>,
        %add3A_1297 = vector.broadcast %add3A_1291 : i32 to vector<16xi32>
        %add3A_1298 = arith.addi %add3A_13, %add3A_1297 : vector<16xi32>
        %scatter3A_1299 = arith.constant 1 : i32
        %scatter3A_1300 = arith.constant 0 : i32
        %scatter3A_1301 = tpu.memref_slice %arg7[%scatter3A_1299, %scatter3A_1300] : memref<2x4096xf32, #tpu.memory_space<vmem>> -> memref<1x4096xf32, #tpu.memory_space<vmem>>
        %scatter3A_1302 = tpu.memref_squeeze %scatter3A_1301 : memref<1x4096xf32, #tpu.memory_space<vmem>> -> memref<4096xf32, #tpu.memory_space<vmem>>
        tpu.vector_store_idx %scatter3A_1302[%add3A_1298], %get3A_1296 : memref<4096xf32, #tpu.memory_space<vmem>>[vector<16xi32>], vector<16xf32>,
        %get3A_1303 = arith.constant 1 : i32
        %get3A_1304 = arith.index_cast %get3A_1303 : i32 to index
        %get3A_1305 = arith.index_cast %add3A_1291 : i32 to index
        %get3A_1306 = arith.constant 16 : index
        %get3A_1307 = tpu.vector_load %arg6[%get3A_1304, %get3A_1305, %get3A_1306] {strides = array<i32>} : memref<2x128x32xf32, #tpu.memory_space<vmem>>, vector<16xf32>,
        %add3A_1308 = vector.broadcast %add3A_1291 : i32 to vector<16xi32>
        %add3A_1309 = arith.addi %add3A_16, %add3A_1308 : vector<16xi32>
        %scatter3A_1310 = arith.constant 1 : i32
        %scatter3A_1311 = arith.constant 0 : i32
        %scatter3A_1312 = tpu.memref_slice %arg7[%scatter3A_1310, %scatter3A_1311] : memref<2x4096xf32, #tpu.memory_space<vmem>> -> memref<1x4096xf32, #tpu.memory_space<vmem>>
        %scatter3A_1313 = tpu.memref_squeeze %scatter3A_1312 : memref<1x4096xf32, #tpu.memory_space<vmem>> -> memref<4096xf32, #tpu.memory_space<vmem>>
        tpu.vector_store_idx %scatter3A_1313[%add3A_1309], %get3A_1307 : memref<4096xf32, #tpu.memory_space<vmem>>[vector<16xi32>], vector<16xf32>,
        %scan3A_1314 = arith.constant 4 : i32
        %scan3A_1315 = arith.addi %scan3A_1205, %scan3A_1314 : i32
        %mul3A_1316 = arith.constant 1 : i32
        %mul3A_1317 = arith.muli %scan3A_1315, %mul3A_1316 : i32
        %add3A_1318 = arith.constant 0 : i32
        %add3A_1319 = arith.addi %add3A_1318, %mul3A_1317 : i32
        %get3A_1320 = arith.constant 1 : i32
        %get3A_1321 = arith.index_cast %get3A_1320 : i32 to index
        %get3A_1322 = arith.index_cast %add3A_1319 : i32 to index
        %get3A_1323 = arith.constant 0 : index
        %get3A_1324 = tpu.vector_load %arg6[%get3A_1321, %get3A_1322, %get3A_1323] {strides = array<i32>} : memref<2x128x32xf32, #tpu.memory_space<vmem>>, vector<16xf32>,
        %add3A_1325 = vector.broadcast %add3A_1319 : i32 to vector<16xi32>
        %add3A_1326 = arith.addi %add3A_13, %add3A_1325 : vector<16xi32>
        %scatter3A_1327 = arith.constant 1 : i32
        %scatter3A_1328 = arith.constant 0 : i32
        %scatter3A_1329 = tpu.memref_slice %arg7[%scatter3A_1327, %scatter3A_1328] : memref<2x4096xf32, #tpu.memory_space<vmem>> -> memref<1x4096xf32, #tpu.memory_space<vmem>>
        %scatter3A_1330 = tpu.memref_squeeze %scatter3A_1329 : memref<1x4096xf32, #tpu.memory_space<vmem>> -> memref<4096xf32, #tpu.memory_space<vmem>>
        tpu.vector_store_idx %scatter3A_1330[%add3A_1326], %get3A_1324 : memref<4096xf32, #tpu.memory_space<vmem>>[vector<16xi32>], vector<16xf32>,
        %get3A_1331 = arith.constant 1 : i32
        %get3A_1332 = arith.index_cast %get3A_1331 : i32 to index
        %get3A_1333 = arith.index_cast %add3A_1319 : i32 to index
        %get3A_1334 = arith.constant 16 : index
        %get3A_1335 = tpu.vector_load %arg6[%get3A_1332, %get3A_1333, %get3A_1334] {strides = array<i32>} : memref<2x128x32xf32, #tpu.memory_space<vmem>>, vector<16xf32>,
        %add3A_1336 = vector.broadcast %add3A_1319 : i32 to vector<16xi32>
        %add3A_1337 = arith.addi %add3A_16, %add3A_1336 : vector<16xi32>
        %scatter3A_1338 = arith.constant 1 : i32
        %scatter3A_1339 = arith.constant 0 : i32
        %scatter3A_1340 = tpu.memref_slice %arg7[%scatter3A_1338, %scatter3A_1339] : memref<2x4096xf32, #tpu.memory_space<vmem>> -> memref<1x4096xf32, #tpu.memory_space<vmem>>
        %scatter3A_1341 = tpu.memref_squeeze %scatter3A_1340 : memref<1x4096xf32, #tpu.memory_space<vmem>> -> memref<4096xf32, #tpu.memory_space<vmem>>
        tpu.vector_store_idx %scatter3A_1341[%add3A_1337], %get3A_1335 : memref<4096xf32, #tpu.memory_space<vmem>>[vector<16xi32>], vector<16xf32>,
        %scan3A_1342 = arith.constant 5 : i32
        %scan3A_1343 = arith.addi %scan3A_1205, %scan3A_1342 : i32
        %mul3A_1344 = arith.constant 1 : i32
        %mul3A_1345 = arith.muli %scan3A_1343, %mul3A_1344 : i32
        %add3A_1346 = arith.constant 0 : i32
        %add3A_1347 = arith.addi %add3A_1346, %mul3A_1345 : i32
        %get3A_1348 = arith.constant 1 : i32
        %get3A_1349 = arith.index_cast %get3A_1348 : i32 to index
        %get3A_1350 = arith.index_cast %add3A_1347 : i32 to index
        %get3A_1351 = arith.constant 0 : index
        %get3A_1352 = tpu.vector_load %arg6[%get3A_1349, %get3A_1350, %get3A_1351] {strides = array<i32>} : memref<2x128x32xf32, #tpu.memory_space<vmem>>, vector<16xf32>,
        %add3A_1353 = vector.broadcast %add3A_1347 : i32 to vector<16xi32>
        %add3A_1354 = arith.addi %add3A_13, %add3A_1353 : vector<16xi32>
        %scatter3A_1355 = arith.constant 1 : i32
        %scatter3A_1356 = arith.constant 0 : i32
        %scatter3A_1357 = tpu.memref_slice %arg7[%scatter3A_1355, %scatter3A_1356] : memref<2x4096xf32, #tpu.memory_space<vmem>> -> memref<1x4096xf32, #tpu.memory_space<vmem>>
        %scatter3A_1358 = tpu.memref_squeeze %scatter3A_1357 : memref<1x4096xf32, #tpu.memory_space<vmem>> -> memref<4096xf32, #tpu.memory_space<vmem>>
        tpu.vector_store_idx %scatter3A_1358[%add3A_1354], %get3A_1352 : memref<4096xf32, #tpu.memory_space<vmem>>[vector<16xi32>], vector<16xf32>,
        %get3A_1359 = arith.constant 1 : i32
        %get3A_1360 = arith.index_cast %get3A_1359 : i32 to index
        %get3A_1361 = arith.index_cast %add3A_1347 : i32 to index
        %get3A_1362 = arith.constant 16 : index
        %get3A_1363 = tpu.vector_load %arg6[%get3A_1360, %get3A_1361, %get3A_1362] {strides = array<i32>} : memref<2x128x32xf32, #tpu.memory_space<vmem>>, vector<16xf32>,
        %add3A_1364 = vector.broadcast %add3A_1347 : i32 to vector<16xi32>
        %add3A_1365 = arith.addi %add3A_16, %add3A_1364 : vector<16xi32>
        %scatter3A_1366 = arith.constant 1 : i32
        %scatter3A_1367 = arith.constant 0 : i32
        %scatter3A_1368 = tpu.memref_slice %arg7[%scatter3A_1366, %scatter3A_1367] : memref<2x4096xf32, #tpu.memory_space<vmem>> -> memref<1x4096xf32, #tpu.memory_space<vmem>>
        %scatter3A_1369 = tpu.memref_squeeze %scatter3A_1368 : memref<1x4096xf32, #tpu.memory_space<vmem>> -> memref<4096xf32, #tpu.memory_space<vmem>>
        tpu.vector_store_idx %scatter3A_1369[%add3A_1365], %get3A_1363 : memref<4096xf32, #tpu.memory_space<vmem>>[vector<16xi32>], vector<16xf32>,
        %scan3A_1370 = arith.constant 6 : i32
        %scan3A_1371 = arith.addi %scan3A_1205, %scan3A_1370 : i32
        %mul3A_1372 = arith.constant 1 : i32
        %mul3A_1373 = arith.muli %scan3A_1371, %mul3A_1372 : i32
        %add3A_1374 = arith.constant 0 : i32
        %add3A_1375 = arith.addi %add3A_1374, %mul3A_1373 : i32
        %get3A_1376 = arith.constant 1 : i32
        %get3A_1377 = arith.index_cast %get3A_1376 : i32 to index
        %get3A_1378 = arith.index_cast %add3A_1375 : i32 to index
        %get3A_1379 = arith.constant 0 : index
        %get3A_1380 = tpu.vector_load %arg6[%get3A_1377, %get3A_1378, %get3A_1379] {strides = array<i32>} : memref<2x128x32xf32, #tpu.memory_space<vmem>>, vector<16xf32>,
        %add3A_1381 = vector.broadcast %add3A_1375 : i32 to vector<16xi32>
        %add3A_1382 = arith.addi %add3A_13, %add3A_1381 : vector<16xi32>
        %scatter3A_1383 = arith.constant 1 : i32
        %scatter3A_1384 = arith.constant 0 : i32
        %scatter3A_1385 = tpu.memref_slice %arg7[%scatter3A_1383, %scatter3A_1384] : memref<2x4096xf32, #tpu.memory_space<vmem>> -> memref<1x4096xf32, #tpu.memory_space<vmem>>
        %scatter3A_1386 = tpu.memref_squeeze %scatter3A_1385 : memref<1x4096xf32, #tpu.memory_space<vmem>> -> memref<4096xf32, #tpu.memory_space<vmem>>
        tpu.vector_store_idx %scatter3A_1386[%add3A_1382], %get3A_1380 : memref<4096xf32, #tpu.memory_space<vmem>>[vector<16xi32>], vector<16xf32>,
        %get3A_1387 = arith.constant 1 : i32
        %get3A_1388 = arith.index_cast %get3A_1387 : i32 to index
        %get3A_1389 = arith.index_cast %add3A_1375 : i32 to index
        %get3A_1390 = arith.constant 16 : index
        %get3A_1391 = tpu.vector_load %arg6[%get3A_1388, %get3A_1389, %get3A_1390] {strides = array<i32>} : memref<2x128x32xf32, #tpu.memory_space<vmem>>, vector<16xf32>,
        %add3A_1392 = vector.broadcast %add3A_1375 : i32 to vector<16xi32>
        %add3A_1393 = arith.addi %add3A_16, %add3A_1392 : vector<16xi32>
        %scatter3A_1394 = arith.constant 1 : i32
        %scatter3A_1395 = arith.constant 0 : i32
        %scatter3A_1396 = tpu.memref_slice %arg7[%scatter3A_1394, %scatter3A_1395] : memref<2x4096xf32, #tpu.memory_space<vmem>> -> memref<1x4096xf32, #tpu.memory_space<vmem>>
        %scatter3A_1397 = tpu.memref_squeeze %scatter3A_1396 : memref<1x4096xf32, #tpu.memory_space<vmem>> -> memref<4096xf32, #tpu.memory_space<vmem>>
        tpu.vector_store_idx %scatter3A_1397[%add3A_1393], %get3A_1391 : memref<4096xf32, #tpu.memory_space<vmem>>[vector<16xi32>], vector<16xf32>,
        %scan3A_1398 = arith.constant 7 : i32
        %scan3A_1399 = arith.addi %scan3A_1205, %scan3A_1398 : i32
        %mul3A_1400 = arith.constant 1 : i32
        %mul3A_1401 = arith.muli %scan3A_1399, %mul3A_1400 : i32
        %add3A_1402 = arith.constant 0 : i32
        %add3A_1403 = arith.addi %add3A_1402, %mul3A_1401 : i32
        %get3A_1404 = arith.constant 1 : i32
        %get3A_1405 = arith.index_cast %get3A_1404 : i32 to index
        %get3A_1406 = arith.index_cast %add3A_1403 : i32 to index
        %get3A_1407 = arith.constant 0 : index
        %get3A_1408 = tpu.vector_load %arg6[%get3A_1405, %get3A_1406, %get3A_1407] {strides = array<i32>} : memref<2x128x32xf32, #tpu.memory_space<vmem>>, vector<16xf32>,
        %add3A_1409 = vector.broadcast %add3A_1403 : i32 to vector<16xi32>
        %add3A_1410 = arith.addi %add3A_13, %add3A_1409 : vector<16xi32>
        %scatter3A_1411 = arith.constant 1 : i32
        %scatter3A_1412 = arith.constant 0 : i32
        %scatter3A_1413 = tpu.memref_slice %arg7[%scatter3A_1411, %scatter3A_1412] : memref<2x4096xf32, #tpu.memory_space<vmem>> -> memref<1x4096xf32, #tpu.memory_space<vmem>>
        %scatter3A_1414 = tpu.memref_squeeze %scatter3A_1413 : memref<1x4096xf32, #tpu.memory_space<vmem>> -> memref<4096xf32, #tpu.memory_space<vmem>>
        tpu.vector_store_idx %scatter3A_1414[%add3A_1410], %get3A_1408 : memref<4096xf32, #tpu.memory_space<vmem>>[vector<16xi32>], vector<16xf32>,
        %get3A_1415 = arith.constant 1 : i32
        %get3A_1416 = arith.index_cast %get3A_1415 : i32 to index
        %get3A_1417 = arith.index_cast %add3A_1403 : i32 to index
        %get3A_1418 = arith.constant 16 : index
        %get3A_1419 = tpu.vector_load %arg6[%get3A_1416, %get3A_1417, %get3A_1418] {strides = array<i32>} : memref<2x128x32xf32, #tpu.memory_space<vmem>>, vector<16xf32>,
        %add3A_1420 = vector.broadcast %add3A_1403 : i32 to vector<16xi32>
        %add3A_1421 = arith.addi %add3A_16, %add3A_1420 : vector<16xi32>
        %scatter3A_1422 = arith.constant 1 : i32
        %scatter3A_1423 = arith.constant 0 : i32
        %scatter3A_1424 = tpu.memref_slice %arg7[%scatter3A_1422, %scatter3A_1423] : memref<2x4096xf32, #tpu.memory_space<vmem>> -> memref<1x4096xf32, #tpu.memory_space<vmem>>
        %scatter3A_1425 = tpu.memref_squeeze %scatter3A_1424 : memref<1x4096xf32, #tpu.memory_space<vmem>> -> memref<4096xf32, #tpu.memory_space<vmem>>
        tpu.vector_store_idx %scatter3A_1425[%add3A_1421], %get3A_1419 : memref<4096xf32, #tpu.memory_space<vmem>>[vector<16xi32>], vector<16xf32>,
      }
      %scan3A_1112 = arith.constant 128 : i32
      %mul3A_1113 = arith.constant 8 : i32
      %mul3A_1114 = arith.muli %add3A, %mul3A_1113 : i32
      %mul3A_1115 = arith.constant 128 : i32
      %mul3A_1116 = arith.muli %mul3A_1114, %mul3A_1115 : i32
      %dma_start3A_1117 = arith.constant 1 : i32
      %dma_start3A_1118 = arith.constant 0 : i32
      %dma_start3A_1119 = arith.constant 1 : i32
      %dma_start3A_1120 = arith.constant 0 : i32
      %dma_start3A_1121 = tpu.memref_slice %arg7[%dma_start3A_1117, %dma_start3A_1120] : memref<2x4096xf32, #tpu.memory_space<vmem>> -> memref<1x1024xf32, #tpu.memory_space<vmem>>
      %dma_start3A_1122 = tpu.memref_squeeze %dma_start3A_1121 : memref<1x1024xf32, #tpu.memory_space<vmem>> -> memref<1024xf32, #tpu.memory_space<vmem>>
      %dma_start3A_1123 = tpu.memref_slice %arg4[%add3A_1011, %dma_start3A_1118, %mul3A_1116] : memref<50x4x32768xf32, #tpu.memory_space<hbm>> -> memref<1x1x1024xf32, #tpu.memory_space<hbm>>
      %dma_start3A_1124 = tpu.memref_squeeze %dma_start3A_1123 : memref<1x1x1024xf32, #tpu.memory_space<hbm>> -> memref<1024xf32, #tpu.memory_space<hbm>>
      %dma_start3A_1125 = tpu.memref_slice %arg9[%dma_start3A_1119] : memref<2x!tpu.dma_semaphore, #tpu.memory_space<semaphore_mem>> -> memref<1x!tpu.dma_semaphore, #tpu.memory_space<semaphore_mem>>
      %dma_start3A_1126 = tpu.memref_squeeze %dma_start3A_1125 : memref<1x!tpu.dma_semaphore, #tpu.memory_space<semaphore_mem>> -> memref<!tpu.dma_semaphore, #tpu.memory_space<semaphore_mem>>
      %dma_start3A_1127 = tpu.memref_slice %arg4[%add3A_1011, %dma_start3A_1118, %mul3A_1116] : memref<50x4x32768xf32, #tpu.memory_space<hbm>> -> memref<1x1x1024xf32, #tpu.memory_space<hbm>>
      %dma_start3A_1128 = tpu.memref_squeeze %dma_start3A_1127 : memref<1x1x1024xf32, #tpu.memory_space<hbm>> -> memref<1024xf32, #tpu.memory_space<hbm>>
      %dma_start3A_1129 = arith.constant 0 : i32
      %dma_start3A_1130 = tpu.memref_slice %arg7[%dma_start3A_1117, %dma_start3A_1129] : memref<2x4096xf32, #tpu.memory_space<vmem>> -> memref<1x1024xf32, #tpu.memory_space<vmem>>
      %dma_start3A_1131 = tpu.memref_squeeze %dma_start3A_1130 : memref<1x1024xf32, #tpu.memory_space<vmem>> -> memref<1024xf32, #tpu.memory_space<vmem>>
      tpu.enqueue_dma source(%dma_start3A_1131 : memref<1024xf32, #tpu.memory_space<vmem>>) target(%dma_start3A_1128 : memref<1024xf32, #tpu.memory_space<hbm>>) target_semaphore(%dma_start3A_1126 : memref<!tpu.dma_semaphore, #tpu.memory_space<semaphore_mem>>)
      %mul3A_1132 = arith.constant 8 : i32
      %mul3A_1133 = arith.muli %add3A, %mul3A_1132 : i32
      %mul3A_1134 = arith.constant 128 : i32
      %mul3A_1135 = arith.muli %mul3A_1133, %mul3A_1134 : i32
      %dma_start3A_1136 = arith.constant 1 : i32
      %dma_start3A_1137 = arith.constant 1 : i32
      %dma_start3A_1138 = arith.constant 1 : i32
      %dma_start3A_1139 = arith.constant 1024 : i32
      %dma_start3A_1140 = tpu.memref_slice %arg7[%dma_start3A_1136, %dma_start3A_1139] : memref<2x4096xf32, #tpu.memory_space<vmem>> -> memref<1x1024xf32, #tpu.memory_space<vmem>>
      %dma_start3A_1141 = tpu.memref_squeeze %dma_start3A_1140 : memref<1x1024xf32, #tpu.memory_space<vmem>> -> memref<1024xf32, #tpu.memory_space<vmem>>
      %dma_start3A_1142 = tpu.memref_slice %arg4[%add3A_1011, %dma_start3A_1137, %mul3A_1135] : memref<50x4x32768xf32, #tpu.memory_space<hbm>> -> memref<1x1x1024xf32, #tpu.memory_space<hbm>>
      %dma_start3A_1143 = tpu.memref_squeeze %dma_start3A_1142 : memref<1x1x1024xf32, #tpu.memory_space<hbm>> -> memref<1024xf32, #tpu.memory_space<hbm>>
      %dma_start3A_1144 = tpu.memref_slice %arg9[%dma_start3A_1138] : memref<2x!tpu.dma_semaphore, #tpu.memory_space<semaphore_mem>> -> memref<1x!tpu.dma_semaphore, #tpu.memory_space<semaphore_mem>>
      %dma_start3A_1145 = tpu.memref_squeeze %dma_start3A_1144 : memref<1x!tpu.dma_semaphore, #tpu.memory_space<semaphore_mem>> -> memref<!tpu.dma_semaphore, #tpu.memory_space<semaphore_mem>>
      %dma_start3A_1146 = tpu.memref_slice %arg4[%add3A_1011, %dma_start3A_1137, %mul3A_1135] : memref<50x4x32768xf32, #tpu.memory_space<hbm>> -> memref<1x1x1024xf32, #tpu.memory_space<hbm>>
      %dma_start3A_1147 = tpu.memref_squeeze %dma_start3A_1146 : memref<1x1x1024xf32, #tpu.memory_space<hbm>> -> memref<1024xf32, #tpu.memory_space<hbm>>
      %dma_start3A_1148 = arith.constant 1024 : i32
      %dma_start3A_1149 = tpu.memref_slice %arg7[%dma_start3A_1136, %dma_start3A_1148] : memref<2x4096xf32, #tpu.memory_space<vmem>> -> memref<1x1024xf32, #tpu.memory_space<vmem>>
      %dma_start3A_1150 = tpu.memref_squeeze %dma_start3A_1149 : memref<1x1024xf32, #tpu.memory_space<vmem>> -> memref<1024xf32, #tpu.memory_space<vmem>>
      tpu.enqueue_dma source(%dma_start3A_1150 : memref<1024xf32, #tpu.memory_space<vmem>>) target(%dma_start3A_1147 : memref<1024xf32, #tpu.memory_space<hbm>>) target_semaphore(%dma_start3A_1145 : memref<!tpu.dma_semaphore, #tpu.memory_space<semaphore_mem>>)
      %mul3A_1151 = arith.constant 8 : i32
      %mul3A_1152 = arith.muli %add3A, %mul3A_1151 : i32
      %mul3A_1153 = arith.constant 128 : i32
      %mul3A_1154 = arith.muli %mul3A_1152, %mul3A_1153 : i32
      %dma_start3A_1155 = arith.constant 1 : i32
      %dma_start3A_1156 = arith.constant 2 : i32
      %dma_start3A_1157 = arith.constant 1 : i32
      %dma_start3A_1158 = arith.constant 2048 : i32
      %dma_start3A_1159 = tpu.memref_slice %arg7[%dma_start3A_1155, %dma_start3A_1158] : memref<2x4096xf32, #tpu.memory_space<vmem>> -> memref<1x1024xf32, #tpu.memory_space<vmem>>
      %dma_start3A_1160 = tpu.memref_squeeze %dma_start3A_1159 : memref<1x1024xf32, #tpu.memory_space<vmem>> -> memref<1024xf32, #tpu.memory_space<vmem>>
      %dma_start3A_1161 = tpu.memref_slice %arg4[%add3A_1011, %dma_start3A_1156, %mul3A_1154] : memref<50x4x32768xf32, #tpu.memory_space<hbm>> -> memref<1x1x1024xf32, #tpu.memory_space<hbm>>
      %dma_start3A_1162 = tpu.memref_squeeze %dma_start3A_1161 : memref<1x1x1024xf32, #tpu.memory_space<hbm>> -> memref<1024xf32, #tpu.memory_space<hbm>>
      %dma_start3A_1163 = tpu.memref_slice %arg9[%dma_start3A_1157] : memref<2x!tpu.dma_semaphore, #tpu.memory_space<semaphore_mem>> -> memref<1x!tpu.dma_semaphore, #tpu.memory_space<semaphore_mem>>
      %dma_start3A_1164 = tpu.memref_squeeze %dma_start3A_1163 : memref<1x!tpu.dma_semaphore, #tpu.memory_space<semaphore_mem>> -> memref<!tpu.dma_semaphore, #tpu.memory_space<semaphore_mem>>
      %dma_start3A_1165 = tpu.memref_slice %arg4[%add3A_1011, %dma_start3A_1156, %mul3A_1154] : memref<50x4x32768xf32, #tpu.memory_space<hbm>> -> memref<1x1x1024xf32, #tpu.memory_space<hbm>>
      %dma_start3A_1166 = tpu.memref_squeeze %dma_start3A_1165 : memref<1x1x1024xf32, #tpu.memory_space<hbm>> -> memref<1024xf32, #tpu.memory_space<hbm>>
      %dma_start3A_1167 = arith.constant 2048 : i32
      %dma_start3A_1168 = tpu.memref_slice %arg7[%dma_start3A_1155, %dma_start3A_1167] : memref<2x4096xf32, #tpu.memory_space<vmem>> -> memref<1x1024xf32, #tpu.memory_space<vmem>>
      %dma_start3A_1169 = tpu.memref_squeeze %dma_start3A_1168 : memref<1x1024xf32, #tpu.memory_space<vmem>> -> memref<1024xf32, #tpu.memory_space<vmem>>
      tpu.enqueue_dma source(%dma_start3A_1169 : memref<1024xf32, #tpu.memory_space<vmem>>) target(%dma_start3A_1166 : memref<1024xf32, #tpu.memory_space<hbm>>) target_semaphore(%dma_start3A_1164 : memref<!tpu.dma_semaphore, #tpu.memory_space<semaphore_mem>>)
      %mul3A_1170 = arith.constant 8 : i32
      %mul3A_1171 = arith.muli %add3A, %mul3A_1170 : i32
      %mul3A_1172 = arith.constant 128 : i32
      %mul3A_1173 = arith.muli %mul3A_1171, %mul3A_1172 : i32
      %dma_start3A_1174 = arith.constant 1 : i32
      %dma_start3A_1175 = arith.constant 3 : i32
      %dma_start3A_1176 = arith.constant 1 : i32
      %dma_start3A_1177 = arith.constant 3072 : i32
      %dma_start3A_1178 = tpu.memref_slice %arg7[%dma_start3A_1174, %dma_start3A_1177] : memref<2x4096xf32, #tpu.memory_space<vmem>> -> memref<1x1024xf32, #tpu.memory_space<vmem>>
      %dma_start3A_1179 = tpu.memref_squeeze %dma_start3A_1178 : memref<1x1024xf32, #tpu.memory_space<vmem>> -> memref<1024xf32, #tpu.memory_space<vmem>>
      %dma_start3A_1180 = tpu.memref_slice %arg4[%add3A_1011, %dma_start3A_1175, %mul3A_1173] : memref<50x4x32768xf32, #tpu.memory_space<hbm>> -> memref<1x1x1024xf32, #tpu.memory_space<hbm>>
      %dma_start3A_1181 = tpu.memref_squeeze %dma_start3A_1180 : memref<1x1x1024xf32, #tpu.memory_space<hbm>> -> memref<1024xf32, #tpu.memory_space<hbm>>
      %dma_start3A_1182 = tpu.memref_slice %arg9[%dma_start3A_1176] : memref<2x!tpu.dma_semaphore, #tpu.memory_space<semaphore_mem>> -> memref<1x!tpu.dma_semaphore, #tpu.memory_space<semaphore_mem>>
      %dma_start3A_1183 = tpu.memref_squeeze %dma_start3A_1182 : memref<1x!tpu.dma_semaphore, #tpu.memory_space<semaphore_mem>> -> memref<!tpu.dma_semaphore, #tpu.memory_space<semaphore_mem>>
      %dma_start3A_1184 = tpu.memref_slice %arg4[%add3A_1011, %dma_start3A_1175, %mul3A_1173] : memref<50x4x32768xf32, #tpu.memory_space<hbm>> -> memref<1x1x1024xf32, #tpu.memory_space<hbm>>
      %dma_start3A_1185 = tpu.memref_squeeze %dma_start3A_1184 : memref<1x1x1024xf32, #tpu.memory_space<hbm>> -> memref<1024xf32, #tpu.memory_space<hbm>>
      %dma_start3A_1186 = arith.constant 3072 : i32
      %dma_start3A_1187 = tpu.memref_slice %arg7[%dma_start3A_1174, %dma_start3A_1186] : memref<2x4096xf32, #tpu.memory_space<vmem>> -> memref<1x1024xf32, #tpu.memory_space<vmem>>
      %dma_start3A_1188 = tpu.memref_squeeze %dma_start3A_1187 : memref<1x1024xf32, #tpu.memory_space<vmem>> -> memref<1024xf32, #tpu.memory_space<vmem>>
      tpu.enqueue_dma source(%dma_start3A_1188 : memref<1024xf32, #tpu.memory_space<vmem>>) target(%dma_start3A_1185 : memref<1024xf32, #tpu.memory_space<hbm>>) target_semaphore(%dma_start3A_1183 : memref<!tpu.dma_semaphore, #tpu.memory_space<semaphore_mem>>)
      %add3A_1189 = arith.constant 2 : i32
      %add3A_1190 = arith.addi %add3A_1011, %add3A_1189 : i32
      %dma_start3A_1191 = arith.constant 1 : i32
      %dma_start3A_1192 = arith.constant 1 : i32
      %dma_start3A_1193 = arith.constant 0 : i32
      %dma_start3A_1194 = arith.constant 0 : i32
      %dma_start3A_1195 = tpu.memref_slice %arg6[%dma_start3A_1191, %dma_start3A_1193, %dma_start3A_1194] : memref<2x128x32xf32, #tpu.memory_space<vmem>> -> memref<1x128x32xf32, #tpu.memory_space<vmem>>
      %dma_start3A_1196 = tpu.memref_squeeze %dma_start3A_1195 : memref<1x128x32xf32, #tpu.memory_space<vmem>> -> memref<128x32xf32, #tpu.memory_space<vmem>>
      %dma_start3A_1197 = arith.constant 0 : i32
      %dma_start3A_1198 = tpu.memref_slice %arg5[%add3A_1190, %dma_start3A_1197] : memref<50x128xi32, #tpu.memory_space<vmem>> -> memref<1x128xi32, #tpu.memory_space<vmem>>
      %dma_start3A_1199 = tpu.memref_squeeze %dma_start3A_1198 : memref<1x128xi32, #tpu.memory_space<vmem>> -> memref<128xi32, #tpu.memory_space<vmem>>
      %dma_start3A_1200 = arith.constant 0 : i32
      %dma_start3A_1201 = arith.constant 0 : i32
      %dma_start3A_1202 = tpu.memref_slice %arg3[%dma_start3A_1200, %dma_start3A_1201] : memref<100000x32xf32, #tpu.memory_space<hbm>> -> memref<100000x32xf32, #tpu.memory_space<hbm>>
      %dma_start3A_1203 = tpu.memref_slice %arg8[%dma_start3A_1192] : memref<2x!tpu.dma_semaphore, #tpu.memory_space<semaphore_mem>> -> memref<1x!tpu.dma_semaphore, #tpu.memory_space<semaphore_mem>>
      %dma_start3A_1204 = tpu.memref_squeeze %dma_start3A_1203 : memref<1x!tpu.dma_semaphore, #tpu.memory_space<semaphore_mem>> -> memref<!tpu.dma_semaphore, #tpu.memory_space<semaphore_mem>>
      tpu.enqueue_indirect_dma source(%dma_start3A_1202 : memref<100000x32xf32, #tpu.memory_space<hbm>>) target(%dma_start3A_1196 : memref<128x32xf32, #tpu.memory_space<vmem>>) offsets(%dma_start3A_1199 : memref<128xi32, #tpu.memory_space<vmem>>) semaphore(%dma_start3A_1204 : memref<!tpu.dma_semaphore, #tpu.memory_space<semaphore_mem>>)
    }
    %scan3A_284 = arith.constant 23 : i32
    %dma_wait3A_285 = arith.constant 0 : i32
    %dma_wait3A_286 = arith.constant 0 : i32
    %dma_wait3A_287 = arith.constant 0 : i32
    %dma_wait3A_288 = arith.constant 0 : i32
    %dma_wait3A_289 = tpu.memref_slice %arg6[%dma_wait3A_285, %dma_wait3A_287, %dma_wait3A_288] : memref<2x128x32xf32, #tpu.memory_space<vmem>> -> memref<1x128x32xf32, #tpu.memory_space<vmem>>
    %dma_wait3A_290 = tpu.memref_squeeze %dma_wait3A_289 : memref<1x128x32xf32, #tpu.memory_space<vmem>> -> memref<128x32xf32, #tpu.memory_space<vmem>>
    %dma_wait3A_291 = arith.constant 0 : i32
    %dma_wait3A_292 = arith.constant 0 : i32
    %dma_wait3A_293 = tpu.memref_slice %arg3[%dma_wait3A_291, %dma_wait3A_292] : memref<100000x32xf32, #tpu.memory_space<hbm>> -> memref<128x32xf32, #tpu.memory_space<hbm>>
    %dma_wait3A_294 = tpu.memref_slice %arg8[%dma_wait3A_286] : memref<2x!tpu.dma_semaphore, #tpu.memory_space<semaphore_mem>> -> memref<1x!tpu.dma_semaphore, #tpu.memory_space<semaphore_mem>>
    %dma_wait3A_295 = tpu.memref_squeeze %dma_wait3A_294 : memref<1x!tpu.dma_semaphore, #tpu.memory_space<semaphore_mem>> -> memref<!tpu.dma_semaphore, #tpu.memory_space<semaphore_mem>>
    %dma_wait3A_296 = arith.constant 0 : i32
    %dma_wait3A_297 = arith.constant 0 : i32
    %dma_wait3A_298 = tpu.memref_slice %arg6[%dma_wait3A_285, %dma_wait3A_296, %dma_wait3A_297] : memref<2x128x32xf32, #tpu.memory_space<vmem>> -> memref<1x128x32xf32, #tpu.memory_space<vmem>>
    %dma_wait3A_299 = tpu.memref_squeeze %dma_wait3A_298 : memref<1x128x32xf32, #tpu.memory_space<vmem>> -> memref<128x32xf32, #tpu.memory_space<vmem>>
    %dma_wait3A_300 = arith.constant 0 : i32
    %dma_wait3A_301 = arith.constant 0 : i32
    %dma_wait3A_302 = tpu.memref_slice %arg3[%dma_wait3A_300, %dma_wait3A_301] : memref<100000x32xf32, #tpu.memory_space<hbm>> -> memref<128x32xf32, #tpu.memory_space<hbm>>
    tpu.wait_dma2 semaphore(%dma_wait3A_295 : memref<!tpu.dma_semaphore, #tpu.memory_space<semaphore_mem>>) src(%dma_wait3A_302 : memref<128x32xf32, #tpu.memory_space<hbm>>) dst(%dma_wait3A_299 : memref<128x32xf32, #tpu.memory_space<vmem>>)
    %mul3A_303 = arith.constant 8 : i32
    %mul3A_304 = arith.muli %add3A, %mul3A_303 : i32
    %mul3A_305 = arith.constant 128 : i32
    %mul3A_306 = arith.muli %mul3A_304, %mul3A_305 : i32
    %dma_wait3A_307 = arith.constant 0 : i32
    %dma_wait3A_308 = arith.constant 46 : i32
    %dma_wait3A_309 = arith.constant 0 : i32
    %dma_wait3A_310 = arith.constant 0 : i32
    %dma_wait3A_311 = arith.constant 0 : i32
    %dma_wait3A_312 = tpu.memref_slice %arg7[%dma_wait3A_307, %dma_wait3A_311] : memref<2x4096xf32, #tpu.memory_space<vmem>> -> memref<1x1024xf32, #tpu.memory_space<vmem>>
    %dma_wait3A_313 = tpu.memref_squeeze %dma_wait3A_312 : memref<1x1024xf32, #tpu.memory_space<vmem>> -> memref<1024xf32, #tpu.memory_space<vmem>>
    %dma_wait3A_314 = tpu.memref_slice %arg4[%dma_wait3A_308, %dma_wait3A_309, %mul3A_306] : memref<50x4x32768xf32, #tpu.memory_space<hbm>> -> memref<1x1x1024xf32, #tpu.memory_space<hbm>>
    %dma_wait3A_315 = tpu.memref_squeeze %dma_wait3A_314 : memref<1x1x1024xf32, #tpu.memory_space<hbm>> -> memref<1024xf32, #tpu.memory_space<hbm>>
    %dma_wait3A_316 = tpu.memref_slice %arg9[%dma_wait3A_310] : memref<2x!tpu.dma_semaphore, #tpu.memory_space<semaphore_mem>> -> memref<1x!tpu.dma_semaphore, #tpu.memory_space<semaphore_mem>>
    %dma_wait3A_317 = tpu.memref_squeeze %dma_wait3A_316 : memref<1x!tpu.dma_semaphore, #tpu.memory_space<semaphore_mem>> -> memref<!tpu.dma_semaphore, #tpu.memory_space<semaphore_mem>>
    %dma_wait3A_318 = tpu.memref_slice %arg4[%dma_wait3A_308, %dma_wait3A_309, %mul3A_306] : memref<50x4x32768xf32, #tpu.memory_space<hbm>> -> memref<1x1x1024xf32, #tpu.memory_space<hbm>>
    %dma_wait3A_319 = tpu.memref_squeeze %dma_wait3A_318 : memref<1x1x1024xf32, #tpu.memory_space<hbm>> -> memref<1024xf32, #tpu.memory_space<hbm>>
    %dma_wait3A_320 = arith.constant 0 : i32
    %dma_wait3A_321 = tpu.memref_slice %arg7[%dma_wait3A_307, %dma_wait3A_320] : memref<2x4096xf32, #tpu.memory_space<vmem>> -> memref<1x1024xf32, #tpu.memory_space<vmem>>
    %dma_wait3A_322 = tpu.memref_squeeze %dma_wait3A_321 : memref<1x1024xf32, #tpu.memory_space<vmem>> -> memref<1024xf32, #tpu.memory_space<vmem>>
    tpu.wait_dma2 semaphore(%dma_wait3A_317 : memref<!tpu.dma_semaphore, #tpu.memory_space<semaphore_mem>>) src(%dma_wait3A_322 : memref<1024xf32, #tpu.memory_space<vmem>>) dst(%dma_wait3A_319 : memref<1024xf32, #tpu.memory_space<hbm>>)
    %mul3A_323 = arith.constant 8 : i32
    %mul3A_324 = arith.muli %add3A, %mul3A_323 : i32
    %mul3A_325 = arith.constant 128 : i32
    %mul3A_326 = arith.muli %mul3A_324, %mul3A_325 : i32
    %dma_wait3A_327 = arith.constant 0 : i32
    %dma_wait3A_328 = arith.constant 46 : i32
    %dma_wait3A_329 = arith.constant 1 : i32
    %dma_wait3A_330 = arith.constant 0 : i32
    %dma_wait3A_331 = arith.constant 1024 : i32
    %dma_wait3A_332 = tpu.memref_slice %arg7[%dma_wait3A_327, %dma_wait3A_331] : memref<2x4096xf32, #tpu.memory_space<vmem>> -> memref<1x1024xf32, #tpu.memory_space<vmem>>
    %dma_wait3A_333 = tpu.memref_squeeze %dma_wait3A_332 : memref<1x1024xf32, #tpu.memory_space<vmem>> -> memref<1024xf32, #tpu.memory_space<vmem>>
    %dma_wait3A_334 = tpu.memref_slice %arg4[%dma_wait3A_328, %dma_wait3A_329, %mul3A_326] : memref<50x4x32768xf32, #tpu.memory_space<hbm>> -> memref<1x1x1024xf32, #tpu.memory_space<hbm>>
    %dma_wait3A_335 = tpu.memref_squeeze %dma_wait3A_334 : memref<1x1x1024xf32, #tpu.memory_space<hbm>> -> memref<1024xf32, #tpu.memory_space<hbm>>
    %dma_wait3A_336 = tpu.memref_slice %arg9[%dma_wait3A_330] : memref<2x!tpu.dma_semaphore, #tpu.memory_space<semaphore_mem>> -> memref<1x!tpu.dma_semaphore, #tpu.memory_space<semaphore_mem>>
    %dma_wait3A_337 = tpu.memref_squeeze %dma_wait3A_336 : memref<1x!tpu.dma_semaphore, #tpu.memory_space<semaphore_mem>> -> memref<!tpu.dma_semaphore, #tpu.memory_space<semaphore_mem>>
    %dma_wait3A_338 = tpu.memref_slice %arg4[%dma_wait3A_328, %dma_wait3A_329, %mul3A_326] : memref<50x4x32768xf32, #tpu.memory_space<hbm>> -> memref<1x1x1024xf32, #tpu.memory_space<hbm>>
    %dma_wait3A_339 = tpu.memref_squeeze %dma_wait3A_338 : memref<1x1x1024xf32, #tpu.memory_space<hbm>> -> memref<1024xf32, #tpu.memory_space<hbm>>
    %dma_wait3A_340 = arith.constant 1024 : i32
    %dma_wait3A_341 = tpu.memref_slice %arg7[%dma_wait3A_327, %dma_wait3A_340] : memref<2x4096xf32, #tpu.memory_space<vmem>> -> memref<1x1024xf32, #tpu.memory_space<vmem>>
    %dma_wait3A_342 = tpu.memref_squeeze %dma_wait3A_341 : memref<1x1024xf32, #tpu.memory_space<vmem>> -> memref<1024xf32, #tpu.memory_space<vmem>>
    tpu.wait_dma2 semaphore(%dma_wait3A_337 : memref<!tpu.dma_semaphore, #tpu.memory_space<semaphore_mem>>) src(%dma_wait3A_342 : memref<1024xf32, #tpu.memory_space<vmem>>) dst(%dma_wait3A_339 : memref<1024xf32, #tpu.memory_space<hbm>>)
    %mul3A_343 = arith.constant 8 : i32
    %mul3A_344 = arith.muli %add3A, %mul3A_343 : i32
    %mul3A_345 = arith.constant 128 : i32
    %mul3A_346 = arith.muli %mul3A_344, %mul3A_345 : i32
    %dma_wait3A_347 = arith.constant 0 : i32
    %dma_wait3A_348 = arith.constant 46 : i32
    %dma_wait3A_349 = arith.constant 2 : i32
    %dma_wait3A_350 = arith.constant 0 : i32
    %dma_wait3A_351 = arith.constant 2048 : i32
    %dma_wait3A_352 = tpu.memref_slice %arg7[%dma_wait3A_347, %dma_wait3A_351] : memref<2x4096xf32, #tpu.memory_space<vmem>> -> memref<1x1024xf32, #tpu.memory_space<vmem>>
    %dma_wait3A_353 = tpu.memref_squeeze %dma_wait3A_352 : memref<1x1024xf32, #tpu.memory_space<vmem>> -> memref<1024xf32, #tpu.memory_space<vmem>>
    %dma_wait3A_354 = tpu.memref_slice %arg4[%dma_wait3A_348, %dma_wait3A_349, %mul3A_346] : memref<50x4x32768xf32, #tpu.memory_space<hbm>> -> memref<1x1x1024xf32, #tpu.memory_space<hbm>>
    %dma_wait3A_355 = tpu.memref_squeeze %dma_wait3A_354 : memref<1x1x1024xf32, #tpu.memory_space<hbm>> -> memref<1024xf32, #tpu.memory_space<hbm>>
    %dma_wait3A_356 = tpu.memref_slice %arg9[%dma_wait3A_350] : memref<2x!tpu.dma_semaphore, #tpu.memory_space<semaphore_mem>> -> memref<1x!tpu.dma_semaphore, #tpu.memory_space<semaphore_mem>>
    %dma_wait3A_357 = tpu.memref_squeeze %dma_wait3A_356 : memref<1x!tpu.dma_semaphore, #tpu.memory_space<semaphore_mem>> -> memref<!tpu.dma_semaphore, #tpu.memory_space<semaphore_mem>>
    %dma_wait3A_358 = tpu.memref_slice %arg4[%dma_wait3A_348, %dma_wait3A_349, %mul3A_346] : memref<50x4x32768xf32, #tpu.memory_space<hbm>> -> memref<1x1x1024xf32, #tpu.memory_space<hbm>>
    %dma_wait3A_359 = tpu.memref_squeeze %dma_wait3A_358 : memref<1x1x1024xf32, #tpu.memory_space<hbm>> -> memref<1024xf32, #tpu.memory_space<hbm>>
    %dma_wait3A_360 = arith.constant 2048 : i32
    %dma_wait3A_361 = tpu.memref_slice %arg7[%dma_wait3A_347, %dma_wait3A_360] : memref<2x4096xf32, #tpu.memory_space<vmem>> -> memref<1x1024xf32, #tpu.memory_space<vmem>>
    %dma_wait3A_362 = tpu.memref_squeeze %dma_wait3A_361 : memref<1x1024xf32, #tpu.memory_space<vmem>> -> memref<1024xf32, #tpu.memory_space<vmem>>
    tpu.wait_dma2 semaphore(%dma_wait3A_357 : memref<!tpu.dma_semaphore, #tpu.memory_space<semaphore_mem>>) src(%dma_wait3A_362 : memref<1024xf32, #tpu.memory_space<vmem>>) dst(%dma_wait3A_359 : memref<1024xf32, #tpu.memory_space<hbm>>)
    %mul3A_363 = arith.constant 8 : i32
    %mul3A_364 = arith.muli %add3A, %mul3A_363 : i32
    %mul3A_365 = arith.constant 128 : i32
    %mul3A_366 = arith.muli %mul3A_364, %mul3A_365 : i32
    %dma_wait3A_367 = arith.constant 0 : i32
    %dma_wait3A_368 = arith.constant 46 : i32
    %dma_wait3A_369 = arith.constant 3 : i32
    %dma_wait3A_370 = arith.constant 0 : i32
    %dma_wait3A_371 = arith.constant 3072 : i32
    %dma_wait3A_372 = tpu.memref_slice %arg7[%dma_wait3A_367, %dma_wait3A_371] : memref<2x4096xf32, #tpu.memory_space<vmem>> -> memref<1x1024xf32, #tpu.memory_space<vmem>>
    %dma_wait3A_373 = tpu.memref_squeeze %dma_wait3A_372 : memref<1x1024xf32, #tpu.memory_space<vmem>> -> memref<1024xf32, #tpu.memory_space<vmem>>
    %dma_wait3A_374 = tpu.memref_slice %arg4[%dma_wait3A_368, %dma_wait3A_369, %mul3A_366] : memref<50x4x32768xf32, #tpu.memory_space<hbm>> -> memref<1x1x1024xf32, #tpu.memory_space<hbm>>
    %dma_wait3A_375 = tpu.memref_squeeze %dma_wait3A_374 : memref<1x1x1024xf32, #tpu.memory_space<hbm>> -> memref<1024xf32, #tpu.memory_space<hbm>>
    %dma_wait3A_376 = tpu.memref_slice %arg9[%dma_wait3A_370] : memref<2x!tpu.dma_semaphore, #tpu.memory_space<semaphore_mem>> -> memref<1x!tpu.dma_semaphore, #tpu.memory_space<semaphore_mem>>
    %dma_wait3A_377 = tpu.memref_squeeze %dma_wait3A_376 : memref<1x!tpu.dma_semaphore, #tpu.memory_space<semaphore_mem>> -> memref<!tpu.dma_semaphore, #tpu.memory_space<semaphore_mem>>
    %dma_wait3A_378 = tpu.memref_slice %arg4[%dma_wait3A_368, %dma_wait3A_369, %mul3A_366] : memref<50x4x32768xf32, #tpu.memory_space<hbm>> -> memref<1x1x1024xf32, #tpu.memory_space<hbm>>
    %dma_wait3A_379 = tpu.memref_squeeze %dma_wait3A_378 : memref<1x1x1024xf32, #tpu.memory_space<hbm>> -> memref<1024xf32, #tpu.memory_space<hbm>>
    %dma_wait3A_380 = arith.constant 3072 : i32
    %dma_wait3A_381 = tpu.memref_slice %arg7[%dma_wait3A_367, %dma_wait3A_380] : memref<2x4096xf32, #tpu.memory_space<vmem>> -> memref<1x1024xf32, #tpu.memory_space<vmem>>
    %dma_wait3A_382 = tpu.memref_squeeze %dma_wait3A_381 : memref<1x1024xf32, #tpu.memory_space<vmem>> -> memref<1024xf32, #tpu.memory_space<vmem>>
    tpu.wait_dma2 semaphore(%dma_wait3A_377 : memref<!tpu.dma_semaphore, #tpu.memory_space<semaphore_mem>>) src(%dma_wait3A_382 : memref<1024xf32, #tpu.memory_space<vmem>>) dst(%dma_wait3A_379 : memref<1024xf32, #tpu.memory_space<hbm>>)
    %scan3A_383 = arith.constant 0 : i32
    %scan3A_384 = arith.constant 128 : i32
    %scan3A_385 = arith.addi %scan3A_383, %scan3A_384 : i32
    %scan3A_386 = arith.constant 8 : i32
    scf.for %scan3A_811 = %scan3A_383 to %scan3A_385 step %scan3A_386  : i32 {
      %mul3A_812 = arith.constant 1 : i32
      %mul3A_813 = arith.muli %scan3A_811, %mul3A_812 : i32
      %add3A_814 = arith.constant 0 : i32
      %add3A_815 = arith.addi %add3A_814, %mul3A_813 : i32
      %get3A = arith.constant 0 : i32
      %get3A_816 = arith.index_cast %get3A : i32 to index
      %get3A_817 = arith.index_cast %add3A_815 : i32 to index
      %get3A_818 = arith.constant 0 : index
      %get3A_819 = tpu.vector_load %arg6[%get3A_816, %get3A_817, %get3A_818] {strides = array<i32>} : memref<2x128x32xf32, #tpu.memory_space<vmem>>, vector<16xf32>,
      %add3A_820 = vector.broadcast %add3A_815 : i32 to vector<16xi32>
      %add3A_821 = arith.addi %add3A_13, %add3A_820 : vector<16xi32>
      %scatter3A = arith.constant 0 : i32
      %scatter3A_822 = arith.constant 0 : i32
      %scatter3A_823 = tpu.memref_slice %arg7[%scatter3A, %scatter3A_822] : memref<2x4096xf32, #tpu.memory_space<vmem>> -> memref<1x4096xf32, #tpu.memory_space<vmem>>
      %scatter3A_824 = tpu.memref_squeeze %scatter3A_823 : memref<1x4096xf32, #tpu.memory_space<vmem>> -> memref<4096xf32, #tpu.memory_space<vmem>>
      tpu.vector_store_idx %scatter3A_824[%add3A_821], %get3A_819 : memref<4096xf32, #tpu.memory_space<vmem>>[vector<16xi32>], vector<16xf32>,
      %get3A_825 = arith.constant 0 : i32
      %get3A_826 = arith.index_cast %get3A_825 : i32 to index
      %get3A_827 = arith.index_cast %add3A_815 : i32 to index
      %get3A_828 = arith.constant 16 : index
      %get3A_829 = tpu.vector_load %arg6[%get3A_826, %get3A_827, %get3A_828] {strides = array<i32>} : memref<2x128x32xf32, #tpu.memory_space<vmem>>, vector<16xf32>,
      %add3A_830 = vector.broadcast %add3A_815 : i32 to vector<16xi32>
      %add3A_831 = arith.addi %add3A_16, %add3A_830 : vector<16xi32>
      %scatter3A_832 = arith.constant 0 : i32
      %scatter3A_833 = arith.constant 0 : i32
      %scatter3A_834 = tpu.memref_slice %arg7[%scatter3A_832, %scatter3A_833] : memref<2x4096xf32, #tpu.memory_space<vmem>> -> memref<1x4096xf32, #tpu.memory_space<vmem>>
      %scatter3A_835 = tpu.memref_squeeze %scatter3A_834 : memref<1x4096xf32, #tpu.memory_space<vmem>> -> memref<4096xf32, #tpu.memory_space<vmem>>
      tpu.vector_store_idx %scatter3A_835[%add3A_831], %get3A_829 : memref<4096xf32, #tpu.memory_space<vmem>>[vector<16xi32>], vector<16xf32>,
      %scan3A_836 = arith.constant 1 : i32
      %scan3A_837 = arith.addi %scan3A_811, %scan3A_836 : i32
      %mul3A_838 = arith.constant 1 : i32
      %mul3A_839 = arith.muli %scan3A_837, %mul3A_838 : i32
      %add3A_840 = arith.constant 0 : i32
      %add3A_841 = arith.addi %add3A_840, %mul3A_839 : i32
      %get3A_842 = arith.constant 0 : i32
      %get3A_843 = arith.index_cast %get3A_842 : i32 to index
      %get3A_844 = arith.index_cast %add3A_841 : i32 to index
      %get3A_845 = arith.constant 0 : index
      %get3A_846 = tpu.vector_load %arg6[%get3A_843, %get3A_844, %get3A_845] {strides = array<i32>} : memref<2x128x32xf32, #tpu.memory_space<vmem>>, vector<16xf32>,
      %add3A_847 = vector.broadcast %add3A_841 : i32 to vector<16xi32>
      %add3A_848 = arith.addi %add3A_13, %add3A_847 : vector<16xi32>
      %scatter3A_849 = arith.constant 0 : i32
      %scatter3A_850 = arith.constant 0 : i32
      %scatter3A_851 = tpu.memref_slice %arg7[%scatter3A_849, %scatter3A_850] : memref<2x4096xf32, #tpu.memory_space<vmem>> -> memref<1x4096xf32, #tpu.memory_space<vmem>>
      %scatter3A_852 = tpu.memref_squeeze %scatter3A_851 : memref<1x4096xf32, #tpu.memory_space<vmem>> -> memref<4096xf32, #tpu.memory_space<vmem>>
      tpu.vector_store_idx %scatter3A_852[%add3A_848], %get3A_846 : memref<4096xf32, #tpu.memory_space<vmem>>[vector<16xi32>], vector<16xf32>,
      %get3A_853 = arith.constant 0 : i32
      %get3A_854 = arith.index_cast %get3A_853 : i32 to index
      %get3A_855 = arith.index_cast %add3A_841 : i32 to index
      %get3A_856 = arith.constant 16 : index
      %get3A_857 = tpu.vector_load %arg6[%get3A_854, %get3A_855, %get3A_856] {strides = array<i32>} : memref<2x128x32xf32, #tpu.memory_space<vmem>>, vector<16xf32>,
      %add3A_858 = vector.broadcast %add3A_841 : i32 to vector<16xi32>
      %add3A_859 = arith.addi %add3A_16, %add3A_858 : vector<16xi32>
      %scatter3A_860 = arith.constant 0 : i32
      %scatter3A_861 = arith.constant 0 : i32
      %scatter3A_862 = tpu.memref_slice %arg7[%scatter3A_860, %scatter3A_861] : memref<2x4096xf32, #tpu.memory_space<vmem>> -> memref<1x4096xf32, #tpu.memory_space<vmem>>
      %scatter3A_863 = tpu.memref_squeeze %scatter3A_862 : memref<1x4096xf32, #tpu.memory_space<vmem>> -> memref<4096xf32, #tpu.memory_space<vmem>>
      tpu.vector_store_idx %scatter3A_863[%add3A_859], %get3A_857 : memref<4096xf32, #tpu.memory_space<vmem>>[vector<16xi32>], vector<16xf32>,
      %scan3A_864 = arith.constant 2 : i32
      %scan3A_865 = arith.addi %scan3A_811, %scan3A_864 : i32
      %mul3A_866 = arith.constant 1 : i32
      %mul3A_867 = arith.muli %scan3A_865, %mul3A_866 : i32
      %add3A_868 = arith.constant 0 : i32
      %add3A_869 = arith.addi %add3A_868, %mul3A_867 : i32
      %get3A_870 = arith.constant 0 : i32
      %get3A_871 = arith.index_cast %get3A_870 : i32 to index
      %get3A_872 = arith.index_cast %add3A_869 : i32 to index
      %get3A_873 = arith.constant 0 : index
      %get3A_874 = tpu.vector_load %arg6[%get3A_871, %get3A_872, %get3A_873] {strides = array<i32>} : memref<2x128x32xf32, #tpu.memory_space<vmem>>, vector<16xf32>,
      %add3A_875 = vector.broadcast %add3A_869 : i32 to vector<16xi32>
      %add3A_876 = arith.addi %add3A_13, %add3A_875 : vector<16xi32>
      %scatter3A_877 = arith.constant 0 : i32
      %scatter3A_878 = arith.constant 0 : i32
      %scatter3A_879 = tpu.memref_slice %arg7[%scatter3A_877, %scatter3A_878] : memref<2x4096xf32, #tpu.memory_space<vmem>> -> memref<1x4096xf32, #tpu.memory_space<vmem>>
      %scatter3A_880 = tpu.memref_squeeze %scatter3A_879 : memref<1x4096xf32, #tpu.memory_space<vmem>> -> memref<4096xf32, #tpu.memory_space<vmem>>
      tpu.vector_store_idx %scatter3A_880[%add3A_876], %get3A_874 : memref<4096xf32, #tpu.memory_space<vmem>>[vector<16xi32>], vector<16xf32>,
      %get3A_881 = arith.constant 0 : i32
      %get3A_882 = arith.index_cast %get3A_881 : i32 to index
      %get3A_883 = arith.index_cast %add3A_869 : i32 to index
      %get3A_884 = arith.constant 16 : index
      %get3A_885 = tpu.vector_load %arg6[%get3A_882, %get3A_883, %get3A_884] {strides = array<i32>} : memref<2x128x32xf32, #tpu.memory_space<vmem>>, vector<16xf32>,
      %add3A_886 = vector.broadcast %add3A_869 : i32 to vector<16xi32>
      %add3A_887 = arith.addi %add3A_16, %add3A_886 : vector<16xi32>
      %scatter3A_888 = arith.constant 0 : i32
      %scatter3A_889 = arith.constant 0 : i32
      %scatter3A_890 = tpu.memref_slice %arg7[%scatter3A_888, %scatter3A_889] : memref<2x4096xf32, #tpu.memory_space<vmem>> -> memref<1x4096xf32, #tpu.memory_space<vmem>>
      %scatter3A_891 = tpu.memref_squeeze %scatter3A_890 : memref<1x4096xf32, #tpu.memory_space<vmem>> -> memref<4096xf32, #tpu.memory_space<vmem>>
      tpu.vector_store_idx %scatter3A_891[%add3A_887], %get3A_885 : memref<4096xf32, #tpu.memory_space<vmem>>[vector<16xi32>], vector<16xf32>,
      %scan3A_892 = arith.constant 3 : i32
      %scan3A_893 = arith.addi %scan3A_811, %scan3A_892 : i32
      %mul3A_894 = arith.constant 1 : i32
      %mul3A_895 = arith.muli %scan3A_893, %mul3A_894 : i32
      %add3A_896 = arith.constant 0 : i32
      %add3A_897 = arith.addi %add3A_896, %mul3A_895 : i32
      %get3A_898 = arith.constant 0 : i32
      %get3A_899 = arith.index_cast %get3A_898 : i32 to index
      %get3A_900 = arith.index_cast %add3A_897 : i32 to index
      %get3A_901 = arith.constant 0 : index
      %get3A_902 = tpu.vector_load %arg6[%get3A_899, %get3A_900, %get3A_901] {strides = array<i32>} : memref<2x128x32xf32, #tpu.memory_space<vmem>>, vector<16xf32>,
      %add3A_903 = vector.broadcast %add3A_897 : i32 to vector<16xi32>
      %add3A_904 = arith.addi %add3A_13, %add3A_903 : vector<16xi32>
      %scatter3A_905 = arith.constant 0 : i32
      %scatter3A_906 = arith.constant 0 : i32
      %scatter3A_907 = tpu.memref_slice %arg7[%scatter3A_905, %scatter3A_906] : memref<2x4096xf32, #tpu.memory_space<vmem>> -> memref<1x4096xf32, #tpu.memory_space<vmem>>
      %scatter3A_908 = tpu.memref_squeeze %scatter3A_907 : memref<1x4096xf32, #tpu.memory_space<vmem>> -> memref<4096xf32, #tpu.memory_space<vmem>>
      tpu.vector_store_idx %scatter3A_908[%add3A_904], %get3A_902 : memref<4096xf32, #tpu.memory_space<vmem>>[vector<16xi32>], vector<16xf32>,
      %get3A_909 = arith.constant 0 : i32
      %get3A_910 = arith.index_cast %get3A_909 : i32 to index
      %get3A_911 = arith.index_cast %add3A_897 : i32 to index
      %get3A_912 = arith.constant 16 : index
      %get3A_913 = tpu.vector_load %arg6[%get3A_910, %get3A_911, %get3A_912] {strides = array<i32>} : memref<2x128x32xf32, #tpu.memory_space<vmem>>, vector<16xf32>,
      %add3A_914 = vector.broadcast %add3A_897 : i32 to vector<16xi32>
      %add3A_915 = arith.addi %add3A_16, %add3A_914 : vector<16xi32>
      %scatter3A_916 = arith.constant 0 : i32
      %scatter3A_917 = arith.constant 0 : i32
      %scatter3A_918 = tpu.memref_slice %arg7[%scatter3A_916, %scatter3A_917] : memref<2x4096xf32, #tpu.memory_space<vmem>> -> memref<1x4096xf32, #tpu.memory_space<vmem>>
      %scatter3A_919 = tpu.memref_squeeze %scatter3A_918 : memref<1x4096xf32, #tpu.memory_space<vmem>> -> memref<4096xf32, #tpu.memory_space<vmem>>
      tpu.vector_store_idx %scatter3A_919[%add3A_915], %get3A_913 : memref<4096xf32, #tpu.memory_space<vmem>>[vector<16xi32>], vector<16xf32>,
      %scan3A_920 = arith.constant 4 : i32
      %scan3A_921 = arith.addi %scan3A_811, %scan3A_920 : i32
      %mul3A_922 = arith.constant 1 : i32
      %mul3A_923 = arith.muli %scan3A_921, %mul3A_922 : i32
      %add3A_924 = arith.constant 0 : i32
      %add3A_925 = arith.addi %add3A_924, %mul3A_923 : i32
      %get3A_926 = arith.constant 0 : i32
      %get3A_927 = arith.index_cast %get3A_926 : i32 to index
      %get3A_928 = arith.index_cast %add3A_925 : i32 to index
      %get3A_929 = arith.constant 0 : index
      %get3A_930 = tpu.vector_load %arg6[%get3A_927, %get3A_928, %get3A_929] {strides = array<i32>} : memref<2x128x32xf32, #tpu.memory_space<vmem>>, vector<16xf32>,
      %add3A_931 = vector.broadcast %add3A_925 : i32 to vector<16xi32>
      %add3A_932 = arith.addi %add3A_13, %add3A_931 : vector<16xi32>
      %scatter3A_933 = arith.constant 0 : i32
      %scatter3A_934 = arith.constant 0 : i32
      %scatter3A_935 = tpu.memref_slice %arg7[%scatter3A_933, %scatter3A_934] : memref<2x4096xf32, #tpu.memory_space<vmem>> -> memref<1x4096xf32, #tpu.memory_space<vmem>>
      %scatter3A_936 = tpu.memref_squeeze %scatter3A_935 : memref<1x4096xf32, #tpu.memory_space<vmem>> -> memref<4096xf32, #tpu.memory_space<vmem>>
      tpu.vector_store_idx %scatter3A_936[%add3A_932], %get3A_930 : memref<4096xf32, #tpu.memory_space<vmem>>[vector<16xi32>], vector<16xf32>,
      %get3A_937 = arith.constant 0 : i32
      %get3A_938 = arith.index_cast %get3A_937 : i32 to index
      %get3A_939 = arith.index_cast %add3A_925 : i32 to index
      %get3A_940 = arith.constant 16 : index
      %get3A_941 = tpu.vector_load %arg6[%get3A_938, %get3A_939, %get3A_940] {strides = array<i32>} : memref<2x128x32xf32, #tpu.memory_space<vmem>>, vector<16xf32>,
      %add3A_942 = vector.broadcast %add3A_925 : i32 to vector<16xi32>
      %add3A_943 = arith.addi %add3A_16, %add3A_942 : vector<16xi32>
      %scatter3A_944 = arith.constant 0 : i32
      %scatter3A_945 = arith.constant 0 : i32
      %scatter3A_946 = tpu.memref_slice %arg7[%scatter3A_944, %scatter3A_945] : memref<2x4096xf32, #tpu.memory_space<vmem>> -> memref<1x4096xf32, #tpu.memory_space<vmem>>
      %scatter3A_947 = tpu.memref_squeeze %scatter3A_946 : memref<1x4096xf32, #tpu.memory_space<vmem>> -> memref<4096xf32, #tpu.memory_space<vmem>>
      tpu.vector_store_idx %scatter3A_947[%add3A_943], %get3A_941 : memref<4096xf32, #tpu.memory_space<vmem>>[vector<16xi32>], vector<16xf32>,
      %scan3A_948 = arith.constant 5 : i32
      %scan3A_949 = arith.addi %scan3A_811, %scan3A_948 : i32
      %mul3A_950 = arith.constant 1 : i32
      %mul3A_951 = arith.muli %scan3A_949, %mul3A_950 : i32
      %add3A_952 = arith.constant 0 : i32
      %add3A_953 = arith.addi %add3A_952, %mul3A_951 : i32
      %get3A_954 = arith.constant 0 : i32
      %get3A_955 = arith.index_cast %get3A_954 : i32 to index
      %get3A_956 = arith.index_cast %add3A_953 : i32 to index
      %get3A_957 = arith.constant 0 : index
      %get3A_958 = tpu.vector_load %arg6[%get3A_955, %get3A_956, %get3A_957] {strides = array<i32>} : memref<2x128x32xf32, #tpu.memory_space<vmem>>, vector<16xf32>,
      %add3A_959 = vector.broadcast %add3A_953 : i32 to vector<16xi32>
      %add3A_960 = arith.addi %add3A_13, %add3A_959 : vector<16xi32>
      %scatter3A_961 = arith.constant 0 : i32
      %scatter3A_962 = arith.constant 0 : i32
      %scatter3A_963 = tpu.memref_slice %arg7[%scatter3A_961, %scatter3A_962] : memref<2x4096xf32, #tpu.memory_space<vmem>> -> memref<1x4096xf32, #tpu.memory_space<vmem>>
      %scatter3A_964 = tpu.memref_squeeze %scatter3A_963 : memref<1x4096xf32, #tpu.memory_space<vmem>> -> memref<4096xf32, #tpu.memory_space<vmem>>
      tpu.vector_store_idx %scatter3A_964[%add3A_960], %get3A_958 : memref<4096xf32, #tpu.memory_space<vmem>>[vector<16xi32>], vector<16xf32>,
      %get3A_965 = arith.constant 0 : i32
      %get3A_966 = arith.index_cast %get3A_965 : i32 to index
      %get3A_967 = arith.index_cast %add3A_953 : i32 to index
      %get3A_968 = arith.constant 16 : index
      %get3A_969 = tpu.vector_load %arg6[%get3A_966, %get3A_967, %get3A_968] {strides = array<i32>} : memref<2x128x32xf32, #tpu.memory_space<vmem>>, vector<16xf32>,
      %add3A_970 = vector.broadcast %add3A_953 : i32 to vector<16xi32>
      %add3A_971 = arith.addi %add3A_16, %add3A_970 : vector<16xi32>
      %scatter3A_972 = arith.constant 0 : i32
      %scatter3A_973 = arith.constant 0 : i32
      %scatter3A_974 = tpu.memref_slice %arg7[%scatter3A_972, %scatter3A_973] : memref<2x4096xf32, #tpu.memory_space<vmem>> -> memref<1x4096xf32, #tpu.memory_space<vmem>>
      %scatter3A_975 = tpu.memref_squeeze %scatter3A_974 : memref<1x4096xf32, #tpu.memory_space<vmem>> -> memref<4096xf32, #tpu.memory_space<vmem>>
      tpu.vector_store_idx %scatter3A_975[%add3A_971], %get3A_969 : memref<4096xf32, #tpu.memory_space<vmem>>[vector<16xi32>], vector<16xf32>,
      %scan3A_976 = arith.constant 6 : i32
      %scan3A_977 = arith.addi %scan3A_811, %scan3A_976 : i32
      %mul3A_978 = arith.constant 1 : i32
      %mul3A_979 = arith.muli %scan3A_977, %mul3A_978 : i32
      %add3A_980 = arith.constant 0 : i32
      %add3A_981 = arith.addi %add3A_980, %mul3A_979 : i32
      %get3A_982 = arith.constant 0 : i32
      %get3A_983 = arith.index_cast %get3A_982 : i32 to index
      %get3A_984 = arith.index_cast %add3A_981 : i32 to index
      %get3A_985 = arith.constant 0 : index
      %get3A_986 = tpu.vector_load %arg6[%get3A_983, %get3A_984, %get3A_985] {strides = array<i32>} : memref<2x128x32xf32, #tpu.memory_space<vmem>>, vector<16xf32>,
      %add3A_987 = vector.broadcast %add3A_981 : i32 to vector<16xi32>
      %add3A_988 = arith.addi %add3A_13, %add3A_987 : vector<16xi32>
      %scatter3A_989 = arith.constant 0 : i32
      %scatter3A_990 = arith.constant 0 : i32
      %scatter3A_991 = tpu.memref_slice %arg7[%scatter3A_989, %scatter3A_990] : memref<2x4096xf32, #tpu.memory_space<vmem>> -> memref<1x4096xf32, #tpu.memory_space<vmem>>
      %scatter3A_992 = tpu.memref_squeeze %scatter3A_991 : memref<1x4096xf32, #tpu.memory_space<vmem>> -> memref<4096xf32, #tpu.memory_space<vmem>>
      tpu.vector_store_idx %scatter3A_992[%add3A_988], %get3A_986 : memref<4096xf32, #tpu.memory_space<vmem>>[vector<16xi32>], vector<16xf32>,
      %get3A_993 = arith.constant 0 : i32
      %get3A_994 = arith.index_cast %get3A_993 : i32 to index
      %get3A_995 = arith.index_cast %add3A_981 : i32 to index
      %get3A_996 = arith.constant 16 : index
      %get3A_997 = tpu.vector_load %arg6[%get3A_994, %get3A_995, %get3A_996] {strides = array<i32>} : memref<2x128x32xf32, #tpu.memory_space<vmem>>, vector<16xf32>,
      %add3A_998 = vector.broadcast %add3A_981 : i32 to vector<16xi32>
      %add3A_999 = arith.addi %add3A_16, %add3A_998 : vector<16xi32>
      %scatter3A_1000 = arith.constant 0 : i32
      %scatter3A_1001 = arith.constant 0 : i32
      %scatter3A_1002 = tpu.memref_slice %arg7[%scatter3A_1000, %scatter3A_1001] : memref<2x4096xf32, #tpu.memory_space<vmem>> -> memref<1x4096xf32, #tpu.memory_space<vmem>>
      %scatter3A_1003 = tpu.memref_squeeze %scatter3A_1002 : memref<1x4096xf32, #tpu.memory_space<vmem>> -> memref<4096xf32, #tpu.memory_space<vmem>>
      tpu.vector_store_idx %scatter3A_1003[%add3A_999], %get3A_997 : memref<4096xf32, #tpu.memory_space<vmem>>[vector<16xi32>], vector<16xf32>,
      %scan3A_1004 = arith.constant 7 : i32
      %scan3A_1005 = arith.addi %scan3A_811, %scan3A_1004 : i32
      %mul3A_1006 = arith.constant 1 : i32
      %mul3A_1007 = arith.muli %scan3A_1005, %mul3A_1006 : i32
      %add3A_1008 = arith.constant 0 : i32
      %add3A_1009 = arith.addi %add3A_1008, %mul3A_1007 : i32
      %get3A_1010 = arith.constant 0 : i32
      %get3A_1011 = arith.index_cast %get3A_1010 : i32 to index
      %get3A_1012 = arith.index_cast %add3A_1009 : i32 to index
      %get3A_1013 = arith.constant 0 : index
      %get3A_1014 = tpu.vector_load %arg6[%get3A_1011, %get3A_1012, %get3A_1013] {strides = array<i32>} : memref<2x128x32xf32, #tpu.memory_space<vmem>>, vector<16xf32>,
      %add3A_1015 = vector.broadcast %add3A_1009 : i32 to vector<16xi32>
      %add3A_1016 = arith.addi %add3A_13, %add3A_1015 : vector<16xi32>
      %scatter3A_1017 = arith.constant 0 : i32
      %scatter3A_1018 = arith.constant 0 : i32
      %scatter3A_1019 = tpu.memref_slice %arg7[%scatter3A_1017, %scatter3A_1018] : memref<2x4096xf32, #tpu.memory_space<vmem>> -> memref<1x4096xf32, #tpu.memory_space<vmem>>
      %scatter3A_1020 = tpu.memref_squeeze %scatter3A_1019 : memref<1x4096xf32, #tpu.memory_space<vmem>> -> memref<4096xf32, #tpu.memory_space<vmem>>
      tpu.vector_store_idx %scatter3A_1020[%add3A_1016], %get3A_1014 : memref<4096xf32, #tpu.memory_space<vmem>>[vector<16xi32>], vector<16xf32>,
      %get3A_1021 = arith.constant 0 : i32
      %get3A_1022 = arith.index_cast %get3A_1021 : i32 to index
      %get3A_1023 = arith.index_cast %add3A_1009 : i32 to index
      %get3A_1024 = arith.constant 16 : index
      %get3A_1025 = tpu.vector_load %arg6[%get3A_1022, %get3A_1023, %get3A_1024] {strides = array<i32>} : memref<2x128x32xf32, #tpu.memory_space<vmem>>, vector<16xf32>,
      %add3A_1026 = vector.broadcast %add3A_1009 : i32 to vector<16xi32>
      %add3A_1027 = arith.addi %add3A_16, %add3A_1026 : vector<16xi32>
      %scatter3A_1028 = arith.constant 0 : i32
      %scatter3A_1029 = arith.constant 0 : i32
      %scatter3A_1030 = tpu.memref_slice %arg7[%scatter3A_1028, %scatter3A_1029] : memref<2x4096xf32, #tpu.memory_space<vmem>> -> memref<1x4096xf32, #tpu.memory_space<vmem>>
      %scatter3A_1031 = tpu.memref_squeeze %scatter3A_1030 : memref<1x4096xf32, #tpu.memory_space<vmem>> -> memref<4096xf32, #tpu.memory_space<vmem>>
      tpu.vector_store_idx %scatter3A_1031[%add3A_1027], %get3A_1025 : memref<4096xf32, #tpu.memory_space<vmem>>[vector<16xi32>], vector<16xf32>,
    }
    %scan3A_387 = arith.constant 128 : i32
    %mul3A_388 = arith.constant 8 : i32
    %mul3A_389 = arith.muli %add3A, %mul3A_388 : i32
    %mul3A_390 = arith.constant 128 : i32
    %mul3A_391 = arith.muli %mul3A_389, %mul3A_390 : i32
    %dma_start3A_392 = arith.constant 0 : i32
    %dma_start3A_393 = arith.constant 48 : i32
    %dma_start3A_394 = arith.constant 0 : i32
    %dma_start3A_395 = arith.constant 0 : i32
    %dma_start3A_396 = arith.constant 0 : i32
    %dma_start3A_397 = tpu.memref_slice %arg7[%dma_start3A_392, %dma_start3A_396] : memref<2x4096xf32, #tpu.memory_space<vmem>> -> memref<1x1024xf32, #tpu.memory_space<vmem>>
    %dma_start3A_398 = tpu.memref_squeeze %dma_start3A_397 : memref<1x1024xf32, #tpu.memory_space<vmem>> -> memref<1024xf32, #tpu.memory_space<vmem>>
    %dma_start3A_399 = tpu.memref_slice %arg4[%dma_start3A_393, %dma_start3A_394, %mul3A_391] : memref<50x4x32768xf32, #tpu.memory_space<hbm>> -> memref<1x1x1024xf32, #tpu.memory_space<hbm>>
    %dma_start3A_400 = tpu.memref_squeeze %dma_start3A_399 : memref<1x1x1024xf32, #tpu.memory_space<hbm>> -> memref<1024xf32, #tpu.memory_space<hbm>>
    %dma_start3A_401 = tpu.memref_slice %arg9[%dma_start3A_395] : memref<2x!tpu.dma_semaphore, #tpu.memory_space<semaphore_mem>> -> memref<1x!tpu.dma_semaphore, #tpu.memory_space<semaphore_mem>>
    %dma_start3A_402 = tpu.memref_squeeze %dma_start3A_401 : memref<1x!tpu.dma_semaphore, #tpu.memory_space<semaphore_mem>> -> memref<!tpu.dma_semaphore, #tpu.memory_space<semaphore_mem>>
    %dma_start3A_403 = tpu.memref_slice %arg4[%dma_start3A_393, %dma_start3A_394, %mul3A_391] : memref<50x4x32768xf32, #tpu.memory_space<hbm>> -> memref<1x1x1024xf32, #tpu.memory_space<hbm>>
    %dma_start3A_404 = tpu.memref_squeeze %dma_start3A_403 : memref<1x1x1024xf32, #tpu.memory_space<hbm>> -> memref<1024xf32, #tpu.memory_space<hbm>>
    %dma_start3A_405 = arith.constant 0 : i32
    %dma_start3A_406 = tpu.memref_slice %arg7[%dma_start3A_392, %dma_start3A_405] : memref<2x4096xf32, #tpu.memory_space<vmem>> -> memref<1x1024xf32, #tpu.memory_space<vmem>>
    %dma_start3A_407 = tpu.memref_squeeze %dma_start3A_406 : memref<1x1024xf32, #tpu.memory_space<vmem>> -> memref<1024xf32, #tpu.memory_space<vmem>>
    tpu.enqueue_dma source(%dma_start3A_407 : memref<1024xf32, #tpu.memory_space<vmem>>) target(%dma_start3A_404 : memref<1024xf32, #tpu.memory_space<hbm>>) target_semaphore(%dma_start3A_402 : memref<!tpu.dma_semaphore, #tpu.memory_space<semaphore_mem>>)
    %mul3A_408 = arith.constant 8 : i32
    %mul3A_409 = arith.muli %add3A, %mul3A_408 : i32
    %mul3A_410 = arith.constant 128 : i32
    %mul3A_411 = arith.muli %mul3A_409, %mul3A_410 : i32
    %dma_start3A_412 = arith.constant 0 : i32
    %dma_start3A_413 = arith.constant 48 : i32
    %dma_start3A_414 = arith.constant 1 : i32
    %dma_start3A_415 = arith.constant 0 : i32
    %dma_start3A_416 = arith.constant 1024 : i32
    %dma_start3A_417 = tpu.memref_slice %arg7[%dma_start3A_412, %dma_start3A_416] : memref<2x4096xf32, #tpu.memory_space<vmem>> -> memref<1x1024xf32, #tpu.memory_space<vmem>>
    %dma_start3A_418 = tpu.memref_squeeze %dma_start3A_417 : memref<1x1024xf32, #tpu.memory_space<vmem>> -> memref<1024xf32, #tpu.memory_space<vmem>>
    %dma_start3A_419 = tpu.memref_slice %arg4[%dma_start3A_413, %dma_start3A_414, %mul3A_411] : memref<50x4x32768xf32, #tpu.memory_space<hbm>> -> memref<1x1x1024xf32, #tpu.memory_space<hbm>>
    %dma_start3A_420 = tpu.memref_squeeze %dma_start3A_419 : memref<1x1x1024xf32, #tpu.memory_space<hbm>> -> memref<1024xf32, #tpu.memory_space<hbm>>
    %dma_start3A_421 = tpu.memref_slice %arg9[%dma_start3A_415] : memref<2x!tpu.dma_semaphore, #tpu.memory_space<semaphore_mem>> -> memref<1x!tpu.dma_semaphore, #tpu.memory_space<semaphore_mem>>
    %dma_start3A_422 = tpu.memref_squeeze %dma_start3A_421 : memref<1x!tpu.dma_semaphore, #tpu.memory_space<semaphore_mem>> -> memref<!tpu.dma_semaphore, #tpu.memory_space<semaphore_mem>>
    %dma_start3A_423 = tpu.memref_slice %arg4[%dma_start3A_413, %dma_start3A_414, %mul3A_411] : memref<50x4x32768xf32, #tpu.memory_space<hbm>> -> memref<1x1x1024xf32, #tpu.memory_space<hbm>>
    %dma_start3A_424 = tpu.memref_squeeze %dma_start3A_423 : memref<1x1x1024xf32, #tpu.memory_space<hbm>> -> memref<1024xf32, #tpu.memory_space<hbm>>
    %dma_start3A_425 = arith.constant 1024 : i32
    %dma_start3A_426 = tpu.memref_slice %arg7[%dma_start3A_412, %dma_start3A_425] : memref<2x4096xf32, #tpu.memory_space<vmem>> -> memref<1x1024xf32, #tpu.memory_space<vmem>>
    %dma_start3A_427 = tpu.memref_squeeze %dma_start3A_426 : memref<1x1024xf32, #tpu.memory_space<vmem>> -> memref<1024xf32, #tpu.memory_space<vmem>>
    tpu.enqueue_dma source(%dma_start3A_427 : memref<1024xf32, #tpu.memory_space<vmem>>) target(%dma_start3A_424 : memref<1024xf32, #tpu.memory_space<hbm>>) target_semaphore(%dma_start3A_422 : memref<!tpu.dma_semaphore, #tpu.memory_space<semaphore_mem>>)
    %mul3A_428 = arith.constant 8 : i32
    %mul3A_429 = arith.muli %add3A, %mul3A_428 : i32
    %mul3A_430 = arith.constant 128 : i32
    %mul3A_431 = arith.muli %mul3A_429, %mul3A_430 : i32
    %dma_start3A_432 = arith.constant 0 : i32
    %dma_start3A_433 = arith.constant 48 : i32
    %dma_start3A_434 = arith.constant 2 : i32
    %dma_start3A_435 = arith.constant 0 : i32
    %dma_start3A_436 = arith.constant 2048 : i32
    %dma_start3A_437 = tpu.memref_slice %arg7[%dma_start3A_432, %dma_start3A_436] : memref<2x4096xf32, #tpu.memory_space<vmem>> -> memref<1x1024xf32, #tpu.memory_space<vmem>>
    %dma_start3A_438 = tpu.memref_squeeze %dma_start3A_437 : memref<1x1024xf32, #tpu.memory_space<vmem>> -> memref<1024xf32, #tpu.memory_space<vmem>>
    %dma_start3A_439 = tpu.memref_slice %arg4[%dma_start3A_433, %dma_start3A_434, %mul3A_431] : memref<50x4x32768xf32, #tpu.memory_space<hbm>> -> memref<1x1x1024xf32, #tpu.memory_space<hbm>>
    %dma_start3A_440 = tpu.memref_squeeze %dma_start3A_439 : memref<1x1x1024xf32, #tpu.memory_space<hbm>> -> memref<1024xf32, #tpu.memory_space<hbm>>
    %dma_start3A_441 = tpu.memref_slice %arg9[%dma_start3A_435] : memref<2x!tpu.dma_semaphore, #tpu.memory_space<semaphore_mem>> -> memref<1x!tpu.dma_semaphore, #tpu.memory_space<semaphore_mem>>
    %dma_start3A_442 = tpu.memref_squeeze %dma_start3A_441 : memref<1x!tpu.dma_semaphore, #tpu.memory_space<semaphore_mem>> -> memref<!tpu.dma_semaphore, #tpu.memory_space<semaphore_mem>>
    %dma_start3A_443 = tpu.memref_slice %arg4[%dma_start3A_433, %dma_start3A_434, %mul3A_431] : memref<50x4x32768xf32, #tpu.memory_space<hbm>> -> memref<1x1x1024xf32, #tpu.memory_space<hbm>>
    %dma_start3A_444 = tpu.memref_squeeze %dma_start3A_443 : memref<1x1x1024xf32, #tpu.memory_space<hbm>> -> memref<1024xf32, #tpu.memory_space<hbm>>
    %dma_start3A_445 = arith.constant 2048 : i32
    %dma_start3A_446 = tpu.memref_slice %arg7[%dma_start3A_432, %dma_start3A_445] : memref<2x4096xf32, #tpu.memory_space<vmem>> -> memref<1x1024xf32, #tpu.memory_space<vmem>>
    %dma_start3A_447 = tpu.memref_squeeze %dma_start3A_446 : memref<1x1024xf32, #tpu.memory_space<vmem>> -> memref<1024xf32, #tpu.memory_space<vmem>>
    tpu.enqueue_dma source(%dma_start3A_447 : memref<1024xf32, #tpu.memory_space<vmem>>) target(%dma_start3A_444 : memref<1024xf32, #tpu.memory_space<hbm>>) target_semaphore(%dma_start3A_442 : memref<!tpu.dma_semaphore, #tpu.memory_space<semaphore_mem>>)
    %mul3A_448 = arith.constant 8 : i32
    %mul3A_449 = arith.muli %add3A, %mul3A_448 : i32
    %mul3A_450 = arith.constant 128 : i32
    %mul3A_451 = arith.muli %mul3A_449, %mul3A_450 : i32
    %dma_start3A_452 = arith.constant 0 : i32
    %dma_start3A_453 = arith.constant 48 : i32
    %dma_start3A_454 = arith.constant 3 : i32
    %dma_start3A_455 = arith.constant 0 : i32
    %dma_start3A_456 = arith.constant 3072 : i32
    %dma_start3A_457 = tpu.memref_slice %arg7[%dma_start3A_452, %dma_start3A_456] : memref<2x4096xf32, #tpu.memory_space<vmem>> -> memref<1x1024xf32, #tpu.memory_space<vmem>>
    %dma_start3A_458 = tpu.memref_squeeze %dma_start3A_457 : memref<1x1024xf32, #tpu.memory_space<vmem>> -> memref<1024xf32, #tpu.memory_space<vmem>>
    %dma_start3A_459 = tpu.memref_slice %arg4[%dma_start3A_453, %dma_start3A_454, %mul3A_451] : memref<50x4x32768xf32, #tpu.memory_space<hbm>> -> memref<1x1x1024xf32, #tpu.memory_space<hbm>>
    %dma_start3A_460 = tpu.memref_squeeze %dma_start3A_459 : memref<1x1x1024xf32, #tpu.memory_space<hbm>> -> memref<1024xf32, #tpu.memory_space<hbm>>
    %dma_start3A_461 = tpu.memref_slice %arg9[%dma_start3A_455] : memref<2x!tpu.dma_semaphore, #tpu.memory_space<semaphore_mem>> -> memref<1x!tpu.dma_semaphore, #tpu.memory_space<semaphore_mem>>
    %dma_start3A_462 = tpu.memref_squeeze %dma_start3A_461 : memref<1x!tpu.dma_semaphore, #tpu.memory_space<semaphore_mem>> -> memref<!tpu.dma_semaphore, #tpu.memory_space<semaphore_mem>>
    %dma_start3A_463 = tpu.memref_slice %arg4[%dma_start3A_453, %dma_start3A_454, %mul3A_451] : memref<50x4x32768xf32, #tpu.memory_space<hbm>> -> memref<1x1x1024xf32, #tpu.memory_space<hbm>>
    %dma_start3A_464 = tpu.memref_squeeze %dma_start3A_463 : memref<1x1x1024xf32, #tpu.memory_space<hbm>> -> memref<1024xf32, #tpu.memory_space<hbm>>
    %dma_start3A_465 = arith.constant 3072 : i32
    %dma_start3A_466 = tpu.memref_slice %arg7[%dma_start3A_452, %dma_start3A_465] : memref<2x4096xf32, #tpu.memory_space<vmem>> -> memref<1x1024xf32, #tpu.memory_space<vmem>>
    %dma_start3A_467 = tpu.memref_squeeze %dma_start3A_466 : memref<1x1024xf32, #tpu.memory_space<vmem>> -> memref<1024xf32, #tpu.memory_space<vmem>>
    tpu.enqueue_dma source(%dma_start3A_467 : memref<1024xf32, #tpu.memory_space<vmem>>) target(%dma_start3A_464 : memref<1024xf32, #tpu.memory_space<hbm>>) target_semaphore(%dma_start3A_462 : memref<!tpu.dma_semaphore, #tpu.memory_space<semaphore_mem>>)
    %dma_wait3A_468 = arith.constant 1 : i32
    %dma_wait3A_469 = arith.constant 1 : i32
    %dma_wait3A_470 = arith.constant 0 : i32
    %dma_wait3A_471 = arith.constant 0 : i32
    %dma_wait3A_472 = tpu.memref_slice %arg6[%dma_wait3A_468, %dma_wait3A_470, %dma_wait3A_471] : memref<2x128x32xf32, #tpu.memory_space<vmem>> -> memref<1x128x32xf32, #tpu.memory_space<vmem>>
    %dma_wait3A_473 = tpu.memref_squeeze %dma_wait3A_472 : memref<1x128x32xf32, #tpu.memory_space<vmem>> -> memref<128x32xf32, #tpu.memory_space<vmem>>
    %dma_wait3A_474 = arith.constant 0 : i32
    %dma_wait3A_475 = arith.constant 0 : i32
    %dma_wait3A_476 = tpu.memref_slice %arg3[%dma_wait3A_474, %dma_wait3A_475] : memref<100000x32xf32, #tpu.memory_space<hbm>> -> memref<128x32xf32, #tpu.memory_space<hbm>>
    %dma_wait3A_477 = tpu.memref_slice %arg8[%dma_wait3A_469] : memref<2x!tpu.dma_semaphore, #tpu.memory_space<semaphore_mem>> -> memref<1x!tpu.dma_semaphore, #tpu.memory_space<semaphore_mem>>
    %dma_wait3A_478 = tpu.memref_squeeze %dma_wait3A_477 : memref<1x!tpu.dma_semaphore, #tpu.memory_space<semaphore_mem>> -> memref<!tpu.dma_semaphore, #tpu.memory_space<semaphore_mem>>
    %dma_wait3A_479 = arith.constant 0 : i32
    %dma_wait3A_480 = arith.constant 0 : i32
    %dma_wait3A_481 = tpu.memref_slice %arg6[%dma_wait3A_468, %dma_wait3A_479, %dma_wait3A_480] : memref<2x128x32xf32, #tpu.memory_space<vmem>> -> memref<1x128x32xf32, #tpu.memory_space<vmem>>
    %dma_wait3A_482 = tpu.memref_squeeze %dma_wait3A_481 : memref<1x128x32xf32, #tpu.memory_space<vmem>> -> memref<128x32xf32, #tpu.memory_space<vmem>>
    %dma_wait3A_483 = arith.constant 0 : i32
    %dma_wait3A_484 = arith.constant 0 : i32
    %dma_wait3A_485 = tpu.memref_slice %arg3[%dma_wait3A_483, %dma_wait3A_484] : memref<100000x32xf32, #tpu.memory_space<hbm>> -> memref<128x32xf32, #tpu.memory_space<hbm>>
    tpu.wait_dma2 semaphore(%dma_wait3A_478 : memref<!tpu.dma_semaphore, #tpu.memory_space<semaphore_mem>>) src(%dma_wait3A_485 : memref<128x32xf32, #tpu.memory_space<hbm>>) dst(%dma_wait3A_482 : memref<128x32xf32, #tpu.memory_space<vmem>>)
    %mul3A_486 = arith.constant 8 : i32
    %mul3A_487 = arith.muli %add3A, %mul3A_486 : i32
    %mul3A_488 = arith.constant 128 : i32
    %mul3A_489 = arith.muli %mul3A_487, %mul3A_488 : i32
    %dma_wait3A_490 = arith.constant 1 : i32
    %dma_wait3A_491 = arith.constant 47 : i32
    %dma_wait3A_492 = arith.constant 0 : i32
    %dma_wait3A_493 = arith.constant 1 : i32
    %dma_wait3A_494 = arith.constant 0 : i32
    %dma_wait3A_495 = tpu.memref_slice %arg7[%dma_wait3A_490, %dma_wait3A_494] : memref<2x4096xf32, #tpu.memory_space<vmem>> -> memref<1x1024xf32, #tpu.memory_space<vmem>>
    %dma_wait3A_496 = tpu.memref_squeeze %dma_wait3A_495 : memref<1x1024xf32, #tpu.memory_space<vmem>> -> memref<1024xf32, #tpu.memory_space<vmem>>
    %dma_wait3A_497 = tpu.memref_slice %arg4[%dma_wait3A_491, %dma_wait3A_492, %mul3A_489] : memref<50x4x32768xf32, #tpu.memory_space<hbm>> -> memref<1x1x1024xf32, #tpu.memory_space<hbm>>
    %dma_wait3A_498 = tpu.memref_squeeze %dma_wait3A_497 : memref<1x1x1024xf32, #tpu.memory_space<hbm>> -> memref<1024xf32, #tpu.memory_space<hbm>>
    %dma_wait3A_499 = tpu.memref_slice %arg9[%dma_wait3A_493] : memref<2x!tpu.dma_semaphore, #tpu.memory_space<semaphore_mem>> -> memref<1x!tpu.dma_semaphore, #tpu.memory_space<semaphore_mem>>
    %dma_wait3A_500 = tpu.memref_squeeze %dma_wait3A_499 : memref<1x!tpu.dma_semaphore, #tpu.memory_space<semaphore_mem>> -> memref<!tpu.dma_semaphore, #tpu.memory_space<semaphore_mem>>
    %dma_wait3A_501 = tpu.memref_slice %arg4[%dma_wait3A_491, %dma_wait3A_492, %mul3A_489] : memref<50x4x32768xf32, #tpu.memory_space<hbm>> -> memref<1x1x1024xf32, #tpu.memory_space<hbm>>
    %dma_wait3A_502 = tpu.memref_squeeze %dma_wait3A_501 : memref<1x1x1024xf32, #tpu.memory_space<hbm>> -> memref<1024xf32, #tpu.memory_space<hbm>>
    %dma_wait3A_503 = arith.constant 0 : i32
    %dma_wait3A_504 = tpu.memref_slice %arg7[%dma_wait3A_490, %dma_wait3A_503] : memref<2x4096xf32, #tpu.memory_space<vmem>> -> memref<1x1024xf32, #tpu.memory_space<vmem>>
    %dma_wait3A_505 = tpu.memref_squeeze %dma_wait3A_504 : memref<1x1024xf32, #tpu.memory_space<vmem>> -> memref<1024xf32, #tpu.memory_space<vmem>>
    tpu.wait_dma2 semaphore(%dma_wait3A_500 : memref<!tpu.dma_semaphore, #tpu.memory_space<semaphore_mem>>) src(%dma_wait3A_505 : memref<1024xf32, #tpu.memory_space<vmem>>) dst(%dma_wait3A_502 : memref<1024xf32, #tpu.memory_space<hbm>>)
    %mul3A_506 = arith.constant 8 : i32
    %mul3A_507 = arith.muli %add3A, %mul3A_506 : i32
    %mul3A_508 = arith.constant 128 : i32
    %mul3A_509 = arith.muli %mul3A_507, %mul3A_508 : i32
    %dma_wait3A_510 = arith.constant 1 : i32
    %dma_wait3A_511 = arith.constant 47 : i32
    %dma_wait3A_512 = arith.constant 1 : i32
    %dma_wait3A_513 = arith.constant 1 : i32
    %dma_wait3A_514 = arith.constant 1024 : i32
    %dma_wait3A_515 = tpu.memref_slice %arg7[%dma_wait3A_510, %dma_wait3A_514] : memref<2x4096xf32, #tpu.memory_space<vmem>> -> memref<1x1024xf32, #tpu.memory_space<vmem>>
    %dma_wait3A_516 = tpu.memref_squeeze %dma_wait3A_515 : memref<1x1024xf32, #tpu.memory_space<vmem>> -> memref<1024xf32, #tpu.memory_space<vmem>>
    %dma_wait3A_517 = tpu.memref_slice %arg4[%dma_wait3A_511, %dma_wait3A_512, %mul3A_509] : memref<50x4x32768xf32, #tpu.memory_space<hbm>> -> memref<1x1x1024xf32, #tpu.memory_space<hbm>>
    %dma_wait3A_518 = tpu.memref_squeeze %dma_wait3A_517 : memref<1x1x1024xf32, #tpu.memory_space<hbm>> -> memref<1024xf32, #tpu.memory_space<hbm>>
    %dma_wait3A_519 = tpu.memref_slice %arg9[%dma_wait3A_513] : memref<2x!tpu.dma_semaphore, #tpu.memory_space<semaphore_mem>> -> memref<1x!tpu.dma_semaphore, #tpu.memory_space<semaphore_mem>>
    %dma_wait3A_520 = tpu.memref_squeeze %dma_wait3A_519 : memref<1x!tpu.dma_semaphore, #tpu.memory_space<semaphore_mem>> -> memref<!tpu.dma_semaphore, #tpu.memory_space<semaphore_mem>>
    %dma_wait3A_521 = tpu.memref_slice %arg4[%dma_wait3A_511, %dma_wait3A_512, %mul3A_509] : memref<50x4x32768xf32, #tpu.memory_space<hbm>> -> memref<1x1x1024xf32, #tpu.memory_space<hbm>>
    %dma_wait3A_522 = tpu.memref_squeeze %dma_wait3A_521 : memref<1x1x1024xf32, #tpu.memory_space<hbm>> -> memref<1024xf32, #tpu.memory_space<hbm>>
    %dma_wait3A_523 = arith.constant 1024 : i32
    %dma_wait3A_524 = tpu.memref_slice %arg7[%dma_wait3A_510, %dma_wait3A_523] : memref<2x4096xf32, #tpu.memory_space<vmem>> -> memref<1x1024xf32, #tpu.memory_space<vmem>>
    %dma_wait3A_525 = tpu.memref_squeeze %dma_wait3A_524 : memref<1x1024xf32, #tpu.memory_space<vmem>> -> memref<1024xf32, #tpu.memory_space<vmem>>
    tpu.wait_dma2 semaphore(%dma_wait3A_520 : memref<!tpu.dma_semaphore, #tpu.memory_space<semaphore_mem>>) src(%dma_wait3A_525 : memref<1024xf32, #tpu.memory_space<vmem>>) dst(%dma_wait3A_522 : memref<1024xf32, #tpu.memory_space<hbm>>)
    %mul3A_526 = arith.constant 8 : i32
    %mul3A_527 = arith.muli %add3A, %mul3A_526 : i32
    %mul3A_528 = arith.constant 128 : i32
    %mul3A_529 = arith.muli %mul3A_527, %mul3A_528 : i32
    %dma_wait3A_530 = arith.constant 1 : i32
    %dma_wait3A_531 = arith.constant 47 : i32
    %dma_wait3A_532 = arith.constant 2 : i32
    %dma_wait3A_533 = arith.constant 1 : i32
    %dma_wait3A_534 = arith.constant 2048 : i32
    %dma_wait3A_535 = tpu.memref_slice %arg7[%dma_wait3A_530, %dma_wait3A_534] : memref<2x4096xf32, #tpu.memory_space<vmem>> -> memref<1x1024xf32, #tpu.memory_space<vmem>>
    %dma_wait3A_536 = tpu.memref_squeeze %dma_wait3A_535 : memref<1x1024xf32, #tpu.memory_space<vmem>> -> memref<1024xf32, #tpu.memory_space<vmem>>
    %dma_wait3A_537 = tpu.memref_slice %arg4[%dma_wait3A_531, %dma_wait3A_532, %mul3A_529] : memref<50x4x32768xf32, #tpu.memory_space<hbm>> -> memref<1x1x1024xf32, #tpu.memory_space<hbm>>
    %dma_wait3A_538 = tpu.memref_squeeze %dma_wait3A_537 : memref<1x1x1024xf32, #tpu.memory_space<hbm>> -> memref<1024xf32, #tpu.memory_space<hbm>>
    %dma_wait3A_539 = tpu.memref_slice %arg9[%dma_wait3A_533] : memref<2x!tpu.dma_semaphore, #tpu.memory_space<semaphore_mem>> -> memref<1x!tpu.dma_semaphore, #tpu.memory_space<semaphore_mem>>
    %dma_wait3A_540 = tpu.memref_squeeze %dma_wait3A_539 : memref<1x!tpu.dma_semaphore, #tpu.memory_space<semaphore_mem>> -> memref<!tpu.dma_semaphore, #tpu.memory_space<semaphore_mem>>
    %dma_wait3A_541 = tpu.memref_slice %arg4[%dma_wait3A_531, %dma_wait3A_532, %mul3A_529] : memref<50x4x32768xf32, #tpu.memory_space<hbm>> -> memref<1x1x1024xf32, #tpu.memory_space<hbm>>
    %dma_wait3A_542 = tpu.memref_squeeze %dma_wait3A_541 : memref<1x1x1024xf32, #tpu.memory_space<hbm>> -> memref<1024xf32, #tpu.memory_space<hbm>>
    %dma_wait3A_543 = arith.constant 2048 : i32
    %dma_wait3A_544 = tpu.memref_slice %arg7[%dma_wait3A_530, %dma_wait3A_543] : memref<2x4096xf32, #tpu.memory_space<vmem>> -> memref<1x1024xf32, #tpu.memory_space<vmem>>
    %dma_wait3A_545 = tpu.memref_squeeze %dma_wait3A_544 : memref<1x1024xf32, #tpu.memory_space<vmem>> -> memref<1024xf32, #tpu.memory_space<vmem>>
    tpu.wait_dma2 semaphore(%dma_wait3A_540 : memref<!tpu.dma_semaphore, #tpu.memory_space<semaphore_mem>>) src(%dma_wait3A_545 : memref<1024xf32, #tpu.memory_space<vmem>>) dst(%dma_wait3A_542 : memref<1024xf32, #tpu.memory_space<hbm>>)
    %mul3A_546 = arith.constant 8 : i32
    %mul3A_547 = arith.muli %add3A, %mul3A_546 : i32
    %mul3A_548 = arith.constant 128 : i32
    %mul3A_549 = arith.muli %mul3A_547, %mul3A_548 : i32
    %dma_wait3A_550 = arith.constant 1 : i32
    %dma_wait3A_551 = arith.constant 47 : i32
    %dma_wait3A_552 = arith.constant 3 : i32
    %dma_wait3A_553 = arith.constant 1 : i32
    %dma_wait3A_554 = arith.constant 3072 : i32
    %dma_wait3A_555 = tpu.memref_slice %arg7[%dma_wait3A_550, %dma_wait3A_554] : memref<2x4096xf32, #tpu.memory_space<vmem>> -> memref<1x1024xf32, #tpu.memory_space<vmem>>
    %dma_wait3A_556 = tpu.memref_squeeze %dma_wait3A_555 : memref<1x1024xf32, #tpu.memory_space<vmem>> -> memref<1024xf32, #tpu.memory_space<vmem>>
    %dma_wait3A_557 = tpu.memref_slice %arg4[%dma_wait3A_551, %dma_wait3A_552, %mul3A_549] : memref<50x4x32768xf32, #tpu.memory_space<hbm>> -> memref<1x1x1024xf32, #tpu.memory_space<hbm>>
    %dma_wait3A_558 = tpu.memref_squeeze %dma_wait3A_557 : memref<1x1x1024xf32, #tpu.memory_space<hbm>> -> memref<1024xf32, #tpu.memory_space<hbm>>
    %dma_wait3A_559 = tpu.memref_slice %arg9[%dma_wait3A_553] : memref<2x!tpu.dma_semaphore, #tpu.memory_space<semaphore_mem>> -> memref<1x!tpu.dma_semaphore, #tpu.memory_space<semaphore_mem>>
    %dma_wait3A_560 = tpu.memref_squeeze %dma_wait3A_559 : memref<1x!tpu.dma_semaphore, #tpu.memory_space<semaphore_mem>> -> memref<!tpu.dma_semaphore, #tpu.memory_space<semaphore_mem>>
    %dma_wait3A_561 = tpu.memref_slice %arg4[%dma_wait3A_551, %dma_wait3A_552, %mul3A_549] : memref<50x4x32768xf32, #tpu.memory_space<hbm>> -> memref<1x1x1024xf32, #tpu.memory_space<hbm>>
    %dma_wait3A_562 = tpu.memref_squeeze %dma_wait3A_561 : memref<1x1x1024xf32, #tpu.memory_space<hbm>> -> memref<1024xf32, #tpu.memory_space<hbm>>
    %dma_wait3A_563 = arith.constant 3072 : i32
    %dma_wait3A_564 = tpu.memref_slice %arg7[%dma_wait3A_550, %dma_wait3A_563] : memref<2x4096xf32, #tpu.memory_space<vmem>> -> memref<1x1024xf32, #tpu.memory_space<vmem>>
    %dma_wait3A_565 = tpu.memref_squeeze %dma_wait3A_564 : memref<1x1024xf32, #tpu.memory_space<vmem>> -> memref<1024xf32, #tpu.memory_space<vmem>>
    tpu.wait_dma2 semaphore(%dma_wait3A_560 : memref<!tpu.dma_semaphore, #tpu.memory_space<semaphore_mem>>) src(%dma_wait3A_565 : memref<1024xf32, #tpu.memory_space<vmem>>) dst(%dma_wait3A_562 : memref<1024xf32, #tpu.memory_space<hbm>>)
    %scan3A_566 = arith.constant 0 : i32
    %scan3A_567 = arith.constant 128 : i32
    %scan3A_568 = arith.addi %scan3A_566, %scan3A_567 : i32
    %scan3A_569 = arith.constant 8 : i32
    scf.for %scan3A_811 = %scan3A_566 to %scan3A_568 step %scan3A_569  : i32 {
      %mul3A_812 = arith.constant 1 : i32
      %mul3A_813 = arith.muli %scan3A_811, %mul3A_812 : i32
      %add3A_814 = arith.constant 0 : i32
      %add3A_815 = arith.addi %add3A_814, %mul3A_813 : i32
      %get3A = arith.constant 1 : i32
      %get3A_816 = arith.index_cast %get3A : i32 to index
      %get3A_817 = arith.index_cast %add3A_815 : i32 to index
      %get3A_818 = arith.constant 0 : index
      %get3A_819 = tpu.vector_load %arg6[%get3A_816, %get3A_817, %get3A_818] {strides = array<i32>} : memref<2x128x32xf32, #tpu.memory_space<vmem>>, vector<16xf32>,
      %add3A_820 = vector.broadcast %add3A_815 : i32 to vector<16xi32>
      %add3A_821 = arith.addi %add3A_13, %add3A_820 : vector<16xi32>
      %scatter3A = arith.constant 1 : i32
      %scatter3A_822 = arith.constant 0 : i32
      %scatter3A_823 = tpu.memref_slice %arg7[%scatter3A, %scatter3A_822] : memref<2x4096xf32, #tpu.memory_space<vmem>> -> memref<1x4096xf32, #tpu.memory_space<vmem>>
      %scatter3A_824 = tpu.memref_squeeze %scatter3A_823 : memref<1x4096xf32, #tpu.memory_space<vmem>> -> memref<4096xf32, #tpu.memory_space<vmem>>
      tpu.vector_store_idx %scatter3A_824[%add3A_821], %get3A_819 : memref<4096xf32, #tpu.memory_space<vmem>>[vector<16xi32>], vector<16xf32>,
      %get3A_825 = arith.constant 1 : i32
      %get3A_826 = arith.index_cast %get3A_825 : i32 to index
      %get3A_827 = arith.index_cast %add3A_815 : i32 to index
      %get3A_828 = arith.constant 16 : index
      %get3A_829 = tpu.vector_load %arg6[%get3A_826, %get3A_827, %get3A_828] {strides = array<i32>} : memref<2x128x32xf32, #tpu.memory_space<vmem>>, vector<16xf32>,
      %add3A_830 = vector.broadcast %add3A_815 : i32 to vector<16xi32>
      %add3A_831 = arith.addi %add3A_16, %add3A_830 : vector<16xi32>
      %scatter3A_832 = arith.constant 1 : i32
      %scatter3A_833 = arith.constant 0 : i32
      %scatter3A_834 = tpu.memref_slice %arg7[%scatter3A_832, %scatter3A_833] : memref<2x4096xf32, #tpu.memory_space<vmem>> -> memref<1x4096xf32, #tpu.memory_space<vmem>>
      %scatter3A_835 = tpu.memref_squeeze %scatter3A_834 : memref<1x4096xf32, #tpu.memory_space<vmem>> -> memref<4096xf32, #tpu.memory_space<vmem>>
      tpu.vector_store_idx %scatter3A_835[%add3A_831], %get3A_829 : memref<4096xf32, #tpu.memory_space<vmem>>[vector<16xi32>], vector<16xf32>,
      %scan3A_836 = arith.constant 1 : i32
      %scan3A_837 = arith.addi %scan3A_811, %scan3A_836 : i32
      %mul3A_838 = arith.constant 1 : i32
      %mul3A_839 = arith.muli %scan3A_837, %mul3A_838 : i32
      %add3A_840 = arith.constant 0 : i32
      %add3A_841 = arith.addi %add3A_840, %mul3A_839 : i32
      %get3A_842 = arith.constant 1 : i32
      %get3A_843 = arith.index_cast %get3A_842 : i32 to index
      %get3A_844 = arith.index_cast %add3A_841 : i32 to index
      %get3A_845 = arith.constant 0 : index
      %get3A_846 = tpu.vector_load %arg6[%get3A_843, %get3A_844, %get3A_845] {strides = array<i32>} : memref<2x128x32xf32, #tpu.memory_space<vmem>>, vector<16xf32>,
      %add3A_847 = vector.broadcast %add3A_841 : i32 to vector<16xi32>
      %add3A_848 = arith.addi %add3A_13, %add3A_847 : vector<16xi32>
      %scatter3A_849 = arith.constant 1 : i32
      %scatter3A_850 = arith.constant 0 : i32
      %scatter3A_851 = tpu.memref_slice %arg7[%scatter3A_849, %scatter3A_850] : memref<2x4096xf32, #tpu.memory_space<vmem>> -> memref<1x4096xf32, #tpu.memory_space<vmem>>
      %scatter3A_852 = tpu.memref_squeeze %scatter3A_851 : memref<1x4096xf32, #tpu.memory_space<vmem>> -> memref<4096xf32, #tpu.memory_space<vmem>>
      tpu.vector_store_idx %scatter3A_852[%add3A_848], %get3A_846 : memref<4096xf32, #tpu.memory_space<vmem>>[vector<16xi32>], vector<16xf32>,
      %get3A_853 = arith.constant 1 : i32
      %get3A_854 = arith.index_cast %get3A_853 : i32 to index
      %get3A_855 = arith.index_cast %add3A_841 : i32 to index
      %get3A_856 = arith.constant 16 : index
      %get3A_857 = tpu.vector_load %arg6[%get3A_854, %get3A_855, %get3A_856] {strides = array<i32>} : memref<2x128x32xf32, #tpu.memory_space<vmem>>, vector<16xf32>,
      %add3A_858 = vector.broadcast %add3A_841 : i32 to vector<16xi32>
      %add3A_859 = arith.addi %add3A_16, %add3A_858 : vector<16xi32>
      %scatter3A_860 = arith.constant 1 : i32
      %scatter3A_861 = arith.constant 0 : i32
      %scatter3A_862 = tpu.memref_slice %arg7[%scatter3A_860, %scatter3A_861] : memref<2x4096xf32, #tpu.memory_space<vmem>> -> memref<1x4096xf32, #tpu.memory_space<vmem>>
      %scatter3A_863 = tpu.memref_squeeze %scatter3A_862 : memref<1x4096xf32, #tpu.memory_space<vmem>> -> memref<4096xf32, #tpu.memory_space<vmem>>
      tpu.vector_store_idx %scatter3A_863[%add3A_859], %get3A_857 : memref<4096xf32, #tpu.memory_space<vmem>>[vector<16xi32>], vector<16xf32>,
      %scan3A_864 = arith.constant 2 : i32
      %scan3A_865 = arith.addi %scan3A_811, %scan3A_864 : i32
      %mul3A_866 = arith.constant 1 : i32
      %mul3A_867 = arith.muli %scan3A_865, %mul3A_866 : i32
      %add3A_868 = arith.constant 0 : i32
      %add3A_869 = arith.addi %add3A_868, %mul3A_867 : i32
      %get3A_870 = arith.constant 1 : i32
      %get3A_871 = arith.index_cast %get3A_870 : i32 to index
      %get3A_872 = arith.index_cast %add3A_869 : i32 to index
      %get3A_873 = arith.constant 0 : index
      %get3A_874 = tpu.vector_load %arg6[%get3A_871, %get3A_872, %get3A_873] {strides = array<i32>} : memref<2x128x32xf32, #tpu.memory_space<vmem>>, vector<16xf32>,
      %add3A_875 = vector.broadcast %add3A_869 : i32 to vector<16xi32>
      %add3A_876 = arith.addi %add3A_13, %add3A_875 : vector<16xi32>
      %scatter3A_877 = arith.constant 1 : i32
      %scatter3A_878 = arith.constant 0 : i32
      %scatter3A_879 = tpu.memref_slice %arg7[%scatter3A_877, %scatter3A_878] : memref<2x4096xf32, #tpu.memory_space<vmem>> -> memref<1x4096xf32, #tpu.memory_space<vmem>>
      %scatter3A_880 = tpu.memref_squeeze %scatter3A_879 : memref<1x4096xf32, #tpu.memory_space<vmem>> -> memref<4096xf32, #tpu.memory_space<vmem>>
      tpu.vector_store_idx %scatter3A_880[%add3A_876], %get3A_874 : memref<4096xf32, #tpu.memory_space<vmem>>[vector<16xi32>], vector<16xf32>,
      %get3A_881 = arith.constant 1 : i32
      %get3A_882 = arith.index_cast %get3A_881 : i32 to index
      %get3A_883 = arith.index_cast %add3A_869 : i32 to index
      %get3A_884 = arith.constant 16 : index
      %get3A_885 = tpu.vector_load %arg6[%get3A_882, %get3A_883, %get3A_884] {strides = array<i32>} : memref<2x128x32xf32, #tpu.memory_space<vmem>>, vector<16xf32>,
      %add3A_886 = vector.broadcast %add3A_869 : i32 to vector<16xi32>
      %add3A_887 = arith.addi %add3A_16, %add3A_886 : vector<16xi32>
      %scatter3A_888 = arith.constant 1 : i32
      %scatter3A_889 = arith.constant 0 : i32
      %scatter3A_890 = tpu.memref_slice %arg7[%scatter3A_888, %scatter3A_889] : memref<2x4096xf32, #tpu.memory_space<vmem>> -> memref<1x4096xf32, #tpu.memory_space<vmem>>
      %scatter3A_891 = tpu.memref_squeeze %scatter3A_890 : memref<1x4096xf32, #tpu.memory_space<vmem>> -> memref<4096xf32, #tpu.memory_space<vmem>>
      tpu.vector_store_idx %scatter3A_891[%add3A_887], %get3A_885 : memref<4096xf32, #tpu.memory_space<vmem>>[vector<16xi32>], vector<16xf32>,
      %scan3A_892 = arith.constant 3 : i32
      %scan3A_893 = arith.addi %scan3A_811, %scan3A_892 : i32
      %mul3A_894 = arith.constant 1 : i32
      %mul3A_895 = arith.muli %scan3A_893, %mul3A_894 : i32
      %add3A_896 = arith.constant 0 : i32
      %add3A_897 = arith.addi %add3A_896, %mul3A_895 : i32
      %get3A_898 = arith.constant 1 : i32
      %get3A_899 = arith.index_cast %get3A_898 : i32 to index
      %get3A_900 = arith.index_cast %add3A_897 : i32 to index
      %get3A_901 = arith.constant 0 : index
      %get3A_902 = tpu.vector_load %arg6[%get3A_899, %get3A_900, %get3A_901] {strides = array<i32>} : memref<2x128x32xf32, #tpu.memory_space<vmem>>, vector<16xf32>,
      %add3A_903 = vector.broadcast %add3A_897 : i32 to vector<16xi32>
      %add3A_904 = arith.addi %add3A_13, %add3A_903 : vector<16xi32>
      %scatter3A_905 = arith.constant 1 : i32
      %scatter3A_906 = arith.constant 0 : i32
      %scatter3A_907 = tpu.memref_slice %arg7[%scatter3A_905, %scatter3A_906] : memref<2x4096xf32, #tpu.memory_space<vmem>> -> memref<1x4096xf32, #tpu.memory_space<vmem>>
      %scatter3A_908 = tpu.memref_squeeze %scatter3A_907 : memref<1x4096xf32, #tpu.memory_space<vmem>> -> memref<4096xf32, #tpu.memory_space<vmem>>
      tpu.vector_store_idx %scatter3A_908[%add3A_904], %get3A_902 : memref<4096xf32, #tpu.memory_space<vmem>>[vector<16xi32>], vector<16xf32>,
      %get3A_909 = arith.constant 1 : i32
      %get3A_910 = arith.index_cast %get3A_909 : i32 to index
      %get3A_911 = arith.index_cast %add3A_897 : i32 to index
      %get3A_912 = arith.constant 16 : index
      %get3A_913 = tpu.vector_load %arg6[%get3A_910, %get3A_911, %get3A_912] {strides = array<i32>} : memref<2x128x32xf32, #tpu.memory_space<vmem>>, vector<16xf32>,
      %add3A_914 = vector.broadcast %add3A_897 : i32 to vector<16xi32>
      %add3A_915 = arith.addi %add3A_16, %add3A_914 : vector<16xi32>
      %scatter3A_916 = arith.constant 1 : i32
      %scatter3A_917 = arith.constant 0 : i32
      %scatter3A_918 = tpu.memref_slice %arg7[%scatter3A_916, %scatter3A_917] : memref<2x4096xf32, #tpu.memory_space<vmem>> -> memref<1x4096xf32, #tpu.memory_space<vmem>>
      %scatter3A_919 = tpu.memref_squeeze %scatter3A_918 : memref<1x4096xf32, #tpu.memory_space<vmem>> -> memref<4096xf32, #tpu.memory_space<vmem>>
      tpu.vector_store_idx %scatter3A_919[%add3A_915], %get3A_913 : memref<4096xf32, #tpu.memory_space<vmem>>[vector<16xi32>], vector<16xf32>,
      %scan3A_920 = arith.constant 4 : i32
      %scan3A_921 = arith.addi %scan3A_811, %scan3A_920 : i32
      %mul3A_922 = arith.constant 1 : i32
      %mul3A_923 = arith.muli %scan3A_921, %mul3A_922 : i32
      %add3A_924 = arith.constant 0 : i32
      %add3A_925 = arith.addi %add3A_924, %mul3A_923 : i32
      %get3A_926 = arith.constant 1 : i32
      %get3A_927 = arith.index_cast %get3A_926 : i32 to index
      %get3A_928 = arith.index_cast %add3A_925 : i32 to index
      %get3A_929 = arith.constant 0 : index
      %get3A_930 = tpu.vector_load %arg6[%get3A_927, %get3A_928, %get3A_929] {strides = array<i32>} : memref<2x128x32xf32, #tpu.memory_space<vmem>>, vector<16xf32>,
      %add3A_931 = vector.broadcast %add3A_925 : i32 to vector<16xi32>
      %add3A_932 = arith.addi %add3A_13, %add3A_931 : vector<16xi32>
      %scatter3A_933 = arith.constant 1 : i32
      %scatter3A_934 = arith.constant 0 : i32
      %scatter3A_935 = tpu.memref_slice %arg7[%scatter3A_933, %scatter3A_934] : memref<2x4096xf32, #tpu.memory_space<vmem>> -> memref<1x4096xf32, #tpu.memory_space<vmem>>
      %scatter3A_936 = tpu.memref_squeeze %scatter3A_935 : memref<1x4096xf32, #tpu.memory_space<vmem>> -> memref<4096xf32, #tpu.memory_space<vmem>>
      tpu.vector_store_idx %scatter3A_936[%add3A_932], %get3A_930 : memref<4096xf32, #tpu.memory_space<vmem>>[vector<16xi32>], vector<16xf32>,
      %get3A_937 = arith.constant 1 : i32
      %get3A_938 = arith.index_cast %get3A_937 : i32 to index
      %get3A_939 = arith.index_cast %add3A_925 : i32 to index
      %get3A_940 = arith.constant 16 : index
      %get3A_941 = tpu.vector_load %arg6[%get3A_938, %get3A_939, %get3A_940] {strides = array<i32>} : memref<2x128x32xf32, #tpu.memory_space<vmem>>, vector<16xf32>,
      %add3A_942 = vector.broadcast %add3A_925 : i32 to vector<16xi32>
      %add3A_943 = arith.addi %add3A_16, %add3A_942 : vector<16xi32>
      %scatter3A_944 = arith.constant 1 : i32
      %scatter3A_945 = arith.constant 0 : i32
      %scatter3A_946 = tpu.memref_slice %arg7[%scatter3A_944, %scatter3A_945] : memref<2x4096xf32, #tpu.memory_space<vmem>> -> memref<1x4096xf32, #tpu.memory_space<vmem>>
      %scatter3A_947 = tpu.memref_squeeze %scatter3A_946 : memref<1x4096xf32, #tpu.memory_space<vmem>> -> memref<4096xf32, #tpu.memory_space<vmem>>
      tpu.vector_store_idx %scatter3A_947[%add3A_943], %get3A_941 : memref<4096xf32, #tpu.memory_space<vmem>>[vector<16xi32>], vector<16xf32>,
      %scan3A_948 = arith.constant 5 : i32
      %scan3A_949 = arith.addi %scan3A_811, %scan3A_948 : i32
      %mul3A_950 = arith.constant 1 : i32
      %mul3A_951 = arith.muli %scan3A_949, %mul3A_950 : i32
      %add3A_952 = arith.constant 0 : i32
      %add3A_953 = arith.addi %add3A_952, %mul3A_951 : i32
      %get3A_954 = arith.constant 1 : i32
      %get3A_955 = arith.index_cast %get3A_954 : i32 to index
      %get3A_956 = arith.index_cast %add3A_953 : i32 to index
      %get3A_957 = arith.constant 0 : index
      %get3A_958 = tpu.vector_load %arg6[%get3A_955, %get3A_956, %get3A_957] {strides = array<i32>} : memref<2x128x32xf32, #tpu.memory_space<vmem>>, vector<16xf32>,
      %add3A_959 = vector.broadcast %add3A_953 : i32 to vector<16xi32>
      %add3A_960 = arith.addi %add3A_13, %add3A_959 : vector<16xi32>
      %scatter3A_961 = arith.constant 1 : i32
      %scatter3A_962 = arith.constant 0 : i32
      %scatter3A_963 = tpu.memref_slice %arg7[%scatter3A_961, %scatter3A_962] : memref<2x4096xf32, #tpu.memory_space<vmem>> -> memref<1x4096xf32, #tpu.memory_space<vmem>>
      %scatter3A_964 = tpu.memref_squeeze %scatter3A_963 : memref<1x4096xf32, #tpu.memory_space<vmem>> -> memref<4096xf32, #tpu.memory_space<vmem>>
      tpu.vector_store_idx %scatter3A_964[%add3A_960], %get3A_958 : memref<4096xf32, #tpu.memory_space<vmem>>[vector<16xi32>], vector<16xf32>,
      %get3A_965 = arith.constant 1 : i32
      %get3A_966 = arith.index_cast %get3A_965 : i32 to index
      %get3A_967 = arith.index_cast %add3A_953 : i32 to index
      %get3A_968 = arith.constant 16 : index
      %get3A_969 = tpu.vector_load %arg6[%get3A_966, %get3A_967, %get3A_968] {strides = array<i32>} : memref<2x128x32xf32, #tpu.memory_space<vmem>>, vector<16xf32>,
      %add3A_970 = vector.broadcast %add3A_953 : i32 to vector<16xi32>
      %add3A_971 = arith.addi %add3A_16, %add3A_970 : vector<16xi32>
      %scatter3A_972 = arith.constant 1 : i32
      %scatter3A_973 = arith.constant 0 : i32
      %scatter3A_974 = tpu.memref_slice %arg7[%scatter3A_972, %scatter3A_973] : memref<2x4096xf32, #tpu.memory_space<vmem>> -> memref<1x4096xf32, #tpu.memory_space<vmem>>
      %scatter3A_975 = tpu.memref_squeeze %scatter3A_974 : memref<1x4096xf32, #tpu.memory_space<vmem>> -> memref<4096xf32, #tpu.memory_space<vmem>>
      tpu.vector_store_idx %scatter3A_975[%add3A_971], %get3A_969 : memref<4096xf32, #tpu.memory_space<vmem>>[vector<16xi32>], vector<16xf32>,
      %scan3A_976 = arith.constant 6 : i32
      %scan3A_977 = arith.addi %scan3A_811, %scan3A_976 : i32
      %mul3A_978 = arith.constant 1 : i32
      %mul3A_979 = arith.muli %scan3A_977, %mul3A_978 : i32
      %add3A_980 = arith.constant 0 : i32
      %add3A_981 = arith.addi %add3A_980, %mul3A_979 : i32
      %get3A_982 = arith.constant 1 : i32
      %get3A_983 = arith.index_cast %get3A_982 : i32 to index
      %get3A_984 = arith.index_cast %add3A_981 : i32 to index
      %get3A_985 = arith.constant 0 : index
      %get3A_986 = tpu.vector_load %arg6[%get3A_983, %get3A_984, %get3A_985] {strides = array<i32>} : memref<2x128x32xf32, #tpu.memory_space<vmem>>, vector<16xf32>,
      %add3A_987 = vector.broadcast %add3A_981 : i32 to vector<16xi32>
      %add3A_988 = arith.addi %add3A_13, %add3A_987 : vector<16xi32>
      %scatter3A_989 = arith.constant 1 : i32
      %scatter3A_990 = arith.constant 0 : i32
      %scatter3A_991 = tpu.memref_slice %arg7[%scatter3A_989, %scatter3A_990] : memref<2x4096xf32, #tpu.memory_space<vmem>> -> memref<1x4096xf32, #tpu.memory_space<vmem>>
      %scatter3A_992 = tpu.memref_squeeze %scatter3A_991 : memref<1x4096xf32, #tpu.memory_space<vmem>> -> memref<4096xf32, #tpu.memory_space<vmem>>
      tpu.vector_store_idx %scatter3A_992[%add3A_988], %get3A_986 : memref<4096xf32, #tpu.memory_space<vmem>>[vector<16xi32>], vector<16xf32>,
      %get3A_993 = arith.constant 1 : i32
      %get3A_994 = arith.index_cast %get3A_993 : i32 to index
      %get3A_995 = arith.index_cast %add3A_981 : i32 to index
      %get3A_996 = arith.constant 16 : index
      %get3A_997 = tpu.vector_load %arg6[%get3A_994, %get3A_995, %get3A_996] {strides = array<i32>} : memref<2x128x32xf32, #tpu.memory_space<vmem>>, vector<16xf32>,
      %add3A_998 = vector.broadcast %add3A_981 : i32 to vector<16xi32>
      %add3A_999 = arith.addi %add3A_16, %add3A_998 : vector<16xi32>
      %scatter3A_1000 = arith.constant 1 : i32
      %scatter3A_1001 = arith.constant 0 : i32
      %scatter3A_1002 = tpu.memref_slice %arg7[%scatter3A_1000, %scatter3A_1001] : memref<2x4096xf32, #tpu.memory_space<vmem>> -> memref<1x4096xf32, #tpu.memory_space<vmem>>
      %scatter3A_1003 = tpu.memref_squeeze %scatter3A_1002 : memref<1x4096xf32, #tpu.memory_space<vmem>> -> memref<4096xf32, #tpu.memory_space<vmem>>
      tpu.vector_store_idx %scatter3A_1003[%add3A_999], %get3A_997 : memref<4096xf32, #tpu.memory_space<vmem>>[vector<16xi32>], vector<16xf32>,
      %scan3A_1004 = arith.constant 7 : i32
      %scan3A_1005 = arith.addi %scan3A_811, %scan3A_1004 : i32
      %mul3A_1006 = arith.constant 1 : i32
      %mul3A_1007 = arith.muli %scan3A_1005, %mul3A_1006 : i32
      %add3A_1008 = arith.constant 0 : i32
      %add3A_1009 = arith.addi %add3A_1008, %mul3A_1007 : i32
      %get3A_1010 = arith.constant 1 : i32
      %get3A_1011 = arith.index_cast %get3A_1010 : i32 to index
      %get3A_1012 = arith.index_cast %add3A_1009 : i32 to index
      %get3A_1013 = arith.constant 0 : index
      %get3A_1014 = tpu.vector_load %arg6[%get3A_1011, %get3A_1012, %get3A_1013] {strides = array<i32>} : memref<2x128x32xf32, #tpu.memory_space<vmem>>, vector<16xf32>,
      %add3A_1015 = vector.broadcast %add3A_1009 : i32 to vector<16xi32>
      %add3A_1016 = arith.addi %add3A_13, %add3A_1015 : vector<16xi32>
      %scatter3A_1017 = arith.constant 1 : i32
      %scatter3A_1018 = arith.constant 0 : i32
      %scatter3A_1019 = tpu.memref_slice %arg7[%scatter3A_1017, %scatter3A_1018] : memref<2x4096xf32, #tpu.memory_space<vmem>> -> memref<1x4096xf32, #tpu.memory_space<vmem>>
      %scatter3A_1020 = tpu.memref_squeeze %scatter3A_1019 : memref<1x4096xf32, #tpu.memory_space<vmem>> -> memref<4096xf32, #tpu.memory_space<vmem>>
      tpu.vector_store_idx %scatter3A_1020[%add3A_1016], %get3A_1014 : memref<4096xf32, #tpu.memory_space<vmem>>[vector<16xi32>], vector<16xf32>,
      %get3A_1021 = arith.constant 1 : i32
      %get3A_1022 = arith.index_cast %get3A_1021 : i32 to index
      %get3A_1023 = arith.index_cast %add3A_1009 : i32 to index
      %get3A_1024 = arith.constant 16 : index
      %get3A_1025 = tpu.vector_load %arg6[%get3A_1022, %get3A_1023, %get3A_1024] {strides = array<i32>} : memref<2x128x32xf32, #tpu.memory_space<vmem>>, vector<16xf32>,
      %add3A_1026 = vector.broadcast %add3A_1009 : i32 to vector<16xi32>
      %add3A_1027 = arith.addi %add3A_16, %add3A_1026 : vector<16xi32>
      %scatter3A_1028 = arith.constant 1 : i32
      %scatter3A_1029 = arith.constant 0 : i32
      %scatter3A_1030 = tpu.memref_slice %arg7[%scatter3A_1028, %scatter3A_1029] : memref<2x4096xf32, #tpu.memory_space<vmem>> -> memref<1x4096xf32, #tpu.memory_space<vmem>>
      %scatter3A_1031 = tpu.memref_squeeze %scatter3A_1030 : memref<1x4096xf32, #tpu.memory_space<vmem>> -> memref<4096xf32, #tpu.memory_space<vmem>>
      tpu.vector_store_idx %scatter3A_1031[%add3A_1027], %get3A_1025 : memref<4096xf32, #tpu.memory_space<vmem>>[vector<16xi32>], vector<16xf32>,
    }
    %scan3A_570 = arith.constant 128 : i32
    %mul3A_571 = arith.constant 8 : i32
    %mul3A_572 = arith.muli %add3A, %mul3A_571 : i32
    %mul3A_573 = arith.constant 128 : i32
    %mul3A_574 = arith.muli %mul3A_572, %mul3A_573 : i32
    %dma_start3A_575 = arith.constant 1 : i32
    %dma_start3A_576 = arith.constant 49 : i32
    %dma_start3A_577 = arith.constant 0 : i32
    %dma_start3A_578 = arith.constant 1 : i32
    %dma_start3A_579 = arith.constant 0 : i32
    %dma_start3A_580 = tpu.memref_slice %arg7[%dma_start3A_575, %dma_start3A_579] : memref<2x4096xf32, #tpu.memory_space<vmem>> -> memref<1x1024xf32, #tpu.memory_space<vmem>>
    %dma_start3A_581 = tpu.memref_squeeze %dma_start3A_580 : memref<1x1024xf32, #tpu.memory_space<vmem>> -> memref<1024xf32, #tpu.memory_space<vmem>>
    %dma_start3A_582 = tpu.memref_slice %arg4[%dma_start3A_576, %dma_start3A_577, %mul3A_574] : memref<50x4x32768xf32, #tpu.memory_space<hbm>> -> memref<1x1x1024xf32, #tpu.memory_space<hbm>>
    %dma_start3A_583 = tpu.memref_squeeze %dma_start3A_582 : memref<1x1x1024xf32, #tpu.memory_space<hbm>> -> memref<1024xf32, #tpu.memory_space<hbm>>
    %dma_start3A_584 = tpu.memref_slice %arg9[%dma_start3A_578] : memref<2x!tpu.dma_semaphore, #tpu.memory_space<semaphore_mem>> -> memref<1x!tpu.dma_semaphore, #tpu.memory_space<semaphore_mem>>
    %dma_start3A_585 = tpu.memref_squeeze %dma_start3A_584 : memref<1x!tpu.dma_semaphore, #tpu.memory_space<semaphore_mem>> -> memref<!tpu.dma_semaphore, #tpu.memory_space<semaphore_mem>>
    %dma_start3A_586 = tpu.memref_slice %arg4[%dma_start3A_576, %dma_start3A_577, %mul3A_574] : memref<50x4x32768xf32, #tpu.memory_space<hbm>> -> memref<1x1x1024xf32, #tpu.memory_space<hbm>>
    %dma_start3A_587 = tpu.memref_squeeze %dma_start3A_586 : memref<1x1x1024xf32, #tpu.memory_space<hbm>> -> memref<1024xf32, #tpu.memory_space<hbm>>
    %dma_start3A_588 = arith.constant 0 : i32
    %dma_start3A_589 = tpu.memref_slice %arg7[%dma_start3A_575, %dma_start3A_588] : memref<2x4096xf32, #tpu.memory_space<vmem>> -> memref<1x1024xf32, #tpu.memory_space<vmem>>
    %dma_start3A_590 = tpu.memref_squeeze %dma_start3A_589 : memref<1x1024xf32, #tpu.memory_space<vmem>> -> memref<1024xf32, #tpu.memory_space<vmem>>
    tpu.enqueue_dma source(%dma_start3A_590 : memref<1024xf32, #tpu.memory_space<vmem>>) target(%dma_start3A_587 : memref<1024xf32, #tpu.memory_space<hbm>>) target_semaphore(%dma_start3A_585 : memref<!tpu.dma_semaphore, #tpu.memory_space<semaphore_mem>>)
    %mul3A_591 = arith.constant 8 : i32
    %mul3A_592 = arith.muli %add3A, %mul3A_591 : i32
    %mul3A_593 = arith.constant 128 : i32
    %mul3A_594 = arith.muli %mul3A_592, %mul3A_593 : i32
    %dma_start3A_595 = arith.constant 1 : i32
    %dma_start3A_596 = arith.constant 49 : i32
    %dma_start3A_597 = arith.constant 1 : i32
    %dma_start3A_598 = arith.constant 1 : i32
    %dma_start3A_599 = arith.constant 1024 : i32
    %dma_start3A_600 = tpu.memref_slice %arg7[%dma_start3A_595, %dma_start3A_599] : memref<2x4096xf32, #tpu.memory_space<vmem>> -> memref<1x1024xf32, #tpu.memory_space<vmem>>
    %dma_start3A_601 = tpu.memref_squeeze %dma_start3A_600 : memref<1x1024xf32, #tpu.memory_space<vmem>> -> memref<1024xf32, #tpu.memory_space<vmem>>
    %dma_start3A_602 = tpu.memref_slice %arg4[%dma_start3A_596, %dma_start3A_597, %mul3A_594] : memref<50x4x32768xf32, #tpu.memory_space<hbm>> -> memref<1x1x1024xf32, #tpu.memory_space<hbm>>
    %dma_start3A_603 = tpu.memref_squeeze %dma_start3A_602 : memref<1x1x1024xf32, #tpu.memory_space<hbm>> -> memref<1024xf32, #tpu.memory_space<hbm>>
    %dma_start3A_604 = tpu.memref_slice %arg9[%dma_start3A_598] : memref<2x!tpu.dma_semaphore, #tpu.memory_space<semaphore_mem>> -> memref<1x!tpu.dma_semaphore, #tpu.memory_space<semaphore_mem>>
    %dma_start3A_605 = tpu.memref_squeeze %dma_start3A_604 : memref<1x!tpu.dma_semaphore, #tpu.memory_space<semaphore_mem>> -> memref<!tpu.dma_semaphore, #tpu.memory_space<semaphore_mem>>
    %dma_start3A_606 = tpu.memref_slice %arg4[%dma_start3A_596, %dma_start3A_597, %mul3A_594] : memref<50x4x32768xf32, #tpu.memory_space<hbm>> -> memref<1x1x1024xf32, #tpu.memory_space<hbm>>
    %dma_start3A_607 = tpu.memref_squeeze %dma_start3A_606 : memref<1x1x1024xf32, #tpu.memory_space<hbm>> -> memref<1024xf32, #tpu.memory_space<hbm>>
    %dma_start3A_608 = arith.constant 1024 : i32
    %dma_start3A_609 = tpu.memref_slice %arg7[%dma_start3A_595, %dma_start3A_608] : memref<2x4096xf32, #tpu.memory_space<vmem>> -> memref<1x1024xf32, #tpu.memory_space<vmem>>
    %dma_start3A_610 = tpu.memref_squeeze %dma_start3A_609 : memref<1x1024xf32, #tpu.memory_space<vmem>> -> memref<1024xf32, #tpu.memory_space<vmem>>
    tpu.enqueue_dma source(%dma_start3A_610 : memref<1024xf32, #tpu.memory_space<vmem>>) target(%dma_start3A_607 : memref<1024xf32, #tpu.memory_space<hbm>>) target_semaphore(%dma_start3A_605 : memref<!tpu.dma_semaphore, #tpu.memory_space<semaphore_mem>>)
    %mul3A_611 = arith.constant 8 : i32
    %mul3A_612 = arith.muli %add3A, %mul3A_611 : i32
    %mul3A_613 = arith.constant 128 : i32
    %mul3A_614 = arith.muli %mul3A_612, %mul3A_613 : i32
    %dma_start3A_615 = arith.constant 1 : i32
    %dma_start3A_616 = arith.constant 49 : i32
    %dma_start3A_617 = arith.constant 2 : i32
    %dma_start3A_618 = arith.constant 1 : i32
    %dma_start3A_619 = arith.constant 2048 : i32
    %dma_start3A_620 = tpu.memref_slice %arg7[%dma_start3A_615, %dma_start3A_619] : memref<2x4096xf32, #tpu.memory_space<vmem>> -> memref<1x1024xf32, #tpu.memory_space<vmem>>
    %dma_start3A_621 = tpu.memref_squeeze %dma_start3A_620 : memref<1x1024xf32, #tpu.memory_space<vmem>> -> memref<1024xf32, #tpu.memory_space<vmem>>
    %dma_start3A_622 = tpu.memref_slice %arg4[%dma_start3A_616, %dma_start3A_617, %mul3A_614] : memref<50x4x32768xf32, #tpu.memory_space<hbm>> -> memref<1x1x1024xf32, #tpu.memory_space<hbm>>
    %dma_start3A_623 = tpu.memref_squeeze %dma_start3A_622 : memref<1x1x1024xf32, #tpu.memory_space<hbm>> -> memref<1024xf32, #tpu.memory_space<hbm>>
    %dma_start3A_624 = tpu.memref_slice %arg9[%dma_start3A_618] : memref<2x!tpu.dma_semaphore, #tpu.memory_space<semaphore_mem>> -> memref<1x!tpu.dma_semaphore, #tpu.memory_space<semaphore_mem>>
    %dma_start3A_625 = tpu.memref_squeeze %dma_start3A_624 : memref<1x!tpu.dma_semaphore, #tpu.memory_space<semaphore_mem>> -> memref<!tpu.dma_semaphore, #tpu.memory_space<semaphore_mem>>
    %dma_start3A_626 = tpu.memref_slice %arg4[%dma_start3A_616, %dma_start3A_617, %mul3A_614] : memref<50x4x32768xf32, #tpu.memory_space<hbm>> -> memref<1x1x1024xf32, #tpu.memory_space<hbm>>
    %dma_start3A_627 = tpu.memref_squeeze %dma_start3A_626 : memref<1x1x1024xf32, #tpu.memory_space<hbm>> -> memref<1024xf32, #tpu.memory_space<hbm>>
    %dma_start3A_628 = arith.constant 2048 : i32
    %dma_start3A_629 = tpu.memref_slice %arg7[%dma_start3A_615, %dma_start3A_628] : memref<2x4096xf32, #tpu.memory_space<vmem>> -> memref<1x1024xf32, #tpu.memory_space<vmem>>
    %dma_start3A_630 = tpu.memref_squeeze %dma_start3A_629 : memref<1x1024xf32, #tpu.memory_space<vmem>> -> memref<1024xf32, #tpu.memory_space<vmem>>
    tpu.enqueue_dma source(%dma_start3A_630 : memref<1024xf32, #tpu.memory_space<vmem>>) target(%dma_start3A_627 : memref<1024xf32, #tpu.memory_space<hbm>>) target_semaphore(%dma_start3A_625 : memref<!tpu.dma_semaphore, #tpu.memory_space<semaphore_mem>>)
    %mul3A_631 = arith.constant 8 : i32
    %mul3A_632 = arith.muli %add3A, %mul3A_631 : i32
    %mul3A_633 = arith.constant 128 : i32
    %mul3A_634 = arith.muli %mul3A_632, %mul3A_633 : i32
    %dma_start3A_635 = arith.constant 1 : i32
    %dma_start3A_636 = arith.constant 49 : i32
    %dma_start3A_637 = arith.constant 3 : i32
    %dma_start3A_638 = arith.constant 1 : i32
    %dma_start3A_639 = arith.constant 3072 : i32
    %dma_start3A_640 = tpu.memref_slice %arg7[%dma_start3A_635, %dma_start3A_639] : memref<2x4096xf32, #tpu.memory_space<vmem>> -> memref<1x1024xf32, #tpu.memory_space<vmem>>
    %dma_start3A_641 = tpu.memref_squeeze %dma_start3A_640 : memref<1x1024xf32, #tpu.memory_space<vmem>> -> memref<1024xf32, #tpu.memory_space<vmem>>
    %dma_start3A_642 = tpu.memref_slice %arg4[%dma_start3A_636, %dma_start3A_637, %mul3A_634] : memref<50x4x32768xf32, #tpu.memory_space<hbm>> -> memref<1x1x1024xf32, #tpu.memory_space<hbm>>
    %dma_start3A_643 = tpu.memref_squeeze %dma_start3A_642 : memref<1x1x1024xf32, #tpu.memory_space<hbm>> -> memref<1024xf32, #tpu.memory_space<hbm>>
    %dma_start3A_644 = tpu.memref_slice %arg9[%dma_start3A_638] : memref<2x!tpu.dma_semaphore, #tpu.memory_space<semaphore_mem>> -> memref<1x!tpu.dma_semaphore, #tpu.memory_space<semaphore_mem>>
    %dma_start3A_645 = tpu.memref_squeeze %dma_start3A_644 : memref<1x!tpu.dma_semaphore, #tpu.memory_space<semaphore_mem>> -> memref<!tpu.dma_semaphore, #tpu.memory_space<semaphore_mem>>
    %dma_start3A_646 = tpu.memref_slice %arg4[%dma_start3A_636, %dma_start3A_637, %mul3A_634] : memref<50x4x32768xf32, #tpu.memory_space<hbm>> -> memref<1x1x1024xf32, #tpu.memory_space<hbm>>
    %dma_start3A_647 = tpu.memref_squeeze %dma_start3A_646 : memref<1x1x1024xf32, #tpu.memory_space<hbm>> -> memref<1024xf32, #tpu.memory_space<hbm>>
    %dma_start3A_648 = arith.constant 3072 : i32
    %dma_start3A_649 = tpu.memref_slice %arg7[%dma_start3A_635, %dma_start3A_648] : memref<2x4096xf32, #tpu.memory_space<vmem>> -> memref<1x1024xf32, #tpu.memory_space<vmem>>
    %dma_start3A_650 = tpu.memref_squeeze %dma_start3A_649 : memref<1x1024xf32, #tpu.memory_space<vmem>> -> memref<1024xf32, #tpu.memory_space<vmem>>
    tpu.enqueue_dma source(%dma_start3A_650 : memref<1024xf32, #tpu.memory_space<vmem>>) target(%dma_start3A_647 : memref<1024xf32, #tpu.memory_space<hbm>>) target_semaphore(%dma_start3A_645 : memref<!tpu.dma_semaphore, #tpu.memory_space<semaphore_mem>>)
    %mul3A_651 = arith.constant 8 : i32
    %mul3A_652 = arith.muli %add3A, %mul3A_651 : i32
    %mul3A_653 = arith.constant 128 : i32
    %mul3A_654 = arith.muli %mul3A_652, %mul3A_653 : i32
    %dma_wait3A_655 = arith.constant 0 : i32
    %dma_wait3A_656 = arith.constant 48 : i32
    %dma_wait3A_657 = arith.constant 0 : i32
    %dma_wait3A_658 = arith.constant 0 : i32
    %dma_wait3A_659 = arith.constant 0 : i32
    %dma_wait3A_660 = tpu.memref_slice %arg7[%dma_wait3A_655, %dma_wait3A_659] : memref<2x4096xf32, #tpu.memory_space<vmem>> -> memref<1x1024xf32, #tpu.memory_space<vmem>>
    %dma_wait3A_661 = tpu.memref_squeeze %dma_wait3A_660 : memref<1x1024xf32, #tpu.memory_space<vmem>> -> memref<1024xf32, #tpu.memory_space<vmem>>
    %dma_wait3A_662 = tpu.memref_slice %arg4[%dma_wait3A_656, %dma_wait3A_657, %mul3A_654] : memref<50x4x32768xf32, #tpu.memory_space<hbm>> -> memref<1x1x1024xf32, #tpu.memory_space<hbm>>
    %dma_wait3A_663 = tpu.memref_squeeze %dma_wait3A_662 : memref<1x1x1024xf32, #tpu.memory_space<hbm>> -> memref<1024xf32, #tpu.memory_space<hbm>>
    %dma_wait3A_664 = tpu.memref_slice %arg9[%dma_wait3A_658] : memref<2x!tpu.dma_semaphore, #tpu.memory_space<semaphore_mem>> -> memref<1x!tpu.dma_semaphore, #tpu.memory_space<semaphore_mem>>
    %dma_wait3A_665 = tpu.memref_squeeze %dma_wait3A_664 : memref<1x!tpu.dma_semaphore, #tpu.memory_space<semaphore_mem>> -> memref<!tpu.dma_semaphore, #tpu.memory_space<semaphore_mem>>
    %dma_wait3A_666 = tpu.memref_slice %arg4[%dma_wait3A_656, %dma_wait3A_657, %mul3A_654] : memref<50x4x32768xf32, #tpu.memory_space<hbm>> -> memref<1x1x1024xf32, #tpu.memory_space<hbm>>
    %dma_wait3A_667 = tpu.memref_squeeze %dma_wait3A_666 : memref<1x1x1024xf32, #tpu.memory_space<hbm>> -> memref<1024xf32, #tpu.memory_space<hbm>>
    %dma_wait3A_668 = arith.constant 0 : i32
    %dma_wait3A_669 = tpu.memref_slice %arg7[%dma_wait3A_655, %dma_wait3A_668] : memref<2x4096xf32, #tpu.memory_space<vmem>> -> memref<1x1024xf32, #tpu.memory_space<vmem>>
    %dma_wait3A_670 = tpu.memref_squeeze %dma_wait3A_669 : memref<1x1024xf32, #tpu.memory_space<vmem>> -> memref<1024xf32, #tpu.memory_space<vmem>>
    tpu.wait_dma2 semaphore(%dma_wait3A_665 : memref<!tpu.dma_semaphore, #tpu.memory_space<semaphore_mem>>) src(%dma_wait3A_670 : memref<1024xf32, #tpu.memory_space<vmem>>) dst(%dma_wait3A_667 : memref<1024xf32, #tpu.memory_space<hbm>>)
    %mul3A_671 = arith.constant 8 : i32
    %mul3A_672 = arith.muli %add3A, %mul3A_671 : i32
    %mul3A_673 = arith.constant 128 : i32
    %mul3A_674 = arith.muli %mul3A_672, %mul3A_673 : i32
    %dma_wait3A_675 = arith.constant 0 : i32
    %dma_wait3A_676 = arith.constant 48 : i32
    %dma_wait3A_677 = arith.constant 1 : i32
    %dma_wait3A_678 = arith.constant 0 : i32
    %dma_wait3A_679 = arith.constant 1024 : i32
    %dma_wait3A_680 = tpu.memref_slice %arg7[%dma_wait3A_675, %dma_wait3A_679] : memref<2x4096xf32, #tpu.memory_space<vmem>> -> memref<1x1024xf32, #tpu.memory_space<vmem>>
    %dma_wait3A_681 = tpu.memref_squeeze %dma_wait3A_680 : memref<1x1024xf32, #tpu.memory_space<vmem>> -> memref<1024xf32, #tpu.memory_space<vmem>>
    %dma_wait3A_682 = tpu.memref_slice %arg4[%dma_wait3A_676, %dma_wait3A_677, %mul3A_674] : memref<50x4x32768xf32, #tpu.memory_space<hbm>> -> memref<1x1x1024xf32, #tpu.memory_space<hbm>>
    %dma_wait3A_683 = tpu.memref_squeeze %dma_wait3A_682 : memref<1x1x1024xf32, #tpu.memory_space<hbm>> -> memref<1024xf32, #tpu.memory_space<hbm>>
    %dma_wait3A_684 = tpu.memref_slice %arg9[%dma_wait3A_678] : memref<2x!tpu.dma_semaphore, #tpu.memory_space<semaphore_mem>> -> memref<1x!tpu.dma_semaphore, #tpu.memory_space<semaphore_mem>>
    %dma_wait3A_685 = tpu.memref_squeeze %dma_wait3A_684 : memref<1x!tpu.dma_semaphore, #tpu.memory_space<semaphore_mem>> -> memref<!tpu.dma_semaphore, #tpu.memory_space<semaphore_mem>>
    %dma_wait3A_686 = tpu.memref_slice %arg4[%dma_wait3A_676, %dma_wait3A_677, %mul3A_674] : memref<50x4x32768xf32, #tpu.memory_space<hbm>> -> memref<1x1x1024xf32, #tpu.memory_space<hbm>>
    %dma_wait3A_687 = tpu.memref_squeeze %dma_wait3A_686 : memref<1x1x1024xf32, #tpu.memory_space<hbm>> -> memref<1024xf32, #tpu.memory_space<hbm>>
    %dma_wait3A_688 = arith.constant 1024 : i32
    %dma_wait3A_689 = tpu.memref_slice %arg7[%dma_wait3A_675, %dma_wait3A_688] : memref<2x4096xf32, #tpu.memory_space<vmem>> -> memref<1x1024xf32, #tpu.memory_space<vmem>>
    %dma_wait3A_690 = tpu.memref_squeeze %dma_wait3A_689 : memref<1x1024xf32, #tpu.memory_space<vmem>> -> memref<1024xf32, #tpu.memory_space<vmem>>
    tpu.wait_dma2 semaphore(%dma_wait3A_685 : memref<!tpu.dma_semaphore, #tpu.memory_space<semaphore_mem>>) src(%dma_wait3A_690 : memref<1024xf32, #tpu.memory_space<vmem>>) dst(%dma_wait3A_687 : memref<1024xf32, #tpu.memory_space<hbm>>)
    %mul3A_691 = arith.constant 8 : i32
    %mul3A_692 = arith.muli %add3A, %mul3A_691 : i32
    %mul3A_693 = arith.constant 128 : i32
    %mul3A_694 = arith.muli %mul3A_692, %mul3A_693 : i32
    %dma_wait3A_695 = arith.constant 0 : i32
    %dma_wait3A_696 = arith.constant 48 : i32
    %dma_wait3A_697 = arith.constant 2 : i32
    %dma_wait3A_698 = arith.constant 0 : i32
    %dma_wait3A_699 = arith.constant 2048 : i32
    %dma_wait3A_700 = tpu.memref_slice %arg7[%dma_wait3A_695, %dma_wait3A_699] : memref<2x4096xf32, #tpu.memory_space<vmem>> -> memref<1x1024xf32, #tpu.memory_space<vmem>>
    %dma_wait3A_701 = tpu.memref_squeeze %dma_wait3A_700 : memref<1x1024xf32, #tpu.memory_space<vmem>> -> memref<1024xf32, #tpu.memory_space<vmem>>
    %dma_wait3A_702 = tpu.memref_slice %arg4[%dma_wait3A_696, %dma_wait3A_697, %mul3A_694] : memref<50x4x32768xf32, #tpu.memory_space<hbm>> -> memref<1x1x1024xf32, #tpu.memory_space<hbm>>
    %dma_wait3A_703 = tpu.memref_squeeze %dma_wait3A_702 : memref<1x1x1024xf32, #tpu.memory_space<hbm>> -> memref<1024xf32, #tpu.memory_space<hbm>>
    %dma_wait3A_704 = tpu.memref_slice %arg9[%dma_wait3A_698] : memref<2x!tpu.dma_semaphore, #tpu.memory_space<semaphore_mem>> -> memref<1x!tpu.dma_semaphore, #tpu.memory_space<semaphore_mem>>
    %dma_wait3A_705 = tpu.memref_squeeze %dma_wait3A_704 : memref<1x!tpu.dma_semaphore, #tpu.memory_space<semaphore_mem>> -> memref<!tpu.dma_semaphore, #tpu.memory_space<semaphore_mem>>
    %dma_wait3A_706 = tpu.memref_slice %arg4[%dma_wait3A_696, %dma_wait3A_697, %mul3A_694] : memref<50x4x32768xf32, #tpu.memory_space<hbm>> -> memref<1x1x1024xf32, #tpu.memory_space<hbm>>
    %dma_wait3A_707 = tpu.memref_squeeze %dma_wait3A_706 : memref<1x1x1024xf32, #tpu.memory_space<hbm>> -> memref<1024xf32, #tpu.memory_space<hbm>>
    %dma_wait3A_708 = arith.constant 2048 : i32
    %dma_wait3A_709 = tpu.memref_slice %arg7[%dma_wait3A_695, %dma_wait3A_708] : memref<2x4096xf32, #tpu.memory_space<vmem>> -> memref<1x1024xf32, #tpu.memory_space<vmem>>
    %dma_wait3A_710 = tpu.memref_squeeze %dma_wait3A_709 : memref<1x1024xf32, #tpu.memory_space<vmem>> -> memref<1024xf32, #tpu.memory_space<vmem>>
    tpu.wait_dma2 semaphore(%dma_wait3A_705 : memref<!tpu.dma_semaphore, #tpu.memory_space<semaphore_mem>>) src(%dma_wait3A_710 : memref<1024xf32, #tpu.memory_space<vmem>>) dst(%dma_wait3A_707 : memref<1024xf32, #tpu.memory_space<hbm>>)
    %mul3A_711 = arith.constant 8 : i32
    %mul3A_712 = arith.muli %add3A, %mul3A_711 : i32
    %mul3A_713 = arith.constant 128 : i32
    %mul3A_714 = arith.muli %mul3A_712, %mul3A_713 : i32
    %dma_wait3A_715 = arith.constant 0 : i32
    %dma_wait3A_716 = arith.constant 48 : i32
    %dma_wait3A_717 = arith.constant 3 : i32
    %dma_wait3A_718 = arith.constant 0 : i32
    %dma_wait3A_719 = arith.constant 3072 : i32
    %dma_wait3A_720 = tpu.memref_slice %arg7[%dma_wait3A_715, %dma_wait3A_719] : memref<2x4096xf32, #tpu.memory_space<vmem>> -> memref<1x1024xf32, #tpu.memory_space<vmem>>
    %dma_wait3A_721 = tpu.memref_squeeze %dma_wait3A_720 : memref<1x1024xf32, #tpu.memory_space<vmem>> -> memref<1024xf32, #tpu.memory_space<vmem>>
    %dma_wait3A_722 = tpu.memref_slice %arg4[%dma_wait3A_716, %dma_wait3A_717, %mul3A_714] : memref<50x4x32768xf32, #tpu.memory_space<hbm>> -> memref<1x1x1024xf32, #tpu.memory_space<hbm>>
    %dma_wait3A_723 = tpu.memref_squeeze %dma_wait3A_722 : memref<1x1x1024xf32, #tpu.memory_space<hbm>> -> memref<1024xf32, #tpu.memory_space<hbm>>
    %dma_wait3A_724 = tpu.memref_slice %arg9[%dma_wait3A_718] : memref<2x!tpu.dma_semaphore, #tpu.memory_space<semaphore_mem>> -> memref<1x!tpu.dma_semaphore, #tpu.memory_space<semaphore_mem>>
    %dma_wait3A_725 = tpu.memref_squeeze %dma_wait3A_724 : memref<1x!tpu.dma_semaphore, #tpu.memory_space<semaphore_mem>> -> memref<!tpu.dma_semaphore, #tpu.memory_space<semaphore_mem>>
    %dma_wait3A_726 = tpu.memref_slice %arg4[%dma_wait3A_716, %dma_wait3A_717, %mul3A_714] : memref<50x4x32768xf32, #tpu.memory_space<hbm>> -> memref<1x1x1024xf32, #tpu.memory_space<hbm>>
    %dma_wait3A_727 = tpu.memref_squeeze %dma_wait3A_726 : memref<1x1x1024xf32, #tpu.memory_space<hbm>> -> memref<1024xf32, #tpu.memory_space<hbm>>
    %dma_wait3A_728 = arith.constant 3072 : i32
    %dma_wait3A_729 = tpu.memref_slice %arg7[%dma_wait3A_715, %dma_wait3A_728] : memref<2x4096xf32, #tpu.memory_space<vmem>> -> memref<1x1024xf32, #tpu.memory_space<vmem>>
    %dma_wait3A_730 = tpu.memref_squeeze %dma_wait3A_729 : memref<1x1024xf32, #tpu.memory_space<vmem>> -> memref<1024xf32, #tpu.memory_space<vmem>>
    tpu.wait_dma2 semaphore(%dma_wait3A_725 : memref<!tpu.dma_semaphore, #tpu.memory_space<semaphore_mem>>) src(%dma_wait3A_730 : memref<1024xf32, #tpu.memory_space<vmem>>) dst(%dma_wait3A_727 : memref<1024xf32, #tpu.memory_space<hbm>>)
    %mul3A_731 = arith.constant 8 : i32
    %mul3A_732 = arith.muli %add3A, %mul3A_731 : i32
    %mul3A_733 = arith.constant 128 : i32
    %mul3A_734 = arith.muli %mul3A_732, %mul3A_733 : i32
    %dma_wait3A_735 = arith.constant 1 : i32
    %dma_wait3A_736 = arith.constant 49 : i32
    %dma_wait3A_737 = arith.constant 0 : i32
    %dma_wait3A_738 = arith.constant 1 : i32
    %dma_wait3A_739 = arith.constant 0 : i32
    %dma_wait3A_740 = tpu.memref_slice %arg7[%dma_wait3A_735, %dma_wait3A_739] : memref<2x4096xf32, #tpu.memory_space<vmem>> -> memref<1x1024xf32, #tpu.memory_space<vmem>>
    %dma_wait3A_741 = tpu.memref_squeeze %dma_wait3A_740 : memref<1x1024xf32, #tpu.memory_space<vmem>> -> memref<1024xf32, #tpu.memory_space<vmem>>
    %dma_wait3A_742 = tpu.memref_slice %arg4[%dma_wait3A_736, %dma_wait3A_737, %mul3A_734] : memref<50x4x32768xf32, #tpu.memory_space<hbm>> -> memref<1x1x1024xf32, #tpu.memory_space<hbm>>
    %dma_wait3A_743 = tpu.memref_squeeze %dma_wait3A_742 : memref<1x1x1024xf32, #tpu.memory_space<hbm>> -> memref<1024xf32, #tpu.memory_space<hbm>>
    %dma_wait3A_744 = tpu.memref_slice %arg9[%dma_wait3A_738] : memref<2x!tpu.dma_semaphore, #tpu.memory_space<semaphore_mem>> -> memref<1x!tpu.dma_semaphore, #tpu.memory_space<semaphore_mem>>
    %dma_wait3A_745 = tpu.memref_squeeze %dma_wait3A_744 : memref<1x!tpu.dma_semaphore, #tpu.memory_space<semaphore_mem>> -> memref<!tpu.dma_semaphore, #tpu.memory_space<semaphore_mem>>
    %dma_wait3A_746 = tpu.memref_slice %arg4[%dma_wait3A_736, %dma_wait3A_737, %mul3A_734] : memref<50x4x32768xf32, #tpu.memory_space<hbm>> -> memref<1x1x1024xf32, #tpu.memory_space<hbm>>
    %dma_wait3A_747 = tpu.memref_squeeze %dma_wait3A_746 : memref<1x1x1024xf32, #tpu.memory_space<hbm>> -> memref<1024xf32, #tpu.memory_space<hbm>>
    %dma_wait3A_748 = arith.constant 0 : i32
    %dma_wait3A_749 = tpu.memref_slice %arg7[%dma_wait3A_735, %dma_wait3A_748] : memref<2x4096xf32, #tpu.memory_space<vmem>> -> memref<1x1024xf32, #tpu.memory_space<vmem>>
    %dma_wait3A_750 = tpu.memref_squeeze %dma_wait3A_749 : memref<1x1024xf32, #tpu.memory_space<vmem>> -> memref<1024xf32, #tpu.memory_space<vmem>>
    tpu.wait_dma2 semaphore(%dma_wait3A_745 : memref<!tpu.dma_semaphore, #tpu.memory_space<semaphore_mem>>) src(%dma_wait3A_750 : memref<1024xf32, #tpu.memory_space<vmem>>) dst(%dma_wait3A_747 : memref<1024xf32, #tpu.memory_space<hbm>>)
    %mul3A_751 = arith.constant 8 : i32
    %mul3A_752 = arith.muli %add3A, %mul3A_751 : i32
    %mul3A_753 = arith.constant 128 : i32
    %mul3A_754 = arith.muli %mul3A_752, %mul3A_753 : i32
    %dma_wait3A_755 = arith.constant 1 : i32
    %dma_wait3A_756 = arith.constant 49 : i32
    %dma_wait3A_757 = arith.constant 1 : i32
    %dma_wait3A_758 = arith.constant 1 : i32
    %dma_wait3A_759 = arith.constant 1024 : i32
    %dma_wait3A_760 = tpu.memref_slice %arg7[%dma_wait3A_755, %dma_wait3A_759] : memref<2x4096xf32, #tpu.memory_space<vmem>> -> memref<1x1024xf32, #tpu.memory_space<vmem>>
    %dma_wait3A_761 = tpu.memref_squeeze %dma_wait3A_760 : memref<1x1024xf32, #tpu.memory_space<vmem>> -> memref<1024xf32, #tpu.memory_space<vmem>>
    %dma_wait3A_762 = tpu.memref_slice %arg4[%dma_wait3A_756, %dma_wait3A_757, %mul3A_754] : memref<50x4x32768xf32, #tpu.memory_space<hbm>> -> memref<1x1x1024xf32, #tpu.memory_space<hbm>>
    %dma_wait3A_763 = tpu.memref_squeeze %dma_wait3A_762 : memref<1x1x1024xf32, #tpu.memory_space<hbm>> -> memref<1024xf32, #tpu.memory_space<hbm>>
    %dma_wait3A_764 = tpu.memref_slice %arg9[%dma_wait3A_758] : memref<2x!tpu.dma_semaphore, #tpu.memory_space<semaphore_mem>> -> memref<1x!tpu.dma_semaphore, #tpu.memory_space<semaphore_mem>>
    %dma_wait3A_765 = tpu.memref_squeeze %dma_wait3A_764 : memref<1x!tpu.dma_semaphore, #tpu.memory_space<semaphore_mem>> -> memref<!tpu.dma_semaphore, #tpu.memory_space<semaphore_mem>>
    %dma_wait3A_766 = tpu.memref_slice %arg4[%dma_wait3A_756, %dma_wait3A_757, %mul3A_754] : memref<50x4x32768xf32, #tpu.memory_space<hbm>> -> memref<1x1x1024xf32, #tpu.memory_space<hbm>>
    %dma_wait3A_767 = tpu.memref_squeeze %dma_wait3A_766 : memref<1x1x1024xf32, #tpu.memory_space<hbm>> -> memref<1024xf32, #tpu.memory_space<hbm>>
    %dma_wait3A_768 = arith.constant 1024 : i32
    %dma_wait3A_769 = tpu.memref_slice %arg7[%dma_wait3A_755, %dma_wait3A_768] : memref<2x4096xf32, #tpu.memory_space<vmem>> -> memref<1x1024xf32, #tpu.memory_space<vmem>>
    %dma_wait3A_770 = tpu.memref_squeeze %dma_wait3A_769 : memref<1x1024xf32, #tpu.memory_space<vmem>> -> memref<1024xf32, #tpu.memory_space<vmem>>
    tpu.wait_dma2 semaphore(%dma_wait3A_765 : memref<!tpu.dma_semaphore, #tpu.memory_space<semaphore_mem>>) src(%dma_wait3A_770 : memref<1024xf32, #tpu.memory_space<vmem>>) dst(%dma_wait3A_767 : memref<1024xf32, #tpu.memory_space<hbm>>)
    %mul3A_771 = arith.constant 8 : i32
    %mul3A_772 = arith.muli %add3A, %mul3A_771 : i32
    %mul3A_773 = arith.constant 128 : i32
    %mul3A_774 = arith.muli %mul3A_772, %mul3A_773 : i32
    %dma_wait3A_775 = arith.constant 1 : i32
    %dma_wait3A_776 = arith.constant 49 : i32
    %dma_wait3A_777 = arith.constant 2 : i32
    %dma_wait3A_778 = arith.constant 1 : i32
    %dma_wait3A_779 = arith.constant 2048 : i32
    %dma_wait3A_780 = tpu.memref_slice %arg7[%dma_wait3A_775, %dma_wait3A_779] : memref<2x4096xf32, #tpu.memory_space<vmem>> -> memref<1x1024xf32, #tpu.memory_space<vmem>>
    %dma_wait3A_781 = tpu.memref_squeeze %dma_wait3A_780 : memref<1x1024xf32, #tpu.memory_space<vmem>> -> memref<1024xf32, #tpu.memory_space<vmem>>
    %dma_wait3A_782 = tpu.memref_slice %arg4[%dma_wait3A_776, %dma_wait3A_777, %mul3A_774] : memref<50x4x32768xf32, #tpu.memory_space<hbm>> -> memref<1x1x1024xf32, #tpu.memory_space<hbm>>
    %dma_wait3A_783 = tpu.memref_squeeze %dma_wait3A_782 : memref<1x1x1024xf32, #tpu.memory_space<hbm>> -> memref<1024xf32, #tpu.memory_space<hbm>>
    %dma_wait3A_784 = tpu.memref_slice %arg9[%dma_wait3A_778] : memref<2x!tpu.dma_semaphore, #tpu.memory_space<semaphore_mem>> -> memref<1x!tpu.dma_semaphore, #tpu.memory_space<semaphore_mem>>
    %dma_wait3A_785 = tpu.memref_squeeze %dma_wait3A_784 : memref<1x!tpu.dma_semaphore, #tpu.memory_space<semaphore_mem>> -> memref<!tpu.dma_semaphore, #tpu.memory_space<semaphore_mem>>
    %dma_wait3A_786 = tpu.memref_slice %arg4[%dma_wait3A_776, %dma_wait3A_777, %mul3A_774] : memref<50x4x32768xf32, #tpu.memory_space<hbm>> -> memref<1x1x1024xf32, #tpu.memory_space<hbm>>
    %dma_wait3A_787 = tpu.memref_squeeze %dma_wait3A_786 : memref<1x1x1024xf32, #tpu.memory_space<hbm>> -> memref<1024xf32, #tpu.memory_space<hbm>>
    %dma_wait3A_788 = arith.constant 2048 : i32
    %dma_wait3A_789 = tpu.memref_slice %arg7[%dma_wait3A_775, %dma_wait3A_788] : memref<2x4096xf32, #tpu.memory_space<vmem>> -> memref<1x1024xf32, #tpu.memory_space<vmem>>
    %dma_wait3A_790 = tpu.memref_squeeze %dma_wait3A_789 : memref<1x1024xf32, #tpu.memory_space<vmem>> -> memref<1024xf32, #tpu.memory_space<vmem>>
    tpu.wait_dma2 semaphore(%dma_wait3A_785 : memref<!tpu.dma_semaphore, #tpu.memory_space<semaphore_mem>>) src(%dma_wait3A_790 : memref<1024xf32, #tpu.memory_space<vmem>>) dst(%dma_wait3A_787 : memref<1024xf32, #tpu.memory_space<hbm>>)
    %mul3A_791 = arith.constant 8 : i32
    %mul3A_792 = arith.muli %add3A, %mul3A_791 : i32
    %mul3A_793 = arith.constant 128 : i32
    %mul3A_794 = arith.muli %mul3A_792, %mul3A_793 : i32
    %dma_wait3A_795 = arith.constant 1 : i32
    %dma_wait3A_796 = arith.constant 49 : i32
    %dma_wait3A_797 = arith.constant 3 : i32
    %dma_wait3A_798 = arith.constant 1 : i32
    %dma_wait3A_799 = arith.constant 3072 : i32
    %dma_wait3A_800 = tpu.memref_slice %arg7[%dma_wait3A_795, %dma_wait3A_799] : memref<2x4096xf32, #tpu.memory_space<vmem>> -> memref<1x1024xf32, #tpu.memory_space<vmem>>
    %dma_wait3A_801 = tpu.memref_squeeze %dma_wait3A_800 : memref<1x1024xf32, #tpu.memory_space<vmem>> -> memref<1024xf32, #tpu.memory_space<vmem>>
    %dma_wait3A_802 = tpu.memref_slice %arg4[%dma_wait3A_796, %dma_wait3A_797, %mul3A_794] : memref<50x4x32768xf32, #tpu.memory_space<hbm>> -> memref<1x1x1024xf32, #tpu.memory_space<hbm>>
    %dma_wait3A_803 = tpu.memref_squeeze %dma_wait3A_802 : memref<1x1x1024xf32, #tpu.memory_space<hbm>> -> memref<1024xf32, #tpu.memory_space<hbm>>
    %dma_wait3A_804 = tpu.memref_slice %arg9[%dma_wait3A_798] : memref<2x!tpu.dma_semaphore, #tpu.memory_space<semaphore_mem>> -> memref<1x!tpu.dma_semaphore, #tpu.memory_space<semaphore_mem>>
    %dma_wait3A_805 = tpu.memref_squeeze %dma_wait3A_804 : memref<1x!tpu.dma_semaphore, #tpu.memory_space<semaphore_mem>> -> memref<!tpu.dma_semaphore, #tpu.memory_space<semaphore_mem>>
    %dma_wait3A_806 = tpu.memref_slice %arg4[%dma_wait3A_796, %dma_wait3A_797, %mul3A_794] : memref<50x4x32768xf32, #tpu.memory_space<hbm>> -> memref<1x1x1024xf32, #tpu.memory_space<hbm>>
    %dma_wait3A_807 = tpu.memref_squeeze %dma_wait3A_806 : memref<1x1x1024xf32, #tpu.memory_space<hbm>> -> memref<1024xf32, #tpu.memory_space<hbm>>
    %dma_wait3A_808 = arith.constant 3072 : i32
    %dma_wait3A_809 = tpu.memref_slice %arg7[%dma_wait3A_795, %dma_wait3A_808] : memref<2x4096xf32, #tpu.memory_space<vmem>> -> memref<1x1024xf32, #tpu.memory_space<vmem>>
    %dma_wait3A_810 = tpu.memref_squeeze %dma_wait3A_809 : memref<1x1024xf32, #tpu.memory_space<vmem>> -> memref<1024xf32, #tpu.memory_space<vmem>>
    tpu.wait_dma2 semaphore(%dma_wait3A_805 : memref<!tpu.dma_semaphore, #tpu.memory_space<semaphore_mem>>) src(%dma_wait3A_810 : memref<1024xf32, #tpu.memory_space<vmem>>) dst(%dma_wait3A_807 : memref<1024xf32, #tpu.memory_space<hbm>>)
    return
  }
}

</mosaic_0001>

<sc_bundles>
// kernel: kernel.4.cloned.1.call-start
scs
__scs_entry_jumppad:
0x0: {  	(pc) =	sbr.rel $0x88, $3  }
0x1: {  	(tag) =	ssettag $0x0;
	lr =	simm.s32 $0x1  }
0x2: {  	[smem:$0x3F9D] =	sst lr;
	_ =	strace $0xD0000000  }
0x3: {  	_ = 	snop  }
0x4: {  	_ = 	snop  }
0x5: {  	_ = 	snop  }
0x6: {  	_ = 	snop  }
0x7: {  	_ = 	snop  }
__scs_overlays_trampoline_lowered:
0x8: {  	[smem:$0x3FAC] =	sst s0  }
0x9: {  	[smem:$0x3FAD] =	sst s1  }
0xa: {  	[smem:$0x3FAE] =	sst s2  }
0xb: {  	[smem:$0x3FAF] =	sst s3  }
0xc: {  	[smem:$0x3FB0] =	sst s4  }
0xd: {  	[smem:$0x3FB1] =	sst s5  }
0xe: {  	[smem:$0x3FB2] =	sst s6  }
0xf: {  	[smem:$0x3FB3] =	sst s7  }
0x10: {  	[smem:$0x3FB4] =	sst s8  }
0x11: {  	[smem:$0x3FB5] =	sst s9;
	s0 =	simm.s32 @!p0 $0x0  }
0x12: {  	s1 =	sld [smem:$0x3F9B];
	s0 =	simm.s32 @p0 $0x1  }
0x13: {  	[smem:$0x3FB6] =	sst s0;
	s0 =	simm.s32 @!p1 $0x0  }
0x14: {  	s2 =	sld [smem:$0x3F9A];
	s0 =	simm.s32 @p1 $0x1  }
0x15: {  	[smem:$0x3FB7] =	sst s0;
	s0 =	simm.s32 @!p2 $0x0  }
0x16: {  	s3 =	sld [smem:$0x3FDB];
	s0 =	simm.s32 @p2 $0x1  }
0x17: {  	s4 =	simm.s32 $0x1BF5;
	[smem:$0x3FB9] =	sst s0  }
0x18: {  	s0 =	sld [smem:$0x3F9C];
	_ =	swait.ge [sflag:s4], $0x0  }
0x19: {  	s7 =	sld [smem:$0x3F9D]  }
0x1a: {  	s8 =	sadd.s32 $0xFFFFE003, lr  }
0x1b: {  	s9 =	sadd.s32 $0xFFFFFEF7, lr;
	s5 =	simm.s32 $0xFFFFFFFF;
	p2 =	slt.u32 s8, $0xFFFFF086  }
0x1c: {  	p1 =	slt.u32 s9, $0xF7A;
	s5 =	simm.s32 @!p2 $0x0  }
0x1d: {  	s5 =	simm.s32 @p1 $0x1;
	p0 =	seq.s32 s7, s2  }
0x1e: {  	s7 =	smul.u32 @!p0 $0xF7A, s2;
	p2 =	seq.s32 @!p0 s5, $0x0  }
0x1f: {  	s9 =	smul.u32 $0xF7A, s1;
	s8 =	simm.s32 @!p0 $0x1BF5;
	p2 =	por !p2, p0  }
0x20: {  	[sflag:s8] =	ssyncset.s32 @!p0 $0xFFFFF086;
	s6 =	sadd.s32 @!p0 s3, s7;
	s7 =	simm.s32 @!p0 $0x108  }
0x21: {  	s3 =	sadd.s32 s3, s9;
	s6 =	sadd.s32 @!p0 $0x88, s6;
	s7 =	simm.s32 @p2 $0x1082  }
0x22: {  	[simem:s7], [sflag:s8] =	dma.local @!p0 [hbm:s6], $0xF7A  }
0x23: {  	s9 =	sor.u32 $0xD0000000, s2;
	s6 =	simm.s32 $0x108;
	_ =	swait.ge @!p0 [sflag:s8], $0x0  }
0x24: {  	s3 =	sadd.s32 $0x88, s3;
	s6 =	simm.s32 @!p1 $0x1082;
	[sflag:s4] =	ssyncset.s32 $0xFFFFF086  }
0x25: {  	[simem:s6], [sflag:s4] =	dma.local [hbm:s3], $0xF7A  }
0x26: {  	[smem:$0x3F9D] =	sst s1;
	(tag) =	ssettag s2;
	_ =	strace s9  }
0x27: {  	s1 =	sld [smem:$0x3FAD]  }
0x28: {  	s2 =	sld [smem:$0x3FAE]  }
0x29: {  	s4 =	sld [smem:$0x3FB0]  }
0x2a: {  	p0 =	seq.s32 s5, $0x0;
	s5 =	sld [smem:$0x3FB1]  }
0x2b: {  	s6 =	sld [smem:$0x3FB2]  }
0x2c: {  	s7 =	sld [smem:$0x3FB3]  }
0x2d: {  	s3 =	simm.s32 $0x108;
	s8 =	sld [smem:$0x3FB4]  }
0x2e: {  	s3 =	simm.s32 @!p0 $0x1082;
	s9 =	sld [smem:$0x3FB5]  }
0x2f: {  	lr =	sadd.s32 s0, s3;
	s0 =	sld [smem:$0x3FAC]  }
0x30: {  	s3 =	sld [smem:$0x3FAF]  }
0x31: {  	[smem:$0x3FB8] =	sst s10  }
0x32: {  	s10 =	sld [smem:$0x3FB6];
	_ =	sdelay $0x3  }
0x33: {  	p0 =	seq.s32 s10, $0x1;
	s10 =	sld [smem:$0x3FB8];
	_ =	sdelay $0x3  }
0x34: {  	[smem:$0x3FB8] =	sst s10  }
0x35: {  	s10 =	sld [smem:$0x3FB7];
	_ =	sdelay $0x3  }
0x36: {  	p1 =	seq.s32 s10, $0x1;
	s10 =	sld [smem:$0x3FB8];
	_ =	sdelay $0x3  }
0x37: {  	[smem:$0x3FB8] =	sst s10  }
0x38: {  	s10 =	sld [smem:$0x3FB9]  }
0x39: {  	_ = 	snop;
	(pc) =	sbr.ind lr, $3  }
0x3a: {  	_ = 	snop  }
0x3b: {  	_ = 	snop  }
0x3c: {  	p2 =	seq.s32 s10, $0x1;
	s10 =	sld [smem:$0x3FB8]  }
0x3d: {  	_ =	shalt  }
0x3e: {  	_ =	shalt  }
0x3f: {  	_ =	shalt  }
0x40: {  	_ =	shalt  }
0x41: {  	_ =	shalt  }
0x42: {  	_ =	shalt  }
0x43: {  	_ =	shalt  }
0x44: {  	_ =	shalt  }
0x45: {  	_ =	shalt  }
0x46: {  	_ =	shalt  }
0x47: {  	_ =	shalt  }
0x48: {  	_ =	shalt  }
0x49: {  	_ =	shalt  }
0x4a: {  	_ =	shalt  }
0x4b: {  	_ =	shalt  }
0x4c: {  	_ =	shalt  }
0x4d: {  	_ =	shalt  }
0x4e: {  	_ =	shalt  }
0x4f: {  	_ =	shalt  }
0x50: {  	_ =	shalt  }
0x51: {  	_ =	shalt  }
0x52: {  	_ =	shalt  }
0x53: {  	_ =	shalt  }
0x54: {  	_ =	shalt  }
0x55: {  	_ =	shalt  }
0x56: {  	_ =	shalt  }
0x57: {  	_ =	shalt  }
0x58: {  	_ =	shalt  }
0x59: {  	_ =	shalt  }
0x5a: {  	_ =	shalt  }
0x5b: {  	_ =	shalt  }
0x5c: {  	_ =	shalt  }
0x5d: {  	_ =	shalt  }
0x5e: {  	_ =	shalt  }
0x5f: {  	_ =	shalt  }
0x60: {  	_ =	shalt  }
0x61: {  	_ =	shalt  }
0x62: {  	_ =	shalt  }
0x63: {  	_ =	shalt  }
0x64: {  	_ =	shalt  }
0x65: {  	_ =	shalt  }
0x66: {  	_ =	shalt  }
0x67: {  	_ =	shalt  }
0x68: {  	_ =	shalt  }
0x69: {  	_ =	shalt  }
0x6a: {  	_ =	shalt  }
0x6b: {  	_ =	shalt  }
0x6c: {  	_ =	shalt  }
0x6d: {  	_ =	shalt  }
0x6e: {  	_ =	shalt  }
0x6f: {  	_ =	shalt  }
0x70: {  	_ =	shalt  }
0x71: {  	_ =	shalt  }
0x72: {  	_ =	shalt  }
0x73: {  	_ =	shalt  }
0x74: {  	_ =	shalt  }
0x75: {  	_ =	shalt  }
0x76: {  	_ =	shalt  }
0x77: {  	_ =	shalt  }
0x78: {  	_ =	shalt  }
0x79: {  	_ =	shalt  }
0x7a: {  	_ =	shalt  }
0x7b: {  	_ =	shalt  }
0x7c: {  	_ =	shalt  }
0x7d: {  	_ =	shalt  }
0x7e: {  	_ =	shalt  }
0x7f: {  	_ =	shalt  }
0x80: {  	_ =	shalt  }
0x81: {  	_ =	shalt  }
0x82: {  	_ =	shalt  }
0x83: {  	_ =	shalt  }
0x84: {  	_ =	shalt  }
0x85: {  	_ =	shalt  }
0x86: {  	_ =	shalt  }
0x87: {  	_ =	shalt  }
.Lfunc_end0:
.L_simem_size_0:
called_computation_lowered:
.L_overlay_start_0:
0x88: {  	s2 =	sld [smem:$0x3FD9]  }
0x89: {  	s3 =	sld [smem:$0x3FFE];
	_ =	sdelay $0x1  }
0x8a: {  	s1 =	srdreg.scid  }
0x8b: {  	s0 =	sand.u32 $0x1, s1  }
0x8c: {  	s14 =	sshll.u32 s0, $0xA;
	s2 =	sadd.s32 s3, s2  }
0x8d: {  	s2 =	sadd.s32 s2, s14  }
0x8e: {  	[smem:$0x3FC4] =	sst s2  }
0x8f: {  	_ = 	snop  }
0x90: {  	s2 =	sld [smem:$0x3FD0];
	_ =	sdelay $0x2  }
0x91: {  	s15 =	simm.s32 $0xB;
	s4 =	simm.s32 $0x10  }
0x92: {  	[smem:s4], [sflag:s15] =	dma.local [hbm:s2], $0x1  }
0x93: {  	_ =	swait.eq [sflag:s15], $0x1  }
0x94: {  	[sflag:s15] =	ssyncset.done $0x0  }
0x95: {  	[sflag:s15] =	ssyncadd.s32 $0xFFFFFFFF  }
0x96: {  	s16 =	sld [smem:$0x11];
	(tm) =	ssettm $0x1  }
0x97: {  	s17 =	sld [smem:$0x3FFB];
	_ =	sdelay $0x3  }
0x98: {  	_ =	strace s17  }
0x99: {  	s3 =	sld [smem:$0x3FFC];
	_ =	sdelay $0x3  }
0x9a: {  	_ =	strace s3  }
0x9b: {  	s3 =	sld [smem:$0x3FFD];
	_ =	sdelay $0x3  }
0x9c: {  	_ =	strace s3  }
0x9d: {  	_ =	strace $0x8FFFFFFF  }
0x9e: {  	s18 =	sld [smem:$0x3FDB];
	_ =	sdelay $0x1  }
0x9f: {  	s19 =	simm.s32 $_scs_section_size  }
0xa0: {  	s5 =	simm.s32 $_size__tile_overlayer_lowered;
	s6 =	simm.s32 $_tile_overlayer_lowered  }
0xa1: {  	s22 =	simm.s32 $0x1BFF;
	s21 =	sshll.u32 s6, $0x1;
	s3 =	sadd.s32 s19, s18  }
0xa2: {  	s7 =	simm.s32 $0x0;
	s20 =	sshll.u32 s5, $0x1;
	s5 =	sadd.s32 s21, s3  }
0xa3: {  	[timem:s7], [sflag:s22] =	dma.local [hbm:s5], s20  }
0xa4: {  	_ =	swait.ge [sflag:s22], s20  }
0xa5: {  	s4 =	ssub.s32 $0x0, s20;
	[sflag:s22] =	ssyncset.done $0x0  }
0xa6: {  	[sflag:s22] =	ssyncadd.s32 s4;
	_ =	sdelay $0x1  }
0xa7: {  	s23 =	simm.s32 $0x1B8B  }
0xa8: {  	_ =	swait.ge [sflag:s23], $0x1  }
0xa9: {  	[sflag:s23] =	ssyncset.done $0x0  }
0xaa: {  	s25 =	simm.s32 $0x1B8E;
	s24 =	sld [smem:$0x3FFE];
	[sflag:s23] =	ssyncadd.s32 $0xFFFFFFFF  }
0xab: {  	s26 =	simm.s32 $execute0_lowered;
	[smem:$0x3FD2] =	sst s25  }
0xac: {  	s5 =	sshll.u32 s26, $0x1;
	_ =	strace $0x80000046;
	[dreg:$0x1] =	wrdreg $0xFFFFFFFF  }
0xad: {  	s28 =	simm.s32 $_size_execute0_lowered;
	s3 =	sadd.s32 s3, s5;
	[dreg:$0x0] =	wrdreg $0x0  }
0xae: {  	s5 =	sshll.u32 s28, $0x1;
	[dreg:$0x2] =	wrdreg s3  }
0xaf: {  	[dreg:$0x3] =	wrdreg s5  }
0xb0: {  	[dreg:$0x4] =	wrdreg $0xC0  }
0xb1: {  	_ =	task [dreg:s7], $0x5FFFF  }
0xb2: {  	[dreg:$0x1] =	wrdreg $0xFFFFFFFF  }
0xb3: {  	[dreg:$0x0] =	wrdreg $0x60  }
0xb4: {  	[dreg:$0x2] =	wrdreg s24  }
0xb5: {  	[dreg:$0x3] =	wrdreg s16  }
0xb6: {  	[dreg:$0x4] =	wrdreg $0x9  }
0xb7: {  	_ =	task.clear_ibuf [dreg:s7], $0x5FFFF;
	_ =	strace $0x90000046  }
0xb8: {  	s29 =	simm.s32 $0x9;
	_ =	strace $0x80000048  }
0xb9: {  	_ =	swait.ge [sflag:s29], $0x1  }
0xba: {  	[sflag:s29] =	ssyncadd.s32 $0xFFFFFFFF  }
0xbb: {  	_ =	strace $0x90000048  }
0xbc: {  	_ =	sfence  }
0xbd: {  	s30 =	sld [smem:$0x0];
	_ =	sdelay $0x2  }
0xbe: {  	s31 =	sshll.u32 s1, $0xD;
	s1 =	sshrl.u32 s1, $0x2  }
0xbf: {  	s3 =	sand.u32 $0x4000, s31;
	s1 =	sadd.s32 s1, s30  }
0xc0: {  	s0 =	sor.u32 s3, s0;
	s1 =	sshll.u32 s1, $0x11  }
0xc1: {  	s0 =	sor.u32 s1, s0  }
0xc2: {  	s0 =	sadd.s32 $0x8F2B, s0  }
0xc3: {  	[sflag:s0] =	ssyncadd.remote.s32 $0x1  }
0xc4: {  	_ =	sfence.sel $0xFFFF  }
0xc5: {  	[dreg:$0x0] =	wrdreg $0xFFFFFFFF;
	(pc) =	sbr.abs _section_cstart, $3  }
0xc6: {  	[dreg:$0x1] =	wrdreg $0xFFFFFFFF  }
0xc7: {  	_ =	task.clear_ibuf [dreg:s7], $0x2FFFF;
	_ =	strace $0x9FFFFFFF  }
0xc8: {  	(tm) =	ssettm $0x7FFFFFFF  }
0xc9: {  	_ =	shalt  }
tec
execute0_lowered:
.L_overlay_start_1:
0x0: {  	(tag) =	ssettag $0x1  }
0x1: {  	s0 =	srdreg.scid;
	s1 =	rddreg [dreg:$0x0]  }
0x2: {  	s9 =	stileid.u32;
	s4 =	rddreg [dreg:$0x1];
	s16 =	simm.s32 $0x32  }
0x3: {  	s28 =	simm.s32 $0x3B40;
	s30 =	simm.s32 $0x4180;
	s29 =	simm.s32 $0x4  }
0x4: {  	s31 =	simm.s32 $0xC;
	s10 =	simm.s32 $0x8;
	s0 =	sand.u32 $0x1, s0  }
0x5: {  	s11 =	simm.s32 $0x10;
	s2 =	sshll.u32 s9, $0x8;
	s3 =	sshll.u32 s0, $0x7  }
0x6: {  	s13 =	simm.s32 $0x0;
	s23 =	smul.u32 $0xC800, s9;
	s3 =	sor.u32 s3, s2  }
0x7: {  	s6 =	ssub.s32 $0x2, s0;
	s2 =	simm.s32 $0x0;
	s5 =	smul.u32 $0x7, s3  }
0x8: {  	s7 =	sshrl.u32 s6, $0x1;
	[smem:$0x7FF] =	sst s2;
	s3 =	smul.u32 $0x640, s3  }
0x9: {  	s17 =	ssub.s32 s6, s7;
	_ =	strace $0x80000047;
	s5 =	sadd.s32 s5, s1  }
0xa: {  	s8 =	sshrl.u32 s3, $0x3;
	s3 =	sadd.s32 $0x188800, s1;
	s1 =	smax.u32 s17, $0x1  }
0xb: {  	s18 =	sadd.s32 s4, s8;
	s5 =	sadd.s32 $0x1C00, s5;
	[dreg:$0xc] =	wrdreg s1  }
0xc: {  	s9 =	simm.s32 $0xF;
	[dreg:$0x3] =	wrdreg s5;
	s19 =	sadd.s32 $0x5DC0, s18  }
0xd: {  	s0 =	smul.u32 $0x6400, s0;
	s20 =	sadd.s32 $0x5E88, s18;
	[dreg:$0x4] =	wrdreg s19  }
0xe: {  	s7 =	simm.s32 $0xE;
	s21 =	sadd.s32 $0x5F50, s18;
	[dreg:$0x5] =	wrdreg s20  }
0xf: {  	s17 =	simm.s32 $0x1C00;
	s22 =	sadd.s32 $0x6018, s18;
	[dreg:$0x6] =	wrdreg s21  }
0x10: {  	s4 =	sadd.s32 s23, s4;
	s24 =	sadd.s32 $0x60E0, s18;
	[dreg:$0x7] =	wrdreg s22  }
0x11: {  	s23 =	simm.s32 $0x2EC0;
	s25 =	sadd.s32 $0x61A8, s18;
	[dreg:$0x8] =	wrdreg s24  }
0x12: {  	s1 =	simm.s32 $0x47C0;
	s26 =	sadd.s32 $0x6270, s18;
	[dreg:$0x9] =	wrdreg s25  }
0x13: {  	s8 =	simm.s32 $0x7;
	s6 =	sadd.s32 $0x6338, s18;
	[dreg:$0xa] =	wrdreg s26  }
0x14: {  	s0 =	sadd.s32 s0, s4;
	s18 =	simm.s32 $0x9;
	[dreg:$0xb] =	wrdreg s6  }
0x15: {  	s4 =	simm.s32 $0x5;
	s5 =	simm.s32 $0xD;
	[dreg:$0xd] =	wrdreg s0  }
0x16: {  	s19 =	simm.s32 $0x2240;
	s21 =	simm.s32 $0x2880;
	s25 =	simm.s32 $0x3500  }
0x17: {  	s0 =	simm.s32 $0x1;
	s20 =	simm.s32 $0x2;
	s22 =	simm.s32 $0xA  }
0x18: {  	s24 =	simm.s32 $0x3;
	s26 =	simm.s32 $0xB;
	s6 =	simm.s32 $0x6  }
.LBB2_1:
0x19: {  	[dreg:$0xe] =	wrdreg s13  }
0x1a: {  	s12 =	rddreg [dreg:$0x3];
	s14 =	simm.s32 $0x11  }
0x1b: {  	[tilespmem:s2], [sflag:$0x11] =	stream.linear.gather [hbm4b:s12+s2], $0x1C00, $0x38;
	[tilespmem:$0x4E00] =	vst v63  }
0x1c: {  	_ =	swait.ge [sflag:s14], $0x1C00  }
0x1d: {  	[sflag:s14] =	ssyncset.done $0x0  }
0x1e: {  	[sflag:s14] =	ssyncadd.s32 $0xFFFFE400  }
0x1f: {  	[tilespmem:s17], [sflag:$0x1] =	stream.indirect.gather [hbm4b:s3+s16], $0x20, s2, s16, $0xb8;
	[tilespmem:$0x4E00] =	vst v63  }
0x20: {  	s15 =	simm.s32 $0x38  }
0x21: {  	[tilespmem:s19], [sflag:$0x2] =	stream.indirect.gather [hbm4b:s3+s16], $0x20, s15, s16, $0xb8;
	[tilespmem:$0x4E00] =	vst v63  }
0x22: {  	s13 =	simm.s32 $0x70  }
0x23: {  	[tilespmem:s21], [sflag:$0x3] =	stream.indirect.gather [hbm4b:s3+s16], $0x20, s13, s16, $0xb8;
	[tilespmem:$0x4E00] =	vst v63  }
0x24: {  	s14 =	simm.s32 $0xA8  }
0x25: {  	[tilespmem:s23], [sflag:$0x4] =	stream.indirect.gather [hbm4b:s3+s16], $0x20, s14, s16, $0xb8;
	[tilespmem:$0x4E00] =	vst v63  }
0x26: {  	s15 =	simm.s32 $0xE0  }
0x27: {  	[tilespmem:s25], [sflag:$0x5] =	stream.indirect.gather [hbm4b:s3+s16], $0x20, s15, s16, $0xb8;
	[tilespmem:$0x4E00] =	vst v63  }
0x28: {  	s13 =	simm.s32 $0x118  }
0x29: {  	[tilespmem:s28], [sflag:$0x6] =	stream.indirect.gather [hbm4b:s3+s16], $0x20, s13, s16, $0xb8;
	[tilespmem:$0x4E00] =	vst v63  }
0x2a: {  	s14 =	simm.s32 $0x150  }
0x2b: {  	[tilespmem:s30], [sflag:$0x7] =	stream.indirect.gather [hbm4b:s3+s16], $0x20, s14, s16, $0xb8;
	[tilespmem:$0x4E00] =	vst v63  }
0x2c: {  	s15 =	simm.s32 $0x188  }
0x2d: {  	[tilespmem:s1], [sflag:$0x8] =	stream.indirect.gather [hbm4b:s3+s16], $0x20, s15, s16, $0xb8;
	[tilespmem:$0x4E00] =	vst v63  }
0x2e: {  	_ =	swait.ge [sflag:s0], $0x640  }
0x2f: {  	[sflag:s0] =	ssyncset.done $0x0  }
0x30: {  	s14 =	rddreg [dreg:$0xd];
	[sflag:s0] =	ssyncadd.s32 $0xFFFFF9C0  }
0x31: {  	[hbm4b:s14+s2] =	stream.linear.scatter [tilespmem:s17], [sflag:$0x9], $0x640, $0x38;
	[tilespmem:$0x4E00] =	vst v63  }
0x32: {  	_ =	swait.ge [sflag:s18], $0x640  }
0x33: {  	[sflag:s18] =	ssyncset.done $0x0  }
0x34: {  	s13 =	simm.s32 $0x1C0;
	[sflag:s18] =	ssyncadd.s32 $0xFFFFF9C0  }
0x35: {  	[tilespmem:s17], [sflag:$0x1] =	stream.indirect.gather [hbm4b:s3+s16], $0x20, s13, s16, $0xb8;
	[tilespmem:$0x4E00] =	vst v63  }
0x36: {  	_ =	swait.ge [sflag:s20], $0x640  }
0x37: {  	[sflag:s20] =	ssyncset.done $0x0  }
0x38: {  	s15 =	sadd.s32 $0xC8, s14;
	[sflag:s20] =	ssyncadd.s32 $0xFFFFF9C0  }
0x39: {  	[hbm4b:s15+s2] =	stream.linear.scatter [tilespmem:s19], [sflag:$0xA], $0x640, $0x38;
	[tilespmem:$0x4E00] =	vst v63  }
0x3a: {  	_ =	swait.ge [sflag:s22], $0x640  }
0x3b: {  	[sflag:s22] =	ssyncset.done $0x0  }
0x3c: {  	s13 =	simm.s32 $0x1F8;
	[sflag:s22] =	ssyncadd.s32 $0xFFFFF9C0  }
0x3d: {  	[tilespmem:s19], [sflag:$0x2] =	stream.indirect.gather [hbm4b:s3+s16], $0x20, s13, s16, $0xb8;
	[tilespmem:$0x4E00] =	vst v63  }
0x3e: {  	_ =	swait.ge [sflag:s24], $0x640  }
0x3f: {  	[sflag:s24] =	ssyncset.done $0x0  }
0x40: {  	s15 =	sadd.s32 $0x190, s14;
	[sflag:s24] =	ssyncadd.s32 $0xFFFFF9C0  }
0x41: {  	[hbm4b:s15+s2] =	stream.linear.scatter [tilespmem:s21], [sflag:$0xB], $0x640, $0x38;
	[tilespmem:$0x4E00] =	vst v63  }
0x42: {  	_ =	swait.ge [sflag:s26], $0x640  }
0x43: {  	[sflag:s26] =	ssyncset.done $0x0  }
0x44: {  	s13 =	simm.s32 $0x230;
	[sflag:s26] =	ssyncadd.s32 $0xFFFFF9C0  }
0x45: {  	[tilespmem:s21], [sflag:$0x3] =	stream.indirect.gather [hbm4b:s3+s16], $0x20, s13, s16, $0xb8;
	[tilespmem:$0x4E00] =	vst v63  }
0x46: {  	_ =	swait.ge [sflag:s29], $0x640  }
0x47: {  	[sflag:s29] =	ssyncset.done $0x0  }
0x48: {  	s15 =	sadd.s32 $0x258, s14;
	[sflag:s29] =	ssyncadd.s32 $0xFFFFF9C0  }
0x49: {  	[hbm4b:s15+s2] =	stream.linear.scatter [tilespmem:s23], [sflag:$0xC], $0x640, $0x38;
	[tilespmem:$0x4E00] =	vst v63  }
0x4a: {  	_ =	swait.ge [sflag:s31], $0x640  }
0x4b: {  	[sflag:s31] =	ssyncset.done $0x0  }
0x4c: {  	s13 =	simm.s32 $0x268;
	[sflag:s31] =	ssyncadd.s32 $0xFFFFF9C0  }
0x4d: {  	[tilespmem:s23], [sflag:$0x4] =	stream.indirect.gather [hbm4b:s3+s16], $0x20, s13, s16, $0xb8;
	[tilespmem:$0x4E00] =	vst v63  }
0x4e: {  	_ =	swait.ge [sflag:s4], $0x640  }
0x4f: {  	[sflag:s4] =	ssyncset.done $0x0  }
0x50: {  	s15 =	sadd.s32 $0x320, s14;
	[sflag:s4] =	ssyncadd.s32 $0xFFFFF9C0  }
0x51: {  	[hbm4b:s15+s2] =	stream.linear.scatter [tilespmem:s25], [sflag:$0xD], $0x640, $0x38;
	[tilespmem:$0x4E00] =	vst v63  }
0x52: {  	_ =	swait.ge [sflag:s5], $0x640  }
0x53: {  	[sflag:s5] =	ssyncset.done $0x0  }
0x54: {  	s13 =	simm.s32 $0x2A0;
	[sflag:s5] =	ssyncadd.s32 $0xFFFFF9C0  }
0x55: {  	[tilespmem:s25], [sflag:$0x5] =	stream.indirect.gather [hbm4b:s3+s16], $0x20, s13, s16, $0xb8;
	[tilespmem:$0x4E00] =	vst v63  }
0x56: {  	_ =	swait.ge [sflag:s6], $0x640  }
0x57: {  	[sflag:s6] =	ssyncset.done $0x0  }
0x58: {  	s15 =	sadd.s32 $0x3E8, s14;
	[sflag:s6] =	ssyncadd.s32 $0xFFFFF9C0  }
0x59: {  	[hbm4b:s15+s2] =	stream.linear.scatter [tilespmem:s28], [sflag:$0xE], $0x640, $0x38;
	[tilespmem:$0x4E00] =	vst v63  }
0x5a: {  	_ =	swait.ge [sflag:s7], $0x640  }
0x5b: {  	[sflag:s7] =	ssyncset.done $0x0  }
0x5c: {  	s13 =	simm.s32 $0x2D8;
	[sflag:s7] =	ssyncadd.s32 $0xFFFFF9C0  }
0x5d: {  	[tilespmem:s28], [sflag:$0x6] =	stream.indirect.gather [hbm4b:s3+s16], $0x20, s13, s16, $0xb8;
	[tilespmem:$0x4E00] =	vst v63  }
0x5e: {  	_ =	swait.ge [sflag:s8], $0x640  }
0x5f: {  	[sflag:s8] =	ssyncset.done $0x0  }
0x60: {  	s15 =	sadd.s32 $0x4B0, s14;
	[sflag:s8] =	ssyncadd.s32 $0xFFFFF9C0  }
0x61: {  	[hbm4b:s15+s2] =	stream.linear.scatter [tilespmem:s30], [sflag:$0xF], $0x640, $0x38;
	[tilespmem:$0x4E00] =	vst v63  }
0x62: {  	_ =	swait.ge [sflag:s9], $0x640  }
0x63: {  	[sflag:s9] =	ssyncset.done $0x0  }
0x64: {  	s13 =	simm.s32 $0x310;
	[sflag:s9] =	ssyncadd.s32 $0xFFFFF9C0  }
0x65: {  	[tilespmem:s30], [sflag:$0x7] =	stream.indirect.gather [hbm4b:s3+s16], $0x20, s13, s16, $0xb8;
	[tilespmem:$0x4E00] =	vst v63  }
0x66: {  	_ =	swait.ge [sflag:s10], $0x640  }
0x67: {  	[sflag:s10] =	ssyncset.done $0x0  }
0x68: {  	s15 =	sadd.s32 $0x578, s14;
	[sflag:s10] =	ssyncadd.s32 $0xFFFFF9C0  }
0x69: {  	[hbm4b:s15+s2] =	stream.linear.scatter [tilespmem:s1], [sflag:$0x10], $0x640, $0x38;
	[tilespmem:$0x4E00] =	vst v63  }
0x6a: {  	_ =	swait.ge [sflag:s11], $0x640  }
0x6b: {  	s12 =	simm.s32 $0x348;
	[sflag:s11] =	ssyncset.done $0x0  }
0x6c: {  	s13 =	simm.s32 $0x700;
	s15 =	sadd.s32 $0x640, s14;
	[sflag:s11] =	ssyncadd.s32 $0xFFFFF9C0  }
.LBB2_2:
0x6d: {  	[tilespmem:s1], [sflag:$0x8] =	stream.indirect.gather [hbm4b:s3+s16], $0x20, s12, s16, $0xb8;
	[tilespmem:$0x4E00] =	vst v63  }
0x6e: {  	s12 =	smov.u32 s13  }
0x6f: {  	p0 =	sne.s32 s13, $0x6200;
	s13 =	sadd.s32 $0x700, s13;
	_ =	swait.ge [sflag:s0], $0x640  }
0x70: {  	[sflag:s0] =	ssyncset.done $0x0  }
0x71: {  	[sflag:s0] =	ssyncadd.s32 $0xFFFFF9C0  }
0x72: {  	[hbm4b:s15+s2] =	stream.linear.scatter [tilespmem:s17], [sflag:$0x9], $0x640, $0x38;
	[tilespmem:$0x4E00] =	vst v63  }
0x73: {  	_ =	swait.ge [sflag:s18], $0x640  }
0x74: {  	s12 =	sshra.s32 s12, $0x2;
	[sflag:s18] =	ssyncset.done $0x0  }
0x75: {  	s14 =	sadd.s32 $0x1C0, s12;
	[sflag:s18] =	ssyncadd.s32 $0xFFFFF9C0  }
0x76: {  	[tilespmem:s17], [sflag:$0x1] =	stream.indirect.gather [hbm4b:s3+s16], $0x20, s14, s16, $0xb8;
	[tilespmem:$0x4E00] =	vst v63  }
0x77: {  	_ =	swait.ge [sflag:s20], $0x640  }
0x78: {  	[sflag:s20] =	ssyncset.done $0x0  }
0x79: {  	s14 =	sadd.s32 $0xC8, s15;
	[sflag:s20] =	ssyncadd.s32 $0xFFFFF9C0  }
0x7a: {  	[hbm4b:s14+s2] =	stream.linear.scatter [tilespmem:s19], [sflag:$0xA], $0x640, $0x38;
	[tilespmem:$0x4E00] =	vst v63  }
0x7b: {  	_ =	swait.ge [sflag:s22], $0x640  }
0x7c: {  	[sflag:s22] =	ssyncset.done $0x0  }
0x7d: {  	s14 =	sadd.s32 $0x1F8, s12;
	[sflag:s22] =	ssyncadd.s32 $0xFFFFF9C0  }
0x7e: {  	[tilespmem:s19], [sflag:$0x2] =	stream.indirect.gather [hbm4b:s3+s16], $0x20, s14, s16, $0xb8;
	[tilespmem:$0x4E00] =	vst v63  }
0x7f: {  	_ =	swait.ge [sflag:s24], $0x640  }
0x80: {  	[sflag:s24] =	ssyncset.done $0x0  }
0x81: {  	s14 =	sadd.s32 $0x190, s15;
	[sflag:s24] =	ssyncadd.s32 $0xFFFFF9C0  }
0x82: {  	[hbm4b:s14+s2] =	stream.linear.scatter [tilespmem:s21], [sflag:$0xB], $0x640, $0x38;
	[tilespmem:$0x4E00] =	vst v63  }
0x83: {  	_ =	swait.ge [sflag:s26], $0x640  }
0x84: {  	[sflag:s26] =	ssyncset.done $0x0  }
0x85: {  	s14 =	sadd.s32 $0x230, s12;
	[sflag:s26] =	ssyncadd.s32 $0xFFFFF9C0  }
0x86: {  	[tilespmem:s21], [sflag:$0x3] =	stream.indirect.gather [hbm4b:s3+s16], $0x20, s14, s16, $0xb8;
	[tilespmem:$0x4E00] =	vst v63  }
0x87: {  	_ =	swait.ge [sflag:s29], $0x640  }
0x88: {  	[sflag:s29] =	ssyncset.done $0x0  }
0x89: {  	s14 =	sadd.s32 $0x258, s15;
	[sflag:s29] =	ssyncadd.s32 $0xFFFFF9C0  }
0x8a: {  	[hbm4b:s14+s2] =	stream.linear.scatter [tilespmem:s23], [sflag:$0xC], $0x640, $0x38;
	[tilespmem:$0x4E00] =	vst v63  }
0x8b: {  	_ =	swait.ge [sflag:s31], $0x640  }
0x8c: {  	[sflag:s31] =	ssyncset.done $0x0  }
0x8d: {  	s14 =	sadd.s32 $0x268, s12;
	[sflag:s31] =	ssyncadd.s32 $0xFFFFF9C0  }
0x8e: {  	[tilespmem:s23], [sflag:$0x4] =	stream.indirect.gather [hbm4b:s3+s16], $0x20, s14, s16, $0xb8;
	[tilespmem:$0x4E00] =	vst v63  }
0x8f: {  	_ =	swait.ge [sflag:s4], $0x640  }
0x90: {  	[sflag:s4] =	ssyncset.done $0x0  }
0x91: {  	s14 =	sadd.s32 $0x320, s15;
	[sflag:s4] =	ssyncadd.s32 $0xFFFFF9C0  }
0x92: {  	[hbm4b:s14+s2] =	stream.linear.scatter [tilespmem:s25], [sflag:$0xD], $0x640, $0x38;
	[tilespmem:$0x4E00] =	vst v63  }
0x93: {  	_ =	swait.ge [sflag:s5], $0x640  }
0x94: {  	[sflag:s5] =	ssyncset.done $0x0  }
0x95: {  	s14 =	sadd.s32 $0x2A0, s12;
	[sflag:s5] =	ssyncadd.s32 $0xFFFFF9C0  }
0x96: {  	[tilespmem:s25], [sflag:$0x5] =	stream.indirect.gather [hbm4b:s3+s16], $0x20, s14, s16, $0xb8;
	[tilespmem:$0x4E00] =	vst v63  }
0x97: {  	_ =	swait.ge [sflag:s6], $0x640  }
0x98: {  	[sflag:s6] =	ssyncset.done $0x0  }
0x99: {  	s14 =	sadd.s32 $0x3E8, s15;
	[sflag:s6] =	ssyncadd.s32 $0xFFFFF9C0  }
0x9a: {  	[hbm4b:s14+s2] =	stream.linear.scatter [tilespmem:s28], [sflag:$0xE], $0x640, $0x38;
	[tilespmem:$0x4E00] =	vst v63  }
0x9b: {  	_ =	swait.ge [sflag:s7], $0x640  }
0x9c: {  	[sflag:s7] =	ssyncset.done $0x0  }
0x9d: {  	s14 =	sadd.s32 $0x2D8, s12;
	[sflag:s7] =	ssyncadd.s32 $0xFFFFF9C0  }
0x9e: {  	[tilespmem:s28], [sflag:$0x6] =	stream.indirect.gather [hbm4b:s3+s16], $0x20, s14, s16, $0xb8;
	[tilespmem:$0x4E00] =	vst v63  }
0x9f: {  	_ =	swait.ge [sflag:s8], $0x640  }
0xa0: {  	[sflag:s8] =	ssyncset.done $0x0  }
0xa1: {  	s14 =	sadd.s32 $0x4B0, s15;
	[sflag:s8] =	ssyncadd.s32 $0xFFFFF9C0  }
0xa2: {  	[hbm4b:s14+s2] =	stream.linear.scatter [tilespmem:s30], [sflag:$0xF], $0x640, $0x38;
	[tilespmem:$0x4E00] =	vst v63  }
0xa3: {  	_ =	swait.ge [sflag:s9], $0x640  }
0xa4: {  	[sflag:s9] =	ssyncset.done $0x0  }
0xa5: {  	s14 =	sadd.s32 $0x310, s12;
	[sflag:s9] =	ssyncadd.s32 $0xFFFFF9C0  }
0xa6: {  	[tilespmem:s30], [sflag:$0x7] =	stream.indirect.gather [hbm4b:s3+s16], $0x20, s14, s16, $0xb8;
	[tilespmem:$0x4E00] =	vst v63  }
0xa7: {  	_ =	swait.ge [sflag:s10], $0x640  }
0xa8: {  	[sflag:s10] =	ssyncset.done $0x0  }
.Ltmp0:
0xa9: {  	s14 =	sadd.s32 $0x578, s15;
	[sflag:s10] =	ssyncadd.s32 $0xFFFFF9C0;
	(pc) =	sbr.rel @p0 .LBB2_2-.Ltmp0, $4  }
0xaa: {  	[hbm4b:s14+s2] =	stream.linear.scatter [tilespmem:s1], [sflag:$0x10], $0x640, $0x38;
	[tilespmem:$0x4E00] =	vst v63  }
0xab: {  	_ =	swait.ge [sflag:s11], $0x640  }
0xac: {  	[sflag:s11] =	ssyncset.done $0x0  }
0xad: {  	s12 =	sadd.s32 $0x348, s12;
	s15 =	sadd.s32 $0x640, s15;
	[sflag:s11] =	ssyncadd.s32 $0xFFFFF9C0  }
0xae: {  	[tilespmem:s1], [sflag:$0x8] =	stream.indirect.gather [hbm4b:s3+s16], $0x20, s12, s16, $0xb8;
	[tilespmem:$0x4E00] =	vst v63  }
0xaf: {  	_ =	swait.ge [sflag:s0], $0x640  }
0xb0: {  	[sflag:s0] =	ssyncset.done $0x0  }
0xb1: {  	s13 =	rddreg [dreg:$0x4];
	[sflag:s0] =	ssyncadd.s32 $0xFFFFF9C0  }
0xb2: {  	[hbm4b:s13+s2] =	stream.linear.scatter [tilespmem:s17], [sflag:$0x9], $0x640, $0x38;
	[tilespmem:$0x4E00] =	vst v63  }
0xb3: {  	_ =	swait.ge [sflag:s20], $0x640  }
0xb4: {  	[sflag:s20] =	ssyncset.done $0x0  }
0xb5: {  	s14 =	rddreg [dreg:$0x5];
	[sflag:s20] =	ssyncadd.s32 $0xFFFFF9C0  }
0xb6: {  	[hbm4b:s14+s2] =	stream.linear.scatter [tilespmem:s19], [sflag:$0xA], $0x640, $0x38;
	[tilespmem:$0x4E00] =	vst v63  }
0xb7: {  	_ =	swait.ge [sflag:s24], $0x640  }
0xb8: {  	[sflag:s24] =	ssyncset.done $0x0  }
0xb9: {  	s15 =	rddreg [dreg:$0x6];
	[sflag:s24] =	ssyncadd.s32 $0xFFFFF9C0  }
0xba: {  	[hbm4b:s15+s2] =	stream.linear.scatter [tilespmem:s21], [sflag:$0xB], $0x640, $0x38;
	[tilespmem:$0x4E00] =	vst v63  }
0xbb: {  	_ =	swait.ge [sflag:s29], $0x640  }
0xbc: {  	[sflag:s29] =	ssyncset.done $0x0  }
0xbd: {  	s13 =	rddreg [dreg:$0x7];
	[sflag:s29] =	ssyncadd.s32 $0xFFFFF9C0  }
0xbe: {  	[hbm4b:s13+s2] =	stream.linear.scatter [tilespmem:s23], [sflag:$0xC], $0x640, $0x38;
	[tilespmem:$0x4E00] =	vst v63  }
0xbf: {  	_ =	swait.ge [sflag:s4], $0x640  }
0xc0: {  	[sflag:s4] =	ssyncset.done $0x0  }
0xc1: {  	s14 =	rddreg [dreg:$0x8];
	[sflag:s4] =	ssyncadd.s32 $0xFFFFF9C0  }
0xc2: {  	[hbm4b:s14+s2] =	stream.linear.scatter [tilespmem:s25], [sflag:$0xD], $0x640, $0x38;
	[tilespmem:$0x4E00] =	vst v63  }
0xc3: {  	_ =	swait.ge [sflag:s6], $0x640  }
0xc4: {  	[sflag:s6] =	ssyncset.done $0x0  }
0xc5: {  	s15 =	rddreg [dreg:$0x9];
	[sflag:s6] =	ssyncadd.s32 $0xFFFFF9C0  }
0xc6: {  	[hbm4b:s15+s2] =	stream.linear.scatter [tilespmem:s28], [sflag:$0xE], $0x640, $0x38;
	[tilespmem:$0x4E00] =	vst v63  }
0xc7: {  	_ =	swait.ge [sflag:s8], $0x640  }
0xc8: {  	[sflag:s8] =	ssyncset.done $0x0  }
0xc9: {  	s13 =	rddreg [dreg:$0xa];
	[sflag:s8] =	ssyncadd.s32 $0xFFFFF9C0  }
0xca: {  	[hbm4b:s13+s2] =	stream.linear.scatter [tilespmem:s30], [sflag:$0xF], $0x640, $0x38;
	[tilespmem:$0x4E00] =	vst v63  }
0xcb: {  	_ =	swait.ge [sflag:s10], $0x640  }
0xcc: {  	[sflag:s10] =	ssyncset.done $0x0  }
0xcd: {  	s14 =	rddreg [dreg:$0xb];
	[sflag:s10] =	ssyncadd.s32 $0xFFFFF9C0  }
0xce: {  	[hbm4b:s14+s2] =	stream.linear.scatter [tilespmem:s1], [sflag:$0x10], $0x640, $0x38;
	[tilespmem:$0x4E00] =	vst v63  }
0xcf: {  	_ =	swait.ge [sflag:s18], $0x640  }
0xd0: {  	[sflag:s18] =	ssyncset.done $0x0  }
0xd1: {  	[sflag:s18] =	ssyncadd.s32 $0xFFFFF9C0  }
0xd2: {  	_ =	swait.ge [sflag:s22], $0x640  }
0xd3: {  	[sflag:s22] =	ssyncset.done $0x0  }
0xd4: {  	[sflag:s22] =	ssyncadd.s32 $0xFFFFF9C0  }
0xd5: {  	_ =	swait.ge [sflag:s26], $0x640  }
0xd6: {  	[sflag:s26] =	ssyncset.done $0x0  }
0xd7: {  	[sflag:s26] =	ssyncadd.s32 $0xFFFFF9C0  }
0xd8: {  	_ =	swait.ge [sflag:s31], $0x640  }
0xd9: {  	[sflag:s31] =	ssyncset.done $0x0  }
0xda: {  	[sflag:s31] =	ssyncadd.s32 $0xFFFFF9C0  }
0xdb: {  	_ =	swait.ge [sflag:s5], $0x640  }
0xdc: {  	[sflag:s5] =	ssyncset.done $0x0  }
0xdd: {  	[sflag:s5] =	ssyncadd.s32 $0xFFFFF9C0  }
0xde: {  	_ =	swait.ge [sflag:s7], $0x640  }
0xdf: {  	[sflag:s7] =	ssyncset.done $0x0  }
0xe0: {  	[sflag:s7] =	ssyncadd.s32 $0xFFFFF9C0  }
0xe1: {  	_ =	swait.ge [sflag:s9], $0x640  }
0xe2: {  	[sflag:s9] =	ssyncset.done $0x0  }
0xe3: {  	[sflag:s9] =	ssyncadd.s32 $0xFFFFF9C0  }
0xe4: {  	_ =	swait.ge [sflag:s11], $0x640  }
0xe5: {  	s13 =	rddreg [dreg:$0xe]  }
0xe6: {  	s15 =	rddreg [dreg:$0xc];
	s13 =	sadd.s32 $0x1, s13  }
0xe7: {  	p0 =	sne.s32 s13, s15  }
.Ltmp1:
0xe8: {  	_ = 	snop;
	(pc) =	sbr.rel @p0 .LBB2_1-.Ltmp1, $3  }
0xe9: {  	_ =	sdelay $0x1  }
0xea: {  	[sflag:s11] =	ssyncset.done $0x0  }
0xeb: {  	[sflag:s11] =	ssyncadd.s32 $0xFFFFF9C0  }
0xec: {  	_ =	sfence.sel $0x180000  }
0xed: {  	[bflag:$0x0] =	sbarrier.arrive $0xFFFF  }
0xee: {  	_ =	strace $0x90000047  }
0xef: {  	s0 =	stileid.u32;
	[bflag:$0x2] =	sbarrier.arrive $0xFFFF  }
0xf0: {  	p0 =	sne.s32 s0, $0x0;
	s0 =	rddreg [dreg:$0x2]  }
0xf1: {  	s0 =	sadd.s32 @!p0 $0x100000, s0  }
0xf2: {  	[sflag:s0] =	ssyncadd.tile.s32 @!p0 $0x1;
	_ =	shalt  }
.Lfunc_end2:
_tile_overlayer_lowered:
.L_overlay_start_2:
0xf3: {  	(tag) =	ssettag $0x2  }
0xf4: {  	s0 =	rddreg [dreg:$0x0];
	s2 =	stileid.u32  }
0xf5: {  	s1 =	rddreg [dreg:$0x1];
	p0 =	sne.s32 s2, $0x0  }
0xf6: {  	s3 =	rddreg [dreg:$0x2];
	[bflag:$0x3] =	sbarrier.arrive $0xFFFF;
	s2 =	simm.s32 @!p0 $0x1C11  }
0xf7: {  	[timem:s3], [sflag:s2] =	dma.local @!p0 [hbm:s0], s1  }
0xf8: {  	s0 =	simm.s32 @!p0 $0x11  }
0xf9: {  	_ =	swait.ge @!p0 [sflag:s0], s1  }
0xfa: {  	s1 =	ssub.s32 @!p0 $0x0, s1;
	[sflag:s0] =	ssyncset.done @!p0 $0x0  }
0xfb: {  	[sflag:s0] =	ssyncadd.s32 @!p0 s1  }
0xfc: {  	[bflag:$0x3] =	sbarrier.arrive $0xFFFF  }
0xfd: {  	_ =	shalt  }

// kernel: kernel.7.cloned.1.call-start
scs
__scs_entry_jumppad:
0x0: {  	(pc) =	sbr.rel $0x88, $3  }
0x1: {  	(tag) =	ssettag $0x0;
	lr =	simm.s32 $0x1  }
0x2: {  	[smem:$0x3F9D] =	sst lr;
	_ =	strace $0xD0000000  }
0x3: {  	_ = 	snop  }
0x4: {  	_ = 	snop  }
0x5: {  	_ = 	snop  }
0x6: {  	_ = 	snop  }
0x7: {  	_ = 	snop  }
__scs_overlays_trampoline_lowered:
0x8: {  	[smem:$0x3FAC] =	sst s0  }
0x9: {  	[smem:$0x3FAD] =	sst s1  }
0xa: {  	[smem:$0x3FAE] =	sst s2  }
0xb: {  	[smem:$0x3FAF] =	sst s3  }
0xc: {  	[smem:$0x3FB0] =	sst s4  }
0xd: {  	[smem:$0x3FB1] =	sst s5  }
0xe: {  	[smem:$0x3FB2] =	sst s6  }
0xf: {  	[smem:$0x3FB3] =	sst s7  }
0x10: {  	[smem:$0x3FB4] =	sst s8  }
0x11: {  	[smem:$0x3FB5] =	sst s9;
	s0 =	simm.s32 @!p0 $0x0  }
0x12: {  	s1 =	sld [smem:$0x3F9B];
	s0 =	simm.s32 @p0 $0x1  }
0x13: {  	[smem:$0x3FB6] =	sst s0;
	s0 =	simm.s32 @!p1 $0x0  }
0x14: {  	s2 =	sld [smem:$0x3F9A];
	s0 =	simm.s32 @p1 $0x1  }
0x15: {  	[smem:$0x3FB7] =	sst s0;
	s0 =	simm.s32 @!p2 $0x0  }
0x16: {  	s3 =	sld [smem:$0x3FDB];
	s0 =	simm.s32 @p2 $0x1  }
0x17: {  	s4 =	simm.s32 $0x1BF5;
	[smem:$0x3FB9] =	sst s0  }
0x18: {  	s0 =	sld [smem:$0x3F9C];
	_ =	swait.ge [sflag:s4], $0x0  }
0x19: {  	s7 =	sld [smem:$0x3F9D]  }
0x1a: {  	s8 =	sadd.s32 $0xFFFFE003, lr  }
0x1b: {  	s9 =	sadd.s32 $0xFFFFFEF7, lr;
	s5 =	simm.s32 $0xFFFFFFFF;
	p2 =	slt.u32 s8, $0xFFFFF086  }
0x1c: {  	p1 =	slt.u32 s9, $0xF7A;
	s5 =	simm.s32 @!p2 $0x0  }
0x1d: {  	s5 =	simm.s32 @p1 $0x1;
	p0 =	seq.s32 s7, s2  }
0x1e: {  	s7 =	smul.u32 @!p0 $0xF7A, s2;
	p2 =	seq.s32 @!p0 s5, $0x0  }
0x1f: {  	s9 =	smul.u32 $0xF7A, s1;
	s8 =	simm.s32 @!p0 $0x1BF5;
	p2 =	por !p2, p0  }
0x20: {  	[sflag:s8] =	ssyncset.s32 @!p0 $0xFFFFF086;
	s6 =	sadd.s32 @!p0 s3, s7;
	s7 =	simm.s32 @!p0 $0x108  }
0x21: {  	s3 =	sadd.s32 s3, s9;
	s6 =	sadd.s32 @!p0 $0x88, s6;
	s7 =	simm.s32 @p2 $0x1082  }
0x22: {  	[simem:s7], [sflag:s8] =	dma.local @!p0 [hbm:s6], $0xF7A  }
0x23: {  	s9 =	sor.u32 $0xD0000000, s2;
	s6 =	simm.s32 $0x108;
	_ =	swait.ge @!p0 [sflag:s8], $0x0  }
0x24: {  	s3 =	sadd.s32 $0x88, s3;
	s6 =	simm.s32 @!p1 $0x1082;
	[sflag:s4] =	ssyncset.s32 $0xFFFFF086  }
0x25: {  	[simem:s6], [sflag:s4] =	dma.local [hbm:s3], $0xF7A  }
0x26: {  	[smem:$0x3F9D] =	sst s1;
	(tag) =	ssettag s2;
	_ =	strace s9  }
0x27: {  	s1 =	sld [smem:$0x3FAD]  }
0x28: {  	s2 =	sld [smem:$0x3FAE]  }
0x29: {  	s4 =	sld [smem:$0x3FB0]  }
0x2a: {  	p0 =	seq.s32 s5, $0x0;
	s5 =	sld [smem:$0x3FB1]  }
0x2b: {  	s6 =	sld [smem:$0x3FB2]  }
0x2c: {  	s7 =	sld [smem:$0x3FB3]  }
0x2d: {  	s3 =	simm.s32 $0x108;
	s8 =	sld [smem:$0x3FB4]  }
0x2e: {  	s3 =	simm.s32 @!p0 $0x1082;
	s9 =	sld [smem:$0x3FB5]  }
0x2f: {  	lr =	sadd.s32 s0, s3;
	s0 =	sld [smem:$0x3FAC]  }
0x30: {  	s3 =	sld [smem:$0x3FAF]  }
0x31: {  	[smem:$0x3FB8] =	sst s10  }
0x32: {  	s10 =	sld [smem:$0x3FB6];
	_ =	sdelay $0x3  }
0x33: {  	p0 =	seq.s32 s10, $0x1;
	s10 =	sld [smem:$0x3FB8];
	_ =	sdelay $0x3  }
0x34: {  	[smem:$0x3FB8] =	sst s10  }
0x35: {  	s10 =	sld [smem:$0x3FB7];
	_ =	sdelay $0x3  }
0x36: {  	p1 =	seq.s32 s10, $0x1;
	s10 =	sld [smem:$0x3FB8];
	_ =	sdelay $0x3  }
0x37: {  	[smem:$0x3FB8] =	sst s10  }
0x38: {  	s10 =	sld [smem:$0x3FB9]  }
0x39: {  	_ = 	snop;
	(pc) =	sbr.ind lr, $3  }
0x3a: {  	_ = 	snop  }
0x3b: {  	_ = 	snop  }
0x3c: {  	p2 =	seq.s32 s10, $0x1;
	s10 =	sld [smem:$0x3FB8]  }
0x3d: {  	_ =	shalt  }
0x3e: {  	_ =	shalt  }
0x3f: {  	_ =	shalt  }
0x40: {  	_ =	shalt  }
0x41: {  	_ =	shalt  }
0x42: {  	_ =	shalt  }
0x43: {  	_ =	shalt  }
0x44: {  	_ =	shalt  }
0x45: {  	_ =	shalt  }
0x46: {  	_ =	shalt  }
0x47: {  	_ =	shalt  }
0x48: {  	_ =	shalt  }
0x49: {  	_ =	shalt  }
0x4a: {  	_ =	shalt  }
0x4b: {  	_ =	shalt  }
0x4c: {  	_ =	shalt  }
0x4d: {  	_ =	shalt  }
0x4e: {  	_ =	shalt  }
0x4f: {  	_ =	shalt  }
0x50: {  	_ =	shalt  }
0x51: {  	_ =	shalt  }
0x52: {  	_ =	shalt  }
0x53: {  	_ =	shalt  }
0x54: {  	_ =	shalt  }
0x55: {  	_ =	shalt  }
0x56: {  	_ =	shalt  }
0x57: {  	_ =	shalt  }
0x58: {  	_ =	shalt  }
0x59: {  	_ =	shalt  }
0x5a: {  	_ =	shalt  }
0x5b: {  	_ =	shalt  }
0x5c: {  	_ =	shalt  }
0x5d: {  	_ =	shalt  }
0x5e: {  	_ =	shalt  }
0x5f: {  	_ =	shalt  }
0x60: {  	_ =	shalt  }
0x61: {  	_ =	shalt  }
0x62: {  	_ =	shalt  }
0x63: {  	_ =	shalt  }
0x64: {  	_ =	shalt  }
0x65: {  	_ =	shalt  }
0x66: {  	_ =	shalt  }
0x67: {  	_ =	shalt  }
0x68: {  	_ =	shalt  }
0x69: {  	_ =	shalt  }
0x6a: {  	_ =	shalt  }
0x6b: {  	_ =	shalt  }
0x6c: {  	_ =	shalt  }
0x6d: {  	_ =	shalt  }
0x6e: {  	_ =	shalt  }
0x6f: {  	_ =	shalt  }
0x70: {  	_ =	shalt  }
0x71: {  	_ =	shalt  }
0x72: {  	_ =	shalt  }
0x73: {  	_ =	shalt  }
0x74: {  	_ =	shalt  }
0x75: {  	_ =	shalt  }
0x76: {  	_ =	shalt  }
0x77: {  	_ =	shalt  }
0x78: {  	_ =	shalt  }
0x79: {  	_ =	shalt  }
0x7a: {  	_ =	shalt  }
0x7b: {  	_ =	shalt  }
0x7c: {  	_ =	shalt  }
0x7d: {  	_ =	shalt  }
0x7e: {  	_ =	shalt  }
0x7f: {  	_ =	shalt  }
0x80: {  	_ =	shalt  }
0x81: {  	_ =	shalt  }
0x82: {  	_ =	shalt  }
0x83: {  	_ =	shalt  }
0x84: {  	_ =	shalt  }
0x85: {  	_ =	shalt  }
0x86: {  	_ =	shalt  }
0x87: {  	_ =	shalt  }
.Lfunc_end0:
.L_simem_size_0:
called_computation.1_lowered:
.L_overlay_start_0:
0x88: {  	s2 =	sld [smem:$0x3FD9]  }
0x89: {  	s3 =	sld [smem:$0x3FFE];
	_ =	sdelay $0x1  }
0x8a: {  	s1 =	srdreg.scid  }
0x8b: {  	s0 =	sand.u32 $0x1, s1  }
0x8c: {  	s15 =	sshll.u32 s0, $0xA;
	s2 =	sadd.s32 s3, s2  }
0x8d: {  	s2 =	sadd.s32 s2, s15  }
0x8e: {  	[smem:$0x3FC4] =	sst s2  }
0x8f: {  	_ = 	snop  }
0x90: {  	s2 =	sld [smem:$0x3FD0];
	_ =	sdelay $0x2  }
0x91: {  	s16 =	simm.s32 $0xB;
	s4 =	simm.s32 $0x10  }
0x92: {  	[smem:s4], [sflag:s16] =	dma.local [hbm:s2], $0x1  }
0x93: {  	_ =	swait.eq [sflag:s16], $0x1  }
0x94: {  	[sflag:s16] =	ssyncset.done $0x0  }
0x95: {  	[sflag:s16] =	ssyncadd.s32 $0xFFFFFFFF  }
0x96: {  	s17 =	sld [smem:$0x10];
	(tm) =	ssettm $0x1  }
0x97: {  	s18 =	sld [smem:$0x3FFB];
	_ =	sdelay $0x3  }
0x98: {  	_ =	strace s18  }
0x99: {  	s2 =	sld [smem:$0x3FFC];
	_ =	sdelay $0x3  }
0x9a: {  	_ =	strace s2  }
0x9b: {  	s2 =	sld [smem:$0x3FFD];
	_ =	sdelay $0x3  }
0x9c: {  	_ =	strace s2  }
0x9d: {  	_ =	strace $0x8FFFFFFF  }
0x9e: {  	s19 =	sld [smem:$0x3FDB];
	_ =	sdelay $0x1  }
0x9f: {  	s20 =	simm.s32 $_scs_section_size  }
0xa0: {  	s5 =	simm.s32 $_size__tile_overlayer_lowered;
	s6 =	simm.s32 $_tile_overlayer_lowered  }
0xa1: {  	s7 =	simm.s32 $0x1BFF;
	s21 =	sshll.u32 s6, $0x1;
	s4 =	sadd.s32 s20, s19  }
0xa2: {  	s22 =	simm.s32 $0x0;
	s5 =	sshll.u32 s5, $0x1;
	s6 =	sadd.s32 s21, s4  }
0xa3: {  	[timem:s22], [sflag:s7] =	dma.local [hbm:s6], s5  }
0xa4: {  	_ =	swait.ge [sflag:s7], s5  }
0xa5: {  	s5 =	ssub.s32 $0x0, s5;
	[sflag:s7] =	ssyncset.done $0x0  }
0xa6: {  	[sflag:s7] =	ssyncadd.s32 s5;
	_ =	sdelay $0x1  }
0xa7: {  	s23 =	simm.s32 $0x1B8B  }
0xa8: {  	_ =	swait.ge [sflag:s23], $0x1  }
0xa9: {  	[sflag:s23] =	ssyncset.done $0x0  }
0xaa: {  	[sflag:s23] =	ssyncadd.s32 $0xFFFFFFFF  }
0xab: {  	s5 =	sld [smem:$0x0]  }
0xac: {  	s6 =	sand.u32 $0xFFFFFFFE, s1  }
0xad: {  	p0 =	sne.s32 s1, s6  }
0xae: {  	s6 =	sshll.u32 @p0 s6, $0xE  }
0xaf: {  	s6 =	sadd.s32 @p0 $0x11B8D, s6;
	s7 =	sshll.u32 @p0 s5, $0x11  }
0xb0: {  	s6 =	sor.u32 @p0 s7, s6  }
0xb1: {  	[sflag:s6] =	ssyncadd.remote.s32 @p0 $0x1;
	_ =	sdelay $0x1  }
0xb2: {  	s6 =	simm.s32 @p0 $0x1B8D  }
0xb3: {  	_ =	swait.eq @p0 [sflag:s6], $0x1  }
0xb4: {  	[sflag:s6] =	ssyncadd.s32 @p0 $0xFFFFFFFF  }
0xb5: {  	s7 =	sshll.u32 @!p0 s1, $0xE  }
0xb6: {  	s7 =	sor.u32 @!p0 $0x4000, s7;
	s6 =	simm.s32 @!p0 $0x1B8D  }
0xb7: {  	s5 =	sshll.u32 @!p0 s5, $0x11;
	s7 =	sadd.s32 @!p0 $0x11B8D, s7;
	_ =	swait.eq @!p0 [sflag:s6], $0x1  }
0xb8: {  	s5 =	sor.u32 @!p0 s5, s7;
	[sflag:s6] =	ssyncadd.s32 @!p0 $0xFFFFFFFF  }
0xb9: {  	s25 =	simm.s32 $0x1B8E;
	s24 =	sld [smem:$0x3FFE];
	[sflag:s5] =	ssyncadd.remote.s32 @!p0 $0x1  }
0xba: {  	s26 =	simm.s32 $execute0_lowered;
	[smem:$0x3FD2] =	sst s25  }
0xbb: {  	s6 =	sshll.u32 s26, $0x1;
	_ =	strace $0x80000049;
	[dreg:$0x1] =	wrdreg $0xFFFFFFFF  }
0xbc: {  	s28 =	simm.s32 $_size_execute0_lowered;
	s4 =	sadd.s32 s4, s6;
	[dreg:$0x0] =	wrdreg $0x0  }
0xbd: {  	s6 =	sshll.u32 s28, $0x1;
	[dreg:$0x2] =	wrdreg s4  }
0xbe: {  	[dreg:$0x3] =	wrdreg s6  }
0xbf: {  	[dreg:$0x4] =	wrdreg $0xC0  }
0xc0: {  	_ =	task [dreg:s22], $0x5FFFF  }
0xc1: {  	[dreg:$0x1] =	wrdreg $0xFFFFFFFF  }
0xc2: {  	[dreg:$0x0] =	wrdreg $0x60  }
0xc3: {  	[dreg:$0x2] =	wrdreg s24  }
0xc4: {  	[dreg:$0x3] =	wrdreg s17  }
0xc5: {  	[dreg:$0x4] =	wrdreg $0xA  }
0xc6: {  	_ =	task.clear_ibuf [dreg:s22], $0x5FFFF;
	_ =	strace $0x90000049  }
0xc7: {  	s29 =	simm.s32 $0xA;
	_ =	strace $0x8000004B  }
0xc8: {  	_ =	swait.ge [sflag:s29], $0x1  }
0xc9: {  	[sflag:s29] =	ssyncadd.s32 $0xFFFFFFFF  }
0xca: {  	_ =	strace $0x9000004B  }
0xcb: {  	_ =	sfence  }
0xcc: {  	s30 =	sld [smem:$0x0];
	_ =	sdelay $0x2  }
0xcd: {  	s31 =	sshll.u32 s1, $0xD;
	s1 =	sshrl.u32 s1, $0x2  }
0xce: {  	s4 =	sand.u32 $0x4000, s31;
	s1 =	sadd.s32 s1, s30  }
0xcf: {  	s0 =	sor.u32 s4, s0;
	s1 =	sshll.u32 s1, $0x11  }
0xd0: {  	s0 =	sor.u32 s1, s0  }
0xd1: {  	s0 =	sadd.s32 $0x8F2B, s0  }
0xd2: {  	[sflag:s0] =	ssyncadd.remote.s32 $0x1  }
0xd3: {  	_ =	sfence.sel $0xFFFF  }
0xd4: {  	[dreg:$0x0] =	wrdreg $0xFFFFFFFF;
	(pc) =	sbr.abs _section_cstart, $3  }
0xd5: {  	[dreg:$0x1] =	wrdreg $0xFFFFFFFF  }
0xd6: {  	_ =	task.clear_ibuf [dreg:s22], $0x2FFFF;
	_ =	strace $0x9FFFFFFF  }
0xd7: {  	(tm) =	ssettm $0x7FFFFFFF  }
tec
execute0_lowered:
.L_overlay_start_1:
0x0: {  	(tag) =	ssettag $0x1  }
0x1: {  	s0 =	rddreg [dreg:$0x0]  }
0x2: {  	s2 =	rddreg [dreg:$0x1];
	s1 =	srdreg.scid  }
0x3: {  	s4 =	stileid.u32;
	s3 =	simm.s32 $0x0;
	s29 =	simm.s32 $0x80  }
0x4: {  	s30 =	simm.s32 $0x1;
	s1 =	sand.u32 $0x1, s1;
	s4 =	sshll.u32 s4, $0x1  }
0x5: {  	[smem:$0x7FF] =	sst s3;
	s8 =	sadd.s32 $0x2000, s2;
	s5 =	sor.u32 s1, s4  }
0x6: {  	s4 =	sshll.u32 s5, $0x4;
	s14 =	sshll.u32 s5, $0xA;
	s5 =	sshll.u32 s5, $0x7  }
0x7: {  	s10 =	simm.s32 $0x4100;
	_ =	strace $0x8000004A;
	s16 =	sadd.s32 s5, s8  }
0x8: {  	s7 =	sadd.s32 s4, s0;
	s15 =	sadd.s32 s2, s5;
	[dreg:$0x6] =	wrdreg s16  }
0x9: {  	s11 =	sadd.s32 $0x3000, s2;
	s13 =	sadd.s32 $0x6A800, s7;
	[dreg:$0x4] =	wrdreg s15  }
0xa: {  	s1 =	ssub.s32 $0x2, s1;
	s17 =	sadd.s32 $0x4000, s15;
	[dreg:$0x3] =	wrdreg s13  }
0xb: {  	s6 =	sshrl.u32 s1, $0x1;
	s18 =	sadd.s32 $0x5000, s15;
	[dreg:$0x8] =	wrdreg s17  }
0xc: {  	s4 =	sadd.s32 $0x8C00, s0;
	s19 =	sadd.s32 $0x6000, s15;
	[dreg:$0x9] =	wrdreg s18  }
0xd: {  	s12 =	ssub.s32 s1, s6;
	s20 =	sadd.s32 $0x7000, s15;
	[dreg:$0xa] =	wrdreg s19  }
0xe: {  	s1 =	simm.s32 $0x2900;
	s21 =	sadd.s32 $0xC0000, s15;
	[dreg:$0xb] =	wrdreg s20  }
0xf: {  	s7 =	sadd.s32 $0x1000, s2;
	s22 =	sadd.s32 $0xC1000, s15;
	[dreg:$0xc] =	wrdreg s21  }
0x10: {  	s23 =	sadd.s32 $0xC2000, s15;
	s24 =	sadd.s32 $0xC3000, s15;
	[dreg:$0xd] =	wrdreg s22  }
0x11: {  	s25 =	sadd.s32 $0xC4000, s15;
	s26 =	sadd.s32 $0xC5000, s15;
	[dreg:$0xe] =	wrdreg s23  }
0x12: {  	s0 =	smax.u32 s12, $0x1;
	s28 =	sadd.s32 $0xC6000, s15;
	[dreg:$0xf] =	wrdreg s24  }
0x13: {  	s31 =	sadd.s32 $0xC7000, s15;
	s12 =	simm.s32 $0x4500;
	[dreg:$0x10] =	wrdreg s25  }
0x14: {  	s15 =	simm.s32 $0x4D00;
	s16 =	simm.s32 $0x5100;
	[dreg:$0x11] =	wrdreg s26  }
0x15: {  	s9 =	sadd.s32 s5, s7;
	s5 =	sadd.s32 s5, s11;
	[dreg:$0x12] =	wrdreg s0  }
0x16: {  	s17 =	sor.u32 $0x40000, s14;
	s18 =	sor.u32 $0x60000, s14;
	[dreg:$0x13] =	wrdreg s28  }
0x17: {  	v0 =	vlaneseq.u32;
	[dreg:$0x14] =	wrdreg s31;
	s0 =	simm.s32 $0x1900;
	s13 =	simm.s32 $0x2  }
0x18: {  	v0 =	vmul.u32 $0x80, v0;
	s14 =	simm.s32 $0x4900;
	s19 =	simm.s32 $0x5500;
	s20 =	simm.s32 $0x3  }
0x19: {  	s21 =	simm.s32 $0x4;
	s22 =	simm.s32 $0x0;
	[dreg:$0x5] =	wrdreg s9  }
0x1a: {  	v1 =	vor.u32 $0x800, v0;
	[dreg:$0x7] =	wrdreg s5;
	s5 =	simm.s32 $0x3900;
	s9 =	simm.s32 $0x3D00  }
.LBB2_1:
0x1b: {  	[dreg:$0x15] =	wrdreg s22  }
0x1c: {  	s6 =	rddreg [dreg:$0x3];
	s28 =	simm.s32 $0x1000;
	s31 =	simm.s32 $0x5  }
0x1d: {  	[tilespmem:s3], [sflag:$0x5] =	stream.strided.gather [hbm4b:s6+s29], $0x1900, s28, s29, $0x38;
	[tilespmem:$0x5900] =	vst v63  }
0x1e: {  	_ =	swait.ge [sflag:s31], $0x1900  }
0x1f: {  	[sflag:s31] =	ssyncset.done $0x0  }
0x20: {  	[sflag:s31] =	ssyncadd.s32 $0xFFFFE700  }
0x21: {  	[tilespmem:s0], [sflag:$0x1] =	stream.indirect.gather [hbm4b:s4+s29], $0x20, s3, s29, $0xb8;
	[tilespmem:$0x5900] =	vst v63  }
0x22: {  	_ = 	snop  }
0x23: {  	[tilespmem:s1], [sflag:$0x2] =	stream.indirect.gather [hbm4b:s4+s29], $0x20, s29, s29, $0xb8;
	[tilespmem:$0x5900] =	vst v63  }
0x24: {  	_ =	swait.ge [sflag:s30], $0x1000  }
0x25: {  	[sflag:s30] =	ssyncset.done $0x0  }
0x26: {  	s23 =	simm.s32 $0x1980;
	[sflag:s30] =	ssyncadd.s32 $0xFFFFF000  }
0x27: {  	v3 =	vor.u32 s3, v0;
	s24 =	simm.s32 $0x8;
	s6 =	simm.s32 $0x0;
	v2 =	vld [tilespmem:s23+$0xFFFFFF80]  }
.LBB2_2:
0x28: {  	p0 =	slt.u32 s24, $0x78;
	_ =	sdelay $0x3  }
0x29: {  	[tilespmem:v3+s5+$0x0] =	vst.idx.msk $0xffff, v2  }
0x2a: {  	v3 =	vor.u32 s6, v1;
	v2 =	vld [tilespmem:s23+$0xFFFFFF90];
	_ =	sdelay $0x4  }
0x2b: {  	s25 =	sadd.s32 $0x1, s6;
	[tilespmem:v3+s5+$0x0] =	vst.idx.msk $0xffff, v2  }
0x2c: {  	v3 =	vor.u32 s25, v0;
	v2 =	vld [tilespmem:s23+$0xFFFFFFA0];
	_ =	sdelay $0x4  }
0x2d: {  	[tilespmem:v3+s5+$0x0] =	vst.idx.msk $0xffff, v2  }
0x2e: {  	v3 =	vor.u32 s25, v1;
	v2 =	vld [tilespmem:s23+$0xFFFFFFB0];
	_ =	sdelay $0x4  }
0x2f: {  	s25 =	sadd.s32 $0x2, s6;
	[tilespmem:v3+s5+$0x0] =	vst.idx.msk $0xffff, v2  }
0x30: {  	v3 =	vor.u32 s25, v0;
	v2 =	vld [tilespmem:s23+$0xFFFFFFC0];
	_ =	sdelay $0x4  }
0x31: {  	[tilespmem:v3+s5+$0x0] =	vst.idx.msk $0xffff, v2  }
0x32: {  	v3 =	vor.u32 s25, v1;
	v2 =	vld [tilespmem:s23+$0xFFFFFFD0];
	_ =	sdelay $0x4  }
0x33: {  	s25 =	sadd.s32 $0x3, s6;
	[tilespmem:v3+s5+$0x0] =	vst.idx.msk $0xffff, v2  }
0x34: {  	v3 =	vor.u32 s25, v0;
	v2 =	vld [tilespmem:s23+$0xFFFFFFE0];
	_ =	sdelay $0x4  }
0x35: {  	[tilespmem:v3+s5+$0x0] =	vst.idx.msk $0xffff, v2  }
0x36: {  	v3 =	vor.u32 s25, v1;
	v2 =	vld [tilespmem:s23+$0xFFFFFFF0];
	_ =	sdelay $0x4  }
0x37: {  	s25 =	sadd.s32 $0x4, s6;
	[tilespmem:v3+s5+$0x0] =	vst.idx.msk $0xffff, v2  }
0x38: {  	v3 =	vor.u32 s25, v0;
	v2 =	vld [tilespmem:s23+$0x0];
	_ =	sdelay $0x4  }
0x39: {  	[tilespmem:v3+s5+$0x0] =	vst.idx.msk $0xffff, v2  }
0x3a: {  	v3 =	vor.u32 s25, v1;
	v2 =	vld [tilespmem:s23+$0x10];
	_ =	sdelay $0x4  }
0x3b: {  	s25 =	sadd.s32 $0x5, s6;
	[tilespmem:v3+s5+$0x0] =	vst.idx.msk $0xffff, v2  }
0x3c: {  	v3 =	vor.u32 s25, v0;
	v2 =	vld [tilespmem:s23+$0x20];
	_ =	sdelay $0x4  }
0x3d: {  	[tilespmem:v3+s5+$0x0] =	vst.idx.msk $0xffff, v2  }
0x3e: {  	v3 =	vor.u32 s25, v1;
	v2 =	vld [tilespmem:s23+$0x30];
	_ =	sdelay $0x4  }
0x3f: {  	s25 =	sadd.s32 $0x6, s6;
	[tilespmem:v3+s5+$0x0] =	vst.idx.msk $0xffff, v2  }
0x40: {  	v3 =	vor.u32 s25, v0;
	v2 =	vld [tilespmem:s23+$0x40];
	_ =	sdelay $0x4  }
0x41: {  	[tilespmem:v3+s5+$0x0] =	vst.idx.msk $0xffff, v2  }
0x42: {  	v3 =	vor.u32 s25, v1;
	v2 =	vld [tilespmem:s23+$0x50];
	_ =	sdelay $0x4  }
0x43: {  	s25 =	sadd.s32 $0x7, s6;
	s6 =	smov.u32 s24;
	[tilespmem:v3+s5+$0x0] =	vst.idx.msk $0xffff, v2  }
0x44: {  	v3 =	vor.u32 s25, v0;
	v2 =	vld [tilespmem:s23+$0x60];
	_ =	sdelay $0x4  }
0x45: {  	[tilespmem:v3+s5+$0x0] =	vst.idx.msk $0xffff, v2  }
0x46: {  	v3 =	vor.u32 s25, v1;
	v2 =	vld [tilespmem:s23+$0x70];
	_ =	sdelay $0x1  }
.Ltmp0:
0x47: {  	(pc) =	sbr.rel @p0 .LBB2_2-.Ltmp0, $3  }
0x48: {  	_ =	sdelay $0x1  }
0x49: {  	s23 =	sadd.s32 $0x100, s23;
	[tilespmem:v3+s5+$0x0] =	vst.idx.msk $0xffff, v2  }
0x4a: {  	s24 =	sadd.s32 $0x8, s24;
	v3 =	vor.u32 s6, v0;
	v2 =	vld [tilespmem:s23+$0xFFFFFF80]  }
0x4b: {  	_ =	sdelay $0x3  }
0x4c: {  	[tilespmem:v3+s5+$0x0] =	vst.idx.msk $0xffff, v2  }
0x4d: {  	v3 =	vor.u32 s6, v1;
	v2 =	vld [tilespmem:s23+$0xFFFFFF90];
	_ =	sdelay $0x4  }
0x4e: {  	s24 =	sadd.s32 $0x1, s6;
	[tilespmem:v3+s5+$0x0] =	vst.idx.msk $0xffff, v2  }
0x4f: {  	v3 =	vor.u32 s24, v0;
	v2 =	vld [tilespmem:s23+$0xFFFFFFA0];
	_ =	sdelay $0x4  }
0x50: {  	[tilespmem:v3+s5+$0x0] =	vst.idx.msk $0xffff, v2  }
0x51: {  	v3 =	vor.u32 s24, v1;
	v2 =	vld [tilespmem:s23+$0xFFFFFFB0];
	_ =	sdelay $0x4  }
0x52: {  	s22 =	sadd.s32 $0x2, s6;
	[tilespmem:v3+s5+$0x0] =	vst.idx.msk $0xffff, v2  }
0x53: {  	v3 =	vor.u32 s22, v0;
	v2 =	vld [tilespmem:s23+$0xFFFFFFC0];
	_ =	sdelay $0x4  }
0x54: {  	[tilespmem:v3+s5+$0x0] =	vst.idx.msk $0xffff, v2  }
0x55: {  	v3 =	vor.u32 s22, v1;
	v2 =	vld [tilespmem:s23+$0xFFFFFFD0];
	_ =	sdelay $0x4  }
0x56: {  	s25 =	sadd.s32 $0x3, s6;
	[tilespmem:v3+s5+$0x0] =	vst.idx.msk $0xffff, v2  }
0x57: {  	v3 =	vor.u32 s25, v0;
	v2 =	vld [tilespmem:s23+$0xFFFFFFE0];
	_ =	sdelay $0x4  }
0x58: {  	[tilespmem:v3+s5+$0x0] =	vst.idx.msk $0xffff, v2  }
0x59: {  	v3 =	vor.u32 s25, v1;
	v2 =	vld [tilespmem:s23+$0xFFFFFFF0];
	_ =	sdelay $0x4  }
0x5a: {  	s26 =	sadd.s32 $0x4, s6;
	[tilespmem:v3+s5+$0x0] =	vst.idx.msk $0xffff, v2  }
0x5b: {  	v3 =	vor.u32 s26, v0;
	v2 =	vld [tilespmem:s23+$0x0];
	_ =	sdelay $0x4  }
0x5c: {  	[tilespmem:v3+s5+$0x0] =	vst.idx.msk $0xffff, v2  }
0x5d: {  	v3 =	vor.u32 s26, v1;
	v2 =	vld [tilespmem:s23+$0x10];
	_ =	sdelay $0x4  }
0x5e: {  	s28 =	sadd.s32 $0x5, s6;
	[tilespmem:v3+s5+$0x0] =	vst.idx.msk $0xffff, v2  }
0x5f: {  	v3 =	vor.u32 s28, v0;
	v2 =	vld [tilespmem:s23+$0x20];
	_ =	sdelay $0x4  }
0x60: {  	[tilespmem:v3+s5+$0x0] =	vst.idx.msk $0xffff, v2  }
0x61: {  	v3 =	vor.u32 s28, v1;
	v2 =	vld [tilespmem:s23+$0x30];
	_ =	sdelay $0x4  }
0x62: {  	s31 =	sadd.s32 $0x6, s6;
	[tilespmem:v3+s5+$0x0] =	vst.idx.msk $0xffff, v2  }
0x63: {  	v3 =	vor.u32 s31, v0;
	v2 =	vld [tilespmem:s23+$0x40];
	_ =	sdelay $0x4  }
0x64: {  	[tilespmem:v3+s5+$0x0] =	vst.idx.msk $0xffff, v2  }
0x65: {  	v3 =	vor.u32 s31, v1;
	v2 =	vld [tilespmem:s23+$0x50];
	_ =	sdelay $0x4  }
0x66: {  	s22 =	sadd.s32 $0x7, s6;
	[tilespmem:v3+s5+$0x0] =	vst.idx.msk $0xffff, v2  }
0x67: {  	v3 =	vor.u32 s22, v0;
	v2 =	vld [tilespmem:s23+$0x60];
	_ =	sdelay $0x4  }
0x68: {  	[tilespmem:v3+s5+$0x0] =	vst.idx.msk $0xffff, v2  }
0x69: {  	v3 =	vor.u32 s22, v1;
	v2 =	vld [tilespmem:s23+$0x70];
	_ =	sdelay $0x4  }
0x6a: {  	s24 =	rddreg [dreg:$0x4];
	s23 =	simm.s32 $0x0;
	[tilespmem:v3+s5+$0x0] =	vst.idx.msk $0xffff, v2  }
0x6b: {  	[hbm4b:s24+s23] =	stream.linear.scatter [tilespmem:s5], [sflag:$0x3], $0x400, $0x38;
	[tilespmem:$0x5900] =	vst v63  }
0x6c: {  	s25 =	rddreg [dreg:$0x5]  }
0x6d: {  	[hbm4b:s25+s23] =	stream.linear.scatter [tilespmem:s9], [sflag:$0x3], $0x400, $0x38;
	[tilespmem:$0x5900] =	vst v63  }
0x6e: {  	s26 =	rddreg [dreg:$0x6]  }
0x6f: {  	[hbm4b:s26+s23] =	stream.linear.scatter [tilespmem:s10], [sflag:$0x3], $0x400, $0x38;
	[tilespmem:$0x5900] =	vst v63  }
0x70: {  	s28 =	rddreg [dreg:$0x7]  }
0x71: {  	[hbm4b:s28+s23] =	stream.linear.scatter [tilespmem:s12], [sflag:$0x3], $0x400, $0x38;
	[tilespmem:$0x5900] =	vst v63  }
0x72: {  	s31 =	simm.s32 $0x100  }
0x73: {  	[tilespmem:s0], [sflag:$0x1] =	stream.indirect.gather [hbm4b:s4+s29], $0x20, s31, s29, $0xb8;
	[tilespmem:$0x5900] =	vst v63  }
0x74: {  	_ =	swait.ge [sflag:s13], $0x1000  }
0x75: {  	[sflag:s13] =	ssyncset.done $0x0  }
0x76: {  	s24 =	simm.s32 $0x29F0;
	[sflag:s13] =	ssyncadd.s32 $0xFFFFF000  }
0x77: {  	s6 =	simm.s32 $0x8;
	v3 =	vor.u32 s23, v0;
	v2 =	vld [tilespmem:s24+$0xFFFFFF10]  }
.LBB2_4:
0x78: {  	p0 =	slt.u32 s6, $0x78;
	_ =	sdelay $0x3  }
0x79: {  	[tilespmem:v3+s14+$0x0] =	vst.idx.msk $0xffff, v2  }
0x7a: {  	v3 =	vor.u32 s23, v1;
	v2 =	vld [tilespmem:s24+$0xFFFFFF20];
	_ =	sdelay $0x4  }
0x7b: {  	s25 =	sadd.s32 $0x1, s23;
	[tilespmem:v3+s14+$0x0] =	vst.idx.msk $0xffff, v2  }
0x7c: {  	v3 =	vor.u32 s25, v0;
	v2 =	vld [tilespmem:s24+$0xFFFFFF30];
	_ =	sdelay $0x4  }
0x7d: {  	[tilespmem:v3+s14+$0x0] =	vst.idx.msk $0xffff, v2  }
0x7e: {  	v3 =	vor.u32 s25, v1;
	v2 =	vld [tilespmem:s24+$0xFFFFFF40];
	_ =	sdelay $0x4  }
0x7f: {  	s25 =	sadd.s32 $0x2, s23;
	[tilespmem:v3+s14+$0x0] =	vst.idx.msk $0xffff, v2  }
0x80: {  	v3 =	vor.u32 s25, v0;
	v2 =	vld [tilespmem:s24+$0xFFFFFF50];
	_ =	sdelay $0x4  }
0x81: {  	[tilespmem:v3+s14+$0x0] =	vst.idx.msk $0xffff, v2  }
0x82: {  	v3 =	vor.u32 s25, v1;
	v2 =	vld [tilespmem:s24+$0xFFFFFF60];
	_ =	sdelay $0x4  }
0x83: {  	s25 =	sadd.s32 $0x3, s23;
	[tilespmem:v3+s14+$0x0] =	vst.idx.msk $0xffff, v2  }
0x84: {  	v3 =	vor.u32 s25, v0;
	v2 =	vld [tilespmem:s24+$0xFFFFFF70];
	_ =	sdelay $0x4  }
0x85: {  	[tilespmem:v3+s14+$0x0] =	vst.idx.msk $0xffff, v2  }
0x86: {  	v3 =	vor.u32 s25, v1;
	v2 =	vld [tilespmem:s24+$0xFFFFFF80];
	_ =	sdelay $0x4  }
0x87: {  	s25 =	sadd.s32 $0x4, s23;
	[tilespmem:v3+s14+$0x0] =	vst.idx.msk $0xffff, v2  }
0x88: {  	v3 =	vor.u32 s25, v0;
	v2 =	vld [tilespmem:s24+$0xFFFFFF90];
	_ =	sdelay $0x4  }
0x89: {  	[tilespmem:v3+s14+$0x0] =	vst.idx.msk $0xffff, v2  }
0x8a: {  	v3 =	vor.u32 s25, v1;
	v2 =	vld [tilespmem:s24+$0xFFFFFFA0];
	_ =	sdelay $0x4  }
0x8b: {  	s25 =	sadd.s32 $0x5, s23;
	[tilespmem:v3+s14+$0x0] =	vst.idx.msk $0xffff, v2  }
0x8c: {  	v3 =	vor.u32 s25, v0;
	v2 =	vld [tilespmem:s24+$0xFFFFFFB0];
	_ =	sdelay $0x4  }
0x8d: {  	[tilespmem:v3+s14+$0x0] =	vst.idx.msk $0xffff, v2  }
0x8e: {  	v3 =	vor.u32 s25, v1;
	v2 =	vld [tilespmem:s24+$0xFFFFFFC0];
	_ =	sdelay $0x4  }
0x8f: {  	s25 =	sadd.s32 $0x6, s23;
	[tilespmem:v3+s14+$0x0] =	vst.idx.msk $0xffff, v2  }
0x90: {  	v3 =	vor.u32 s25, v0;
	v2 =	vld [tilespmem:s24+$0xFFFFFFD0];
	_ =	sdelay $0x4  }
0x91: {  	[tilespmem:v3+s14+$0x0] =	vst.idx.msk $0xffff, v2  }
0x92: {  	v3 =	vor.u32 s25, v1;
	v2 =	vld [tilespmem:s24+$0xFFFFFFE0];
	_ =	sdelay $0x4  }
0x93: {  	s25 =	sadd.s32 $0x7, s23;
	s23 =	smov.u32 s6;
	[tilespmem:v3+s14+$0x0] =	vst.idx.msk $0xffff, v2  }
0x94: {  	v3 =	vor.u32 s25, v0;
	v2 =	vld [tilespmem:s24+$0xFFFFFFF0];
	_ =	sdelay $0x4  }
0x95: {  	[tilespmem:v3+s14+$0x0] =	vst.idx.msk $0xffff, v2  }
0x96: {  	v3 =	vor.u32 s25, v1;
	v2 =	vld [tilespmem:s24+$0x0];
	_ =	sdelay $0x1  }
.Ltmp1:
0x97: {  	(pc) =	sbr.rel @p0 .LBB2_4-.Ltmp1, $3  }
0x98: {  	_ =	sdelay $0x1  }
0x99: {  	s24 =	sadd.s32 $0x100, s24;
	[tilespmem:v3+s14+$0x0] =	vst.idx.msk $0xffff, v2  }
0x9a: {  	s6 =	sadd.s32 $0x8, s6;
	v3 =	vor.u32 s23, v0;
	v2 =	vld [tilespmem:s24+$0xFFFFFF10]  }
0x9b: {  	_ =	sdelay $0x3  }
0x9c: {  	[tilespmem:v3+s14+$0x0] =	vst.idx.msk $0xffff, v2  }
0x9d: {  	v3 =	vor.u32 s23, v1;
	v2 =	vld [tilespmem:s24+$0xFFFFFF20];
	_ =	sdelay $0x4  }
0x9e: {  	s6 =	sadd.s32 $0x1, s23;
	[tilespmem:v3+s14+$0x0] =	vst.idx.msk $0xffff, v2  }
0x9f: {  	v3 =	vor.u32 s6, v0;
	v2 =	vld [tilespmem:s24+$0xFFFFFF30];
	_ =	sdelay $0x4  }
0xa0: {  	[tilespmem:v3+s14+$0x0] =	vst.idx.msk $0xffff, v2  }
0xa1: {  	v3 =	vor.u32 s6, v1;
	v2 =	vld [tilespmem:s24+$0xFFFFFF40];
	_ =	sdelay $0x4  }
0xa2: {  	s25 =	sadd.s32 $0x2, s23;
	[tilespmem:v3+s14+$0x0] =	vst.idx.msk $0xffff, v2  }
0xa3: {  	v3 =	vor.u32 s25, v0;
	v2 =	vld [tilespmem:s24+$0xFFFFFF50];
	_ =	sdelay $0x4  }
0xa4: {  	[tilespmem:v3+s14+$0x0] =	vst.idx.msk $0xffff, v2  }
0xa5: {  	v3 =	vor.u32 s25, v1;
	v2 =	vld [tilespmem:s24+$0xFFFFFF60];
	_ =	sdelay $0x4  }
0xa6: {  	s26 =	sadd.s32 $0x3, s23;
	[tilespmem:v3+s14+$0x0] =	vst.idx.msk $0xffff, v2  }
0xa7: {  	v3 =	vor.u32 s26, v0;
	v2 =	vld [tilespmem:s24+$0xFFFFFF70];
	_ =	sdelay $0x4  }
0xa8: {  	[tilespmem:v3+s14+$0x0] =	vst.idx.msk $0xffff, v2  }
0xa9: {  	v3 =	vor.u32 s26, v1;
	v2 =	vld [tilespmem:s24+$0xFFFFFF80];
	_ =	sdelay $0x4  }
0xaa: {  	s28 =	sadd.s32 $0x4, s23;
	[tilespmem:v3+s14+$0x0] =	vst.idx.msk $0xffff, v2  }
0xab: {  	v3 =	vor.u32 s28, v0;
	v2 =	vld [tilespmem:s24+$0xFFFFFF90];
	_ =	sdelay $0x4  }
0xac: {  	[tilespmem:v3+s14+$0x0] =	vst.idx.msk $0xffff, v2  }
0xad: {  	v3 =	vor.u32 s28, v1;
	v2 =	vld [tilespmem:s24+$0xFFFFFFA0];
	_ =	sdelay $0x4  }
0xae: {  	s31 =	sadd.s32 $0x5, s23;
	[tilespmem:v3+s14+$0x0] =	vst.idx.msk $0xffff, v2  }
0xaf: {  	v3 =	vor.u32 s31, v0;
	v2 =	vld [tilespmem:s24+$0xFFFFFFB0];
	_ =	sdelay $0x4  }
0xb0: {  	[tilespmem:v3+s14+$0x0] =	vst.idx.msk $0xffff, v2  }
0xb1: {  	v3 =	vor.u32 s31, v1;
	v2 =	vld [tilespmem:s24+$0xFFFFFFC0];
	_ =	sdelay $0x4  }
0xb2: {  	s22 =	sadd.s32 $0x6, s23;
	[tilespmem:v3+s14+$0x0] =	vst.idx.msk $0xffff, v2  }
0xb3: {  	v3 =	vor.u32 s22, v0;
	v2 =	vld [tilespmem:s24+$0xFFFFFFD0];
	_ =	sdelay $0x4  }
0xb4: {  	[tilespmem:v3+s14+$0x0] =	vst.idx.msk $0xffff, v2  }
0xb5: {  	v3 =	vor.u32 s22, v1;
	v2 =	vld [tilespmem:s24+$0xFFFFFFE0];
	_ =	sdelay $0x4  }
0xb6: {  	s23 =	sadd.s32 $0x7, s23;
	[tilespmem:v3+s14+$0x0] =	vst.idx.msk $0xffff, v2  }
0xb7: {  	v3 =	vor.u32 s23, v0;
	v2 =	vld [tilespmem:s24+$0xFFFFFFF0];
	_ =	sdelay $0x4  }
0xb8: {  	[tilespmem:v3+s14+$0x0] =	vst.idx.msk $0xffff, v2  }
0xb9: {  	v3 =	vor.u32 s23, v1;
	v2 =	vld [tilespmem:s24+$0x0];
	_ =	sdelay $0x4  }
0xba: {  	s23 =	simm.s32 $0x0;
	s24 =	rddreg [dreg:$0x8];
	[tilespmem:v3+s14+$0x0] =	vst.idx.msk $0xffff, v2  }
0xbb: {  	[hbm4b:s24+s23] =	stream.linear.scatter [tilespmem:s14], [sflag:$0x4], $0x400, $0x38;
	[tilespmem:$0x5900] =	vst v63  }
0xbc: {  	s25 =	rddreg [dreg:$0x9]  }
0xbd: {  	[hbm4b:s25+s23] =	stream.linear.scatter [tilespmem:s15], [sflag:$0x4], $0x400, $0x38;
	[tilespmem:$0x5900] =	vst v63  }
0xbe: {  	s26 =	rddreg [dreg:$0xa]  }
0xbf: {  	[hbm4b:s26+s23] =	stream.linear.scatter [tilespmem:s16], [sflag:$0x4], $0x400, $0x38;
	[tilespmem:$0x5900] =	vst v63  }
0xc0: {  	s28 =	rddreg [dreg:$0xb]  }
0xc1: {  	[hbm4b:s28+s23] =	stream.linear.scatter [tilespmem:s19], [sflag:$0x4], $0x400, $0x38;
	[tilespmem:$0x5900] =	vst v63  }
0xc2: {  	s31 =	simm.s32 $0x180;
	s24 =	simm.s32 $0x0  }
0xc3: {  	[tilespmem:s1], [sflag:$0x2] =	stream.indirect.gather [hbm4b:s4+s29], $0x20, s31, s29, $0xb8;
	[tilespmem:$0x5900] =	vst v63  }
.LBB2_6:
0xc4: {  	_ =	swait.ge [sflag:s30], $0x1000  }
0xc5: {  	[sflag:s30] =	ssyncset.done $0x0  }
0xc6: {  	[sflag:s30] =	ssyncadd.s32 $0xFFFFF000  }
0xc7: {  	_ =	swait.ge [sflag:s20], $0x400  }
0xc8: {  	[sflag:s20] =	ssyncset.done $0x0  }
0xc9: {  	[sflag:s20] =	ssyncadd.s32 $0xFFFFFC00  }
0xca: {  	_ =	swait.ge [sflag:s20], $0x400  }
0xcb: {  	[sflag:s20] =	ssyncset.done $0x0  }
0xcc: {  	[sflag:s20] =	ssyncadd.s32 $0xFFFFFC00  }
0xcd: {  	_ =	swait.ge [sflag:s20], $0x400  }
0xce: {  	[sflag:s20] =	ssyncset.done $0x0  }
0xcf: {  	[sflag:s20] =	ssyncadd.s32 $0xFFFFFC00  }
0xd0: {  	_ =	swait.ge [sflag:s20], $0x400  }
0xd1: {  	[sflag:s20] =	ssyncset.done $0x0  }
0xd2: {  	s25 =	simm.s32 $0x1980;
	[sflag:s20] =	ssyncadd.s32 $0xFFFFFC00  }
0xd3: {  	v3 =	vor.u32 s23, v0;
	s26 =	simm.s32 $0x8;
	s6 =	simm.s32 $0x0;
	v2 =	vld [tilespmem:s25+$0xFFFFFF80]  }
.LBB2_7:
0xd4: {  	p0 =	slt.u32 s26, $0x78;
	_ =	sdelay $0x3  }
0xd5: {  	[tilespmem:v3+s5+$0x0] =	vst.idx.msk $0xffff, v2  }
0xd6: {  	v3 =	vor.u32 s6, v1;
	v2 =	vld [tilespmem:s25+$0xFFFFFF90];
	_ =	sdelay $0x4  }
0xd7: {  	s28 =	sadd.s32 $0x1, s6;
	[tilespmem:v3+s5+$0x0] =	vst.idx.msk $0xffff, v2  }
0xd8: {  	v3 =	vor.u32 s28, v0;
	v2 =	vld [tilespmem:s25+$0xFFFFFFA0];
	_ =	sdelay $0x4  }
0xd9: {  	[tilespmem:v3+s5+$0x0] =	vst.idx.msk $0xffff, v2  }
0xda: {  	v3 =	vor.u32 s28, v1;
	v2 =	vld [tilespmem:s25+$0xFFFFFFB0];
	_ =	sdelay $0x4  }
0xdb: {  	s28 =	sadd.s32 $0x2, s6;
	[tilespmem:v3+s5+$0x0] =	vst.idx.msk $0xffff, v2  }
0xdc: {  	v3 =	vor.u32 s28, v0;
	v2 =	vld [tilespmem:s25+$0xFFFFFFC0];
	_ =	sdelay $0x4  }
0xdd: {  	[tilespmem:v3+s5+$0x0] =	vst.idx.msk $0xffff, v2  }
0xde: {  	v3 =	vor.u32 s28, v1;
	v2 =	vld [tilespmem:s25+$0xFFFFFFD0];
	_ =	sdelay $0x4  }
0xdf: {  	s28 =	sadd.s32 $0x3, s6;
	[tilespmem:v3+s5+$0x0] =	vst.idx.msk $0xffff, v2  }
0xe0: {  	v3 =	vor.u32 s28, v0;
	v2 =	vld [tilespmem:s25+$0xFFFFFFE0];
	_ =	sdelay $0x4  }
0xe1: {  	[tilespmem:v3+s5+$0x0] =	vst.idx.msk $0xffff, v2  }
0xe2: {  	v3 =	vor.u32 s28, v1;
	v2 =	vld [tilespmem:s25+$0xFFFFFFF0];
	_ =	sdelay $0x4  }
0xe3: {  	s28 =	sadd.s32 $0x4, s6;
	[tilespmem:v3+s5+$0x0] =	vst.idx.msk $0xffff, v2  }
0xe4: {  	v3 =	vor.u32 s28, v0;
	v2 =	vld [tilespmem:s25+$0x0];
	_ =	sdelay $0x4  }
0xe5: {  	[tilespmem:v3+s5+$0x0] =	vst.idx.msk $0xffff, v2  }
0xe6: {  	v3 =	vor.u32 s28, v1;
	v2 =	vld [tilespmem:s25+$0x10];
	_ =	sdelay $0x4  }
0xe7: {  	s28 =	sadd.s32 $0x5, s6;
	[tilespmem:v3+s5+$0x0] =	vst.idx.msk $0xffff, v2  }
0xe8: {  	v3 =	vor.u32 s28, v0;
	v2 =	vld [tilespmem:s25+$0x20];
	_ =	sdelay $0x4  }
0xe9: {  	[tilespmem:v3+s5+$0x0] =	vst.idx.msk $0xffff, v2  }
0xea: {  	v3 =	vor.u32 s28, v1;
	v2 =	vld [tilespmem:s25+$0x30];
	_ =	sdelay $0x4  }
0xeb: {  	s28 =	sadd.s32 $0x6, s6;
	[tilespmem:v3+s5+$0x0] =	vst.idx.msk $0xffff, v2  }
0xec: {  	v3 =	vor.u32 s28, v0;
	v2 =	vld [tilespmem:s25+$0x40];
	_ =	sdelay $0x4  }
0xed: {  	[tilespmem:v3+s5+$0x0] =	vst.idx.msk $0xffff, v2  }
0xee: {  	v3 =	vor.u32 s28, v1;
	v2 =	vld [tilespmem:s25+$0x50];
	_ =	sdelay $0x4  }
0xef: {  	s28 =	sadd.s32 $0x7, s6;
	s6 =	smov.u32 s26;
	[tilespmem:v3+s5+$0x0] =	vst.idx.msk $0xffff, v2  }
0xf0: {  	v3 =	vor.u32 s28, v0;
	v2 =	vld [tilespmem:s25+$0x60];
	_ =	sdelay $0x4  }
0xf1: {  	[tilespmem:v3+s5+$0x0] =	vst.idx.msk $0xffff, v2  }
0xf2: {  	v3 =	vor.u32 s28, v1;
	v2 =	vld [tilespmem:s25+$0x70];
	_ =	sdelay $0x1  }
.Ltmp2:
0xf3: {  	(pc) =	sbr.rel @p0 .LBB2_7-.Ltmp2, $3  }
0xf4: {  	_ =	sdelay $0x1  }
0xf5: {  	s25 =	sadd.s32 $0x100, s25;
	[tilespmem:v3+s5+$0x0] =	vst.idx.msk $0xffff, v2  }
0xf6: {  	s26 =	sadd.s32 $0x8, s26;
	v3 =	vor.u32 s6, v0;
	v2 =	vld [tilespmem:s25+$0xFFFFFF80]  }
0xf7: {  	_ =	sdelay $0x3  }
0xf8: {  	[tilespmem:v3+s5+$0x0] =	vst.idx.msk $0xffff, v2  }
0xf9: {  	v3 =	vor.u32 s6, v1;
	v2 =	vld [tilespmem:s25+$0xFFFFFF90];
	_ =	sdelay $0x4  }
0xfa: {  	s26 =	sadd.s32 $0x1, s6;
	[tilespmem:v3+s5+$0x0] =	vst.idx.msk $0xffff, v2  }
0xfb: {  	v3 =	vor.u32 s26, v0;
	v2 =	vld [tilespmem:s25+$0xFFFFFFA0];
	_ =	sdelay $0x4  }
0xfc: {  	[tilespmem:v3+s5+$0x0] =	vst.idx.msk $0xffff, v2  }
0xfd: {  	v3 =	vor.u32 s26, v1;
	v2 =	vld [tilespmem:s25+$0xFFFFFFB0];
	_ =	sdelay $0x4  }
0xfe: {  	s22 =	sadd.s32 $0x2, s6;
	[tilespmem:v3+s5+$0x0] =	vst.idx.msk $0xffff, v2  }
0xff: {  	v3 =	vor.u32 s22, v0;
	v2 =	vld [tilespmem:s25+$0xFFFFFFC0];
	_ =	sdelay $0x4  }
0x100: {  	[tilespmem:v3+s5+$0x0] =	vst.idx.msk $0xffff, v2  }
0x101: {  	v3 =	vor.u32 s22, v1;
	v2 =	vld [tilespmem:s25+$0xFFFFFFD0];
	_ =	sdelay $0x4  }
0x102: {  	s22 =	sadd.s32 $0x3, s6;
	[tilespmem:v3+s5+$0x0] =	vst.idx.msk $0xffff, v2  }
0x103: {  	v3 =	vor.u32 s22, v0;
	v2 =	vld [tilespmem:s25+$0xFFFFFFE0];
	_ =	sdelay $0x4  }
0x104: {  	[tilespmem:v3+s5+$0x0] =	vst.idx.msk $0xffff, v2  }
0x105: {  	v3 =	vor.u32 s22, v1;
	v2 =	vld [tilespmem:s25+$0xFFFFFFF0];
	_ =	sdelay $0x4  }
0x106: {  	s22 =	sadd.s32 $0x4, s6;
	[tilespmem:v3+s5+$0x0] =	vst.idx.msk $0xffff, v2  }
0x107: {  	v3 =	vor.u32 s22, v0;
	v2 =	vld [tilespmem:s25+$0x0];
	_ =	sdelay $0x4  }
0x108: {  	[tilespmem:v3+s5+$0x0] =	vst.idx.msk $0xffff, v2  }
0x109: {  	v3 =	vor.u32 s22, v1;
	v2 =	vld [tilespmem:s25+$0x10];
	_ =	sdelay $0x4  }
0x10a: {  	s22 =	sadd.s32 $0x5, s6;
	[tilespmem:v3+s5+$0x0] =	vst.idx.msk $0xffff, v2  }
0x10b: {  	v3 =	vor.u32 s22, v0;
	v2 =	vld [tilespmem:s25+$0x20];
	_ =	sdelay $0x4  }
0x10c: {  	[tilespmem:v3+s5+$0x0] =	vst.idx.msk $0xffff, v2  }
0x10d: {  	v3 =	vor.u32 s22, v1;
	v2 =	vld [tilespmem:s25+$0x30];
	_ =	sdelay $0x4  }
0x10e: {  	s22 =	sadd.s32 $0x6, s6;
	[tilespmem:v3+s5+$0x0] =	vst.idx.msk $0xffff, v2  }
0x10f: {  	v3 =	vor.u32 s22, v0;
	v2 =	vld [tilespmem:s25+$0x40];
	_ =	sdelay $0x4  }
0x110: {  	[tilespmem:v3+s5+$0x0] =	vst.idx.msk $0xffff, v2  }
0x111: {  	v3 =	vor.u32 s22, v1;
	v2 =	vld [tilespmem:s25+$0x50];
	_ =	sdelay $0x4  }
0x112: {  	s22 =	sadd.s32 $0x7, s6;
	[tilespmem:v3+s5+$0x0] =	vst.idx.msk $0xffff, v2  }
0x113: {  	v3 =	vor.u32 s22, v0;
	v2 =	vld [tilespmem:s25+$0x60];
	_ =	sdelay $0x4  }
0x114: {  	[tilespmem:v3+s5+$0x0] =	vst.idx.msk $0xffff, v2  }
0x115: {  	v3 =	vor.u32 s22, v1;
	v2 =	vld [tilespmem:s25+$0x70];
	_ =	sdelay $0x1  }
0x116: {  	s25 =	sshll.u32 s24, $0x12  }
0x117: {  	s26 =	sadd.s32 s17, s25  }
0x118: {  	s6 =	sshrl.u32 s26, $0x3  }
0x119: {  	s28 =	simm.s32 $0x0;
	s22 =	sadd.s32 s2, s6;
	[tilespmem:v3+s5+$0x0] =	vst.idx.msk $0xffff, v2  }
0x11a: {  	[hbm4b:s22+s28] =	stream.linear.scatter [tilespmem:s5], [sflag:$0x3], $0x400, $0x38;
	[tilespmem:$0x5900] =	vst v63  }
0x11b: {  	s22 =	sadd.s32 s6, s7  }
0x11c: {  	[hbm4b:s22+s28] =	stream.linear.scatter [tilespmem:s9], [sflag:$0x3], $0x400, $0x38;
	[tilespmem:$0x5900] =	vst v63  }
0x11d: {  	s26 =	sshll.u32 s24, $0x8;
	s22 =	sadd.s32 s6, s8  }
0x11e: {  	[hbm4b:s22+s28] =	stream.linear.scatter [tilespmem:s10], [sflag:$0x3], $0x400, $0x38;
	[tilespmem:$0x5900] =	vst v63  }
0x11f: {  	s26 =	sand.u32 $0x3FFFFF00, s26;
	s6 =	sadd.s32 s6, s11  }
0x120: {  	[hbm4b:s6+s28] =	stream.linear.scatter [tilespmem:s12], [sflag:$0x3], $0x400, $0x38;
	[tilespmem:$0x5900] =	vst v63  }
0x121: {  	s6 =	sadd.s32 $0x200, s26  }
0x122: {  	[tilespmem:s0], [sflag:$0x1] =	stream.indirect.gather [hbm4b:s4+s29], $0x20, s6, s29, $0xb8;
	[tilespmem:$0x5900] =	vst v63  }
0x123: {  	_ =	swait.ge [sflag:s13], $0x1000  }
0x124: {  	[sflag:s13] =	ssyncset.done $0x0  }
0x125: {  	[sflag:s13] =	ssyncadd.s32 $0xFFFFF000  }
0x126: {  	_ =	swait.ge [sflag:s21], $0x400  }
0x127: {  	[sflag:s21] =	ssyncset.done $0x0  }
0x128: {  	[sflag:s21] =	ssyncadd.s32 $0xFFFFFC00  }
0x129: {  	_ =	swait.ge [sflag:s21], $0x400  }
0x12a: {  	[sflag:s21] =	ssyncset.done $0x0  }
0x12b: {  	[sflag:s21] =	ssyncadd.s32 $0xFFFFFC00  }
0x12c: {  	_ =	swait.ge [sflag:s21], $0x400  }
0x12d: {  	[sflag:s21] =	ssyncset.done $0x0  }
0x12e: {  	[sflag:s21] =	ssyncadd.s32 $0xFFFFFC00  }
0x12f: {  	_ =	swait.ge [sflag:s21], $0x400  }
0x130: {  	[sflag:s21] =	ssyncset.done $0x0  }
0x131: {  	s6 =	simm.s32 $0x29F0;
	[sflag:s21] =	ssyncadd.s32 $0xFFFFFC00  }
0x132: {  	s31 =	simm.s32 $0x8;
	v3 =	vor.u32 s28, v0;
	v2 =	vld [tilespmem:s6+$0xFFFFFF10]  }
.LBB2_9:
0x133: {  	p0 =	slt.u32 s31, $0x78;
	_ =	sdelay $0x3  }
0x134: {  	[tilespmem:v3+s14+$0x0] =	vst.idx.msk $0xffff, v2  }
0x135: {  	v3 =	vor.u32 s28, v1;
	v2 =	vld [tilespmem:s6+$0xFFFFFF20];
	_ =	sdelay $0x4  }
0x136: {  	s22 =	sadd.s32 $0x1, s28;
	[tilespmem:v3+s14+$0x0] =	vst.idx.msk $0xffff, v2  }
0x137: {  	v3 =	vor.u32 s22, v0;
	v2 =	vld [tilespmem:s6+$0xFFFFFF30];
	_ =	sdelay $0x4  }
0x138: {  	[tilespmem:v3+s14+$0x0] =	vst.idx.msk $0xffff, v2  }
0x139: {  	v3 =	vor.u32 s22, v1;
	v2 =	vld [tilespmem:s6+$0xFFFFFF40];
	_ =	sdelay $0x4  }
0x13a: {  	s22 =	sadd.s32 $0x2, s28;
	[tilespmem:v3+s14+$0x0] =	vst.idx.msk $0xffff, v2  }
0x13b: {  	v3 =	vor.u32 s22, v0;
	v2 =	vld [tilespmem:s6+$0xFFFFFF50];
	_ =	sdelay $0x4  }
0x13c: {  	[tilespmem:v3+s14+$0x0] =	vst.idx.msk $0xffff, v2  }
0x13d: {  	v3 =	vor.u32 s22, v1;
	v2 =	vld [tilespmem:s6+$0xFFFFFF60];
	_ =	sdelay $0x4  }
0x13e: {  	s22 =	sadd.s32 $0x3, s28;
	[tilespmem:v3+s14+$0x0] =	vst.idx.msk $0xffff, v2  }
0x13f: {  	v3 =	vor.u32 s22, v0;
	v2 =	vld [tilespmem:s6+$0xFFFFFF70];
	_ =	sdelay $0x4  }
0x140: {  	[tilespmem:v3+s14+$0x0] =	vst.idx.msk $0xffff, v2  }
0x141: {  	v3 =	vor.u32 s22, v1;
	v2 =	vld [tilespmem:s6+$0xFFFFFF80];
	_ =	sdelay $0x4  }
0x142: {  	s22 =	sadd.s32 $0x4, s28;
	[tilespmem:v3+s14+$0x0] =	vst.idx.msk $0xffff, v2  }
0x143: {  	v3 =	vor.u32 s22, v0;
	v2 =	vld [tilespmem:s6+$0xFFFFFF90];
	_ =	sdelay $0x4  }
0x144: {  	[tilespmem:v3+s14+$0x0] =	vst.idx.msk $0xffff, v2  }
0x145: {  	v3 =	vor.u32 s22, v1;
	v2 =	vld [tilespmem:s6+$0xFFFFFFA0];
	_ =	sdelay $0x4  }
0x146: {  	s22 =	sadd.s32 $0x5, s28;
	[tilespmem:v3+s14+$0x0] =	vst.idx.msk $0xffff, v2  }
0x147: {  	v3 =	vor.u32 s22, v0;
	v2 =	vld [tilespmem:s6+$0xFFFFFFB0];
	_ =	sdelay $0x4  }
0x148: {  	[tilespmem:v3+s14+$0x0] =	vst.idx.msk $0xffff, v2  }
0x149: {  	v3 =	vor.u32 s22, v1;
	v2 =	vld [tilespmem:s6+$0xFFFFFFC0];
	_ =	sdelay $0x4  }
0x14a: {  	s22 =	sadd.s32 $0x6, s28;
	[tilespmem:v3+s14+$0x0] =	vst.idx.msk $0xffff, v2  }
0x14b: {  	v3 =	vor.u32 s22, v0;
	v2 =	vld [tilespmem:s6+$0xFFFFFFD0];
	_ =	sdelay $0x4  }
0x14c: {  	[tilespmem:v3+s14+$0x0] =	vst.idx.msk $0xffff, v2  }
0x14d: {  	v3 =	vor.u32 s22, v1;
	v2 =	vld [tilespmem:s6+$0xFFFFFFE0];
	_ =	sdelay $0x4  }
0x14e: {  	s22 =	sadd.s32 $0x7, s28;
	s28 =	smov.u32 s31;
	[tilespmem:v3+s14+$0x0] =	vst.idx.msk $0xffff, v2  }
0x14f: {  	v3 =	vor.u32 s22, v0;
	v2 =	vld [tilespmem:s6+$0xFFFFFFF0];
	_ =	sdelay $0x4  }
0x150: {  	[tilespmem:v3+s14+$0x0] =	vst.idx.msk $0xffff, v2  }
0x151: {  	v3 =	vor.u32 s22, v1;
	v2 =	vld [tilespmem:s6+$0x0];
	_ =	sdelay $0x1  }
.Ltmp3:
0x152: {  	(pc) =	sbr.rel @p0 .LBB2_9-.Ltmp3, $3  }
0x153: {  	_ =	sdelay $0x1  }
0x154: {  	s6 =	sadd.s32 $0x100, s6;
	[tilespmem:v3+s14+$0x0] =	vst.idx.msk $0xffff, v2  }
0x155: {  	s31 =	sadd.s32 $0x8, s31;
	v3 =	vor.u32 s28, v0;
	v2 =	vld [tilespmem:s6+$0xFFFFFF10]  }
0x156: {  	_ =	sdelay $0x3  }
0x157: {  	[tilespmem:v3+s14+$0x0] =	vst.idx.msk $0xffff, v2  }
0x158: {  	v3 =	vor.u32 s28, v1;
	v2 =	vld [tilespmem:s6+$0xFFFFFF20];
	_ =	sdelay $0x4  }
0x159: {  	s22 =	sadd.s32 $0x1, s28;
	[tilespmem:v3+s14+$0x0] =	vst.idx.msk $0xffff, v2  }
0x15a: {  	v3 =	vor.u32 s22, v0;
	v2 =	vld [tilespmem:s6+$0xFFFFFF30];
	_ =	sdelay $0x4  }
0x15b: {  	[tilespmem:v3+s14+$0x0] =	vst.idx.msk $0xffff, v2  }
0x15c: {  	v3 =	vor.u32 s22, v1;
	v2 =	vld [tilespmem:s6+$0xFFFFFF40];
	_ =	sdelay $0x4  }
0x15d: {  	s31 =	sadd.s32 $0x2, s28;
	[tilespmem:v3+s14+$0x0] =	vst.idx.msk $0xffff, v2  }
0x15e: {  	v3 =	vor.u32 s31, v0;
	v2 =	vld [tilespmem:s6+$0xFFFFFF50];
	_ =	sdelay $0x4  }
0x15f: {  	[tilespmem:v3+s14+$0x0] =	vst.idx.msk $0xffff, v2  }
0x160: {  	v3 =	vor.u32 s31, v1;
	v2 =	vld [tilespmem:s6+$0xFFFFFF60];
	_ =	sdelay $0x4  }
0x161: {  	s31 =	sadd.s32 $0x3, s28;
	[tilespmem:v3+s14+$0x0] =	vst.idx.msk $0xffff, v2  }
0x162: {  	v3 =	vor.u32 s31, v0;
	v2 =	vld [tilespmem:s6+$0xFFFFFF70];
	_ =	sdelay $0x4  }
0x163: {  	[tilespmem:v3+s14+$0x0] =	vst.idx.msk $0xffff, v2  }
0x164: {  	v3 =	vor.u32 s31, v1;
	v2 =	vld [tilespmem:s6+$0xFFFFFF80];
	_ =	sdelay $0x4  }
0x165: {  	s31 =	sadd.s32 $0x4, s28;
	[tilespmem:v3+s14+$0x0] =	vst.idx.msk $0xffff, v2  }
0x166: {  	v3 =	vor.u32 s31, v0;
	v2 =	vld [tilespmem:s6+$0xFFFFFF90];
	_ =	sdelay $0x4  }
0x167: {  	[tilespmem:v3+s14+$0x0] =	vst.idx.msk $0xffff, v2  }
0x168: {  	v3 =	vor.u32 s31, v1;
	v2 =	vld [tilespmem:s6+$0xFFFFFFA0];
	_ =	sdelay $0x4  }
0x169: {  	s31 =	sadd.s32 $0x5, s28;
	[tilespmem:v3+s14+$0x0] =	vst.idx.msk $0xffff, v2  }
0x16a: {  	v3 =	vor.u32 s31, v0;
	v2 =	vld [tilespmem:s6+$0xFFFFFFB0];
	_ =	sdelay $0x4  }
0x16b: {  	[tilespmem:v3+s14+$0x0] =	vst.idx.msk $0xffff, v2  }
0x16c: {  	v3 =	vor.u32 s31, v1;
	v2 =	vld [tilespmem:s6+$0xFFFFFFC0];
	_ =	sdelay $0x4  }
0x16d: {  	s31 =	sadd.s32 $0x6, s28;
	[tilespmem:v3+s14+$0x0] =	vst.idx.msk $0xffff, v2  }
0x16e: {  	v3 =	vor.u32 s31, v0;
	v2 =	vld [tilespmem:s6+$0xFFFFFFD0];
	_ =	sdelay $0x4  }
0x16f: {  	[tilespmem:v3+s14+$0x0] =	vst.idx.msk $0xffff, v2  }
0x170: {  	v3 =	vor.u32 s31, v1;
	v2 =	vld [tilespmem:s6+$0xFFFFFFE0];
	_ =	sdelay $0x4  }
0x171: {  	s31 =	sadd.s32 $0x7, s28;
	[tilespmem:v3+s14+$0x0] =	vst.idx.msk $0xffff, v2  }
0x172: {  	v3 =	vor.u32 s31, v0;
	v2 =	vld [tilespmem:s6+$0xFFFFFFF0];
	_ =	sdelay $0x4  }
0x173: {  	[tilespmem:v3+s14+$0x0] =	vst.idx.msk $0xffff, v2  }
0x174: {  	v3 =	vor.u32 s31, v1;
	v2 =	vld [tilespmem:s6+$0x0];
	_ =	sdelay $0x2  }
0x175: {  	s28 =	sadd.s32 s18, s25  }
0x176: {  	s6 =	sshrl.u32 s28, $0x3  }
0x177: {  	s31 =	sadd.s32 s2, s6;
	[tilespmem:v3+s14+$0x0] =	vst.idx.msk $0xffff, v2  }
0x178: {  	[hbm4b:s31+s3] =	stream.linear.scatter [tilespmem:s14], [sflag:$0x4], $0x400, $0x38;
	[tilespmem:$0x5900] =	vst v63  }
0x179: {  	s24 =	sadd.s32 $0x1, s24;
	s25 =	sadd.s32 s6, s7  }
0x17a: {  	[hbm4b:s25+s3] =	stream.linear.scatter [tilespmem:s15], [sflag:$0x4], $0x400, $0x38;
	[tilespmem:$0x5900] =	vst v63  }
0x17b: {  	p0 =	sne.s32 s24, $0x17;
	s28 =	sadd.s32 s6, s8  }
0x17c: {  	[hbm4b:s28+s3] =	stream.linear.scatter [tilespmem:s16], [sflag:$0x4], $0x400, $0x38;
	[tilespmem:$0x5900] =	vst v63  }
.Ltmp4:
0x17d: {  	_ = 	snop;
	(pc) =	sbr.rel @p0 .LBB2_6-.Ltmp4, $4  }
0x17e: {  	s6 =	sadd.s32 s6, s11  }
0x17f: {  	[hbm4b:s6+s3] =	stream.linear.scatter [tilespmem:s19], [sflag:$0x4], $0x400, $0x38;
	[tilespmem:$0x5900] =	vst v63  }
0x180: {  	s31 =	sadd.s32 $0x280, s26  }
0x181: {  	[tilespmem:s1], [sflag:$0x2] =	stream.indirect.gather [hbm4b:s4+s29], $0x20, s31, s29, $0xb8;
	[tilespmem:$0x5900] =	vst v63  }
0x182: {  	_ =	swait.ge [sflag:s30], $0x1000  }
0x183: {  	[sflag:s30] =	ssyncset.done $0x0  }
0x184: {  	[sflag:s30] =	ssyncadd.s32 $0xFFFFF000  }
0x185: {  	_ =	swait.ge [sflag:s20], $0x400  }
0x186: {  	[sflag:s20] =	ssyncset.done $0x0  }
0x187: {  	[sflag:s20] =	ssyncadd.s32 $0xFFFFFC00  }
0x188: {  	_ =	swait.ge [sflag:s20], $0x400  }
0x189: {  	[sflag:s20] =	ssyncset.done $0x0  }
0x18a: {  	[sflag:s20] =	ssyncadd.s32 $0xFFFFFC00  }
0x18b: {  	_ =	swait.ge [sflag:s20], $0x400  }
0x18c: {  	[sflag:s20] =	ssyncset.done $0x0  }
0x18d: {  	[sflag:s20] =	ssyncadd.s32 $0xFFFFFC00  }
0x18e: {  	_ =	swait.ge [sflag:s20], $0x400  }
0x18f: {  	[sflag:s20] =	ssyncset.done $0x0  }
0x190: {  	s23 =	simm.s32 $0x0;
	s6 =	simm.s32 $0x1980;
	[sflag:s20] =	ssyncadd.s32 $0xFFFFFC00  }
0x191: {  	s24 =	simm.s32 $0x8;
	v3 =	vor.u32 s23, v0;
	v2 =	vld [tilespmem:s6+$0xFFFFFF80]  }
.LBB2_12:
0x192: {  	p0 =	slt.u32 s24, $0x78;
	_ =	sdelay $0x3  }
0x193: {  	[tilespmem:v3+s5+$0x0] =	vst.idx.msk $0xffff, v2  }
0x194: {  	v3 =	vor.u32 s23, v1;
	v2 =	vld [tilespmem:s6+$0xFFFFFF90];
	_ =	sdelay $0x4  }
0x195: {  	s22 =	sadd.s32 $0x1, s23;
	[tilespmem:v3+s5+$0x0] =	vst.idx.msk $0xffff, v2  }
0x196: {  	v3 =	vor.u32 s22, v0;
	v2 =	vld [tilespmem:s6+$0xFFFFFFA0];
	_ =	sdelay $0x4  }
0x197: {  	[tilespmem:v3+s5+$0x0] =	vst.idx.msk $0xffff, v2  }
0x198: {  	v3 =	vor.u32 s22, v1;
	v2 =	vld [tilespmem:s6+$0xFFFFFFB0];
	_ =	sdelay $0x4  }
0x199: {  	s22 =	sadd.s32 $0x2, s23;
	[tilespmem:v3+s5+$0x0] =	vst.idx.msk $0xffff, v2  }
0x19a: {  	v3 =	vor.u32 s22, v0;
	v2 =	vld [tilespmem:s6+$0xFFFFFFC0];
	_ =	sdelay $0x4  }
0x19b: {  	[tilespmem:v3+s5+$0x0] =	vst.idx.msk $0xffff, v2  }
0x19c: {  	v3 =	vor.u32 s22, v1;
	v2 =	vld [tilespmem:s6+$0xFFFFFFD0];
	_ =	sdelay $0x4  }
0x19d: {  	s22 =	sadd.s32 $0x3, s23;
	[tilespmem:v3+s5+$0x0] =	vst.idx.msk $0xffff, v2  }
0x19e: {  	v3 =	vor.u32 s22, v0;
	v2 =	vld [tilespmem:s6+$0xFFFFFFE0];
	_ =	sdelay $0x4  }
0x19f: {  	[tilespmem:v3+s5+$0x0] =	vst.idx.msk $0xffff, v2  }
0x1a0: {  	v3 =	vor.u32 s22, v1;
	v2 =	vld [tilespmem:s6+$0xFFFFFFF0];
	_ =	sdelay $0x4  }
0x1a1: {  	s22 =	sadd.s32 $0x4, s23;
	[tilespmem:v3+s5+$0x0] =	vst.idx.msk $0xffff, v2  }
0x1a2: {  	v3 =	vor.u32 s22, v0;
	v2 =	vld [tilespmem:s6+$0x0];
	_ =	sdelay $0x4  }
0x1a3: {  	[tilespmem:v3+s5+$0x0] =	vst.idx.msk $0xffff, v2  }
0x1a4: {  	v3 =	vor.u32 s22, v1;
	v2 =	vld [tilespmem:s6+$0x10];
	_ =	sdelay $0x4  }
0x1a5: {  	s22 =	sadd.s32 $0x5, s23;
	[tilespmem:v3+s5+$0x0] =	vst.idx.msk $0xffff, v2  }
0x1a6: {  	v3 =	vor.u32 s22, v0;
	v2 =	vld [tilespmem:s6+$0x20];
	_ =	sdelay $0x4  }
0x1a7: {  	[tilespmem:v3+s5+$0x0] =	vst.idx.msk $0xffff, v2  }
0x1a8: {  	v3 =	vor.u32 s22, v1;
	v2 =	vld [tilespmem:s6+$0x30];
	_ =	sdelay $0x4  }
0x1a9: {  	s22 =	sadd.s32 $0x6, s23;
	[tilespmem:v3+s5+$0x0] =	vst.idx.msk $0xffff, v2  }
0x1aa: {  	v3 =	vor.u32 s22, v0;
	v2 =	vld [tilespmem:s6+$0x40];
	_ =	sdelay $0x4  }
0x1ab: {  	[tilespmem:v3+s5+$0x0] =	vst.idx.msk $0xffff, v2  }
0x1ac: {  	v3 =	vor.u32 s22, v1;
	v2 =	vld [tilespmem:s6+$0x50];
	_ =	sdelay $0x4  }
0x1ad: {  	s22 =	sadd.s32 $0x7, s23;
	s23 =	smov.u32 s24;
	[tilespmem:v3+s5+$0x0] =	vst.idx.msk $0xffff, v2  }
0x1ae: {  	v3 =	vor.u32 s22, v0;
	v2 =	vld [tilespmem:s6+$0x60];
	_ =	sdelay $0x4  }
0x1af: {  	[tilespmem:v3+s5+$0x0] =	vst.idx.msk $0xffff, v2  }
0x1b0: {  	v3 =	vor.u32 s22, v1;
	v2 =	vld [tilespmem:s6+$0x70];
	_ =	sdelay $0x1  }
.Ltmp5:
0x1b1: {  	(pc) =	sbr.rel @p0 .LBB2_12-.Ltmp5, $3  }
0x1b2: {  	_ =	sdelay $0x1  }
0x1b3: {  	s6 =	sadd.s32 $0x100, s6;
	[tilespmem:v3+s5+$0x0] =	vst.idx.msk $0xffff, v2  }
0x1b4: {  	s24 =	sadd.s32 $0x8, s24;
	v3 =	vor.u32 s23, v0;
	v2 =	vld [tilespmem:s6+$0xFFFFFF80]  }
0x1b5: {  	_ =	sdelay $0x3  }
0x1b6: {  	[tilespmem:v3+s5+$0x0] =	vst.idx.msk $0xffff, v2  }
0x1b7: {  	v3 =	vor.u32 s23, v1;
	v2 =	vld [tilespmem:s6+$0xFFFFFF90];
	_ =	sdelay $0x4  }
0x1b8: {  	s22 =	sadd.s32 $0x1, s23;
	[tilespmem:v3+s5+$0x0] =	vst.idx.msk $0xffff, v2  }
0x1b9: {  	v3 =	vor.u32 s22, v0;
	v2 =	vld [tilespmem:s6+$0xFFFFFFA0];
	_ =	sdelay $0x4  }
0x1ba: {  	[tilespmem:v3+s5+$0x0] =	vst.idx.msk $0xffff, v2  }
0x1bb: {  	v3 =	vor.u32 s22, v1;
	v2 =	vld [tilespmem:s6+$0xFFFFFFB0];
	_ =	sdelay $0x4  }
0x1bc: {  	s24 =	sadd.s32 $0x2, s23;
	[tilespmem:v3+s5+$0x0] =	vst.idx.msk $0xffff, v2  }
0x1bd: {  	v3 =	vor.u32 s24, v0;
	v2 =	vld [tilespmem:s6+$0xFFFFFFC0];
	_ =	sdelay $0x4  }
0x1be: {  	[tilespmem:v3+s5+$0x0] =	vst.idx.msk $0xffff, v2  }
0x1bf: {  	v3 =	vor.u32 s24, v1;
	v2 =	vld [tilespmem:s6+$0xFFFFFFD0];
	_ =	sdelay $0x4  }
0x1c0: {  	s25 =	sadd.s32 $0x3, s23;
	[tilespmem:v3+s5+$0x0] =	vst.idx.msk $0xffff, v2  }
0x1c1: {  	v3 =	vor.u32 s25, v0;
	v2 =	vld [tilespmem:s6+$0xFFFFFFE0];
	_ =	sdelay $0x4  }
0x1c2: {  	[tilespmem:v3+s5+$0x0] =	vst.idx.msk $0xffff, v2  }
0x1c3: {  	v3 =	vor.u32 s25, v1;
	v2 =	vld [tilespmem:s6+$0xFFFFFFF0];
	_ =	sdelay $0x4  }
0x1c4: {  	s26 =	sadd.s32 $0x4, s23;
	[tilespmem:v3+s5+$0x0] =	vst.idx.msk $0xffff, v2  }
0x1c5: {  	v3 =	vor.u32 s26, v0;
	v2 =	vld [tilespmem:s6+$0x0];
	_ =	sdelay $0x4  }
0x1c6: {  	[tilespmem:v3+s5+$0x0] =	vst.idx.msk $0xffff, v2  }
0x1c7: {  	v3 =	vor.u32 s26, v1;
	v2 =	vld [tilespmem:s6+$0x10];
	_ =	sdelay $0x4  }
0x1c8: {  	s28 =	sadd.s32 $0x5, s23;
	[tilespmem:v3+s5+$0x0] =	vst.idx.msk $0xffff, v2  }
0x1c9: {  	v3 =	vor.u32 s28, v0;
	v2 =	vld [tilespmem:s6+$0x20];
	_ =	sdelay $0x4  }
0x1ca: {  	[tilespmem:v3+s5+$0x0] =	vst.idx.msk $0xffff, v2  }
0x1cb: {  	v3 =	vor.u32 s28, v1;
	v2 =	vld [tilespmem:s6+$0x30];
	_ =	sdelay $0x4  }
0x1cc: {  	s31 =	sadd.s32 $0x6, s23;
	[tilespmem:v3+s5+$0x0] =	vst.idx.msk $0xffff, v2  }
0x1cd: {  	v3 =	vor.u32 s31, v0;
	v2 =	vld [tilespmem:s6+$0x40];
	_ =	sdelay $0x4  }
0x1ce: {  	[tilespmem:v3+s5+$0x0] =	vst.idx.msk $0xffff, v2  }
0x1cf: {  	v3 =	vor.u32 s31, v1;
	v2 =	vld [tilespmem:s6+$0x50];
	_ =	sdelay $0x4  }
0x1d0: {  	s24 =	sadd.s32 $0x7, s23;
	[tilespmem:v3+s5+$0x0] =	vst.idx.msk $0xffff, v2  }
0x1d1: {  	v3 =	vor.u32 s24, v0;
	v2 =	vld [tilespmem:s6+$0x60];
	_ =	sdelay $0x4  }
0x1d2: {  	[tilespmem:v3+s5+$0x0] =	vst.idx.msk $0xffff, v2  }
0x1d3: {  	v3 =	vor.u32 s24, v1;
	v2 =	vld [tilespmem:s6+$0x70];
	_ =	sdelay $0x4  }
0x1d4: {  	s23 =	simm.s32 $0x0;
	s25 =	rddreg [dreg:$0xc];
	[tilespmem:v3+s5+$0x0] =	vst.idx.msk $0xffff, v2  }
0x1d5: {  	[hbm4b:s25+s23] =	stream.linear.scatter [tilespmem:s5], [sflag:$0x3], $0x400, $0x38;
	[tilespmem:$0x5900] =	vst v63  }
0x1d6: {  	s26 =	rddreg [dreg:$0xd]  }
0x1d7: {  	[hbm4b:s26+s23] =	stream.linear.scatter [tilespmem:s9], [sflag:$0x3], $0x400, $0x38;
	[tilespmem:$0x5900] =	vst v63  }
0x1d8: {  	s28 =	rddreg [dreg:$0xe]  }
0x1d9: {  	[hbm4b:s28+s23] =	stream.linear.scatter [tilespmem:s10], [sflag:$0x3], $0x400, $0x38;
	[tilespmem:$0x5900] =	vst v63  }
0x1da: {  	s31 =	rddreg [dreg:$0xf]  }
0x1db: {  	[hbm4b:s31+s23] =	stream.linear.scatter [tilespmem:s12], [sflag:$0x3], $0x400, $0x38;
	[tilespmem:$0x5900] =	vst v63  }
0x1dc: {  	_ =	swait.ge [sflag:s13], $0x1000  }
0x1dd: {  	[sflag:s13] =	ssyncset.done $0x0  }
0x1de: {  	[sflag:s13] =	ssyncadd.s32 $0xFFFFF000  }
0x1df: {  	_ =	swait.ge [sflag:s21], $0x400  }
0x1e0: {  	[sflag:s21] =	ssyncset.done $0x0  }
0x1e1: {  	[sflag:s21] =	ssyncadd.s32 $0xFFFFFC00  }
0x1e2: {  	_ =	swait.ge [sflag:s21], $0x400  }
0x1e3: {  	[sflag:s21] =	ssyncset.done $0x0  }
0x1e4: {  	[sflag:s21] =	ssyncadd.s32 $0xFFFFFC00  }
0x1e5: {  	_ =	swait.ge [sflag:s21], $0x400  }
0x1e6: {  	[sflag:s21] =	ssyncset.done $0x0  }
0x1e7: {  	[sflag:s21] =	ssyncadd.s32 $0xFFFFFC00  }
0x1e8: {  	_ =	swait.ge [sflag:s21], $0x400  }
0x1e9: {  	[sflag:s21] =	ssyncset.done $0x0  }
0x1ea: {  	s6 =	simm.s32 $0x29F0;
	[sflag:s21] =	ssyncadd.s32 $0xFFFFFC00  }
0x1eb: {  	s24 =	simm.s32 $0x8;
	v3 =	vor.u32 s23, v0;
	v2 =	vld [tilespmem:s6+$0xFFFFFF10]  }
.LBB2_14:
0x1ec: {  	p0 =	slt.u32 s24, $0x78;
	_ =	sdelay $0x3  }
0x1ed: {  	[tilespmem:v3+s14+$0x0] =	vst.idx.msk $0xffff, v2  }
0x1ee: {  	v3 =	vor.u32 s23, v1;
	v2 =	vld [tilespmem:s6+$0xFFFFFF20];
	_ =	sdelay $0x4  }
0x1ef: {  	s22 =	sadd.s32 $0x1, s23;
	[tilespmem:v3+s14+$0x0] =	vst.idx.msk $0xffff, v2  }
0x1f0: {  	v3 =	vor.u32 s22, v0;
	v2 =	vld [tilespmem:s6+$0xFFFFFF30];
	_ =	sdelay $0x4  }
0x1f1: {  	[tilespmem:v3+s14+$0x0] =	vst.idx.msk $0xffff, v2  }
0x1f2: {  	v3 =	vor.u32 s22, v1;
	v2 =	vld [tilespmem:s6+$0xFFFFFF40];
	_ =	sdelay $0x4  }
0x1f3: {  	s22 =	sadd.s32 $0x2, s23;
	[tilespmem:v3+s14+$0x0] =	vst.idx.msk $0xffff, v2  }
0x1f4: {  	v3 =	vor.u32 s22, v0;
	v2 =	vld [tilespmem:s6+$0xFFFFFF50];
	_ =	sdelay $0x4  }
0x1f5: {  	[tilespmem:v3+s14+$0x0] =	vst.idx.msk $0xffff, v2  }
0x1f6: {  	v3 =	vor.u32 s22, v1;
	v2 =	vld [tilespmem:s6+$0xFFFFFF60];
	_ =	sdelay $0x4  }
0x1f7: {  	s22 =	sadd.s32 $0x3, s23;
	[tilespmem:v3+s14+$0x0] =	vst.idx.msk $0xffff, v2  }
0x1f8: {  	v3 =	vor.u32 s22, v0;
	v2 =	vld [tilespmem:s6+$0xFFFFFF70];
	_ =	sdelay $0x4  }
0x1f9: {  	[tilespmem:v3+s14+$0x0] =	vst.idx.msk $0xffff, v2  }
0x1fa: {  	v3 =	vor.u32 s22, v1;
	v2 =	vld [tilespmem:s6+$0xFFFFFF80];
	_ =	sdelay $0x4  }
0x1fb: {  	s22 =	sadd.s32 $0x4, s23;
	[tilespmem:v3+s14+$0x0] =	vst.idx.msk $0xffff, v2  }
0x1fc: {  	v3 =	vor.u32 s22, v0;
	v2 =	vld [tilespmem:s6+$0xFFFFFF90];
	_ =	sdelay $0x4  }
0x1fd: {  	[tilespmem:v3+s14+$0x0] =	vst.idx.msk $0xffff, v2  }
0x1fe: {  	v3 =	vor.u32 s22, v1;
	v2 =	vld [tilespmem:s6+$0xFFFFFFA0];
	_ =	sdelay $0x4  }
0x1ff: {  	s22 =	sadd.s32 $0x5, s23;
	[tilespmem:v3+s14+$0x0] =	vst.idx.msk $0xffff, v2  }
0x200: {  	v3 =	vor.u32 s22, v0;
	v2 =	vld [tilespmem:s6+$0xFFFFFFB0];
	_ =	sdelay $0x4  }
0x201: {  	[tilespmem:v3+s14+$0x0] =	vst.idx.msk $0xffff, v2  }
0x202: {  	v3 =	vor.u32 s22, v1;
	v2 =	vld [tilespmem:s6+$0xFFFFFFC0];
	_ =	sdelay $0x4  }
0x203: {  	s22 =	sadd.s32 $0x6, s23;
	[tilespmem:v3+s14+$0x0] =	vst.idx.msk $0xffff, v2  }
0x204: {  	v3 =	vor.u32 s22, v0;
	v2 =	vld [tilespmem:s6+$0xFFFFFFD0];
	_ =	sdelay $0x4  }
0x205: {  	[tilespmem:v3+s14+$0x0] =	vst.idx.msk $0xffff, v2  }
0x206: {  	v3 =	vor.u32 s22, v1;
	v2 =	vld [tilespmem:s6+$0xFFFFFFE0];
	_ =	sdelay $0x4  }
0x207: {  	s22 =	sadd.s32 $0x7, s23;
	s23 =	smov.u32 s24;
	[tilespmem:v3+s14+$0x0] =	vst.idx.msk $0xffff, v2  }
0x208: {  	v3 =	vor.u32 s22, v0;
	v2 =	vld [tilespmem:s6+$0xFFFFFFF0];
	_ =	sdelay $0x4  }
0x209: {  	[tilespmem:v3+s14+$0x0] =	vst.idx.msk $0xffff, v2  }
0x20a: {  	v3 =	vor.u32 s22, v1;
	v2 =	vld [tilespmem:s6+$0x0];
	_ =	sdelay $0x1  }
.Ltmp6:
0x20b: {  	(pc) =	sbr.rel @p0 .LBB2_14-.Ltmp6, $3  }
0x20c: {  	_ =	sdelay $0x1  }
0x20d: {  	s6 =	sadd.s32 $0x100, s6;
	[tilespmem:v3+s14+$0x0] =	vst.idx.msk $0xffff, v2  }
0x20e: {  	s24 =	sadd.s32 $0x8, s24;
	v3 =	vor.u32 s23, v0;
	v2 =	vld [tilespmem:s6+$0xFFFFFF10]  }
0x20f: {  	_ =	sdelay $0x3  }
0x210: {  	[tilespmem:v3+s14+$0x0] =	vst.idx.msk $0xffff, v2  }
0x211: {  	v3 =	vor.u32 s23, v1;
	v2 =	vld [tilespmem:s6+$0xFFFFFF20];
	_ =	sdelay $0x4  }
0x212: {  	s22 =	sadd.s32 $0x1, s23;
	[tilespmem:v3+s14+$0x0] =	vst.idx.msk $0xffff, v2  }
0x213: {  	v3 =	vor.u32 s22, v0;
	v2 =	vld [tilespmem:s6+$0xFFFFFF30];
	_ =	sdelay $0x4  }
0x214: {  	[tilespmem:v3+s14+$0x0] =	vst.idx.msk $0xffff, v2  }
0x215: {  	v3 =	vor.u32 s22, v1;
	v2 =	vld [tilespmem:s6+$0xFFFFFF40];
	_ =	sdelay $0x4  }
0x216: {  	s31 =	sadd.s32 $0x2, s23;
	[tilespmem:v3+s14+$0x0] =	vst.idx.msk $0xffff, v2  }
0x217: {  	v3 =	vor.u32 s31, v0;
	v2 =	vld [tilespmem:s6+$0xFFFFFF50];
	_ =	sdelay $0x4  }
0x218: {  	[tilespmem:v3+s14+$0x0] =	vst.idx.msk $0xffff, v2  }
0x219: {  	v3 =	vor.u32 s31, v1;
	v2 =	vld [tilespmem:s6+$0xFFFFFF60];
	_ =	sdelay $0x4  }
0x21a: {  	s24 =	sadd.s32 $0x3, s23;
	[tilespmem:v3+s14+$0x0] =	vst.idx.msk $0xffff, v2  }
0x21b: {  	v3 =	vor.u32 s24, v0;
	v2 =	vld [tilespmem:s6+$0xFFFFFF70];
	_ =	sdelay $0x4  }
0x21c: {  	[tilespmem:v3+s14+$0x0] =	vst.idx.msk $0xffff, v2  }
0x21d: {  	v3 =	vor.u32 s24, v1;
	v2 =	vld [tilespmem:s6+$0xFFFFFF80];
	_ =	sdelay $0x4  }
0x21e: {  	s25 =	sadd.s32 $0x4, s23;
	[tilespmem:v3+s14+$0x0] =	vst.idx.msk $0xffff, v2  }
0x21f: {  	v3 =	vor.u32 s25, v0;
	v2 =	vld [tilespmem:s6+$0xFFFFFF90];
	_ =	sdelay $0x4  }
0x220: {  	[tilespmem:v3+s14+$0x0] =	vst.idx.msk $0xffff, v2  }
0x221: {  	v3 =	vor.u32 s25, v1;
	v2 =	vld [tilespmem:s6+$0xFFFFFFA0];
	_ =	sdelay $0x4  }
0x222: {  	s26 =	sadd.s32 $0x5, s23;
	[tilespmem:v3+s14+$0x0] =	vst.idx.msk $0xffff, v2  }
0x223: {  	v3 =	vor.u32 s26, v0;
	v2 =	vld [tilespmem:s6+$0xFFFFFFB0];
	_ =	sdelay $0x4  }
0x224: {  	[tilespmem:v3+s14+$0x0] =	vst.idx.msk $0xffff, v2  }
0x225: {  	v3 =	vor.u32 s26, v1;
	v2 =	vld [tilespmem:s6+$0xFFFFFFC0];
	_ =	sdelay $0x4  }
0x226: {  	s28 =	sadd.s32 $0x6, s23;
	[tilespmem:v3+s14+$0x0] =	vst.idx.msk $0xffff, v2  }
0x227: {  	v3 =	vor.u32 s28, v0;
	v2 =	vld [tilespmem:s6+$0xFFFFFFD0];
	_ =	sdelay $0x4  }
0x228: {  	[tilespmem:v3+s14+$0x0] =	vst.idx.msk $0xffff, v2  }
0x229: {  	v3 =	vor.u32 s28, v1;
	v2 =	vld [tilespmem:s6+$0xFFFFFFE0];
	_ =	sdelay $0x4  }
0x22a: {  	s31 =	sadd.s32 $0x7, s23;
	[tilespmem:v3+s14+$0x0] =	vst.idx.msk $0xffff, v2  }
0x22b: {  	v3 =	vor.u32 s31, v0;
	v2 =	vld [tilespmem:s6+$0xFFFFFFF0];
	_ =	sdelay $0x4  }
0x22c: {  	[tilespmem:v3+s14+$0x0] =	vst.idx.msk $0xffff, v2  }
0x22d: {  	v3 =	vor.u32 s31, v1;
	v2 =	vld [tilespmem:s6+$0x0];
	_ =	sdelay $0x4  }
0x22e: {  	s23 =	rddreg [dreg:$0x10];
	[tilespmem:v3+s14+$0x0] =	vst.idx.msk $0xffff, v2  }
0x22f: {  	[hbm4b:s23+s3] =	stream.linear.scatter [tilespmem:s14], [sflag:$0x4], $0x400, $0x38;
	[tilespmem:$0x5900] =	vst v63  }
0x230: {  	s24 =	rddreg [dreg:$0x11]  }
0x231: {  	[hbm4b:s24+s3] =	stream.linear.scatter [tilespmem:s15], [sflag:$0x4], $0x400, $0x38;
	[tilespmem:$0x5900] =	vst v63  }
0x232: {  	s25 =	rddreg [dreg:$0x13]  }
0x233: {  	[hbm4b:s25+s3] =	stream.linear.scatter [tilespmem:s16], [sflag:$0x4], $0x400, $0x38;
	[tilespmem:$0x5900] =	vst v63  }
0x234: {  	s26 =	rddreg [dreg:$0x14]  }
0x235: {  	[hbm4b:s26+s3] =	stream.linear.scatter [tilespmem:s19], [sflag:$0x4], $0x400, $0x38;
	[tilespmem:$0x5900] =	vst v63  }
0x236: {  	_ =	swait.ge [sflag:s20], $0x400  }
0x237: {  	[sflag:s20] =	ssyncset.done $0x0  }
0x238: {  	[sflag:s20] =	ssyncadd.s32 $0xFFFFFC00  }
0x239: {  	_ =	swait.ge [sflag:s20], $0x400  }
0x23a: {  	[sflag:s20] =	ssyncset.done $0x0  }
0x23b: {  	[sflag:s20] =	ssyncadd.s32 $0xFFFFFC00  }
0x23c: {  	_ =	swait.ge [sflag:s20], $0x400  }
0x23d: {  	[sflag:s20] =	ssyncset.done $0x0  }
0x23e: {  	[sflag:s20] =	ssyncadd.s32 $0xFFFFFC00  }
0x23f: {  	_ =	swait.ge [sflag:s20], $0x400  }
0x240: {  	[sflag:s20] =	ssyncset.done $0x0  }
0x241: {  	[sflag:s20] =	ssyncadd.s32 $0xFFFFFC00  }
0x242: {  	_ =	swait.ge [sflag:s21], $0x400  }
0x243: {  	[sflag:s21] =	ssyncset.done $0x0  }
0x244: {  	[sflag:s21] =	ssyncadd.s32 $0xFFFFFC00  }
0x245: {  	_ =	swait.ge [sflag:s21], $0x400  }
0x246: {  	[sflag:s21] =	ssyncset.done $0x0  }
0x247: {  	[sflag:s21] =	ssyncadd.s32 $0xFFFFFC00  }
0x248: {  	_ =	swait.ge [sflag:s21], $0x400  }
0x249: {  	[sflag:s21] =	ssyncset.done $0x0  }
0x24a: {  	[sflag:s21] =	ssyncadd.s32 $0xFFFFFC00  }
0x24b: {  	_ =	swait.ge [sflag:s21], $0x400  }
0x24c: {  	s28 =	rddreg [dreg:$0x15]  }
0x24d: {  	s31 =	rddreg [dreg:$0x12];
	s22 =	sadd.s32 $0x1, s28  }
0x24e: {  	p0 =	sne.s32 s22, s31  }
.Ltmp7:
0x24f: {  	_ = 	snop;
	(pc) =	sbr.rel @p0 .LBB2_1-.Ltmp7, $3  }
0x250: {  	_ =	sdelay $0x1  }
0x251: {  	[sflag:s21] =	ssyncset.done $0x0  }
0x252: {  	[sflag:s21] =	ssyncadd.s32 $0xFFFFFC00  }
0x253: {  	_ =	sfence.sel $0x180000  }
0x254: {  	[bflag:$0x0] =	sbarrier.arrive $0xFFFF  }
0x255: {  	_ =	strace $0x9000004A  }
0x256: {  	s0 =	stileid.u32;
	[bflag:$0x2] =	sbarrier.arrive $0xFFFF  }
0x257: {  	p0 =	sne.s32 s0, $0x0;
	s0 =	rddreg [dreg:$0x2]  }
0x258: {  	s0 =	sadd.s32 @!p0 $0x100000, s0  }
0x259: {  	[sflag:s0] =	ssyncadd.tile.s32 @!p0 $0x1;
	_ =	shalt  }
.Lfunc_end2:
_tile_overlayer_lowered:
.L_overlay_start_2:
0x25a: {  	(tag) =	ssettag $0x2  }
0x25b: {  	s0 =	rddreg [dreg:$0x0];
	s2 =	stileid.u32  }
0x25c: {  	s1 =	rddreg [dreg:$0x1];
	p0 =	sne.s32 s2, $0x0  }
0x25d: {  	s3 =	rddreg [dreg:$0x2];
	[bflag:$0x3] =	sbarrier.arrive $0xFFFF;
	s2 =	simm.s32 @!p0 $0x1C05  }
0x25e: {  	[timem:s3], [sflag:s2] =	dma.local @!p0 [hbm:s0], s1  }
0x25f: {  	s0 =	simm.s32 @!p0 $0x5  }
0x260: {  	_ =	swait.ge @!p0 [sflag:s0], s1  }
0x261: {  	s1 =	ssub.s32 @!p0 $0x0, s1;
	[sflag:s0] =	ssyncset.done @!p0 $0x0  }
0x262: {  	[sflag:s0] =	ssyncadd.s32 @!p0 s1  }
0x263: {  	[bflag:$0x3] =	sbarrier.arrive $0xFFFF  }
0x264: {  	_ =	shalt  }

</sc_bundles>
